<compile_context>
chip_gen: v7x
topology: tpu7x:2x2x1
jax: 0.10.2.dev20260603
libtpu: 0.0.44.dev20260713+nightly
codegen_flags: <defaults>
</compile_context>

<pallas_src>
import jax
import jax.numpy as jnp
from jax import lax
from jax.experimental import pallas as pl
from jax.experimental.pallas import tpu as pltpu
from jax.experimental.pallas import tpu_sc as plsc

V = 100000
D = 300
B = 256

_LENS = (200, 30, 30, 20, 20, 50, 50)
_NW = 32
_SUB = 80

_mesh = plsc.VectorSubcoreMesh(core_axis_name="c", subcore_axis_name="s")


def _make_body(lens):
    chunks = tuple(B * L // _NW for L in lens)
    toff = tuple(sum(chunks[:t]) for t in range(len(lens)))
    total = sum(chunks)
    nt = len(lens)

    def body(*refs):
        idx_hbm = refs[0:nt]
        table_hbm = refs[nt]
        tail_hbm = refs[nt + 1]
        outs = refs[nt + 2:2 * nt + 2]
        idx_v = refs[2 * nt + 2]
        sets = (refs[2 * nt + 3:2 * nt + 6], refs[2 * nt + 6:2 * nt + 9])
        sems = (refs[2 * nt + 9:2 * nt + 11], refs[2 * nt + 11:2 * nt + 13])
        sem_idx = refs[2 * nt + 13]

        wid = lax.axis_index("s") * 2 + lax.axis_index("c")

        for t in range(nt):
            pltpu.async_copy(
                idx_hbm[t].at[pl.ds(wid * chunks[t], chunks[t])],
                idx_v.at[pl.ds(toff[t], chunks[t])], sem_idx)
        pltpu.make_async_copy(
            idx_hbm[0].at[pl.ds(0, total)], idx_v, sem_idx).wait()

        def start(t, i, s):
            idx_sl = idx_v.at[pl.ds(toff[t] + i * _SUB, _SUB)]
            buf_a, buf_b, _ = sets[s]
            sem_a, sem_b = sems[s]
            pltpu.async_copy(table_hbm.at[idx_sl, pl.ds(0, 256)], buf_a, sem_a)
            pltpu.async_copy(tail_hbm.at[idx_sl], buf_b, sem_b)

        def finish(i, s, out_ref, base):
            buf_a, buf_b, buf_c = sets[s]
            sem_a, sem_b = sems[s]
            pltpu.make_async_copy(
                table_hbm.at[idx_v.at[pl.ds(0, _SUB)], pl.ds(0, 256)],
                buf_a, sem_a).wait()
            pltpu.make_async_copy(
                tail_hbm.at[idx_v.at[pl.ds(0, _SUB)]], buf_b, sem_b).wait()

            def row_step(r, _):
                buf_c[r, pl.ds(0, 16)] = buf_b[r, pl.ds(0, 16)]
                buf_c[r, pl.ds(16, 16)] = buf_b[r, pl.ds(16, 16)]
                buf_c[r, pl.ds(28, 16)] = buf_b[r, pl.ds(28, 16)]
                return 0

            lax.fori_loop(0, _SUB, row_step, 0, unroll=4)

            rows = pl.ds(base + i * _SUB, _SUB)
            pltpu.sync_copy(buf_a, out_ref.at[rows, pl.ds(0, 256)])
            pltpu.sync_copy(buf_c, out_ref.at[rows, pl.ds(256, 44)])

        for t in range(nt):
            base = wid * chunks[t]
            n_sub = chunks[t] // _SUB
            out_ref = outs[t]

            start(t, 0, 0)

            def sub_step(i, _, t=t, n_sub=n_sub, out_ref=out_ref, base=base):
                @pl.when(i % 2 == 0)
                def _():
                    @pl.when(i + 1 < n_sub)
                    def _():
                        start(t, i + 1, 1)
                    finish(i, 0, out_ref, base)

                @pl.when(i % 2 == 1)
                def _():
                    @pl.when(i + 1 < n_sub)
                    def _():
                        start(t, i + 1, 0)
                    finish(i, 1, out_ref, base)

                return 0

            lax.fori_loop(0, n_sub, sub_step, 0)

    return body, total


def _call(table, tail, idx_list, lens):
    body, total = _make_body(lens)
    out_type = tuple(
        jax.ShapeDtypeStruct((B * L, D), jnp.float32) for L in lens
    )
    buf_set = [
        pltpu.VMEM((_SUB, 256), jnp.float32),
        pltpu.VMEM((_SUB, 128), jnp.float32),
        pltpu.VMEM((_SUB, 44), jnp.float32),
    ]
    k = pl.kernel(
        body,
        out_type=out_type,
        mesh=_mesh,
        scratch_types=[pltpu.VMEM((total,), jnp.int32)] + buf_set + buf_set
        + [pltpu.SemaphoreType.DMA] * 5,
    )
    return k(*idx_list, table, tail)


@jax.jit
def _gather_all(table, *idx_flat):
    tail = jnp.pad(table[:, 256:300], ((0, 0), (0, 84)))

    outs_b = _call(table, tail, idx_flat[0:1], _LENS[0:1])
    outs_c = _call(table, tail, idx_flat[5:7], _LENS[5:7])
    outs_d = _call(table, tail, idx_flat[1:5], _LENS[1:5])

    return (outs_b[0], outs_d[0], outs_d[1], outs_d[2], outs_d[3],
            outs_c[0], outs_c[1])


def kernel(passage, passage_mask, question, question_mask, questioninfo,
           questioninfo_mask, answer1, answer1_mask, answer2, answer2_mask,
           qanswer1, qanswer1_mask, qanswer2, qanswer2_mask, table):
    idxs = (passage, question, questioninfo, answer1, answer2, qanswer1,
            qanswer2)
    flat = tuple(a.reshape(-1) for a in idxs)
    embs = _gather_all(table, *flat)
    embs = tuple(e.reshape(a.shape[0], a.shape[1], D)
                 for e, a in zip(embs, idxs))
    return (embs[0], passage_mask, embs[1], question_mask, embs[2],
            questioninfo_mask, embs[3], answer1_mask, embs[4], answer2_mask,
            embs[5], qanswer1_mask, embs[6], qanswer2_mask)

# --- scband reference (transcript-rebuilt; emitter-appended) ---
"""Pipeline reference for scband-pretrained-data-layers-60172491817569 (READ-ONLY COPY).

The authoritative reference and input builder live on the scoring server;
editing this copy changes nothing except your own understanding.
"""

import jax, jax.numpy as jnp
import numpy as np

V = 100000
D = 300
B = 256


def setup_inputs(seed: int = 0) -> dict:
    key = jax.random.key(seed)
    ks = jax.random.split(key, 16)
    lens = {
        'passage': 200,
        'question': 30,
        'questioninfo': 30,
        'answer1': 20,
        'answer2': 20,
        'qanswer1': 50,
        'qanswer2': 50,
    }
    inp = {}
    for i, (name, L) in enumerate(lens.items()):
        inp[name] = jax.random.randint(ks[i], (B, L), 0, V, dtype=jnp.int32)
        inp[name + '_mask'] = jnp.zeros((B, L), dtype=jnp.bool_)
    table = jax.random.normal(ks[15], (V, D), dtype=jnp.float32) * 0.1
    table = table.at[0].set(0.0)  # padding_idx=0
    inp['table'] = table
    return inp


def reference(passage, passage_mask, question, question_mask, questioninfo, questioninfo_mask,
              answer1, answer1_mask, answer2, answer2_mask, qanswer1, qanswer1_mask,
              qanswer2, qanswer2_mask, table):
    # embed_dropout with use_cove=False; dropout is identity in eval mode
    def emb(idx):
        return jnp.take(table, idx, axis=0)
    return (emb(passage), passage_mask,
            emb(question), question_mask,
            emb(questioninfo), questioninfo_mask,
            emb(answer1), answer1_mask,
            emb(answer2), answer2_mask,
            emb(qanswer1), qanswer1_mask,
            emb(qanswer2), qanswer2_mask)

if __name__ == "__main__":
    import jax
    _d = setup_inputs()
    print(jax.jit(kernel)(*tuple(_d.values())))

</pallas_src>

<mosaic_0001>
#map = affine_map<(d0, d1) -> (0)>
#map1 = affine_map<(d0, d1) -> (0, 0)>
module attributes {stable_mosaic.version = 14 : i64} {
  func.func @body(%arg0: i32, %arg1: i32, %arg2: memref<12800xi32, #tpu.memory_space<hbm>>, %arg3: memref<12800xi32, #tpu.memory_space<hbm>>, %arg4: memref<100000x300xf32, #tpu.memory_space<hbm>>, %arg5: memref<100000x128xf32, #tpu.memory_space<hbm>>, %arg6: memref<12800x300xf32, #tpu.memory_space<hbm>>, %arg7: memref<12800x300xf32, #tpu.memory_space<hbm>>, %arg8: memref<800xi32, #tpu.memory_space<vmem>>, %arg9: memref<80x256xf32, #tpu.memory_space<vmem>>, %arg10: memref<80x128xf32, #tpu.memory_space<vmem>>, %arg11: memref<80x44xf32, #tpu.memory_space<vmem>>, %arg12: memref<80x256xf32, #tpu.memory_space<vmem>>, %arg13: memref<80x128xf32, #tpu.memory_space<vmem>>, %arg14: memref<80x44xf32, #tpu.memory_space<vmem>>, %arg15: memref<!tpu.dma_semaphore, #tpu.memory_space<semaphore_mem>>, %arg16: memref<!tpu.dma_semaphore, #tpu.memory_space<semaphore_mem>>, %arg17: memref<!tpu.dma_semaphore, #tpu.memory_space<semaphore_mem>>, %arg18: memref<!tpu.dma_semaphore, #tpu.memory_space<semaphore_mem>>, %arg19: memref<!tpu.dma_semaphore, #tpu.memory_space<semaphore_mem>>) attributes {dimension_semantics = [#tpu.dimension_semantics<core_parallel>, #tpu.dimension_semantics<subcore_parallel>], iteration_bounds = array<i64: 2, 16>, scalar_prefetch = 0 : i64, scratch_operands = 12 : i64, tpu.core_type = #tpu.core_type<sc_vector_subcore>, window_params = [{transform_indices = #map}, {transform_indices = #map}, {transform_indices = #map1}, {transform_indices = #map1}, {transform_indices = #map1}, {transform_indices = #map1}]} {
    %mul3A = arith.constant 2 : i32
    %mul3A_0 = arith.muli %arg1, %mul3A : i32
    %add3A = arith.addi %mul3A_0, %arg0 : i32
    %mul3A_1 = arith.constant 400 : i32
    %mul3A_2 = arith.muli %add3A, %mul3A_1 : i32
    %dma_start3A = arith.constant 0 : i32
    %dma_start3A_3 = tpu.memref_slice %arg8[%dma_start3A] : memref<800xi32, #tpu.memory_space<vmem>> -> memref<400xi32, #tpu.memory_space<vmem>>
    %dma_start3A_4 = tpu.memref_slice %arg2[%mul3A_2] : memref<12800xi32, #tpu.memory_space<hbm>> -> memref<400xi32, #tpu.memory_space<hbm>>
    %dma_start3A_5 = arith.constant 0 : i32
    %dma_start3A_6 = tpu.memref_slice %arg8[%dma_start3A_5] : memref<800xi32, #tpu.memory_space<vmem>> -> memref<400xi32, #tpu.memory_space<vmem>>
    %dma_start3A_7 = tpu.memref_slice %arg2[%mul3A_2] : memref<12800xi32, #tpu.memory_space<hbm>> -> memref<400xi32, #tpu.memory_space<hbm>>
    tpu.enqueue_dma source(%dma_start3A_7 : memref<400xi32, #tpu.memory_space<hbm>>) target(%dma_start3A_6 : memref<400xi32, #tpu.memory_space<vmem>>) target_semaphore(%arg19 : memref<!tpu.dma_semaphore, #tpu.memory_space<semaphore_mem>>)
    %mul3A_8 = arith.constant 400 : i32
    %mul3A_9 = arith.muli %add3A, %mul3A_8 : i32
    %dma_start3A_10 = arith.constant 400 : i32
    %dma_start3A_11 = tpu.memref_slice %arg8[%dma_start3A_10] : memref<800xi32, #tpu.memory_space<vmem>> -> memref<400xi32, #tpu.memory_space<vmem>>
    %dma_start3A_12 = tpu.memref_slice %arg3[%mul3A_9] : memref<12800xi32, #tpu.memory_space<hbm>> -> memref<400xi32, #tpu.memory_space<hbm>>
    %dma_start3A_13 = arith.constant 400 : i32
    %dma_start3A_14 = tpu.memref_slice %arg8[%dma_start3A_13] : memref<800xi32, #tpu.memory_space<vmem>> -> memref<400xi32, #tpu.memory_space<vmem>>
    %dma_start3A_15 = tpu.memref_slice %arg3[%mul3A_9] : memref<12800xi32, #tpu.memory_space<hbm>> -> memref<400xi32, #tpu.memory_space<hbm>>
    tpu.enqueue_dma source(%dma_start3A_15 : memref<400xi32, #tpu.memory_space<hbm>>) target(%dma_start3A_14 : memref<400xi32, #tpu.memory_space<vmem>>) target_semaphore(%arg19 : memref<!tpu.dma_semaphore, #tpu.memory_space<semaphore_mem>>)
    %dma_wait3A = arith.constant 0 : i32
    %dma_wait3A_16 = tpu.memref_slice %arg2[%dma_wait3A] : memref<12800xi32, #tpu.memory_space<hbm>> -> memref<800xi32, #tpu.memory_space<hbm>>
    %dma_wait3A_17 = arith.constant 0 : i32
    %dma_wait3A_18 = tpu.memref_slice %arg2[%dma_wait3A_17] : memref<12800xi32, #tpu.memory_space<hbm>> -> memref<800xi32, #tpu.memory_space<hbm>>
    tpu.wait_dma2 semaphore(%arg19 : memref<!tpu.dma_semaphore, #tpu.memory_space<semaphore_mem>>) src(%dma_wait3A_18 : memref<800xi32, #tpu.memory_space<hbm>>) dst(%arg8 : memref<800xi32, #tpu.memory_space<vmem>>)
    %mul3A_19 = arith.constant 400 : i32
    %mul3A_20 = arith.muli %add3A, %mul3A_19 : i32
    %dma_start3A_21 = arith.constant 0 : i32
    %dma_start3A_22 = tpu.memref_slice %arg8[%dma_start3A_21] : memref<800xi32, #tpu.memory_space<vmem>> -> memref<80xi32, #tpu.memory_space<vmem>>
    %dma_start3A_23 = arith.constant 0 : i32
    %dma_start3A_24 = arith.constant 0 : i32
    %dma_start3A_25 = tpu.memref_slice %arg4[%dma_start3A_23, %dma_start3A_24] : memref<100000x300xf32, #tpu.memory_space<hbm>> -> memref<100000x256xf32, #tpu.memory_space<hbm>>
    tpu.enqueue_indirect_dma source(%dma_start3A_25 : memref<100000x256xf32, #tpu.memory_space<hbm>>) target(%arg9 : memref<80x256xf32, #tpu.memory_space<vmem>>) offsets(%dma_start3A_22 : memref<80xi32, #tpu.memory_space<vmem>>) semaphore(%arg15 : memref<!tpu.dma_semaphore, #tpu.memory_space<semaphore_mem>>)
    %dma_start3A_26 = arith.constant 0 : i32
    %dma_start3A_27 = tpu.memref_slice %arg8[%dma_start3A_26] : memref<800xi32, #tpu.memory_space<vmem>> -> memref<80xi32, #tpu.memory_space<vmem>>
    %dma_start3A_28 = arith.constant 0 : i32
    %dma_start3A_29 = arith.constant 0 : i32
    %dma_start3A_30 = tpu.memref_slice %arg5[%dma_start3A_28, %dma_start3A_29] : memref<100000x128xf32, #tpu.memory_space<hbm>> -> memref<100000x128xf32, #tpu.memory_space<hbm>>
    tpu.enqueue_indirect_dma source(%dma_start3A_30 : memref<100000x128xf32, #tpu.memory_space<hbm>>) target(%arg10 : memref<80x128xf32, #tpu.memory_space<vmem>>) offsets(%dma_start3A_27 : memref<80xi32, #tpu.memory_space<vmem>>) semaphore(%arg16 : memref<!tpu.dma_semaphore, #tpu.memory_space<semaphore_mem>>)
    %scan3A = arith.constant 0 : i32
    %scan3A_31 = arith.constant 0 : i32
    %scan3A_32 = arith.constant 5 : i32
    %scan3A_33 = arith.addi %scan3A_31, %scan3A_32 : i32
    %scan3A_34 = arith.constant 1 : i32
    %scan3A_35 = scf.for %scan3A_56 = %scan3A_31 to %scan3A_33 step %scan3A_34 iter_args(%scan3A_57 = %scan3A) -> (i32)  : i32 {
      %jit3A = arith.constant 2 : i32
      %eq3A = arith.constant 0 : i32
      %eq3A_58 = arith.cmpi eq, %jit3A, %eq3A : i32
      %jit3A_59 = arith.constant 1 : i32
      %select_n3A = arith.select %eq3A_58, %jit3A_59, %jit3A : i32
      %rem3A = arith.remsi %scan3A_56, %select_n3A : i32
      %ne3A = arith.constant 0 : i32
      %ne3A_60 = arith.cmpi ne, %rem3A, %ne3A : i32
      %lt3A = arith.constant 0 : i32
      %lt3A_61 = arith.cmpi slt, %rem3A, %lt3A : i32
      %lt3A_62 = arith.constant 0 : i32
      %lt3A_63 = arith.cmpi slt, %select_n3A, %lt3A_62 : i32
      %ne3A_64 = arith.xori %lt3A_61, %lt3A_63 : i1
      %and3A = arith.andi %ne3A_64, %ne3A_60 : i1
      %add3A_65 = arith.addi %rem3A, %select_n3A : i32
      %select_n3A_66 = arith.select %and3A, %add3A_65, %rem3A : i32
      %eq3A_67 = arith.constant 0 : i32
      %eq3A_68 = arith.cmpi eq, %select_n3A_66, %eq3A_67 : i32
      %convert_element_type3A = arith.extui %eq3A_68 : i1 to i32
      %cond3A = arith.constant 0 : i32
      %cond3A_69 = arith.cmpi ne, %convert_element_type3A, %cond3A : i32
      scf.if %cond3A_69 {
        %add3A_92 = arith.constant 1 : i32
        %add3A_93 = arith.addi %scan3A_56, %add3A_92 : i32
        %lt3A_94 = arith.constant 5 : i32
        %lt3A_95 = arith.cmpi slt, %add3A_93, %lt3A_94 : i32
        %convert_element_type3A_96 = arith.extui %lt3A_95 : i1 to i32
        %cond3A_97 = arith.constant 0 : i32
        %cond3A_98 = arith.cmpi ne, %convert_element_type3A_96, %cond3A_97 : i32
        scf.if %cond3A_98 {
          %add3A_119 = arith.constant 1 : i32
          %add3A_120 = arith.addi %scan3A_56, %add3A_119 : i32
          %mul3A_121 = arith.constant 80 : i32
          %mul3A_122 = arith.muli %add3A_120, %mul3A_121 : i32
          %add3A_123 = arith.constant 0 : i32
          %add3A_124 = arith.addi %add3A_123, %mul3A_122 : i32
          %dma_start3A_125 = tpu.memref_slice %arg8[%add3A_124] : memref<800xi32, #tpu.memory_space<vmem>> -> memref<80xi32, #tpu.memory_space<vmem>>
          %dma_start3A_126 = arith.constant 0 : i32
          %dma_start3A_127 = arith.constant 0 : i32
          %dma_start3A_128 = tpu.memref_slice %arg4[%dma_start3A_126, %dma_start3A_127] : memref<100000x300xf32, #tpu.memory_space<hbm>> -> memref<100000x256xf32, #tpu.memory_space<hbm>>
          tpu.enqueue_indirect_dma source(%dma_start3A_128 : memref<100000x256xf32, #tpu.memory_space<hbm>>) target(%arg12 : memref<80x256xf32, #tpu.memory_space<vmem>>) offsets(%dma_start3A_125 : memref<80xi32, #tpu.memory_space<vmem>>) semaphore(%arg17 : memref<!tpu.dma_semaphore, #tpu.memory_space<semaphore_mem>>)
          %dma_start3A_129 = tpu.memref_slice %arg8[%add3A_124] : memref<800xi32, #tpu.memory_space<vmem>> -> memref<80xi32, #tpu.memory_space<vmem>>
          %dma_start3A_130 = arith.constant 0 : i32
          %dma_start3A_131 = arith.constant 0 : i32
          %dma_start3A_132 = tpu.memref_slice %arg5[%dma_start3A_130, %dma_start3A_131] : memref<100000x128xf32, #tpu.memory_space<hbm>> -> memref<100000x128xf32, #tpu.memory_space<hbm>>
          tpu.enqueue_indirect_dma source(%dma_start3A_132 : memref<100000x128xf32, #tpu.memory_space<hbm>>) target(%arg13 : memref<80x128xf32, #tpu.memory_space<vmem>>) offsets(%dma_start3A_129 : memref<80xi32, #tpu.memory_space<vmem>>) semaphore(%arg18 : memref<!tpu.dma_semaphore, #tpu.memory_space<semaphore_mem>>)
        } else {
        }
        %dma_wait3A_99 = arith.constant 0 : i32
        %dma_wait3A_100 = tpu.memref_slice %arg8[%dma_wait3A_99] : memref<800xi32, #tpu.memory_space<vmem>> -> memref<80xi32, #tpu.memory_space<vmem>>
        %dma_wait3A_101 = arith.constant 0 : i32
        %dma_wait3A_102 = arith.constant 0 : i32
        %dma_wait3A_103 = tpu.memref_slice %arg4[%dma_wait3A_101, %dma_wait3A_102] : memref<100000x300xf32, #tpu.memory_space<hbm>> -> memref<100000x256xf32, #tpu.memory_space<hbm>>
        tpu.wait_indirect_dma semaphore(%arg15 : memref<!tpu.dma_semaphore, #tpu.memory_space<semaphore_mem>>) src(%dma_wait3A_103 : memref<100000x256xf32, #tpu.memory_space<hbm>>) dst(%arg9 : memref<80x256xf32, #tpu.memory_space<vmem>>)
        %dma_wait3A_104 = arith.constant 0 : i32
        %dma_wait3A_105 = tpu.memref_slice %arg8[%dma_wait3A_104] : memref<800xi32, #tpu.memory_space<vmem>> -> memref<80xi32, #tpu.memory_space<vmem>>
        %dma_wait3A_106 = arith.constant 0 : i32
        %dma_wait3A_107 = arith.constant 0 : i32
        %dma_wait3A_108 = tpu.memref_slice %arg5[%dma_wait3A_106, %dma_wait3A_107] : memref<100000x128xf32, #tpu.memory_space<hbm>> -> memref<100000x128xf32, #tpu.memory_space<hbm>>
        tpu.wait_indirect_dma semaphore(%arg16 : memref<!tpu.dma_semaphore, #tpu.memory_space<semaphore_mem>>) src(%dma_wait3A_108 : memref<100000x128xf32, #tpu.memory_space<hbm>>) dst(%arg10 : memref<80x128xf32, #tpu.memory_space<vmem>>)
        %scan3A_109 = arith.constant 0 : i32
        %scan3A_110 = arith.constant 0 : i32
        %scan3A_111 = arith.constant 80 : i32
        %scan3A_112 = arith.addi %scan3A_110, %scan3A_111 : i32
        %scan3A_113 = arith.constant 4 : i32
        %scan3A_114 = scf.for %scan3A_119 = %scan3A_110 to %scan3A_112 step %scan3A_113 iter_args(%scan3A_120 = %scan3A_109) -> (i32)  : i32 {
          %get3A = arith.index_cast %scan3A_119 : i32 to index
          %get3A_121 = arith.constant 0 : index
          %get3A_122 = tpu.vector_load %arg10[%get3A, %get3A_121] {strides = array<i32>} : memref<80x128xf32, #tpu.memory_space<vmem>>, vector<1x16xf32>,
          %get3A_123 = vector.shape_cast %get3A_122 : vector<1x16xf32> to vector<16xf32>
          %swap3A = arith.index_cast %scan3A_119 : i32 to index
          %swap3A_124 = arith.constant 0 : index
          %swap3A_125 = tpu.vector_load %arg11[%swap3A, %swap3A_124] {strides = array<i32>} : memref<80x44xf32, #tpu.memory_space<vmem>>, vector<1x16xf32>,
          %swap3A_126 = vector.shape_cast %swap3A_125 : vector<1x16xf32> to vector<16xf32>
          %swap3A_127 = vector.shape_cast %get3A_123 : vector<16xf32> to vector<1x16xf32>
          tpu.vector_store %arg11[%swap3A, %swap3A_124], %swap3A_127 {strides = array<i32>} : memref<80x44xf32, #tpu.memory_space<vmem>>, vector<1x16xf32>,
          %get3A_128 = arith.index_cast %scan3A_119 : i32 to index
          %get3A_129 = arith.constant 16 : index
          %get3A_130 = tpu.vector_load %arg10[%get3A_128, %get3A_129] {strides = array<i32>} : memref<80x128xf32, #tpu.memory_space<vmem>>, vector<1x16xf32>,
          %get3A_131 = vector.shape_cast %get3A_130 : vector<1x16xf32> to vector<16xf32>
          %swap3A_132 = arith.index_cast %scan3A_119 : i32 to index
          %swap3A_133 = arith.constant 16 : index
          %swap3A_134 = tpu.vector_load %arg11[%swap3A_132, %swap3A_133] {strides = array<i32>} : memref<80x44xf32, #tpu.memory_space<vmem>>, vector<1x16xf32>,
          %swap3A_135 = vector.shape_cast %swap3A_134 : vector<1x16xf32> to vector<16xf32>
          %swap3A_136 = vector.shape_cast %get3A_131 : vector<16xf32> to vector<1x16xf32>
          tpu.vector_store %arg11[%swap3A_132, %swap3A_133], %swap3A_136 {strides = array<i32>} : memref<80x44xf32, #tpu.memory_space<vmem>>, vector<1x16xf32>,
          %get3A_137 = arith.index_cast %scan3A_119 : i32 to index
          %get3A_138 = arith.constant 28 : index
          %get3A_139 = tpu.vector_load %arg10[%get3A_137, %get3A_138] {strides = array<i32>} : memref<80x128xf32, #tpu.memory_space<vmem>>, vector<1x16xf32>,
          %get3A_140 = vector.shape_cast %get3A_139 : vector<1x16xf32> to vector<16xf32>
          %swap3A_141 = arith.index_cast %scan3A_119 : i32 to index
          %swap3A_142 = arith.constant 28 : index
          %swap3A_143 = tpu.vector_load %arg11[%swap3A_141, %swap3A_142] {strides = array<i32>} : memref<80x44xf32, #tpu.memory_space<vmem>>, vector<1x16xf32>,
          %swap3A_144 = vector.shape_cast %swap3A_143 : vector<1x16xf32> to vector<16xf32>
          %swap3A_145 = vector.shape_cast %get3A_140 : vector<16xf32> to vector<1x16xf32>
          tpu.vector_store %arg11[%swap3A_141, %swap3A_142], %swap3A_145 {strides = array<i32>} : memref<80x44xf32, #tpu.memory_space<vmem>>, vector<1x16xf32>,
          %scan3A_146 = arith.constant 0 : i32
          %scan3A_147 = arith.constant 1 : i32
          %scan3A_148 = arith.addi %scan3A_119, %scan3A_147 : i32
          %get3A_149 = arith.index_cast %scan3A_148 : i32 to index
          %get3A_150 = arith.constant 0 : index
          %get3A_151 = tpu.vector_load %arg10[%get3A_149, %get3A_150] {strides = array<i32>} : memref<80x128xf32, #tpu.memory_space<vmem>>, vector<1x16xf32>,
          %get3A_152 = vector.shape_cast %get3A_151 : vector<1x16xf32> to vector<16xf32>
          %swap3A_153 = arith.index_cast %scan3A_148 : i32 to index
          %swap3A_154 = arith.constant 0 : index
          %swap3A_155 = tpu.vector_load %arg11[%swap3A_153, %swap3A_154] {strides = array<i32>} : memref<80x44xf32, #tpu.memory_space<vmem>>, vector<1x16xf32>,
          %swap3A_156 = vector.shape_cast %swap3A_155 : vector<1x16xf32> to vector<16xf32>
          %swap3A_157 = vector.shape_cast %get3A_152 : vector<16xf32> to vector<1x16xf32>
          tpu.vector_store %arg11[%swap3A_153, %swap3A_154], %swap3A_157 {strides = array<i32>} : memref<80x44xf32, #tpu.memory_space<vmem>>, vector<1x16xf32>,
          %get3A_158 = arith.index_cast %scan3A_148 : i32 to index
          %get3A_159 = arith.constant 16 : index
          %get3A_160 = tpu.vector_load %arg10[%get3A_158, %get3A_159] {strides = array<i32>} : memref<80x128xf32, #tpu.memory_space<vmem>>, vector<1x16xf32>,
          %get3A_161 = vector.shape_cast %get3A_160 : vector<1x16xf32> to vector<16xf32>
          %swap3A_162 = arith.index_cast %scan3A_148 : i32 to index
          %swap3A_163 = arith.constant 16 : index
          %swap3A_164 = tpu.vector_load %arg11[%swap3A_162, %swap3A_163] {strides = array<i32>} : memref<80x44xf32, #tpu.memory_space<vmem>>, vector<1x16xf32>,
          %swap3A_165 = vector.shape_cast %swap3A_164 : vector<1x16xf32> to vector<16xf32>
          %swap3A_166 = vector.shape_cast %get3A_161 : vector<16xf32> to vector<1x16xf32>
          tpu.vector_store %arg11[%swap3A_162, %swap3A_163], %swap3A_166 {strides = array<i32>} : memref<80x44xf32, #tpu.memory_space<vmem>>, vector<1x16xf32>,
          %get3A_167 = arith.index_cast %scan3A_148 : i32 to index
          %get3A_168 = arith.constant 28 : index
          %get3A_169 = tpu.vector_load %arg10[%get3A_167, %get3A_168] {strides = array<i32>} : memref<80x128xf32, #tpu.memory_space<vmem>>, vector<1x16xf32>,
          %get3A_170 = vector.shape_cast %get3A_169 : vector<1x16xf32> to vector<16xf32>
          %swap3A_171 = arith.index_cast %scan3A_148 : i32 to index
          %swap3A_172 = arith.constant 28 : index
          %swap3A_173 = tpu.vector_load %arg11[%swap3A_171, %swap3A_172] {strides = array<i32>} : memref<80x44xf32, #tpu.memory_space<vmem>>, vector<1x16xf32>,
          %swap3A_174 = vector.shape_cast %swap3A_173 : vector<1x16xf32> to vector<16xf32>
          %swap3A_175 = vector.shape_cast %get3A_170 : vector<16xf32> to vector<1x16xf32>
          tpu.vector_store %arg11[%swap3A_171, %swap3A_172], %swap3A_175 {strides = array<i32>} : memref<80x44xf32, #tpu.memory_space<vmem>>, vector<1x16xf32>,
          %scan3A_176 = arith.constant 0 : i32
          %scan3A_177 = arith.constant 2 : i32
          %scan3A_178 = arith.addi %scan3A_119, %scan3A_177 : i32
          %get3A_179 = arith.index_cast %scan3A_178 : i32 to index
          %get3A_180 = arith.constant 0 : index
          %get3A_181 = tpu.vector_load %arg10[%get3A_179, %get3A_180] {strides = array<i32>} : memref<80x128xf32, #tpu.memory_space<vmem>>, vector<1x16xf32>,
          %get3A_182 = vector.shape_cast %get3A_181 : vector<1x16xf32> to vector<16xf32>
          %swap3A_183 = arith.index_cast %scan3A_178 : i32 to index
          %swap3A_184 = arith.constant 0 : index
          %swap3A_185 = tpu.vector_load %arg11[%swap3A_183, %swap3A_184] {strides = array<i32>} : memref<80x44xf32, #tpu.memory_space<vmem>>, vector<1x16xf32>,
          %swap3A_186 = vector.shape_cast %swap3A_185 : vector<1x16xf32> to vector<16xf32>
          %swap3A_187 = vector.shape_cast %get3A_182 : vector<16xf32> to vector<1x16xf32>
          tpu.vector_store %arg11[%swap3A_183, %swap3A_184], %swap3A_187 {strides = array<i32>} : memref<80x44xf32, #tpu.memory_space<vmem>>, vector<1x16xf32>,
          %get3A_188 = arith.index_cast %scan3A_178 : i32 to index
          %get3A_189 = arith.constant 16 : index
          %get3A_190 = tpu.vector_load %arg10[%get3A_188, %get3A_189] {strides = array<i32>} : memref<80x128xf32, #tpu.memory_space<vmem>>, vector<1x16xf32>,
          %get3A_191 = vector.shape_cast %get3A_190 : vector<1x16xf32> to vector<16xf32>
          %swap3A_192 = arith.index_cast %scan3A_178 : i32 to index
          %swap3A_193 = arith.constant 16 : index
          %swap3A_194 = tpu.vector_load %arg11[%swap3A_192, %swap3A_193] {strides = array<i32>} : memref<80x44xf32, #tpu.memory_space<vmem>>, vector<1x16xf32>,
          %swap3A_195 = vector.shape_cast %swap3A_194 : vector<1x16xf32> to vector<16xf32>
          %swap3A_196 = vector.shape_cast %get3A_191 : vector<16xf32> to vector<1x16xf32>
          tpu.vector_store %arg11[%swap3A_192, %swap3A_193], %swap3A_196 {strides = array<i32>} : memref<80x44xf32, #tpu.memory_space<vmem>>, vector<1x16xf32>,
          %get3A_197 = arith.index_cast %scan3A_178 : i32 to index
          %get3A_198 = arith.constant 28 : index
          %get3A_199 = tpu.vector_load %arg10[%get3A_197, %get3A_198] {strides = array<i32>} : memref<80x128xf32, #tpu.memory_space<vmem>>, vector<1x16xf32>,
          %get3A_200 = vector.shape_cast %get3A_199 : vector<1x16xf32> to vector<16xf32>
          %swap3A_201 = arith.index_cast %scan3A_178 : i32 to index
          %swap3A_202 = arith.constant 28 : index
          %swap3A_203 = tpu.vector_load %arg11[%swap3A_201, %swap3A_202] {strides = array<i32>} : memref<80x44xf32, #tpu.memory_space<vmem>>, vector<1x16xf32>,
          %swap3A_204 = vector.shape_cast %swap3A_203 : vector<1x16xf32> to vector<16xf32>
          %swap3A_205 = vector.shape_cast %get3A_200 : vector<16xf32> to vector<1x16xf32>
          tpu.vector_store %arg11[%swap3A_201, %swap3A_202], %swap3A_205 {strides = array<i32>} : memref<80x44xf32, #tpu.memory_space<vmem>>, vector<1x16xf32>,
          %scan3A_206 = arith.constant 0 : i32
          %scan3A_207 = arith.constant 3 : i32
          %scan3A_208 = arith.addi %scan3A_119, %scan3A_207 : i32
          %get3A_209 = arith.index_cast %scan3A_208 : i32 to index
          %get3A_210 = arith.constant 0 : index
          %get3A_211 = tpu.vector_load %arg10[%get3A_209, %get3A_210] {strides = array<i32>} : memref<80x128xf32, #tpu.memory_space<vmem>>, vector<1x16xf32>,
          %get3A_212 = vector.shape_cast %get3A_211 : vector<1x16xf32> to vector<16xf32>
          %swap3A_213 = arith.index_cast %scan3A_208 : i32 to index
          %swap3A_214 = arith.constant 0 : index
          %swap3A_215 = tpu.vector_load %arg11[%swap3A_213, %swap3A_214] {strides = array<i32>} : memref<80x44xf32, #tpu.memory_space<vmem>>, vector<1x16xf32>,
          %swap3A_216 = vector.shape_cast %swap3A_215 : vector<1x16xf32> to vector<16xf32>
          %swap3A_217 = vector.shape_cast %get3A_212 : vector<16xf32> to vector<1x16xf32>
          tpu.vector_store %arg11[%swap3A_213, %swap3A_214], %swap3A_217 {strides = array<i32>} : memref<80x44xf32, #tpu.memory_space<vmem>>, vector<1x16xf32>,
          %get3A_218 = arith.index_cast %scan3A_208 : i32 to index
          %get3A_219 = arith.constant 16 : index
          %get3A_220 = tpu.vector_load %arg10[%get3A_218, %get3A_219] {strides = array<i32>} : memref<80x128xf32, #tpu.memory_space<vmem>>, vector<1x16xf32>,
          %get3A_221 = vector.shape_cast %get3A_220 : vector<1x16xf32> to vector<16xf32>
          %swap3A_222 = arith.index_cast %scan3A_208 : i32 to index
          %swap3A_223 = arith.constant 16 : index
          %swap3A_224 = tpu.vector_load %arg11[%swap3A_222, %swap3A_223] {strides = array<i32>} : memref<80x44xf32, #tpu.memory_space<vmem>>, vector<1x16xf32>,
          %swap3A_225 = vector.shape_cast %swap3A_224 : vector<1x16xf32> to vector<16xf32>
          %swap3A_226 = vector.shape_cast %get3A_221 : vector<16xf32> to vector<1x16xf32>
          tpu.vector_store %arg11[%swap3A_222, %swap3A_223], %swap3A_226 {strides = array<i32>} : memref<80x44xf32, #tpu.memory_space<vmem>>, vector<1x16xf32>,
          %get3A_227 = arith.index_cast %scan3A_208 : i32 to index
          %get3A_228 = arith.constant 28 : index
          %get3A_229 = tpu.vector_load %arg10[%get3A_227, %get3A_228] {strides = array<i32>} : memref<80x128xf32, #tpu.memory_space<vmem>>, vector<1x16xf32>,
          %get3A_230 = vector.shape_cast %get3A_229 : vector<1x16xf32> to vector<16xf32>
          %swap3A_231 = arith.index_cast %scan3A_208 : i32 to index
          %swap3A_232 = arith.constant 28 : index
          %swap3A_233 = tpu.vector_load %arg11[%swap3A_231, %swap3A_232] {strides = array<i32>} : memref<80x44xf32, #tpu.memory_space<vmem>>, vector<1x16xf32>,
          %swap3A_234 = vector.shape_cast %swap3A_233 : vector<1x16xf32> to vector<16xf32>
          %swap3A_235 = vector.shape_cast %get3A_230 : vector<16xf32> to vector<1x16xf32>
          tpu.vector_store %arg11[%swap3A_231, %swap3A_232], %swap3A_235 {strides = array<i32>} : memref<80x44xf32, #tpu.memory_space<vmem>>, vector<1x16xf32>,
          %scan3A_236 = arith.constant 0 : i32
          scf.yield %scan3A_236 : i32
        }
        %scan3A_115 = arith.constant 80 : i32
        %mul3A_116 = arith.constant 80 : i32
        %mul3A_117 = arith.muli %scan3A_56, %mul3A_116 : i32
        %add3A_118 = arith.addi %mul3A_20, %mul3A_117 : i32
        "tpu.region"() ({
          %run_scoped3A = tpu.sem_alloc : memref<!tpu.dma_semaphore, #tpu.memory_space<semaphore_mem>>
          %dma_start3A_119 = arith.constant 0 : i32
          %dma_start3A_120 = tpu.memref_slice %arg6[%add3A_118, %dma_start3A_119] : memref<12800x300xf32, #tpu.memory_space<hbm>> -> memref<80x256xf32, #tpu.memory_space<hbm>>
          %dma_start3A_121 = arith.constant 0 : i32
          %dma_start3A_122 = tpu.memref_slice %arg6[%add3A_118, %dma_start3A_121] : memref<12800x300xf32, #tpu.memory_space<hbm>> -> memref<80x256xf32, #tpu.memory_space<hbm>>
          tpu.enqueue_dma source(%arg9 : memref<80x256xf32, #tpu.memory_space<vmem>>) target(%dma_start3A_122 : memref<80x256xf32, #tpu.memory_space<hbm>>) target_semaphore(%run_scoped3A : memref<!tpu.dma_semaphore, #tpu.memory_space<semaphore_mem>>)
          %dma_wait3A_123 = arith.constant 0 : i32
          %dma_wait3A_124 = tpu.memref_slice %arg6[%add3A_118, %dma_wait3A_123] : memref<12800x300xf32, #tpu.memory_space<hbm>> -> memref<80x256xf32, #tpu.memory_space<hbm>>
          %dma_wait3A_125 = arith.constant 0 : i32
          %dma_wait3A_126 = tpu.memref_slice %arg6[%add3A_118, %dma_wait3A_125] : memref<12800x300xf32, #tpu.memory_space<hbm>> -> memref<80x256xf32, #tpu.memory_space<hbm>>
          tpu.wait_dma2 semaphore(%run_scoped3A : memref<!tpu.dma_semaphore, #tpu.memory_space<semaphore_mem>>) src(%arg9 : memref<80x256xf32, #tpu.memory_space<vmem>>) dst(%dma_wait3A_126 : memref<80x256xf32, #tpu.memory_space<hbm>>)
          tpu.yield
        }) : () -> ()
        "tpu.region"() ({
          %run_scoped3A = tpu.sem_alloc : memref<!tpu.dma_semaphore, #tpu.memory_space<semaphore_mem>>
          %dma_start3A_119 = arith.constant 256 : i32
          %dma_start3A_120 = tpu.memref_slice %arg6[%add3A_118, %dma_start3A_119] : memref<12800x300xf32, #tpu.memory_space<hbm>> -> memref<80x44xf32, #tpu.memory_space<hbm>>
          %dma_start3A_121 = arith.constant 256 : i32
          %dma_start3A_122 = tpu.memref_slice %arg6[%add3A_118, %dma_start3A_121] : memref<12800x300xf32, #tpu.memory_space<hbm>> -> memref<80x44xf32, #tpu.memory_space<hbm>>
          tpu.enqueue_dma source(%arg11 : memref<80x44xf32, #tpu.memory_space<vmem>>) target(%dma_start3A_122 : memref<80x44xf32, #tpu.memory_space<hbm>>) target_semaphore(%run_scoped3A : memref<!tpu.dma_semaphore, #tpu.memory_space<semaphore_mem>>)
          %dma_wait3A_123 = arith.constant 256 : i32
          %dma_wait3A_124 = tpu.memref_slice %arg6[%add3A_118, %dma_wait3A_123] : memref<12800x300xf32, #tpu.memory_space<hbm>> -> memref<80x44xf32, #tpu.memory_space<hbm>>
          %dma_wait3A_125 = arith.constant 256 : i32
          %dma_wait3A_126 = tpu.memref_slice %arg6[%add3A_118, %dma_wait3A_125] : memref<12800x300xf32, #tpu.memory_space<hbm>> -> memref<80x44xf32, #tpu.memory_space<hbm>>
          tpu.wait_dma2 semaphore(%run_scoped3A : memref<!tpu.dma_semaphore, #tpu.memory_space<semaphore_mem>>) src(%arg11 : memref<80x44xf32, #tpu.memory_space<vmem>>) dst(%dma_wait3A_126 : memref<80x44xf32, #tpu.memory_space<hbm>>)
          tpu.yield
        }) : () -> ()
      } else {
      }
      %jit3A_70 = arith.constant 2 : i32
      %eq3A_71 = arith.constant 0 : i32
      %eq3A_72 = arith.cmpi eq, %jit3A_70, %eq3A_71 : i32
      %jit3A_73 = arith.constant 1 : i32
      %select_n3A_74 = arith.select %eq3A_72, %jit3A_73, %jit3A_70 : i32
      %rem3A_75 = arith.remsi %scan3A_56, %select_n3A_74 : i32
      %ne3A_76 = arith.constant 0 : i32
      %ne3A_77 = arith.cmpi ne, %rem3A_75, %ne3A_76 : i32
      %lt3A_78 = arith.constant 0 : i32
      %lt3A_79 = arith.cmpi slt, %rem3A_75, %lt3A_78 : i32
      %lt3A_80 = arith.constant 0 : i32
      %lt3A_81 = arith.cmpi slt, %select_n3A_74, %lt3A_80 : i32
      %ne3A_82 = arith.xori %lt3A_79, %lt3A_81 : i1
      %and3A_83 = arith.andi %ne3A_82, %ne3A_77 : i1
      %add3A_84 = arith.addi %rem3A_75, %select_n3A_74 : i32
      %select_n3A_85 = arith.select %and3A_83, %add3A_84, %rem3A_75 : i32
      %eq3A_86 = arith.constant 1 : i32
      %eq3A_87 = arith.cmpi eq, %select_n3A_85, %eq3A_86 : i32
      %convert_element_type3A_88 = arith.extui %eq3A_87 : i1 to i32
      %cond3A_89 = arith.constant 0 : i32
      %cond3A_90 = arith.cmpi ne, %convert_element_type3A_88, %cond3A_89 : i32
      scf.if %cond3A_90 {
        %add3A_92 = arith.constant 1 : i32
        %add3A_93 = arith.addi %scan3A_56, %add3A_92 : i32
        %lt3A_94 = arith.constant 5 : i32
        %lt3A_95 = arith.cmpi slt, %add3A_93, %lt3A_94 : i32
        %convert_element_type3A_96 = arith.extui %lt3A_95 : i1 to i32
        %cond3A_97 = arith.constant 0 : i32
        %cond3A_98 = arith.cmpi ne, %convert_element_type3A_96, %cond3A_97 : i32
        scf.if %cond3A_98 {
          %add3A_119 = arith.constant 1 : i32
          %add3A_120 = arith.addi %scan3A_56, %add3A_119 : i32
          %mul3A_121 = arith.constant 80 : i32
          %mul3A_122 = arith.muli %add3A_120, %mul3A_121 : i32
          %add3A_123 = arith.constant 0 : i32
          %add3A_124 = arith.addi %add3A_123, %mul3A_122 : i32
          %dma_start3A_125 = tpu.memref_slice %arg8[%add3A_124] : memref<800xi32, #tpu.memory_space<vmem>> -> memref<80xi32, #tpu.memory_space<vmem>>
          %dma_start3A_126 = arith.constant 0 : i32
          %dma_start3A_127 = arith.constant 0 : i32
          %dma_start3A_128 = tpu.memref_slice %arg4[%dma_start3A_126, %dma_start3A_127] : memref<100000x300xf32, #tpu.memory_space<hbm>> -> memref<100000x256xf32, #tpu.memory_space<hbm>>
          tpu.enqueue_indirect_dma source(%dma_start3A_128 : memref<100000x256xf32, #tpu.memory_space<hbm>>) target(%arg9 : memref<80x256xf32, #tpu.memory_space<vmem>>) offsets(%dma_start3A_125 : memref<80xi32, #tpu.memory_space<vmem>>) semaphore(%arg15 : memref<!tpu.dma_semaphore, #tpu.memory_space<semaphore_mem>>)
          %dma_start3A_129 = tpu.memref_slice %arg8[%add3A_124] : memref<800xi32, #tpu.memory_space<vmem>> -> memref<80xi32, #tpu.memory_space<vmem>>
          %dma_start3A_130 = arith.constant 0 : i32
          %dma_start3A_131 = arith.constant 0 : i32
          %dma_start3A_132 = tpu.memref_slice %arg5[%dma_start3A_130, %dma_start3A_131] : memref<100000x128xf32, #tpu.memory_space<hbm>> -> memref<100000x128xf32, #tpu.memory_space<hbm>>
          tpu.enqueue_indirect_dma source(%dma_start3A_132 : memref<100000x128xf32, #tpu.memory_space<hbm>>) target(%arg10 : memref<80x128xf32, #tpu.memory_space<vmem>>) offsets(%dma_start3A_129 : memref<80xi32, #tpu.memory_space<vmem>>) semaphore(%arg16 : memref<!tpu.dma_semaphore, #tpu.memory_space<semaphore_mem>>)
        } else {
        }
        %dma_wait3A_99 = arith.constant 0 : i32
        %dma_wait3A_100 = tpu.memref_slice %arg8[%dma_wait3A_99] : memref<800xi32, #tpu.memory_space<vmem>> -> memref<80xi32, #tpu.memory_space<vmem>>
        %dma_wait3A_101 = arith.constant 0 : i32
        %dma_wait3A_102 = arith.constant 0 : i32
        %dma_wait3A_103 = tpu.memref_slice %arg4[%dma_wait3A_101, %dma_wait3A_102] : memref<100000x300xf32, #tpu.memory_space<hbm>> -> memref<100000x256xf32, #tpu.memory_space<hbm>>
        tpu.wait_indirect_dma semaphore(%arg17 : memref<!tpu.dma_semaphore, #tpu.memory_space<semaphore_mem>>) src(%dma_wait3A_103 : memref<100000x256xf32, #tpu.memory_space<hbm>>) dst(%arg12 : memref<80x256xf32, #tpu.memory_space<vmem>>)
        %dma_wait3A_104 = arith.constant 0 : i32
        %dma_wait3A_105 = tpu.memref_slice %arg8[%dma_wait3A_104] : memref<800xi32, #tpu.memory_space<vmem>> -> memref<80xi32, #tpu.memory_space<vmem>>
        %dma_wait3A_106 = arith.constant 0 : i32
        %dma_wait3A_107 = arith.constant 0 : i32
        %dma_wait3A_108 = tpu.memref_slice %arg5[%dma_wait3A_106, %dma_wait3A_107] : memref<100000x128xf32, #tpu.memory_space<hbm>> -> memref<100000x128xf32, #tpu.memory_space<hbm>>
        tpu.wait_indirect_dma semaphore(%arg18 : memref<!tpu.dma_semaphore, #tpu.memory_space<semaphore_mem>>) src(%dma_wait3A_108 : memref<100000x128xf32, #tpu.memory_space<hbm>>) dst(%arg13 : memref<80x128xf32, #tpu.memory_space<vmem>>)
        %scan3A_109 = arith.constant 0 : i32
        %scan3A_110 = arith.constant 0 : i32
        %scan3A_111 = arith.constant 80 : i32
        %scan3A_112 = arith.addi %scan3A_110, %scan3A_111 : i32
        %scan3A_113 = arith.constant 4 : i32
        %scan3A_114 = scf.for %scan3A_119 = %scan3A_110 to %scan3A_112 step %scan3A_113 iter_args(%scan3A_120 = %scan3A_109) -> (i32)  : i32 {
          %get3A = arith.index_cast %scan3A_119 : i32 to index
          %get3A_121 = arith.constant 0 : index
          %get3A_122 = tpu.vector_load %arg13[%get3A, %get3A_121] {strides = array<i32>} : memref<80x128xf32, #tpu.memory_space<vmem>>, vector<1x16xf32>,
          %get3A_123 = vector.shape_cast %get3A_122 : vector<1x16xf32> to vector<16xf32>
          %swap3A = arith.index_cast %scan3A_119 : i32 to index
          %swap3A_124 = arith.constant 0 : index
          %swap3A_125 = tpu.vector_load %arg14[%swap3A, %swap3A_124] {strides = array<i32>} : memref<80x44xf32, #tpu.memory_space<vmem>>, vector<1x16xf32>,
          %swap3A_126 = vector.shape_cast %swap3A_125 : vector<1x16xf32> to vector<16xf32>
          %swap3A_127 = vector.shape_cast %get3A_123 : vector<16xf32> to vector<1x16xf32>
          tpu.vector_store %arg14[%swap3A, %swap3A_124], %swap3A_127 {strides = array<i32>} : memref<80x44xf32, #tpu.memory_space<vmem>>, vector<1x16xf32>,
          %get3A_128 = arith.index_cast %scan3A_119 : i32 to index
          %get3A_129 = arith.constant 16 : index
          %get3A_130 = tpu.vector_load %arg13[%get3A_128, %get3A_129] {strides = array<i32>} : memref<80x128xf32, #tpu.memory_space<vmem>>, vector<1x16xf32>,
          %get3A_131 = vector.shape_cast %get3A_130 : vector<1x16xf32> to vector<16xf32>
          %swap3A_132 = arith.index_cast %scan3A_119 : i32 to index
          %swap3A_133 = arith.constant 16 : index
          %swap3A_134 = tpu.vector_load %arg14[%swap3A_132, %swap3A_133] {strides = array<i32>} : memref<80x44xf32, #tpu.memory_space<vmem>>, vector<1x16xf32>,
          %swap3A_135 = vector.shape_cast %swap3A_134 : vector<1x16xf32> to vector<16xf32>
          %swap3A_136 = vector.shape_cast %get3A_131 : vector<16xf32> to vector<1x16xf32>
          tpu.vector_store %arg14[%swap3A_132, %swap3A_133], %swap3A_136 {strides = array<i32>} : memref<80x44xf32, #tpu.memory_space<vmem>>, vector<1x16xf32>,
          %get3A_137 = arith.index_cast %scan3A_119 : i32 to index
          %get3A_138 = arith.constant 28 : index
          %get3A_139 = tpu.vector_load %arg13[%get3A_137, %get3A_138] {strides = array<i32>} : memref<80x128xf32, #tpu.memory_space<vmem>>, vector<1x16xf32>,
          %get3A_140 = vector.shape_cast %get3A_139 : vector<1x16xf32> to vector<16xf32>
          %swap3A_141 = arith.index_cast %scan3A_119 : i32 to index
          %swap3A_142 = arith.constant 28 : index
          %swap3A_143 = tpu.vector_load %arg14[%swap3A_141, %swap3A_142] {strides = array<i32>} : memref<80x44xf32, #tpu.memory_space<vmem>>, vector<1x16xf32>,
          %swap3A_144 = vector.shape_cast %swap3A_143 : vector<1x16xf32> to vector<16xf32>
          %swap3A_145 = vector.shape_cast %get3A_140 : vector<16xf32> to vector<1x16xf32>
          tpu.vector_store %arg14[%swap3A_141, %swap3A_142], %swap3A_145 {strides = array<i32>} : memref<80x44xf32, #tpu.memory_space<vmem>>, vector<1x16xf32>,
          %scan3A_146 = arith.constant 0 : i32
          %scan3A_147 = arith.constant 1 : i32
          %scan3A_148 = arith.addi %scan3A_119, %scan3A_147 : i32
          %get3A_149 = arith.index_cast %scan3A_148 : i32 to index
          %get3A_150 = arith.constant 0 : index
          %get3A_151 = tpu.vector_load %arg13[%get3A_149, %get3A_150] {strides = array<i32>} : memref<80x128xf32, #tpu.memory_space<vmem>>, vector<1x16xf32>,
          %get3A_152 = vector.shape_cast %get3A_151 : vector<1x16xf32> to vector<16xf32>
          %swap3A_153 = arith.index_cast %scan3A_148 : i32 to index
          %swap3A_154 = arith.constant 0 : index
          %swap3A_155 = tpu.vector_load %arg14[%swap3A_153, %swap3A_154] {strides = array<i32>} : memref<80x44xf32, #tpu.memory_space<vmem>>, vector<1x16xf32>,
          %swap3A_156 = vector.shape_cast %swap3A_155 : vector<1x16xf32> to vector<16xf32>
          %swap3A_157 = vector.shape_cast %get3A_152 : vector<16xf32> to vector<1x16xf32>
          tpu.vector_store %arg14[%swap3A_153, %swap3A_154], %swap3A_157 {strides = array<i32>} : memref<80x44xf32, #tpu.memory_space<vmem>>, vector<1x16xf32>,
          %get3A_158 = arith.index_cast %scan3A_148 : i32 to index
          %get3A_159 = arith.constant 16 : index
          %get3A_160 = tpu.vector_load %arg13[%get3A_158, %get3A_159] {strides = array<i32>} : memref<80x128xf32, #tpu.memory_space<vmem>>, vector<1x16xf32>,
          %get3A_161 = vector.shape_cast %get3A_160 : vector<1x16xf32> to vector<16xf32>
          %swap3A_162 = arith.index_cast %scan3A_148 : i32 to index
          %swap3A_163 = arith.constant 16 : index
          %swap3A_164 = tpu.vector_load %arg14[%swap3A_162, %swap3A_163] {strides = array<i32>} : memref<80x44xf32, #tpu.memory_space<vmem>>, vector<1x16xf32>,
          %swap3A_165 = vector.shape_cast %swap3A_164 : vector<1x16xf32> to vector<16xf32>
          %swap3A_166 = vector.shape_cast %get3A_161 : vector<16xf32> to vector<1x16xf32>
          tpu.vector_store %arg14[%swap3A_162, %swap3A_163], %swap3A_166 {strides = array<i32>} : memref<80x44xf32, #tpu.memory_space<vmem>>, vector<1x16xf32>,
          %get3A_167 = arith.index_cast %scan3A_148 : i32 to index
          %get3A_168 = arith.constant 28 : index
          %get3A_169 = tpu.vector_load %arg13[%get3A_167, %get3A_168] {strides = array<i32>} : memref<80x128xf32, #tpu.memory_space<vmem>>, vector<1x16xf32>,
          %get3A_170 = vector.shape_cast %get3A_169 : vector<1x16xf32> to vector<16xf32>
          %swap3A_171 = arith.index_cast %scan3A_148 : i32 to index
          %swap3A_172 = arith.constant 28 : index
          %swap3A_173 = tpu.vector_load %arg14[%swap3A_171, %swap3A_172] {strides = array<i32>} : memref<80x44xf32, #tpu.memory_space<vmem>>, vector<1x16xf32>,
          %swap3A_174 = vector.shape_cast %swap3A_173 : vector<1x16xf32> to vector<16xf32>
          %swap3A_175 = vector.shape_cast %get3A_170 : vector<16xf32> to vector<1x16xf32>
          tpu.vector_store %arg14[%swap3A_171, %swap3A_172], %swap3A_175 {strides = array<i32>} : memref<80x44xf32, #tpu.memory_space<vmem>>, vector<1x16xf32>,
          %scan3A_176 = arith.constant 0 : i32
          %scan3A_177 = arith.constant 2 : i32
          %scan3A_178 = arith.addi %scan3A_119, %scan3A_177 : i32
          %get3A_179 = arith.index_cast %scan3A_178 : i32 to index
          %get3A_180 = arith.constant 0 : index
          %get3A_181 = tpu.vector_load %arg13[%get3A_179, %get3A_180] {strides = array<i32>} : memref<80x128xf32, #tpu.memory_space<vmem>>, vector<1x16xf32>,
          %get3A_182 = vector.shape_cast %get3A_181 : vector<1x16xf32> to vector<16xf32>
          %swap3A_183 = arith.index_cast %scan3A_178 : i32 to index
          %swap3A_184 = arith.constant 0 : index
          %swap3A_185 = tpu.vector_load %arg14[%swap3A_183, %swap3A_184] {strides = array<i32>} : memref<80x44xf32, #tpu.memory_space<vmem>>, vector<1x16xf32>,
          %swap3A_186 = vector.shape_cast %swap3A_185 : vector<1x16xf32> to vector<16xf32>
          %swap3A_187 = vector.shape_cast %get3A_182 : vector<16xf32> to vector<1x16xf32>
          tpu.vector_store %arg14[%swap3A_183, %swap3A_184], %swap3A_187 {strides = array<i32>} : memref<80x44xf32, #tpu.memory_space<vmem>>, vector<1x16xf32>,
          %get3A_188 = arith.index_cast %scan3A_178 : i32 to index
          %get3A_189 = arith.constant 16 : index
          %get3A_190 = tpu.vector_load %arg13[%get3A_188, %get3A_189] {strides = array<i32>} : memref<80x128xf32, #tpu.memory_space<vmem>>, vector<1x16xf32>,
          %get3A_191 = vector.shape_cast %get3A_190 : vector<1x16xf32> to vector<16xf32>
          %swap3A_192 = arith.index_cast %scan3A_178 : i32 to index
          %swap3A_193 = arith.constant 16 : index
          %swap3A_194 = tpu.vector_load %arg14[%swap3A_192, %swap3A_193] {strides = array<i32>} : memref<80x44xf32, #tpu.memory_space<vmem>>, vector<1x16xf32>,
          %swap3A_195 = vector.shape_cast %swap3A_194 : vector<1x16xf32> to vector<16xf32>
          %swap3A_196 = vector.shape_cast %get3A_191 : vector<16xf32> to vector<1x16xf32>
          tpu.vector_store %arg14[%swap3A_192, %swap3A_193], %swap3A_196 {strides = array<i32>} : memref<80x44xf32, #tpu.memory_space<vmem>>, vector<1x16xf32>,
          %get3A_197 = arith.index_cast %scan3A_178 : i32 to index
          %get3A_198 = arith.constant 28 : index
          %get3A_199 = tpu.vector_load %arg13[%get3A_197, %get3A_198] {strides = array<i32>} : memref<80x128xf32, #tpu.memory_space<vmem>>, vector<1x16xf32>,
          %get3A_200 = vector.shape_cast %get3A_199 : vector<1x16xf32> to vector<16xf32>
          %swap3A_201 = arith.index_cast %scan3A_178 : i32 to index
          %swap3A_202 = arith.constant 28 : index
          %swap3A_203 = tpu.vector_load %arg14[%swap3A_201, %swap3A_202] {strides = array<i32>} : memref<80x44xf32, #tpu.memory_space<vmem>>, vector<1x16xf32>,
          %swap3A_204 = vector.shape_cast %swap3A_203 : vector<1x16xf32> to vector<16xf32>
          %swap3A_205 = vector.shape_cast %get3A_200 : vector<16xf32> to vector<1x16xf32>
          tpu.vector_store %arg14[%swap3A_201, %swap3A_202], %swap3A_205 {strides = array<i32>} : memref<80x44xf32, #tpu.memory_space<vmem>>, vector<1x16xf32>,
          %scan3A_206 = arith.constant 0 : i32
          %scan3A_207 = arith.constant 3 : i32
          %scan3A_208 = arith.addi %scan3A_119, %scan3A_207 : i32
          %get3A_209 = arith.index_cast %scan3A_208 : i32 to index
          %get3A_210 = arith.constant 0 : index
          %get3A_211 = tpu.vector_load %arg13[%get3A_209, %get3A_210] {strides = array<i32>} : memref<80x128xf32, #tpu.memory_space<vmem>>, vector<1x16xf32>,
          %get3A_212 = vector.shape_cast %get3A_211 : vector<1x16xf32> to vector<16xf32>
          %swap3A_213 = arith.index_cast %scan3A_208 : i32 to index
          %swap3A_214 = arith.constant 0 : index
          %swap3A_215 = tpu.vector_load %arg14[%swap3A_213, %swap3A_214] {strides = array<i32>} : memref<80x44xf32, #tpu.memory_space<vmem>>, vector<1x16xf32>,
          %swap3A_216 = vector.shape_cast %swap3A_215 : vector<1x16xf32> to vector<16xf32>
          %swap3A_217 = vector.shape_cast %get3A_212 : vector<16xf32> to vector<1x16xf32>
          tpu.vector_store %arg14[%swap3A_213, %swap3A_214], %swap3A_217 {strides = array<i32>} : memref<80x44xf32, #tpu.memory_space<vmem>>, vector<1x16xf32>,
          %get3A_218 = arith.index_cast %scan3A_208 : i32 to index
          %get3A_219 = arith.constant 16 : index
          %get3A_220 = tpu.vector_load %arg13[%get3A_218, %get3A_219] {strides = array<i32>} : memref<80x128xf32, #tpu.memory_space<vmem>>, vector<1x16xf32>,
          %get3A_221 = vector.shape_cast %get3A_220 : vector<1x16xf32> to vector<16xf32>
          %swap3A_222 = arith.index_cast %scan3A_208 : i32 to index
          %swap3A_223 = arith.constant 16 : index
          %swap3A_224 = tpu.vector_load %arg14[%swap3A_222, %swap3A_223] {strides = array<i32>} : memref<80x44xf32, #tpu.memory_space<vmem>>, vector<1x16xf32>,
          %swap3A_225 = vector.shape_cast %swap3A_224 : vector<1x16xf32> to vector<16xf32>
          %swap3A_226 = vector.shape_cast %get3A_221 : vector<16xf32> to vector<1x16xf32>
          tpu.vector_store %arg14[%swap3A_222, %swap3A_223], %swap3A_226 {strides = array<i32>} : memref<80x44xf32, #tpu.memory_space<vmem>>, vector<1x16xf32>,
          %get3A_227 = arith.index_cast %scan3A_208 : i32 to index
          %get3A_228 = arith.constant 28 : index
          %get3A_229 = tpu.vector_load %arg13[%get3A_227, %get3A_228] {strides = array<i32>} : memref<80x128xf32, #tpu.memory_space<vmem>>, vector<1x16xf32>,
          %get3A_230 = vector.shape_cast %get3A_229 : vector<1x16xf32> to vector<16xf32>
          %swap3A_231 = arith.index_cast %scan3A_208 : i32 to index
          %swap3A_232 = arith.constant 28 : index
          %swap3A_233 = tpu.vector_load %arg14[%swap3A_231, %swap3A_232] {strides = array<i32>} : memref<80x44xf32, #tpu.memory_space<vmem>>, vector<1x16xf32>,
          %swap3A_234 = vector.shape_cast %swap3A_233 : vector<1x16xf32> to vector<16xf32>
          %swap3A_235 = vector.shape_cast %get3A_230 : vector<16xf32> to vector<1x16xf32>
          tpu.vector_store %arg14[%swap3A_231, %swap3A_232], %swap3A_235 {strides = array<i32>} : memref<80x44xf32, #tpu.memory_space<vmem>>, vector<1x16xf32>,
          %scan3A_236 = arith.constant 0 : i32
          scf.yield %scan3A_236 : i32
        }
        %scan3A_115 = arith.constant 80 : i32
        %mul3A_116 = arith.constant 80 : i32
        %mul3A_117 = arith.muli %scan3A_56, %mul3A_116 : i32
        %add3A_118 = arith.addi %mul3A_20, %mul3A_117 : i32
        "tpu.region"() ({
          %run_scoped3A = tpu.sem_alloc : memref<!tpu.dma_semaphore, #tpu.memory_space<semaphore_mem>>
          %dma_start3A_119 = arith.constant 0 : i32
          %dma_start3A_120 = tpu.memref_slice %arg6[%add3A_118, %dma_start3A_119] : memref<12800x300xf32, #tpu.memory_space<hbm>> -> memref<80x256xf32, #tpu.memory_space<hbm>>
          %dma_start3A_121 = arith.constant 0 : i32
          %dma_start3A_122 = tpu.memref_slice %arg6[%add3A_118, %dma_start3A_121] : memref<12800x300xf32, #tpu.memory_space<hbm>> -> memref<80x256xf32, #tpu.memory_space<hbm>>
          tpu.enqueue_dma source(%arg12 : memref<80x256xf32, #tpu.memory_space<vmem>>) target(%dma_start3A_122 : memref<80x256xf32, #tpu.memory_space<hbm>>) target_semaphore(%run_scoped3A : memref<!tpu.dma_semaphore, #tpu.memory_space<semaphore_mem>>)
          %dma_wait3A_123 = arith.constant 0 : i32
          %dma_wait3A_124 = tpu.memref_slice %arg6[%add3A_118, %dma_wait3A_123] : memref<12800x300xf32, #tpu.memory_space<hbm>> -> memref<80x256xf32, #tpu.memory_space<hbm>>
          %dma_wait3A_125 = arith.constant 0 : i32
          %dma_wait3A_126 = tpu.memref_slice %arg6[%add3A_118, %dma_wait3A_125] : memref<12800x300xf32, #tpu.memory_space<hbm>> -> memref<80x256xf32, #tpu.memory_space<hbm>>
          tpu.wait_dma2 semaphore(%run_scoped3A : memref<!tpu.dma_semaphore, #tpu.memory_space<semaphore_mem>>) src(%arg12 : memref<80x256xf32, #tpu.memory_space<vmem>>) dst(%dma_wait3A_126 : memref<80x256xf32, #tpu.memory_space<hbm>>)
          tpu.yield
        }) : () -> ()
        "tpu.region"() ({
          %run_scoped3A = tpu.sem_alloc : memref<!tpu.dma_semaphore, #tpu.memory_space<semaphore_mem>>
          %dma_start3A_119 = arith.constant 256 : i32
          %dma_start3A_120 = tpu.memref_slice %arg6[%add3A_118, %dma_start3A_119] : memref<12800x300xf32, #tpu.memory_space<hbm>> -> memref<80x44xf32, #tpu.memory_space<hbm>>
          %dma_start3A_121 = arith.constant 256 : i32
          %dma_start3A_122 = tpu.memref_slice %arg6[%add3A_118, %dma_start3A_121] : memref<12800x300xf32, #tpu.memory_space<hbm>> -> memref<80x44xf32, #tpu.memory_space<hbm>>
          tpu.enqueue_dma source(%arg14 : memref<80x44xf32, #tpu.memory_space<vmem>>) target(%dma_start3A_122 : memref<80x44xf32, #tpu.memory_space<hbm>>) target_semaphore(%run_scoped3A : memref<!tpu.dma_semaphore, #tpu.memory_space<semaphore_mem>>)
          %dma_wait3A_123 = arith.constant 256 : i32
          %dma_wait3A_124 = tpu.memref_slice %arg6[%add3A_118, %dma_wait3A_123] : memref<12800x300xf32, #tpu.memory_space<hbm>> -> memref<80x44xf32, #tpu.memory_space<hbm>>
          %dma_wait3A_125 = arith.constant 256 : i32
          %dma_wait3A_126 = tpu.memref_slice %arg6[%add3A_118, %dma_wait3A_125] : memref<12800x300xf32, #tpu.memory_space<hbm>> -> memref<80x44xf32, #tpu.memory_space<hbm>>
          tpu.wait_dma2 semaphore(%run_scoped3A : memref<!tpu.dma_semaphore, #tpu.memory_space<semaphore_mem>>) src(%arg14 : memref<80x44xf32, #tpu.memory_space<vmem>>) dst(%dma_wait3A_126 : memref<80x44xf32, #tpu.memory_space<hbm>>)
          tpu.yield
        }) : () -> ()
      } else {
      }
      %scan3A_91 = arith.constant 0 : i32
      scf.yield %scan3A_91 : i32
    }
    %scan3A_36 = arith.constant 5 : i32
    %mul3A_37 = arith.constant 400 : i32
    %mul3A_38 = arith.muli %add3A, %mul3A_37 : i32
    %dma_start3A_39 = arith.constant 400 : i32
    %dma_start3A_40 = tpu.memref_slice %arg8[%dma_start3A_39] : memref<800xi32, #tpu.memory_space<vmem>> -> memref<80xi32, #tpu.memory_space<vmem>>
    %dma_start3A_41 = arith.constant 0 : i32
    %dma_start3A_42 = arith.constant 0 : i32
    %dma_start3A_43 = tpu.memref_slice %arg4[%dma_start3A_41, %dma_start3A_42] : memref<100000x300xf32, #tpu.memory_space<hbm>> -> memref<100000x256xf32, #tpu.memory_space<hbm>>
    tpu.enqueue_indirect_dma source(%dma_start3A_43 : memref<100000x256xf32, #tpu.memory_space<hbm>>) target(%arg9 : memref<80x256xf32, #tpu.memory_space<vmem>>) offsets(%dma_start3A_40 : memref<80xi32, #tpu.memory_space<vmem>>) semaphore(%arg15 : memref<!tpu.dma_semaphore, #tpu.memory_space<semaphore_mem>>)
    %dma_start3A_44 = arith.constant 400 : i32
    %dma_start3A_45 = tpu.memref_slice %arg8[%dma_start3A_44] : memref<800xi32, #tpu.memory_space<vmem>> -> memref<80xi32, #tpu.memory_space<vmem>>
    %dma_start3A_46 = arith.constant 0 : i32
    %dma_start3A_47 = arith.constant 0 : i32
    %dma_start3A_48 = tpu.memref_slice %arg5[%dma_start3A_46, %dma_start3A_47] : memref<100000x128xf32, #tpu.memory_space<hbm>> -> memref<100000x128xf32, #tpu.memory_space<hbm>>
    tpu.enqueue_indirect_dma source(%dma_start3A_48 : memref<100000x128xf32, #tpu.memory_space<hbm>>) target(%arg10 : memref<80x128xf32, #tpu.memory_space<vmem>>) offsets(%dma_start3A_45 : memref<80xi32, #tpu.memory_space<vmem>>) semaphore(%arg16 : memref<!tpu.dma_semaphore, #tpu.memory_space<semaphore_mem>>)
    %scan3A_49 = arith.constant 0 : i32
    %scan3A_50 = arith.constant 0 : i32
    %scan3A_51 = arith.constant 5 : i32
    %scan3A_52 = arith.addi %scan3A_50, %scan3A_51 : i32
    %scan3A_53 = arith.constant 1 : i32
    %scan3A_54 = scf.for %scan3A_56 = %scan3A_50 to %scan3A_52 step %scan3A_53 iter_args(%scan3A_57 = %scan3A_49) -> (i32)  : i32 {
      %jit3A = arith.constant 2 : i32
      %eq3A = arith.constant 0 : i32
      %eq3A_58 = arith.cmpi eq, %jit3A, %eq3A : i32
      %jit3A_59 = arith.constant 1 : i32
      %select_n3A = arith.select %eq3A_58, %jit3A_59, %jit3A : i32
      %rem3A = arith.remsi %scan3A_56, %select_n3A : i32
      %ne3A = arith.constant 0 : i32
      %ne3A_60 = arith.cmpi ne, %rem3A, %ne3A : i32
      %lt3A = arith.constant 0 : i32
      %lt3A_61 = arith.cmpi slt, %rem3A, %lt3A : i32
      %lt3A_62 = arith.constant 0 : i32
      %lt3A_63 = arith.cmpi slt, %select_n3A, %lt3A_62 : i32
      %ne3A_64 = arith.xori %lt3A_61, %lt3A_63 : i1
      %and3A = arith.andi %ne3A_64, %ne3A_60 : i1
      %add3A_65 = arith.addi %rem3A, %select_n3A : i32
      %select_n3A_66 = arith.select %and3A, %add3A_65, %rem3A : i32
      %eq3A_67 = arith.constant 0 : i32
      %eq3A_68 = arith.cmpi eq, %select_n3A_66, %eq3A_67 : i32
      %convert_element_type3A = arith.extui %eq3A_68 : i1 to i32
      %cond3A = arith.constant 0 : i32
      %cond3A_69 = arith.cmpi ne, %convert_element_type3A, %cond3A : i32
      scf.if %cond3A_69 {
        %add3A_92 = arith.constant 1 : i32
        %add3A_93 = arith.addi %scan3A_56, %add3A_92 : i32
        %lt3A_94 = arith.constant 5 : i32
        %lt3A_95 = arith.cmpi slt, %add3A_93, %lt3A_94 : i32
        %convert_element_type3A_96 = arith.extui %lt3A_95 : i1 to i32
        %cond3A_97 = arith.constant 0 : i32
        %cond3A_98 = arith.cmpi ne, %convert_element_type3A_96, %cond3A_97 : i32
        scf.if %cond3A_98 {
          %add3A_119 = arith.constant 1 : i32
          %add3A_120 = arith.addi %scan3A_56, %add3A_119 : i32
          %mul3A_121 = arith.constant 80 : i32
          %mul3A_122 = arith.muli %add3A_120, %mul3A_121 : i32
          %add3A_123 = arith.constant 400 : i32
          %add3A_124 = arith.addi %add3A_123, %mul3A_122 : i32
          %dma_start3A_125 = tpu.memref_slice %arg8[%add3A_124] : memref<800xi32, #tpu.memory_space<vmem>> -> memref<80xi32, #tpu.memory_space<vmem>>
          %dma_start3A_126 = arith.constant 0 : i32
          %dma_start3A_127 = arith.constant 0 : i32
          %dma_start3A_128 = tpu.memref_slice %arg4[%dma_start3A_126, %dma_start3A_127] : memref<100000x300xf32, #tpu.memory_space<hbm>> -> memref<100000x256xf32, #tpu.memory_space<hbm>>
          tpu.enqueue_indirect_dma source(%dma_start3A_128 : memref<100000x256xf32, #tpu.memory_space<hbm>>) target(%arg12 : memref<80x256xf32, #tpu.memory_space<vmem>>) offsets(%dma_start3A_125 : memref<80xi32, #tpu.memory_space<vmem>>) semaphore(%arg17 : memref<!tpu.dma_semaphore, #tpu.memory_space<semaphore_mem>>)
          %dma_start3A_129 = tpu.memref_slice %arg8[%add3A_124] : memref<800xi32, #tpu.memory_space<vmem>> -> memref<80xi32, #tpu.memory_space<vmem>>
          %dma_start3A_130 = arith.constant 0 : i32
          %dma_start3A_131 = arith.constant 0 : i32
          %dma_start3A_132 = tpu.memref_slice %arg5[%dma_start3A_130, %dma_start3A_131] : memref<100000x128xf32, #tpu.memory_space<hbm>> -> memref<100000x128xf32, #tpu.memory_space<hbm>>
          tpu.enqueue_indirect_dma source(%dma_start3A_132 : memref<100000x128xf32, #tpu.memory_space<hbm>>) target(%arg13 : memref<80x128xf32, #tpu.memory_space<vmem>>) offsets(%dma_start3A_129 : memref<80xi32, #tpu.memory_space<vmem>>) semaphore(%arg18 : memref<!tpu.dma_semaphore, #tpu.memory_space<semaphore_mem>>)
        } else {
        }
        %dma_wait3A_99 = arith.constant 0 : i32
        %dma_wait3A_100 = tpu.memref_slice %arg8[%dma_wait3A_99] : memref<800xi32, #tpu.memory_space<vmem>> -> memref<80xi32, #tpu.memory_space<vmem>>
        %dma_wait3A_101 = arith.constant 0 : i32
        %dma_wait3A_102 = arith.constant 0 : i32
        %dma_wait3A_103 = tpu.memref_slice %arg4[%dma_wait3A_101, %dma_wait3A_102] : memref<100000x300xf32, #tpu.memory_space<hbm>> -> memref<100000x256xf32, #tpu.memory_space<hbm>>
        tpu.wait_indirect_dma semaphore(%arg15 : memref<!tpu.dma_semaphore, #tpu.memory_space<semaphore_mem>>) src(%dma_wait3A_103 : memref<100000x256xf32, #tpu.memory_space<hbm>>) dst(%arg9 : memref<80x256xf32, #tpu.memory_space<vmem>>)
        %dma_wait3A_104 = arith.constant 0 : i32
        %dma_wait3A_105 = tpu.memref_slice %arg8[%dma_wait3A_104] : memref<800xi32, #tpu.memory_space<vmem>> -> memref<80xi32, #tpu.memory_space<vmem>>
        %dma_wait3A_106 = arith.constant 0 : i32
        %dma_wait3A_107 = arith.constant 0 : i32
        %dma_wait3A_108 = tpu.memref_slice %arg5[%dma_wait3A_106, %dma_wait3A_107] : memref<100000x128xf32, #tpu.memory_space<hbm>> -> memref<100000x128xf32, #tpu.memory_space<hbm>>
        tpu.wait_indirect_dma semaphore(%arg16 : memref<!tpu.dma_semaphore, #tpu.memory_space<semaphore_mem>>) src(%dma_wait3A_108 : memref<100000x128xf32, #tpu.memory_space<hbm>>) dst(%arg10 : memref<80x128xf32, #tpu.memory_space<vmem>>)
        %scan3A_109 = arith.constant 0 : i32
        %scan3A_110 = arith.constant 0 : i32
        %scan3A_111 = arith.constant 80 : i32
        %scan3A_112 = arith.addi %scan3A_110, %scan3A_111 : i32
        %scan3A_113 = arith.constant 4 : i32
        %scan3A_114 = scf.for %scan3A_119 = %scan3A_110 to %scan3A_112 step %scan3A_113 iter_args(%scan3A_120 = %scan3A_109) -> (i32)  : i32 {
          %get3A = arith.index_cast %scan3A_119 : i32 to index
          %get3A_121 = arith.constant 0 : index
          %get3A_122 = tpu.vector_load %arg10[%get3A, %get3A_121] {strides = array<i32>} : memref<80x128xf32, #tpu.memory_space<vmem>>, vector<1x16xf32>,
          %get3A_123 = vector.shape_cast %get3A_122 : vector<1x16xf32> to vector<16xf32>
          %swap3A = arith.index_cast %scan3A_119 : i32 to index
          %swap3A_124 = arith.constant 0 : index
          %swap3A_125 = tpu.vector_load %arg11[%swap3A, %swap3A_124] {strides = array<i32>} : memref<80x44xf32, #tpu.memory_space<vmem>>, vector<1x16xf32>,
          %swap3A_126 = vector.shape_cast %swap3A_125 : vector<1x16xf32> to vector<16xf32>
          %swap3A_127 = vector.shape_cast %get3A_123 : vector<16xf32> to vector<1x16xf32>
          tpu.vector_store %arg11[%swap3A, %swap3A_124], %swap3A_127 {strides = array<i32>} : memref<80x44xf32, #tpu.memory_space<vmem>>, vector<1x16xf32>,
          %get3A_128 = arith.index_cast %scan3A_119 : i32 to index
          %get3A_129 = arith.constant 16 : index
          %get3A_130 = tpu.vector_load %arg10[%get3A_128, %get3A_129] {strides = array<i32>} : memref<80x128xf32, #tpu.memory_space<vmem>>, vector<1x16xf32>,
          %get3A_131 = vector.shape_cast %get3A_130 : vector<1x16xf32> to vector<16xf32>
          %swap3A_132 = arith.index_cast %scan3A_119 : i32 to index
          %swap3A_133 = arith.constant 16 : index
          %swap3A_134 = tpu.vector_load %arg11[%swap3A_132, %swap3A_133] {strides = array<i32>} : memref<80x44xf32, #tpu.memory_space<vmem>>, vector<1x16xf32>,
          %swap3A_135 = vector.shape_cast %swap3A_134 : vector<1x16xf32> to vector<16xf32>
          %swap3A_136 = vector.shape_cast %get3A_131 : vector<16xf32> to vector<1x16xf32>
          tpu.vector_store %arg11[%swap3A_132, %swap3A_133], %swap3A_136 {strides = array<i32>} : memref<80x44xf32, #tpu.memory_space<vmem>>, vector<1x16xf32>,
          %get3A_137 = arith.index_cast %scan3A_119 : i32 to index
          %get3A_138 = arith.constant 28 : index
          %get3A_139 = tpu.vector_load %arg10[%get3A_137, %get3A_138] {strides = array<i32>} : memref<80x128xf32, #tpu.memory_space<vmem>>, vector<1x16xf32>,
          %get3A_140 = vector.shape_cast %get3A_139 : vector<1x16xf32> to vector<16xf32>
          %swap3A_141 = arith.index_cast %scan3A_119 : i32 to index
          %swap3A_142 = arith.constant 28 : index
          %swap3A_143 = tpu.vector_load %arg11[%swap3A_141, %swap3A_142] {strides = array<i32>} : memref<80x44xf32, #tpu.memory_space<vmem>>, vector<1x16xf32>,
          %swap3A_144 = vector.shape_cast %swap3A_143 : vector<1x16xf32> to vector<16xf32>
          %swap3A_145 = vector.shape_cast %get3A_140 : vector<16xf32> to vector<1x16xf32>
          tpu.vector_store %arg11[%swap3A_141, %swap3A_142], %swap3A_145 {strides = array<i32>} : memref<80x44xf32, #tpu.memory_space<vmem>>, vector<1x16xf32>,
          %scan3A_146 = arith.constant 0 : i32
          %scan3A_147 = arith.constant 1 : i32
          %scan3A_148 = arith.addi %scan3A_119, %scan3A_147 : i32
          %get3A_149 = arith.index_cast %scan3A_148 : i32 to index
          %get3A_150 = arith.constant 0 : index
          %get3A_151 = tpu.vector_load %arg10[%get3A_149, %get3A_150] {strides = array<i32>} : memref<80x128xf32, #tpu.memory_space<vmem>>, vector<1x16xf32>,
          %get3A_152 = vector.shape_cast %get3A_151 : vector<1x16xf32> to vector<16xf32>
          %swap3A_153 = arith.index_cast %scan3A_148 : i32 to index
          %swap3A_154 = arith.constant 0 : index
          %swap3A_155 = tpu.vector_load %arg11[%swap3A_153, %swap3A_154] {strides = array<i32>} : memref<80x44xf32, #tpu.memory_space<vmem>>, vector<1x16xf32>,
          %swap3A_156 = vector.shape_cast %swap3A_155 : vector<1x16xf32> to vector<16xf32>
          %swap3A_157 = vector.shape_cast %get3A_152 : vector<16xf32> to vector<1x16xf32>
          tpu.vector_store %arg11[%swap3A_153, %swap3A_154], %swap3A_157 {strides = array<i32>} : memref<80x44xf32, #tpu.memory_space<vmem>>, vector<1x16xf32>,
          %get3A_158 = arith.index_cast %scan3A_148 : i32 to index
          %get3A_159 = arith.constant 16 : index
          %get3A_160 = tpu.vector_load %arg10[%get3A_158, %get3A_159] {strides = array<i32>} : memref<80x128xf32, #tpu.memory_space<vmem>>, vector<1x16xf32>,
          %get3A_161 = vector.shape_cast %get3A_160 : vector<1x16xf32> to vector<16xf32>
          %swap3A_162 = arith.index_cast %scan3A_148 : i32 to index
          %swap3A_163 = arith.constant 16 : index
          %swap3A_164 = tpu.vector_load %arg11[%swap3A_162, %swap3A_163] {strides = array<i32>} : memref<80x44xf32, #tpu.memory_space<vmem>>, vector<1x16xf32>,
          %swap3A_165 = vector.shape_cast %swap3A_164 : vector<1x16xf32> to vector<16xf32>
          %swap3A_166 = vector.shape_cast %get3A_161 : vector<16xf32> to vector<1x16xf32>
          tpu.vector_store %arg11[%swap3A_162, %swap3A_163], %swap3A_166 {strides = array<i32>} : memref<80x44xf32, #tpu.memory_space<vmem>>, vector<1x16xf32>,
          %get3A_167 = arith.index_cast %scan3A_148 : i32 to index
          %get3A_168 = arith.constant 28 : index
          %get3A_169 = tpu.vector_load %arg10[%get3A_167, %get3A_168] {strides = array<i32>} : memref<80x128xf32, #tpu.memory_space<vmem>>, vector<1x16xf32>,
          %get3A_170 = vector.shape_cast %get3A_169 : vector<1x16xf32> to vector<16xf32>
          %swap3A_171 = arith.index_cast %scan3A_148 : i32 to index
          %swap3A_172 = arith.constant 28 : index
          %swap3A_173 = tpu.vector_load %arg11[%swap3A_171, %swap3A_172] {strides = array<i32>} : memref<80x44xf32, #tpu.memory_space<vmem>>, vector<1x16xf32>,
          %swap3A_174 = vector.shape_cast %swap3A_173 : vector<1x16xf32> to vector<16xf32>
          %swap3A_175 = vector.shape_cast %get3A_170 : vector<16xf32> to vector<1x16xf32>
          tpu.vector_store %arg11[%swap3A_171, %swap3A_172], %swap3A_175 {strides = array<i32>} : memref<80x44xf32, #tpu.memory_space<vmem>>, vector<1x16xf32>,
          %scan3A_176 = arith.constant 0 : i32
          %scan3A_177 = arith.constant 2 : i32
          %scan3A_178 = arith.addi %scan3A_119, %scan3A_177 : i32
          %get3A_179 = arith.index_cast %scan3A_178 : i32 to index
          %get3A_180 = arith.constant 0 : index
          %get3A_181 = tpu.vector_load %arg10[%get3A_179, %get3A_180] {strides = array<i32>} : memref<80x128xf32, #tpu.memory_space<vmem>>, vector<1x16xf32>,
          %get3A_182 = vector.shape_cast %get3A_181 : vector<1x16xf32> to vector<16xf32>
          %swap3A_183 = arith.index_cast %scan3A_178 : i32 to index
          %swap3A_184 = arith.constant 0 : index
          %swap3A_185 = tpu.vector_load %arg11[%swap3A_183, %swap3A_184] {strides = array<i32>} : memref<80x44xf32, #tpu.memory_space<vmem>>, vector<1x16xf32>,
          %swap3A_186 = vector.shape_cast %swap3A_185 : vector<1x16xf32> to vector<16xf32>
          %swap3A_187 = vector.shape_cast %get3A_182 : vector<16xf32> to vector<1x16xf32>
          tpu.vector_store %arg11[%swap3A_183, %swap3A_184], %swap3A_187 {strides = array<i32>} : memref<80x44xf32, #tpu.memory_space<vmem>>, vector<1x16xf32>,
          %get3A_188 = arith.index_cast %scan3A_178 : i32 to index
          %get3A_189 = arith.constant 16 : index
          %get3A_190 = tpu.vector_load %arg10[%get3A_188, %get3A_189] {strides = array<i32>} : memref<80x128xf32, #tpu.memory_space<vmem>>, vector<1x16xf32>,
          %get3A_191 = vector.shape_cast %get3A_190 : vector<1x16xf32> to vector<16xf32>
          %swap3A_192 = arith.index_cast %scan3A_178 : i32 to index
          %swap3A_193 = arith.constant 16 : index
          %swap3A_194 = tpu.vector_load %arg11[%swap3A_192, %swap3A_193] {strides = array<i32>} : memref<80x44xf32, #tpu.memory_space<vmem>>, vector<1x16xf32>,
          %swap3A_195 = vector.shape_cast %swap3A_194 : vector<1x16xf32> to vector<16xf32>
          %swap3A_196 = vector.shape_cast %get3A_191 : vector<16xf32> to vector<1x16xf32>
          tpu.vector_store %arg11[%swap3A_192, %swap3A_193], %swap3A_196 {strides = array<i32>} : memref<80x44xf32, #tpu.memory_space<vmem>>, vector<1x16xf32>,
          %get3A_197 = arith.index_cast %scan3A_178 : i32 to index
          %get3A_198 = arith.constant 28 : index
          %get3A_199 = tpu.vector_load %arg10[%get3A_197, %get3A_198] {strides = array<i32>} : memref<80x128xf32, #tpu.memory_space<vmem>>, vector<1x16xf32>,
          %get3A_200 = vector.shape_cast %get3A_199 : vector<1x16xf32> to vector<16xf32>
          %swap3A_201 = arith.index_cast %scan3A_178 : i32 to index
          %swap3A_202 = arith.constant 28 : index
          %swap3A_203 = tpu.vector_load %arg11[%swap3A_201, %swap3A_202] {strides = array<i32>} : memref<80x44xf32, #tpu.memory_space<vmem>>, vector<1x16xf32>,
          %swap3A_204 = vector.shape_cast %swap3A_203 : vector<1x16xf32> to vector<16xf32>
          %swap3A_205 = vector.shape_cast %get3A_200 : vector<16xf32> to vector<1x16xf32>
          tpu.vector_store %arg11[%swap3A_201, %swap3A_202], %swap3A_205 {strides = array<i32>} : memref<80x44xf32, #tpu.memory_space<vmem>>, vector<1x16xf32>,
          %scan3A_206 = arith.constant 0 : i32
          %scan3A_207 = arith.constant 3 : i32
          %scan3A_208 = arith.addi %scan3A_119, %scan3A_207 : i32
          %get3A_209 = arith.index_cast %scan3A_208 : i32 to index
          %get3A_210 = arith.constant 0 : index
          %get3A_211 = tpu.vector_load %arg10[%get3A_209, %get3A_210] {strides = array<i32>} : memref<80x128xf32, #tpu.memory_space<vmem>>, vector<1x16xf32>,
          %get3A_212 = vector.shape_cast %get3A_211 : vector<1x16xf32> to vector<16xf32>
          %swap3A_213 = arith.index_cast %scan3A_208 : i32 to index
          %swap3A_214 = arith.constant 0 : index
          %swap3A_215 = tpu.vector_load %arg11[%swap3A_213, %swap3A_214] {strides = array<i32>} : memref<80x44xf32, #tpu.memory_space<vmem>>, vector<1x16xf32>,
          %swap3A_216 = vector.shape_cast %swap3A_215 : vector<1x16xf32> to vector<16xf32>
          %swap3A_217 = vector.shape_cast %get3A_212 : vector<16xf32> to vector<1x16xf32>
          tpu.vector_store %arg11[%swap3A_213, %swap3A_214], %swap3A_217 {strides = array<i32>} : memref<80x44xf32, #tpu.memory_space<vmem>>, vector<1x16xf32>,
          %get3A_218 = arith.index_cast %scan3A_208 : i32 to index
          %get3A_219 = arith.constant 16 : index
          %get3A_220 = tpu.vector_load %arg10[%get3A_218, %get3A_219] {strides = array<i32>} : memref<80x128xf32, #tpu.memory_space<vmem>>, vector<1x16xf32>,
          %get3A_221 = vector.shape_cast %get3A_220 : vector<1x16xf32> to vector<16xf32>
          %swap3A_222 = arith.index_cast %scan3A_208 : i32 to index
          %swap3A_223 = arith.constant 16 : index
          %swap3A_224 = tpu.vector_load %arg11[%swap3A_222, %swap3A_223] {strides = array<i32>} : memref<80x44xf32, #tpu.memory_space<vmem>>, vector<1x16xf32>,
          %swap3A_225 = vector.shape_cast %swap3A_224 : vector<1x16xf32> to vector<16xf32>
          %swap3A_226 = vector.shape_cast %get3A_221 : vector<16xf32> to vector<1x16xf32>
          tpu.vector_store %arg11[%swap3A_222, %swap3A_223], %swap3A_226 {strides = array<i32>} : memref<80x44xf32, #tpu.memory_space<vmem>>, vector<1x16xf32>,
          %get3A_227 = arith.index_cast %scan3A_208 : i32 to index
          %get3A_228 = arith.constant 28 : index
          %get3A_229 = tpu.vector_load %arg10[%get3A_227, %get3A_228] {strides = array<i32>} : memref<80x128xf32, #tpu.memory_space<vmem>>, vector<1x16xf32>,
          %get3A_230 = vector.shape_cast %get3A_229 : vector<1x16xf32> to vector<16xf32>
          %swap3A_231 = arith.index_cast %scan3A_208 : i32 to index
          %swap3A_232 = arith.constant 28 : index
          %swap3A_233 = tpu.vector_load %arg11[%swap3A_231, %swap3A_232] {strides = array<i32>} : memref<80x44xf32, #tpu.memory_space<vmem>>, vector<1x16xf32>,
          %swap3A_234 = vector.shape_cast %swap3A_233 : vector<1x16xf32> to vector<16xf32>
          %swap3A_235 = vector.shape_cast %get3A_230 : vector<16xf32> to vector<1x16xf32>
          tpu.vector_store %arg11[%swap3A_231, %swap3A_232], %swap3A_235 {strides = array<i32>} : memref<80x44xf32, #tpu.memory_space<vmem>>, vector<1x16xf32>,
          %scan3A_236 = arith.constant 0 : i32
          scf.yield %scan3A_236 : i32
        }
        %scan3A_115 = arith.constant 80 : i32
        %mul3A_116 = arith.constant 80 : i32
        %mul3A_117 = arith.muli %scan3A_56, %mul3A_116 : i32
        %add3A_118 = arith.addi %mul3A_38, %mul3A_117 : i32
        "tpu.region"() ({
          %run_scoped3A = tpu.sem_alloc : memref<!tpu.dma_semaphore, #tpu.memory_space<semaphore_mem>>
          %dma_start3A_119 = arith.constant 0 : i32
          %dma_start3A_120 = tpu.memref_slice %arg7[%add3A_118, %dma_start3A_119] : memref<12800x300xf32, #tpu.memory_space<hbm>> -> memref<80x256xf32, #tpu.memory_space<hbm>>
          %dma_start3A_121 = arith.constant 0 : i32
          %dma_start3A_122 = tpu.memref_slice %arg7[%add3A_118, %dma_start3A_121] : memref<12800x300xf32, #tpu.memory_space<hbm>> -> memref<80x256xf32, #tpu.memory_space<hbm>>
          tpu.enqueue_dma source(%arg9 : memref<80x256xf32, #tpu.memory_space<vmem>>) target(%dma_start3A_122 : memref<80x256xf32, #tpu.memory_space<hbm>>) target_semaphore(%run_scoped3A : memref<!tpu.dma_semaphore, #tpu.memory_space<semaphore_mem>>)
          %dma_wait3A_123 = arith.constant 0 : i32
          %dma_wait3A_124 = tpu.memref_slice %arg7[%add3A_118, %dma_wait3A_123] : memref<12800x300xf32, #tpu.memory_space<hbm>> -> memref<80x256xf32, #tpu.memory_space<hbm>>
          %dma_wait3A_125 = arith.constant 0 : i32
          %dma_wait3A_126 = tpu.memref_slice %arg7[%add3A_118, %dma_wait3A_125] : memref<12800x300xf32, #tpu.memory_space<hbm>> -> memref<80x256xf32, #tpu.memory_space<hbm>>
          tpu.wait_dma2 semaphore(%run_scoped3A : memref<!tpu.dma_semaphore, #tpu.memory_space<semaphore_mem>>) src(%arg9 : memref<80x256xf32, #tpu.memory_space<vmem>>) dst(%dma_wait3A_126 : memref<80x256xf32, #tpu.memory_space<hbm>>)
          tpu.yield
        }) : () -> ()
        "tpu.region"() ({
          %run_scoped3A = tpu.sem_alloc : memref<!tpu.dma_semaphore, #tpu.memory_space<semaphore_mem>>
          %dma_start3A_119 = arith.constant 256 : i32
          %dma_start3A_120 = tpu.memref_slice %arg7[%add3A_118, %dma_start3A_119] : memref<12800x300xf32, #tpu.memory_space<hbm>> -> memref<80x44xf32, #tpu.memory_space<hbm>>
          %dma_start3A_121 = arith.constant 256 : i32
          %dma_start3A_122 = tpu.memref_slice %arg7[%add3A_118, %dma_start3A_121] : memref<12800x300xf32, #tpu.memory_space<hbm>> -> memref<80x44xf32, #tpu.memory_space<hbm>>
          tpu.enqueue_dma source(%arg11 : memref<80x44xf32, #tpu.memory_space<vmem>>) target(%dma_start3A_122 : memref<80x44xf32, #tpu.memory_space<hbm>>) target_semaphore(%run_scoped3A : memref<!tpu.dma_semaphore, #tpu.memory_space<semaphore_mem>>)
          %dma_wait3A_123 = arith.constant 256 : i32
          %dma_wait3A_124 = tpu.memref_slice %arg7[%add3A_118, %dma_wait3A_123] : memref<12800x300xf32, #tpu.memory_space<hbm>> -> memref<80x44xf32, #tpu.memory_space<hbm>>
          %dma_wait3A_125 = arith.constant 256 : i32
          %dma_wait3A_126 = tpu.memref_slice %arg7[%add3A_118, %dma_wait3A_125] : memref<12800x300xf32, #tpu.memory_space<hbm>> -> memref<80x44xf32, #tpu.memory_space<hbm>>
          tpu.wait_dma2 semaphore(%run_scoped3A : memref<!tpu.dma_semaphore, #tpu.memory_space<semaphore_mem>>) src(%arg11 : memref<80x44xf32, #tpu.memory_space<vmem>>) dst(%dma_wait3A_126 : memref<80x44xf32, #tpu.memory_space<hbm>>)
          tpu.yield
        }) : () -> ()
      } else {
      }
      %jit3A_70 = arith.constant 2 : i32
      %eq3A_71 = arith.constant 0 : i32
      %eq3A_72 = arith.cmpi eq, %jit3A_70, %eq3A_71 : i32
      %jit3A_73 = arith.constant 1 : i32
      %select_n3A_74 = arith.select %eq3A_72, %jit3A_73, %jit3A_70 : i32
      %rem3A_75 = arith.remsi %scan3A_56, %select_n3A_74 : i32
      %ne3A_76 = arith.constant 0 : i32
      %ne3A_77 = arith.cmpi ne, %rem3A_75, %ne3A_76 : i32
      %lt3A_78 = arith.constant 0 : i32
      %lt3A_79 = arith.cmpi slt, %rem3A_75, %lt3A_78 : i32
      %lt3A_80 = arith.constant 0 : i32
      %lt3A_81 = arith.cmpi slt, %select_n3A_74, %lt3A_80 : i32
      %ne3A_82 = arith.xori %lt3A_79, %lt3A_81 : i1
      %and3A_83 = arith.andi %ne3A_82, %ne3A_77 : i1
      %add3A_84 = arith.addi %rem3A_75, %select_n3A_74 : i32
      %select_n3A_85 = arith.select %and3A_83, %add3A_84, %rem3A_75 : i32
      %eq3A_86 = arith.constant 1 : i32
      %eq3A_87 = arith.cmpi eq, %select_n3A_85, %eq3A_86 : i32
      %convert_element_type3A_88 = arith.extui %eq3A_87 : i1 to i32
      %cond3A_89 = arith.constant 0 : i32
      %cond3A_90 = arith.cmpi ne, %convert_element_type3A_88, %cond3A_89 : i32
      scf.if %cond3A_90 {
        %add3A_92 = arith.constant 1 : i32
        %add3A_93 = arith.addi %scan3A_56, %add3A_92 : i32
        %lt3A_94 = arith.constant 5 : i32
        %lt3A_95 = arith.cmpi slt, %add3A_93, %lt3A_94 : i32
        %convert_element_type3A_96 = arith.extui %lt3A_95 : i1 to i32
        %cond3A_97 = arith.constant 0 : i32
        %cond3A_98 = arith.cmpi ne, %convert_element_type3A_96, %cond3A_97 : i32
        scf.if %cond3A_98 {
          %add3A_119 = arith.constant 1 : i32
          %add3A_120 = arith.addi %scan3A_56, %add3A_119 : i32
          %mul3A_121 = arith.constant 80 : i32
          %mul3A_122 = arith.muli %add3A_120, %mul3A_121 : i32
          %add3A_123 = arith.constant 400 : i32
          %add3A_124 = arith.addi %add3A_123, %mul3A_122 : i32
          %dma_start3A_125 = tpu.memref_slice %arg8[%add3A_124] : memref<800xi32, #tpu.memory_space<vmem>> -> memref<80xi32, #tpu.memory_space<vmem>>
          %dma_start3A_126 = arith.constant 0 : i32
          %dma_start3A_127 = arith.constant 0 : i32
          %dma_start3A_128 = tpu.memref_slice %arg4[%dma_start3A_126, %dma_start3A_127] : memref<100000x300xf32, #tpu.memory_space<hbm>> -> memref<100000x256xf32, #tpu.memory_space<hbm>>
          tpu.enqueue_indirect_dma source(%dma_start3A_128 : memref<100000x256xf32, #tpu.memory_space<hbm>>) target(%arg9 : memref<80x256xf32, #tpu.memory_space<vmem>>) offsets(%dma_start3A_125 : memref<80xi32, #tpu.memory_space<vmem>>) semaphore(%arg15 : memref<!tpu.dma_semaphore, #tpu.memory_space<semaphore_mem>>)
          %dma_start3A_129 = tpu.memref_slice %arg8[%add3A_124] : memref<800xi32, #tpu.memory_space<vmem>> -> memref<80xi32, #tpu.memory_space<vmem>>
          %dma_start3A_130 = arith.constant 0 : i32
          %dma_start3A_131 = arith.constant 0 : i32
          %dma_start3A_132 = tpu.memref_slice %arg5[%dma_start3A_130, %dma_start3A_131] : memref<100000x128xf32, #tpu.memory_space<hbm>> -> memref<100000x128xf32, #tpu.memory_space<hbm>>
          tpu.enqueue_indirect_dma source(%dma_start3A_132 : memref<100000x128xf32, #tpu.memory_space<hbm>>) target(%arg10 : memref<80x128xf32, #tpu.memory_space<vmem>>) offsets(%dma_start3A_129 : memref<80xi32, #tpu.memory_space<vmem>>) semaphore(%arg16 : memref<!tpu.dma_semaphore, #tpu.memory_space<semaphore_mem>>)
        } else {
        }
        %dma_wait3A_99 = arith.constant 0 : i32
        %dma_wait3A_100 = tpu.memref_slice %arg8[%dma_wait3A_99] : memref<800xi32, #tpu.memory_space<vmem>> -> memref<80xi32, #tpu.memory_space<vmem>>
        %dma_wait3A_101 = arith.constant 0 : i32
        %dma_wait3A_102 = arith.constant 0 : i32
        %dma_wait3A_103 = tpu.memref_slice %arg4[%dma_wait3A_101, %dma_wait3A_102] : memref<100000x300xf32, #tpu.memory_space<hbm>> -> memref<100000x256xf32, #tpu.memory_space<hbm>>
        tpu.wait_indirect_dma semaphore(%arg17 : memref<!tpu.dma_semaphore, #tpu.memory_space<semaphore_mem>>) src(%dma_wait3A_103 : memref<100000x256xf32, #tpu.memory_space<hbm>>) dst(%arg12 : memref<80x256xf32, #tpu.memory_space<vmem>>)
        %dma_wait3A_104 = arith.constant 0 : i32
        %dma_wait3A_105 = tpu.memref_slice %arg8[%dma_wait3A_104] : memref<800xi32, #tpu.memory_space<vmem>> -> memref<80xi32, #tpu.memory_space<vmem>>
        %dma_wait3A_106 = arith.constant 0 : i32
        %dma_wait3A_107 = arith.constant 0 : i32
        %dma_wait3A_108 = tpu.memref_slice %arg5[%dma_wait3A_106, %dma_wait3A_107] : memref<100000x128xf32, #tpu.memory_space<hbm>> -> memref<100000x128xf32, #tpu.memory_space<hbm>>
        tpu.wait_indirect_dma semaphore(%arg18 : memref<!tpu.dma_semaphore, #tpu.memory_space<semaphore_mem>>) src(%dma_wait3A_108 : memref<100000x128xf32, #tpu.memory_space<hbm>>) dst(%arg13 : memref<80x128xf32, #tpu.memory_space<vmem>>)
        %scan3A_109 = arith.constant 0 : i32
        %scan3A_110 = arith.constant 0 : i32
        %scan3A_111 = arith.constant 80 : i32
        %scan3A_112 = arith.addi %scan3A_110, %scan3A_111 : i32
        %scan3A_113 = arith.constant 4 : i32
        %scan3A_114 = scf.for %scan3A_119 = %scan3A_110 to %scan3A_112 step %scan3A_113 iter_args(%scan3A_120 = %scan3A_109) -> (i32)  : i32 {
          %get3A = arith.index_cast %scan3A_119 : i32 to index
          %get3A_121 = arith.constant 0 : index
          %get3A_122 = tpu.vector_load %arg13[%get3A, %get3A_121] {strides = array<i32>} : memref<80x128xf32, #tpu.memory_space<vmem>>, vector<1x16xf32>,
          %get3A_123 = vector.shape_cast %get3A_122 : vector<1x16xf32> to vector<16xf32>
          %swap3A = arith.index_cast %scan3A_119 : i32 to index
          %swap3A_124 = arith.constant 0 : index
          %swap3A_125 = tpu.vector_load %arg14[%swap3A, %swap3A_124] {strides = array<i32>} : memref<80x44xf32, #tpu.memory_space<vmem>>, vector<1x16xf32>,
          %swap3A_126 = vector.shape_cast %swap3A_125 : vector<1x16xf32> to vector<16xf32>
          %swap3A_127 = vector.shape_cast %get3A_123 : vector<16xf32> to vector<1x16xf32>
          tpu.vector_store %arg14[%swap3A, %swap3A_124], %swap3A_127 {strides = array<i32>} : memref<80x44xf32, #tpu.memory_space<vmem>>, vector<1x16xf32>,
          %get3A_128 = arith.index_cast %scan3A_119 : i32 to index
          %get3A_129 = arith.constant 16 : index
          %get3A_130 = tpu.vector_load %arg13[%get3A_128, %get3A_129] {strides = array<i32>} : memref<80x128xf32, #tpu.memory_space<vmem>>, vector<1x16xf32>,
          %get3A_131 = vector.shape_cast %get3A_130 : vector<1x16xf32> to vector<16xf32>
          %swap3A_132 = arith.index_cast %scan3A_119 : i32 to index
          %swap3A_133 = arith.constant 16 : index
          %swap3A_134 = tpu.vector_load %arg14[%swap3A_132, %swap3A_133] {strides = array<i32>} : memref<80x44xf32, #tpu.memory_space<vmem>>, vector<1x16xf32>,
          %swap3A_135 = vector.shape_cast %swap3A_134 : vector<1x16xf32> to vector<16xf32>
          %swap3A_136 = vector.shape_cast %get3A_131 : vector<16xf32> to vector<1x16xf32>
          tpu.vector_store %arg14[%swap3A_132, %swap3A_133], %swap3A_136 {strides = array<i32>} : memref<80x44xf32, #tpu.memory_space<vmem>>, vector<1x16xf32>,
          %get3A_137 = arith.index_cast %scan3A_119 : i32 to index
          %get3A_138 = arith.constant 28 : index
          %get3A_139 = tpu.vector_load %arg13[%get3A_137, %get3A_138] {strides = array<i32>} : memref<80x128xf32, #tpu.memory_space<vmem>>, vector<1x16xf32>,
          %get3A_140 = vector.shape_cast %get3A_139 : vector<1x16xf32> to vector<16xf32>
          %swap3A_141 = arith.index_cast %scan3A_119 : i32 to index
          %swap3A_142 = arith.constant 28 : index
          %swap3A_143 = tpu.vector_load %arg14[%swap3A_141, %swap3A_142] {strides = array<i32>} : memref<80x44xf32, #tpu.memory_space<vmem>>, vector<1x16xf32>,
          %swap3A_144 = vector.shape_cast %swap3A_143 : vector<1x16xf32> to vector<16xf32>
          %swap3A_145 = vector.shape_cast %get3A_140 : vector<16xf32> to vector<1x16xf32>
          tpu.vector_store %arg14[%swap3A_141, %swap3A_142], %swap3A_145 {strides = array<i32>} : memref<80x44xf32, #tpu.memory_space<vmem>>, vector<1x16xf32>,
          %scan3A_146 = arith.constant 0 : i32
          %scan3A_147 = arith.constant 1 : i32
          %scan3A_148 = arith.addi %scan3A_119, %scan3A_147 : i32
          %get3A_149 = arith.index_cast %scan3A_148 : i32 to index
          %get3A_150 = arith.constant 0 : index
          %get3A_151 = tpu.vector_load %arg13[%get3A_149, %get3A_150] {strides = array<i32>} : memref<80x128xf32, #tpu.memory_space<vmem>>, vector<1x16xf32>,
          %get3A_152 = vector.shape_cast %get3A_151 : vector<1x16xf32> to vector<16xf32>
          %swap3A_153 = arith.index_cast %scan3A_148 : i32 to index
          %swap3A_154 = arith.constant 0 : index
          %swap3A_155 = tpu.vector_load %arg14[%swap3A_153, %swap3A_154] {strides = array<i32>} : memref<80x44xf32, #tpu.memory_space<vmem>>, vector<1x16xf32>,
          %swap3A_156 = vector.shape_cast %swap3A_155 : vector<1x16xf32> to vector<16xf32>
          %swap3A_157 = vector.shape_cast %get3A_152 : vector<16xf32> to vector<1x16xf32>
          tpu.vector_store %arg14[%swap3A_153, %swap3A_154], %swap3A_157 {strides = array<i32>} : memref<80x44xf32, #tpu.memory_space<vmem>>, vector<1x16xf32>,
          %get3A_158 = arith.index_cast %scan3A_148 : i32 to index
          %get3A_159 = arith.constant 16 : index
          %get3A_160 = tpu.vector_load %arg13[%get3A_158, %get3A_159] {strides = array<i32>} : memref<80x128xf32, #tpu.memory_space<vmem>>, vector<1x16xf32>,
          %get3A_161 = vector.shape_cast %get3A_160 : vector<1x16xf32> to vector<16xf32>
          %swap3A_162 = arith.index_cast %scan3A_148 : i32 to index
          %swap3A_163 = arith.constant 16 : index
          %swap3A_164 = tpu.vector_load %arg14[%swap3A_162, %swap3A_163] {strides = array<i32>} : memref<80x44xf32, #tpu.memory_space<vmem>>, vector<1x16xf32>,
          %swap3A_165 = vector.shape_cast %swap3A_164 : vector<1x16xf32> to vector<16xf32>
          %swap3A_166 = vector.shape_cast %get3A_161 : vector<16xf32> to vector<1x16xf32>
          tpu.vector_store %arg14[%swap3A_162, %swap3A_163], %swap3A_166 {strides = array<i32>} : memref<80x44xf32, #tpu.memory_space<vmem>>, vector<1x16xf32>,
          %get3A_167 = arith.index_cast %scan3A_148 : i32 to index
          %get3A_168 = arith.constant 28 : index
          %get3A_169 = tpu.vector_load %arg13[%get3A_167, %get3A_168] {strides = array<i32>} : memref<80x128xf32, #tpu.memory_space<vmem>>, vector<1x16xf32>,
          %get3A_170 = vector.shape_cast %get3A_169 : vector<1x16xf32> to vector<16xf32>
          %swap3A_171 = arith.index_cast %scan3A_148 : i32 to index
          %swap3A_172 = arith.constant 28 : index
          %swap3A_173 = tpu.vector_load %arg14[%swap3A_171, %swap3A_172] {strides = array<i32>} : memref<80x44xf32, #tpu.memory_space<vmem>>, vector<1x16xf32>,
          %swap3A_174 = vector.shape_cast %swap3A_173 : vector<1x16xf32> to vector<16xf32>
          %swap3A_175 = vector.shape_cast %get3A_170 : vector<16xf32> to vector<1x16xf32>
          tpu.vector_store %arg14[%swap3A_171, %swap3A_172], %swap3A_175 {strides = array<i32>} : memref<80x44xf32, #tpu.memory_space<vmem>>, vector<1x16xf32>,
          %scan3A_176 = arith.constant 0 : i32
          %scan3A_177 = arith.constant 2 : i32
          %scan3A_178 = arith.addi %scan3A_119, %scan3A_177 : i32
          %get3A_179 = arith.index_cast %scan3A_178 : i32 to index
          %get3A_180 = arith.constant 0 : index
          %get3A_181 = tpu.vector_load %arg13[%get3A_179, %get3A_180] {strides = array<i32>} : memref<80x128xf32, #tpu.memory_space<vmem>>, vector<1x16xf32>,
          %get3A_182 = vector.shape_cast %get3A_181 : vector<1x16xf32> to vector<16xf32>
          %swap3A_183 = arith.index_cast %scan3A_178 : i32 to index
          %swap3A_184 = arith.constant 0 : index
          %swap3A_185 = tpu.vector_load %arg14[%swap3A_183, %swap3A_184] {strides = array<i32>} : memref<80x44xf32, #tpu.memory_space<vmem>>, vector<1x16xf32>,
          %swap3A_186 = vector.shape_cast %swap3A_185 : vector<1x16xf32> to vector<16xf32>
          %swap3A_187 = vector.shape_cast %get3A_182 : vector<16xf32> to vector<1x16xf32>
          tpu.vector_store %arg14[%swap3A_183, %swap3A_184], %swap3A_187 {strides = array<i32>} : memref<80x44xf32, #tpu.memory_space<vmem>>, vector<1x16xf32>,
          %get3A_188 = arith.index_cast %scan3A_178 : i32 to index
          %get3A_189 = arith.constant 16 : index
          %get3A_190 = tpu.vector_load %arg13[%get3A_188, %get3A_189] {strides = array<i32>} : memref<80x128xf32, #tpu.memory_space<vmem>>, vector<1x16xf32>,
          %get3A_191 = vector.shape_cast %get3A_190 : vector<1x16xf32> to vector<16xf32>
          %swap3A_192 = arith.index_cast %scan3A_178 : i32 to index
          %swap3A_193 = arith.constant 16 : index
          %swap3A_194 = tpu.vector_load %arg14[%swap3A_192, %swap3A_193] {strides = array<i32>} : memref<80x44xf32, #tpu.memory_space<vmem>>, vector<1x16xf32>,
          %swap3A_195 = vector.shape_cast %swap3A_194 : vector<1x16xf32> to vector<16xf32>
          %swap3A_196 = vector.shape_cast %get3A_191 : vector<16xf32> to vector<1x16xf32>
          tpu.vector_store %arg14[%swap3A_192, %swap3A_193], %swap3A_196 {strides = array<i32>} : memref<80x44xf32, #tpu.memory_space<vmem>>, vector<1x16xf32>,
          %get3A_197 = arith.index_cast %scan3A_178 : i32 to index
          %get3A_198 = arith.constant 28 : index
          %get3A_199 = tpu.vector_load %arg13[%get3A_197, %get3A_198] {strides = array<i32>} : memref<80x128xf32, #tpu.memory_space<vmem>>, vector<1x16xf32>,
          %get3A_200 = vector.shape_cast %get3A_199 : vector<1x16xf32> to vector<16xf32>
          %swap3A_201 = arith.index_cast %scan3A_178 : i32 to index
          %swap3A_202 = arith.constant 28 : index
          %swap3A_203 = tpu.vector_load %arg14[%swap3A_201, %swap3A_202] {strides = array<i32>} : memref<80x44xf32, #tpu.memory_space<vmem>>, vector<1x16xf32>,
          %swap3A_204 = vector.shape_cast %swap3A_203 : vector<1x16xf32> to vector<16xf32>
          %swap3A_205 = vector.shape_cast %get3A_200 : vector<16xf32> to vector<1x16xf32>
          tpu.vector_store %arg14[%swap3A_201, %swap3A_202], %swap3A_205 {strides = array<i32>} : memref<80x44xf32, #tpu.memory_space<vmem>>, vector<1x16xf32>,
          %scan3A_206 = arith.constant 0 : i32
          %scan3A_207 = arith.constant 3 : i32
          %scan3A_208 = arith.addi %scan3A_119, %scan3A_207 : i32
          %get3A_209 = arith.index_cast %scan3A_208 : i32 to index
          %get3A_210 = arith.constant 0 : index
          %get3A_211 = tpu.vector_load %arg13[%get3A_209, %get3A_210] {strides = array<i32>} : memref<80x128xf32, #tpu.memory_space<vmem>>, vector<1x16xf32>,
          %get3A_212 = vector.shape_cast %get3A_211 : vector<1x16xf32> to vector<16xf32>
          %swap3A_213 = arith.index_cast %scan3A_208 : i32 to index
          %swap3A_214 = arith.constant 0 : index
          %swap3A_215 = tpu.vector_load %arg14[%swap3A_213, %swap3A_214] {strides = array<i32>} : memref<80x44xf32, #tpu.memory_space<vmem>>, vector<1x16xf32>,
          %swap3A_216 = vector.shape_cast %swap3A_215 : vector<1x16xf32> to vector<16xf32>
          %swap3A_217 = vector.shape_cast %get3A_212 : vector<16xf32> to vector<1x16xf32>
          tpu.vector_store %arg14[%swap3A_213, %swap3A_214], %swap3A_217 {strides = array<i32>} : memref<80x44xf32, #tpu.memory_space<vmem>>, vector<1x16xf32>,
          %get3A_218 = arith.index_cast %scan3A_208 : i32 to index
          %get3A_219 = arith.constant 16 : index
          %get3A_220 = tpu.vector_load %arg13[%get3A_218, %get3A_219] {strides = array<i32>} : memref<80x128xf32, #tpu.memory_space<vmem>>, vector<1x16xf32>,
          %get3A_221 = vector.shape_cast %get3A_220 : vector<1x16xf32> to vector<16xf32>
          %swap3A_222 = arith.index_cast %scan3A_208 : i32 to index
          %swap3A_223 = arith.constant 16 : index
          %swap3A_224 = tpu.vector_load %arg14[%swap3A_222, %swap3A_223] {strides = array<i32>} : memref<80x44xf32, #tpu.memory_space<vmem>>, vector<1x16xf32>,
          %swap3A_225 = vector.shape_cast %swap3A_224 : vector<1x16xf32> to vector<16xf32>
          %swap3A_226 = vector.shape_cast %get3A_221 : vector<16xf32> to vector<1x16xf32>
          tpu.vector_store %arg14[%swap3A_222, %swap3A_223], %swap3A_226 {strides = array<i32>} : memref<80x44xf32, #tpu.memory_space<vmem>>, vector<1x16xf32>,
          %get3A_227 = arith.index_cast %scan3A_208 : i32 to index
          %get3A_228 = arith.constant 28 : index
          %get3A_229 = tpu.vector_load %arg13[%get3A_227, %get3A_228] {strides = array<i32>} : memref<80x128xf32, #tpu.memory_space<vmem>>, vector<1x16xf32>,
          %get3A_230 = vector.shape_cast %get3A_229 : vector<1x16xf32> to vector<16xf32>
          %swap3A_231 = arith.index_cast %scan3A_208 : i32 to index
          %swap3A_232 = arith.constant 28 : index
          %swap3A_233 = tpu.vector_load %arg14[%swap3A_231, %swap3A_232] {strides = array<i32>} : memref<80x44xf32, #tpu.memory_space<vmem>>, vector<1x16xf32>,
          %swap3A_234 = vector.shape_cast %swap3A_233 : vector<1x16xf32> to vector<16xf32>
          %swap3A_235 = vector.shape_cast %get3A_230 : vector<16xf32> to vector<1x16xf32>
          tpu.vector_store %arg14[%swap3A_231, %swap3A_232], %swap3A_235 {strides = array<i32>} : memref<80x44xf32, #tpu.memory_space<vmem>>, vector<1x16xf32>,
          %scan3A_236 = arith.constant 0 : i32
          scf.yield %scan3A_236 : i32
        }
        %scan3A_115 = arith.constant 80 : i32
        %mul3A_116 = arith.constant 80 : i32
        %mul3A_117 = arith.muli %scan3A_56, %mul3A_116 : i32
        %add3A_118 = arith.addi %mul3A_38, %mul3A_117 : i32
        "tpu.region"() ({
          %run_scoped3A = tpu.sem_alloc : memref<!tpu.dma_semaphore, #tpu.memory_space<semaphore_mem>>
          %dma_start3A_119 = arith.constant 0 : i32
          %dma_start3A_120 = tpu.memref_slice %arg7[%add3A_118, %dma_start3A_119] : memref<12800x300xf32, #tpu.memory_space<hbm>> -> memref<80x256xf32, #tpu.memory_space<hbm>>
          %dma_start3A_121 = arith.constant 0 : i32
          %dma_start3A_122 = tpu.memref_slice %arg7[%add3A_118, %dma_start3A_121] : memref<12800x300xf32, #tpu.memory_space<hbm>> -> memref<80x256xf32, #tpu.memory_space<hbm>>
          tpu.enqueue_dma source(%arg12 : memref<80x256xf32, #tpu.memory_space<vmem>>) target(%dma_start3A_122 : memref<80x256xf32, #tpu.memory_space<hbm>>) target_semaphore(%run_scoped3A : memref<!tpu.dma_semaphore, #tpu.memory_space<semaphore_mem>>)
          %dma_wait3A_123 = arith.constant 0 : i32
          %dma_wait3A_124 = tpu.memref_slice %arg7[%add3A_118, %dma_wait3A_123] : memref<12800x300xf32, #tpu.memory_space<hbm>> -> memref<80x256xf32, #tpu.memory_space<hbm>>
          %dma_wait3A_125 = arith.constant 0 : i32
          %dma_wait3A_126 = tpu.memref_slice %arg7[%add3A_118, %dma_wait3A_125] : memref<12800x300xf32, #tpu.memory_space<hbm>> -> memref<80x256xf32, #tpu.memory_space<hbm>>
          tpu.wait_dma2 semaphore(%run_scoped3A : memref<!tpu.dma_semaphore, #tpu.memory_space<semaphore_mem>>) src(%arg12 : memref<80x256xf32, #tpu.memory_space<vmem>>) dst(%dma_wait3A_126 : memref<80x256xf32, #tpu.memory_space<hbm>>)
          tpu.yield
        }) : () -> ()
        "tpu.region"() ({
          %run_scoped3A = tpu.sem_alloc : memref<!tpu.dma_semaphore, #tpu.memory_space<semaphore_mem>>
          %dma_start3A_119 = arith.constant 256 : i32
          %dma_start3A_120 = tpu.memref_slice %arg7[%add3A_118, %dma_start3A_119] : memref<12800x300xf32, #tpu.memory_space<hbm>> -> memref<80x44xf32, #tpu.memory_space<hbm>>
          %dma_start3A_121 = arith.constant 256 : i32
          %dma_start3A_122 = tpu.memref_slice %arg7[%add3A_118, %dma_start3A_121] : memref<12800x300xf32, #tpu.memory_space<hbm>> -> memref<80x44xf32, #tpu.memory_space<hbm>>
          tpu.enqueue_dma source(%arg14 : memref<80x44xf32, #tpu.memory_space<vmem>>) target(%dma_start3A_122 : memref<80x44xf32, #tpu.memory_space<hbm>>) target_semaphore(%run_scoped3A : memref<!tpu.dma_semaphore, #tpu.memory_space<semaphore_mem>>)
          %dma_wait3A_123 = arith.constant 256 : i32
          %dma_wait3A_124 = tpu.memref_slice %arg7[%add3A_118, %dma_wait3A_123] : memref<12800x300xf32, #tpu.memory_space<hbm>> -> memref<80x44xf32, #tpu.memory_space<hbm>>
          %dma_wait3A_125 = arith.constant 256 : i32
          %dma_wait3A_126 = tpu.memref_slice %arg7[%add3A_118, %dma_wait3A_125] : memref<12800x300xf32, #tpu.memory_space<hbm>> -> memref<80x44xf32, #tpu.memory_space<hbm>>
          tpu.wait_dma2 semaphore(%run_scoped3A : memref<!tpu.dma_semaphore, #tpu.memory_space<semaphore_mem>>) src(%arg14 : memref<80x44xf32, #tpu.memory_space<vmem>>) dst(%dma_wait3A_126 : memref<80x44xf32, #tpu.memory_space<hbm>>)
          tpu.yield
        }) : () -> ()
      } else {
      }
      %scan3A_91 = arith.constant 0 : i32
      scf.yield %scan3A_91 : i32
    }
    %scan3A_55 = arith.constant 5 : i32
    return
  }
}

#map = affine_map<(d0, d1) -> (0)>
#map1 = affine_map<(d0, d1) -> (0, 0)>
module attributes {stable_mosaic.version = 14 : i64} {
  func.func @body(%arg0: i32, %arg1: i32, %arg2: memref<7680xi32, #tpu.memory_space<hbm>>, %arg3: memref<7680xi32, #tpu.memory_space<hbm>>, %arg4: memref<5120xi32, #tpu.memory_space<hbm>>, %arg5: memref<5120xi32, #tpu.memory_space<hbm>>, %arg6: memref<100000x300xf32, #tpu.memory_space<hbm>>, %arg7: memref<100000x128xf32, #tpu.memory_space<hbm>>, %arg8: memref<7680x300xf32, #tpu.memory_space<hbm>>, %arg9: memref<7680x300xf32, #tpu.memory_space<hbm>>, %arg10: memref<5120x300xf32, #tpu.memory_space<hbm>>, %arg11: memref<5120x300xf32, #tpu.memory_space<hbm>>, %arg12: memref<800xi32, #tpu.memory_space<vmem>>, %arg13: memref<80x256xf32, #tpu.memory_space<vmem>>, %arg14: memref<80x128xf32, #tpu.memory_space<vmem>>, %arg15: memref<80x44xf32, #tpu.memory_space<vmem>>, %arg16: memref<80x256xf32, #tpu.memory_space<vmem>>, %arg17: memref<80x128xf32, #tpu.memory_space<vmem>>, %arg18: memref<80x44xf32, #tpu.memory_space<vmem>>, %arg19: memref<!tpu.dma_semaphore, #tpu.memory_space<semaphore_mem>>, %arg20: memref<!tpu.dma_semaphore, #tpu.memory_space<semaphore_mem>>, %arg21: memref<!tpu.dma_semaphore, #tpu.memory_space<semaphore_mem>>, %arg22: memref<!tpu.dma_semaphore, #tpu.memory_space<semaphore_mem>>, %arg23: memref<!tpu.dma_semaphore, #tpu.memory_space<semaphore_mem>>) attributes {dimension_semantics = [#tpu.dimension_semantics<core_parallel>, #tpu.dimension_semantics<subcore_parallel>], iteration_bounds = array<i64: 2, 16>, scalar_prefetch = 0 : i64, scratch_operands = 12 : i64, tpu.core_type = #tpu.core_type<sc_vector_subcore>, window_params = [{transform_indices = #map}, {transform_indices = #map}, {transform_indices = #map}, {transform_indices = #map}, {transform_indices = #map1}, {transform_indices = #map1}, {transform_indices = #map1}, {transform_indices = #map1}, {transform_indices = #map1}, {transform_indices = #map1}]} {
    %mul3A = arith.constant 2 : i32
    %mul3A_0 = arith.muli %arg1, %mul3A : i32
    %add3A = arith.addi %mul3A_0, %arg0 : i32
    %mul3A_1 = arith.constant 240 : i32
    %mul3A_2 = arith.muli %add3A, %mul3A_1 : i32
    %dma_start3A = arith.constant 0 : i32
    %dma_start3A_3 = tpu.memref_slice %arg12[%dma_start3A] : memref<800xi32, #tpu.memory_space<vmem>> -> memref<240xi32, #tpu.memory_space<vmem>>
    %dma_start3A_4 = tpu.memref_slice %arg2[%mul3A_2] : memref<7680xi32, #tpu.memory_space<hbm>> -> memref<240xi32, #tpu.memory_space<hbm>>
    %dma_start3A_5 = arith.constant 0 : i32
    %dma_start3A_6 = tpu.memref_slice %arg12[%dma_start3A_5] : memref<800xi32, #tpu.memory_space<vmem>> -> memref<240xi32, #tpu.memory_space<vmem>>
    %dma_start3A_7 = tpu.memref_slice %arg2[%mul3A_2] : memref<7680xi32, #tpu.memory_space<hbm>> -> memref<240xi32, #tpu.memory_space<hbm>>
    tpu.enqueue_dma source(%dma_start3A_7 : memref<240xi32, #tpu.memory_space<hbm>>) target(%dma_start3A_6 : memref<240xi32, #tpu.memory_space<vmem>>) target_semaphore(%arg23 : memref<!tpu.dma_semaphore, #tpu.memory_space<semaphore_mem>>)
    %mul3A_8 = arith.constant 240 : i32
    %mul3A_9 = arith.muli %add3A, %mul3A_8 : i32
    %dma_start3A_10 = arith.constant 240 : i32
    %dma_start3A_11 = tpu.memref_slice %arg12[%dma_start3A_10] : memref<800xi32, #tpu.memory_space<vmem>> -> memref<240xi32, #tpu.memory_space<vmem>>
    %dma_start3A_12 = tpu.memref_slice %arg3[%mul3A_9] : memref<7680xi32, #tpu.memory_space<hbm>> -> memref<240xi32, #tpu.memory_space<hbm>>
    %dma_start3A_13 = arith.constant 240 : i32
    %dma_start3A_14 = tpu.memref_slice %arg12[%dma_start3A_13] : memref<800xi32, #tpu.memory_space<vmem>> -> memref<240xi32, #tpu.memory_space<vmem>>
    %dma_start3A_15 = tpu.memref_slice %arg3[%mul3A_9] : memref<7680xi32, #tpu.memory_space<hbm>> -> memref<240xi32, #tpu.memory_space<hbm>>
    tpu.enqueue_dma source(%dma_start3A_15 : memref<240xi32, #tpu.memory_space<hbm>>) target(%dma_start3A_14 : memref<240xi32, #tpu.memory_space<vmem>>) target_semaphore(%arg23 : memref<!tpu.dma_semaphore, #tpu.memory_space<semaphore_mem>>)
    %mul3A_16 = arith.constant 160 : i32
    %mul3A_17 = arith.muli %add3A, %mul3A_16 : i32
    %dma_start3A_18 = arith.constant 480 : i32
    %dma_start3A_19 = tpu.memref_slice %arg12[%dma_start3A_18] : memref<800xi32, #tpu.memory_space<vmem>> -> memref<160xi32, #tpu.memory_space<vmem>>
    %dma_start3A_20 = tpu.memref_slice %arg4[%mul3A_17] : memref<5120xi32, #tpu.memory_space<hbm>> -> memref<160xi32, #tpu.memory_space<hbm>>
    %dma_start3A_21 = arith.constant 480 : i32
    %dma_start3A_22 = tpu.memref_slice %arg12[%dma_start3A_21] : memref<800xi32, #tpu.memory_space<vmem>> -> memref<160xi32, #tpu.memory_space<vmem>>
    %dma_start3A_23 = tpu.memref_slice %arg4[%mul3A_17] : memref<5120xi32, #tpu.memory_space<hbm>> -> memref<160xi32, #tpu.memory_space<hbm>>
    tpu.enqueue_dma source(%dma_start3A_23 : memref<160xi32, #tpu.memory_space<hbm>>) target(%dma_start3A_22 : memref<160xi32, #tpu.memory_space<vmem>>) target_semaphore(%arg23 : memref<!tpu.dma_semaphore, #tpu.memory_space<semaphore_mem>>)
    %mul3A_24 = arith.constant 160 : i32
    %mul3A_25 = arith.muli %add3A, %mul3A_24 : i32
    %dma_start3A_26 = arith.constant 640 : i32
    %dma_start3A_27 = tpu.memref_slice %arg12[%dma_start3A_26] : memref<800xi32, #tpu.memory_space<vmem>> -> memref<160xi32, #tpu.memory_space<vmem>>
    %dma_start3A_28 = tpu.memref_slice %arg5[%mul3A_25] : memref<5120xi32, #tpu.memory_space<hbm>> -> memref<160xi32, #tpu.memory_space<hbm>>
    %dma_start3A_29 = arith.constant 640 : i32
    %dma_start3A_30 = tpu.memref_slice %arg12[%dma_start3A_29] : memref<800xi32, #tpu.memory_space<vmem>> -> memref<160xi32, #tpu.memory_space<vmem>>
    %dma_start3A_31 = tpu.memref_slice %arg5[%mul3A_25] : memref<5120xi32, #tpu.memory_space<hbm>> -> memref<160xi32, #tpu.memory_space<hbm>>
    tpu.enqueue_dma source(%dma_start3A_31 : memref<160xi32, #tpu.memory_space<hbm>>) target(%dma_start3A_30 : memref<160xi32, #tpu.memory_space<vmem>>) target_semaphore(%arg23 : memref<!tpu.dma_semaphore, #tpu.memory_space<semaphore_mem>>)
    %dma_wait3A = arith.constant 0 : i32
    %dma_wait3A_32 = tpu.memref_slice %arg2[%dma_wait3A] : memref<7680xi32, #tpu.memory_space<hbm>> -> memref<800xi32, #tpu.memory_space<hbm>>
    %dma_wait3A_33 = arith.constant 0 : i32
    %dma_wait3A_34 = tpu.memref_slice %arg2[%dma_wait3A_33] : memref<7680xi32, #tpu.memory_space<hbm>> -> memref<800xi32, #tpu.memory_space<hbm>>
    tpu.wait_dma2 semaphore(%arg23 : memref<!tpu.dma_semaphore, #tpu.memory_space<semaphore_mem>>) src(%dma_wait3A_34 : memref<800xi32, #tpu.memory_space<hbm>>) dst(%arg12 : memref<800xi32, #tpu.memory_space<vmem>>)
    %mul3A_35 = arith.constant 240 : i32
    %mul3A_36 = arith.muli %add3A, %mul3A_35 : i32
    %dma_start3A_37 = arith.constant 0 : i32
    %dma_start3A_38 = tpu.memref_slice %arg12[%dma_start3A_37] : memref<800xi32, #tpu.memory_space<vmem>> -> memref<80xi32, #tpu.memory_space<vmem>>
    %dma_start3A_39 = arith.constant 0 : i32
    %dma_start3A_40 = arith.constant 0 : i32
    %dma_start3A_41 = tpu.memref_slice %arg6[%dma_start3A_39, %dma_start3A_40] : memref<100000x300xf32, #tpu.memory_space<hbm>> -> memref<100000x256xf32, #tpu.memory_space<hbm>>
    tpu.enqueue_indirect_dma source(%dma_start3A_41 : memref<100000x256xf32, #tpu.memory_space<hbm>>) target(%arg13 : memref<80x256xf32, #tpu.memory_space<vmem>>) offsets(%dma_start3A_38 : memref<80xi32, #tpu.memory_space<vmem>>) semaphore(%arg19 : memref<!tpu.dma_semaphore, #tpu.memory_space<semaphore_mem>>)
    %dma_start3A_42 = arith.constant 0 : i32
    %dma_start3A_43 = tpu.memref_slice %arg12[%dma_start3A_42] : memref<800xi32, #tpu.memory_space<vmem>> -> memref<80xi32, #tpu.memory_space<vmem>>
    %dma_start3A_44 = arith.constant 0 : i32
    %dma_start3A_45 = arith.constant 0 : i32
    %dma_start3A_46 = tpu.memref_slice %arg7[%dma_start3A_44, %dma_start3A_45] : memref<100000x128xf32, #tpu.memory_space<hbm>> -> memref<100000x128xf32, #tpu.memory_space<hbm>>
    tpu.enqueue_indirect_dma source(%dma_start3A_46 : memref<100000x128xf32, #tpu.memory_space<hbm>>) target(%arg14 : memref<80x128xf32, #tpu.memory_space<vmem>>) offsets(%dma_start3A_43 : memref<80xi32, #tpu.memory_space<vmem>>) semaphore(%arg20 : memref<!tpu.dma_semaphore, #tpu.memory_space<semaphore_mem>>)
    %scan3A = arith.constant 0 : i32
    %scan3A_47 = arith.constant 0 : i32
    %scan3A_48 = arith.constant 3 : i32
    %scan3A_49 = arith.addi %scan3A_47, %scan3A_48 : i32
    %scan3A_50 = arith.constant 1 : i32
    %scan3A_51 = scf.for %scan3A_110 = %scan3A_47 to %scan3A_49 step %scan3A_50 iter_args(%scan3A_111 = %scan3A) -> (i32)  : i32 {
      %jit3A = arith.constant 2 : i32
      %eq3A = arith.constant 0 : i32
      %eq3A_112 = arith.cmpi eq, %jit3A, %eq3A : i32
      %jit3A_113 = arith.constant 1 : i32
      %select_n3A = arith.select %eq3A_112, %jit3A_113, %jit3A : i32
      %rem3A = arith.remsi %scan3A_110, %select_n3A : i32
      %ne3A = arith.constant 0 : i32
      %ne3A_114 = arith.cmpi ne, %rem3A, %ne3A : i32
      %lt3A = arith.constant 0 : i32
      %lt3A_115 = arith.cmpi slt, %rem3A, %lt3A : i32
      %lt3A_116 = arith.constant 0 : i32
      %lt3A_117 = arith.cmpi slt, %select_n3A, %lt3A_116 : i32
      %ne3A_118 = arith.xori %lt3A_115, %lt3A_117 : i1
      %and3A = arith.andi %ne3A_118, %ne3A_114 : i1
      %add3A_119 = arith.addi %rem3A, %select_n3A : i32
      %select_n3A_120 = arith.select %and3A, %add3A_119, %rem3A : i32
      %eq3A_121 = arith.constant 0 : i32
      %eq3A_122 = arith.cmpi eq, %select_n3A_120, %eq3A_121 : i32
      %convert_element_type3A = arith.extui %eq3A_122 : i1 to i32
      %cond3A = arith.constant 0 : i32
      %cond3A_123 = arith.cmpi ne, %convert_element_type3A, %cond3A : i32
      scf.if %cond3A_123 {
        %add3A_146 = arith.constant 1 : i32
        %add3A_147 = arith.addi %scan3A_110, %add3A_146 : i32
        %lt3A_148 = arith.constant 3 : i32
        %lt3A_149 = arith.cmpi slt, %add3A_147, %lt3A_148 : i32
        %convert_element_type3A_150 = arith.extui %lt3A_149 : i1 to i32
        %cond3A_151 = arith.constant 0 : i32
        %cond3A_152 = arith.cmpi ne, %convert_element_type3A_150, %cond3A_151 : i32
        scf.if %cond3A_152 {
          %add3A_173 = arith.constant 1 : i32
          %add3A_174 = arith.addi %scan3A_110, %add3A_173 : i32
          %mul3A_175 = arith.constant 80 : i32
          %mul3A_176 = arith.muli %add3A_174, %mul3A_175 : i32
          %add3A_177 = arith.constant 0 : i32
          %add3A_178 = arith.addi %add3A_177, %mul3A_176 : i32
          %dma_start3A_179 = tpu.memref_slice %arg12[%add3A_178] : memref<800xi32, #tpu.memory_space<vmem>> -> memref<80xi32, #tpu.memory_space<vmem>>
          %dma_start3A_180 = arith.constant 0 : i32
          %dma_start3A_181 = arith.constant 0 : i32
          %dma_start3A_182 = tpu.memref_slice %arg6[%dma_start3A_180, %dma_start3A_181] : memref<100000x300xf32, #tpu.memory_space<hbm>> -> memref<100000x256xf32, #tpu.memory_space<hbm>>
          tpu.enqueue_indirect_dma source(%dma_start3A_182 : memref<100000x256xf32, #tpu.memory_space<hbm>>) target(%arg16 : memref<80x256xf32, #tpu.memory_space<vmem>>) offsets(%dma_start3A_179 : memref<80xi32, #tpu.memory_space<vmem>>) semaphore(%arg21 : memref<!tpu.dma_semaphore, #tpu.memory_space<semaphore_mem>>)
          %dma_start3A_183 = tpu.memref_slice %arg12[%add3A_178] : memref<800xi32, #tpu.memory_space<vmem>> -> memref<80xi32, #tpu.memory_space<vmem>>
          %dma_start3A_184 = arith.constant 0 : i32
          %dma_start3A_185 = arith.constant 0 : i32
          %dma_start3A_186 = tpu.memref_slice %arg7[%dma_start3A_184, %dma_start3A_185] : memref<100000x128xf32, #tpu.memory_space<hbm>> -> memref<100000x128xf32, #tpu.memory_space<hbm>>
          tpu.enqueue_indirect_dma source(%dma_start3A_186 : memref<100000x128xf32, #tpu.memory_space<hbm>>) target(%arg17 : memref<80x128xf32, #tpu.memory_space<vmem>>) offsets(%dma_start3A_183 : memref<80xi32, #tpu.memory_space<vmem>>) semaphore(%arg22 : memref<!tpu.dma_semaphore, #tpu.memory_space<semaphore_mem>>)
        } else {
        }
        %dma_wait3A_153 = arith.constant 0 : i32
        %dma_wait3A_154 = tpu.memref_slice %arg12[%dma_wait3A_153] : memref<800xi32, #tpu.memory_space<vmem>> -> memref<80xi32, #tpu.memory_space<vmem>>
        %dma_wait3A_155 = arith.constant 0 : i32
        %dma_wait3A_156 = arith.constant 0 : i32
        %dma_wait3A_157 = tpu.memref_slice %arg6[%dma_wait3A_155, %dma_wait3A_156] : memref<100000x300xf32, #tpu.memory_space<hbm>> -> memref<100000x256xf32, #tpu.memory_space<hbm>>
        tpu.wait_indirect_dma semaphore(%arg19 : memref<!tpu.dma_semaphore, #tpu.memory_space<semaphore_mem>>) src(%dma_wait3A_157 : memref<100000x256xf32, #tpu.memory_space<hbm>>) dst(%arg13 : memref<80x256xf32, #tpu.memory_space<vmem>>)
        %dma_wait3A_158 = arith.constant 0 : i32
        %dma_wait3A_159 = tpu.memref_slice %arg12[%dma_wait3A_158] : memref<800xi32, #tpu.memory_space<vmem>> -> memref<80xi32, #tpu.memory_space<vmem>>
        %dma_wait3A_160 = arith.constant 0 : i32
        %dma_wait3A_161 = arith.constant 0 : i32
        %dma_wait3A_162 = tpu.memref_slice %arg7[%dma_wait3A_160, %dma_wait3A_161] : memref<100000x128xf32, #tpu.memory_space<hbm>> -> memref<100000x128xf32, #tpu.memory_space<hbm>>
        tpu.wait_indirect_dma semaphore(%arg20 : memref<!tpu.dma_semaphore, #tpu.memory_space<semaphore_mem>>) src(%dma_wait3A_162 : memref<100000x128xf32, #tpu.memory_space<hbm>>) dst(%arg14 : memref<80x128xf32, #tpu.memory_space<vmem>>)
        %scan3A_163 = arith.constant 0 : i32
        %scan3A_164 = arith.constant 0 : i32
        %scan3A_165 = arith.constant 80 : i32
        %scan3A_166 = arith.addi %scan3A_164, %scan3A_165 : i32
        %scan3A_167 = arith.constant 4 : i32
        %scan3A_168 = scf.for %scan3A_173 = %scan3A_164 to %scan3A_166 step %scan3A_167 iter_args(%scan3A_174 = %scan3A_163) -> (i32)  : i32 {
          %get3A = arith.index_cast %scan3A_173 : i32 to index
          %get3A_175 = arith.constant 0 : index
          %get3A_176 = tpu.vector_load %arg14[%get3A, %get3A_175] {strides = array<i32>} : memref<80x128xf32, #tpu.memory_space<vmem>>, vector<1x16xf32>,
          %get3A_177 = vector.shape_cast %get3A_176 : vector<1x16xf32> to vector<16xf32>
          %swap3A = arith.index_cast %scan3A_173 : i32 to index
          %swap3A_178 = arith.constant 0 : index
          %swap3A_179 = tpu.vector_load %arg15[%swap3A, %swap3A_178] {strides = array<i32>} : memref<80x44xf32, #tpu.memory_space<vmem>>, vector<1x16xf32>,
          %swap3A_180 = vector.shape_cast %swap3A_179 : vector<1x16xf32> to vector<16xf32>
          %swap3A_181 = vector.shape_cast %get3A_177 : vector<16xf32> to vector<1x16xf32>
          tpu.vector_store %arg15[%swap3A, %swap3A_178], %swap3A_181 {strides = array<i32>} : memref<80x44xf32, #tpu.memory_space<vmem>>, vector<1x16xf32>,
          %get3A_182 = arith.index_cast %scan3A_173 : i32 to index
          %get3A_183 = arith.constant 16 : index
          %get3A_184 = tpu.vector_load %arg14[%get3A_182, %get3A_183] {strides = array<i32>} : memref<80x128xf32, #tpu.memory_space<vmem>>, vector<1x16xf32>,
          %get3A_185 = vector.shape_cast %get3A_184 : vector<1x16xf32> to vector<16xf32>
          %swap3A_186 = arith.index_cast %scan3A_173 : i32 to index
          %swap3A_187 = arith.constant 16 : index
          %swap3A_188 = tpu.vector_load %arg15[%swap3A_186, %swap3A_187] {strides = array<i32>} : memref<80x44xf32, #tpu.memory_space<vmem>>, vector<1x16xf32>,
          %swap3A_189 = vector.shape_cast %swap3A_188 : vector<1x16xf32> to vector<16xf32>
          %swap3A_190 = vector.shape_cast %get3A_185 : vector<16xf32> to vector<1x16xf32>
          tpu.vector_store %arg15[%swap3A_186, %swap3A_187], %swap3A_190 {strides = array<i32>} : memref<80x44xf32, #tpu.memory_space<vmem>>, vector<1x16xf32>,
          %get3A_191 = arith.index_cast %scan3A_173 : i32 to index
          %get3A_192 = arith.constant 28 : index
          %get3A_193 = tpu.vector_load %arg14[%get3A_191, %get3A_192] {strides = array<i32>} : memref<80x128xf32, #tpu.memory_space<vmem>>, vector<1x16xf32>,
          %get3A_194 = vector.shape_cast %get3A_193 : vector<1x16xf32> to vector<16xf32>
          %swap3A_195 = arith.index_cast %scan3A_173 : i32 to index
          %swap3A_196 = arith.constant 28 : index
          %swap3A_197 = tpu.vector_load %arg15[%swap3A_195, %swap3A_196] {strides = array<i32>} : memref<80x44xf32, #tpu.memory_space<vmem>>, vector<1x16xf32>,
          %swap3A_198 = vector.shape_cast %swap3A_197 : vector<1x16xf32> to vector<16xf32>
          %swap3A_199 = vector.shape_cast %get3A_194 : vector<16xf32> to vector<1x16xf32>
          tpu.vector_store %arg15[%swap3A_195, %swap3A_196], %swap3A_199 {strides = array<i32>} : memref<80x44xf32, #tpu.memory_space<vmem>>, vector<1x16xf32>,
          %scan3A_200 = arith.constant 0 : i32
          %scan3A_201 = arith.constant 1 : i32
          %scan3A_202 = arith.addi %scan3A_173, %scan3A_201 : i32
          %get3A_203 = arith.index_cast %scan3A_202 : i32 to index
          %get3A_204 = arith.constant 0 : index
          %get3A_205 = tpu.vector_load %arg14[%get3A_203, %get3A_204] {strides = array<i32>} : memref<80x128xf32, #tpu.memory_space<vmem>>, vector<1x16xf32>,
          %get3A_206 = vector.shape_cast %get3A_205 : vector<1x16xf32> to vector<16xf32>
          %swap3A_207 = arith.index_cast %scan3A_202 : i32 to index
          %swap3A_208 = arith.constant 0 : index
          %swap3A_209 = tpu.vector_load %arg15[%swap3A_207, %swap3A_208] {strides = array<i32>} : memref<80x44xf32, #tpu.memory_space<vmem>>, vector<1x16xf32>,
          %swap3A_210 = vector.shape_cast %swap3A_209 : vector<1x16xf32> to vector<16xf32>
          %swap3A_211 = vector.shape_cast %get3A_206 : vector<16xf32> to vector<1x16xf32>
          tpu.vector_store %arg15[%swap3A_207, %swap3A_208], %swap3A_211 {strides = array<i32>} : memref<80x44xf32, #tpu.memory_space<vmem>>, vector<1x16xf32>,
          %get3A_212 = arith.index_cast %scan3A_202 : i32 to index
          %get3A_213 = arith.constant 16 : index
          %get3A_214 = tpu.vector_load %arg14[%get3A_212, %get3A_213] {strides = array<i32>} : memref<80x128xf32, #tpu.memory_space<vmem>>, vector<1x16xf32>,
          %get3A_215 = vector.shape_cast %get3A_214 : vector<1x16xf32> to vector<16xf32>
          %swap3A_216 = arith.index_cast %scan3A_202 : i32 to index
          %swap3A_217 = arith.constant 16 : index
          %swap3A_218 = tpu.vector_load %arg15[%swap3A_216, %swap3A_217] {strides = array<i32>} : memref<80x44xf32, #tpu.memory_space<vmem>>, vector<1x16xf32>,
          %swap3A_219 = vector.shape_cast %swap3A_218 : vector<1x16xf32> to vector<16xf32>
          %swap3A_220 = vector.shape_cast %get3A_215 : vector<16xf32> to vector<1x16xf32>
          tpu.vector_store %arg15[%swap3A_216, %swap3A_217], %swap3A_220 {strides = array<i32>} : memref<80x44xf32, #tpu.memory_space<vmem>>, vector<1x16xf32>,
          %get3A_221 = arith.index_cast %scan3A_202 : i32 to index
          %get3A_222 = arith.constant 28 : index
          %get3A_223 = tpu.vector_load %arg14[%get3A_221, %get3A_222] {strides = array<i32>} : memref<80x128xf32, #tpu.memory_space<vmem>>, vector<1x16xf32>,
          %get3A_224 = vector.shape_cast %get3A_223 : vector<1x16xf32> to vector<16xf32>
          %swap3A_225 = arith.index_cast %scan3A_202 : i32 to index
          %swap3A_226 = arith.constant 28 : index
          %swap3A_227 = tpu.vector_load %arg15[%swap3A_225, %swap3A_226] {strides = array<i32>} : memref<80x44xf32, #tpu.memory_space<vmem>>, vector<1x16xf32>,
          %swap3A_228 = vector.shape_cast %swap3A_227 : vector<1x16xf32> to vector<16xf32>
          %swap3A_229 = vector.shape_cast %get3A_224 : vector<16xf32> to vector<1x16xf32>
          tpu.vector_store %arg15[%swap3A_225, %swap3A_226], %swap3A_229 {strides = array<i32>} : memref<80x44xf32, #tpu.memory_space<vmem>>, vector<1x16xf32>,
          %scan3A_230 = arith.constant 0 : i32
          %scan3A_231 = arith.constant 2 : i32
          %scan3A_232 = arith.addi %scan3A_173, %scan3A_231 : i32
          %get3A_233 = arith.index_cast %scan3A_232 : i32 to index
          %get3A_234 = arith.constant 0 : index
          %get3A_235 = tpu.vector_load %arg14[%get3A_233, %get3A_234] {strides = array<i32>} : memref<80x128xf32, #tpu.memory_space<vmem>>, vector<1x16xf32>,
          %get3A_236 = vector.shape_cast %get3A_235 : vector<1x16xf32> to vector<16xf32>
          %swap3A_237 = arith.index_cast %scan3A_232 : i32 to index
          %swap3A_238 = arith.constant 0 : index
          %swap3A_239 = tpu.vector_load %arg15[%swap3A_237, %swap3A_238] {strides = array<i32>} : memref<80x44xf32, #tpu.memory_space<vmem>>, vector<1x16xf32>,
          %swap3A_240 = vector.shape_cast %swap3A_239 : vector<1x16xf32> to vector<16xf32>
          %swap3A_241 = vector.shape_cast %get3A_236 : vector<16xf32> to vector<1x16xf32>
          tpu.vector_store %arg15[%swap3A_237, %swap3A_238], %swap3A_241 {strides = array<i32>} : memref<80x44xf32, #tpu.memory_space<vmem>>, vector<1x16xf32>,
          %get3A_242 = arith.index_cast %scan3A_232 : i32 to index
          %get3A_243 = arith.constant 16 : index
          %get3A_244 = tpu.vector_load %arg14[%get3A_242, %get3A_243] {strides = array<i32>} : memref<80x128xf32, #tpu.memory_space<vmem>>, vector<1x16xf32>,
          %get3A_245 = vector.shape_cast %get3A_244 : vector<1x16xf32> to vector<16xf32>
          %swap3A_246 = arith.index_cast %scan3A_232 : i32 to index
          %swap3A_247 = arith.constant 16 : index
          %swap3A_248 = tpu.vector_load %arg15[%swap3A_246, %swap3A_247] {strides = array<i32>} : memref<80x44xf32, #tpu.memory_space<vmem>>, vector<1x16xf32>,
          %swap3A_249 = vector.shape_cast %swap3A_248 : vector<1x16xf32> to vector<16xf32>
          %swap3A_250 = vector.shape_cast %get3A_245 : vector<16xf32> to vector<1x16xf32>
          tpu.vector_store %arg15[%swap3A_246, %swap3A_247], %swap3A_250 {strides = array<i32>} : memref<80x44xf32, #tpu.memory_space<vmem>>, vector<1x16xf32>,
          %get3A_251 = arith.index_cast %scan3A_232 : i32 to index
          %get3A_252 = arith.constant 28 : index
          %get3A_253 = tpu.vector_load %arg14[%get3A_251, %get3A_252] {strides = array<i32>} : memref<80x128xf32, #tpu.memory_space<vmem>>, vector<1x16xf32>,
          %get3A_254 = vector.shape_cast %get3A_253 : vector<1x16xf32> to vector<16xf32>
          %swap3A_255 = arith.index_cast %scan3A_232 : i32 to index
          %swap3A_256 = arith.constant 28 : index
          %swap3A_257 = tpu.vector_load %arg15[%swap3A_255, %swap3A_256] {strides = array<i32>} : memref<80x44xf32, #tpu.memory_space<vmem>>, vector<1x16xf32>,
          %swap3A_258 = vector.shape_cast %swap3A_257 : vector<1x16xf32> to vector<16xf32>
          %swap3A_259 = vector.shape_cast %get3A_254 : vector<16xf32> to vector<1x16xf32>
          tpu.vector_store %arg15[%swap3A_255, %swap3A_256], %swap3A_259 {strides = array<i32>} : memref<80x44xf32, #tpu.memory_space<vmem>>, vector<1x16xf32>,
          %scan3A_260 = arith.constant 0 : i32
          %scan3A_261 = arith.constant 3 : i32
          %scan3A_262 = arith.addi %scan3A_173, %scan3A_261 : i32
          %get3A_263 = arith.index_cast %scan3A_262 : i32 to index
          %get3A_264 = arith.constant 0 : index
          %get3A_265 = tpu.vector_load %arg14[%get3A_263, %get3A_264] {strides = array<i32>} : memref<80x128xf32, #tpu.memory_space<vmem>>, vector<1x16xf32>,
          %get3A_266 = vector.shape_cast %get3A_265 : vector<1x16xf32> to vector<16xf32>
          %swap3A_267 = arith.index_cast %scan3A_262 : i32 to index
          %swap3A_268 = arith.constant 0 : index
          %swap3A_269 = tpu.vector_load %arg15[%swap3A_267, %swap3A_268] {strides = array<i32>} : memref<80x44xf32, #tpu.memory_space<vmem>>, vector<1x16xf32>,
          %swap3A_270 = vector.shape_cast %swap3A_269 : vector<1x16xf32> to vector<16xf32>
          %swap3A_271 = vector.shape_cast %get3A_266 : vector<16xf32> to vector<1x16xf32>
          tpu.vector_store %arg15[%swap3A_267, %swap3A_268], %swap3A_271 {strides = array<i32>} : memref<80x44xf32, #tpu.memory_space<vmem>>, vector<1x16xf32>,
          %get3A_272 = arith.index_cast %scan3A_262 : i32 to index
          %get3A_273 = arith.constant 16 : index
          %get3A_274 = tpu.vector_load %arg14[%get3A_272, %get3A_273] {strides = array<i32>} : memref<80x128xf32, #tpu.memory_space<vmem>>, vector<1x16xf32>,
          %get3A_275 = vector.shape_cast %get3A_274 : vector<1x16xf32> to vector<16xf32>
          %swap3A_276 = arith.index_cast %scan3A_262 : i32 to index
          %swap3A_277 = arith.constant 16 : index
          %swap3A_278 = tpu.vector_load %arg15[%swap3A_276, %swap3A_277] {strides = array<i32>} : memref<80x44xf32, #tpu.memory_space<vmem>>, vector<1x16xf32>,
          %swap3A_279 = vector.shape_cast %swap3A_278 : vector<1x16xf32> to vector<16xf32>
          %swap3A_280 = vector.shape_cast %get3A_275 : vector<16xf32> to vector<1x16xf32>
          tpu.vector_store %arg15[%swap3A_276, %swap3A_277], %swap3A_280 {strides = array<i32>} : memref<80x44xf32, #tpu.memory_space<vmem>>, vector<1x16xf32>,
          %get3A_281 = arith.index_cast %scan3A_262 : i32 to index
          %get3A_282 = arith.constant 28 : index
          %get3A_283 = tpu.vector_load %arg14[%get3A_281, %get3A_282] {strides = array<i32>} : memref<80x128xf32, #tpu.memory_space<vmem>>, vector<1x16xf32>,
          %get3A_284 = vector.shape_cast %get3A_283 : vector<1x16xf32> to vector<16xf32>
          %swap3A_285 = arith.index_cast %scan3A_262 : i32 to index
          %swap3A_286 = arith.constant 28 : index
          %swap3A_287 = tpu.vector_load %arg15[%swap3A_285, %swap3A_286] {strides = array<i32>} : memref<80x44xf32, #tpu.memory_space<vmem>>, vector<1x16xf32>,
          %swap3A_288 = vector.shape_cast %swap3A_287 : vector<1x16xf32> to vector<16xf32>
          %swap3A_289 = vector.shape_cast %get3A_284 : vector<16xf32> to vector<1x16xf32>
          tpu.vector_store %arg15[%swap3A_285, %swap3A_286], %swap3A_289 {strides = array<i32>} : memref<80x44xf32, #tpu.memory_space<vmem>>, vector<1x16xf32>,
          %scan3A_290 = arith.constant 0 : i32
          scf.yield %scan3A_290 : i32
        }
        %scan3A_169 = arith.constant 80 : i32
        %mul3A_170 = arith.constant 80 : i32
        %mul3A_171 = arith.muli %scan3A_110, %mul3A_170 : i32
        %add3A_172 = arith.addi %mul3A_36, %mul3A_171 : i32
        "tpu.region"() ({
          %run_scoped3A = tpu.sem_alloc : memref<!tpu.dma_semaphore, #tpu.memory_space<semaphore_mem>>
          %dma_start3A_173 = arith.constant 0 : i32
          %dma_start3A_174 = tpu.memref_slice %arg8[%add3A_172, %dma_start3A_173] : memref<7680x300xf32, #tpu.memory_space<hbm>> -> memref<80x256xf32, #tpu.memory_space<hbm>>
          %dma_start3A_175 = arith.constant 0 : i32
          %dma_start3A_176 = tpu.memref_slice %arg8[%add3A_172, %dma_start3A_175] : memref<7680x300xf32, #tpu.memory_space<hbm>> -> memref<80x256xf32, #tpu.memory_space<hbm>>
          tpu.enqueue_dma source(%arg13 : memref<80x256xf32, #tpu.memory_space<vmem>>) target(%dma_start3A_176 : memref<80x256xf32, #tpu.memory_space<hbm>>) target_semaphore(%run_scoped3A : memref<!tpu.dma_semaphore, #tpu.memory_space<semaphore_mem>>)
          %dma_wait3A_177 = arith.constant 0 : i32
          %dma_wait3A_178 = tpu.memref_slice %arg8[%add3A_172, %dma_wait3A_177] : memref<7680x300xf32, #tpu.memory_space<hbm>> -> memref<80x256xf32, #tpu.memory_space<hbm>>
          %dma_wait3A_179 = arith.constant 0 : i32
          %dma_wait3A_180 = tpu.memref_slice %arg8[%add3A_172, %dma_wait3A_179] : memref<7680x300xf32, #tpu.memory_space<hbm>> -> memref<80x256xf32, #tpu.memory_space<hbm>>
          tpu.wait_dma2 semaphore(%run_scoped3A : memref<!tpu.dma_semaphore, #tpu.memory_space<semaphore_mem>>) src(%arg13 : memref<80x256xf32, #tpu.memory_space<vmem>>) dst(%dma_wait3A_180 : memref<80x256xf32, #tpu.memory_space<hbm>>)
          tpu.yield
        }) : () -> ()
        "tpu.region"() ({
          %run_scoped3A = tpu.sem_alloc : memref<!tpu.dma_semaphore, #tpu.memory_space<semaphore_mem>>
          %dma_start3A_173 = arith.constant 256 : i32
          %dma_start3A_174 = tpu.memref_slice %arg8[%add3A_172, %dma_start3A_173] : memref<7680x300xf32, #tpu.memory_space<hbm>> -> memref<80x44xf32, #tpu.memory_space<hbm>>
          %dma_start3A_175 = arith.constant 256 : i32
          %dma_start3A_176 = tpu.memref_slice %arg8[%add3A_172, %dma_start3A_175] : memref<7680x300xf32, #tpu.memory_space<hbm>> -> memref<80x44xf32, #tpu.memory_space<hbm>>
          tpu.enqueue_dma source(%arg15 : memref<80x44xf32, #tpu.memory_space<vmem>>) target(%dma_start3A_176 : memref<80x44xf32, #tpu.memory_space<hbm>>) target_semaphore(%run_scoped3A : memref<!tpu.dma_semaphore, #tpu.memory_space<semaphore_mem>>)
          %dma_wait3A_177 = arith.constant 256 : i32
          %dma_wait3A_178 = tpu.memref_slice %arg8[%add3A_172, %dma_wait3A_177] : memref<7680x300xf32, #tpu.memory_space<hbm>> -> memref<80x44xf32, #tpu.memory_space<hbm>>
          %dma_wait3A_179 = arith.constant 256 : i32
          %dma_wait3A_180 = tpu.memref_slice %arg8[%add3A_172, %dma_wait3A_179] : memref<7680x300xf32, #tpu.memory_space<hbm>> -> memref<80x44xf32, #tpu.memory_space<hbm>>
          tpu.wait_dma2 semaphore(%run_scoped3A : memref<!tpu.dma_semaphore, #tpu.memory_space<semaphore_mem>>) src(%arg15 : memref<80x44xf32, #tpu.memory_space<vmem>>) dst(%dma_wait3A_180 : memref<80x44xf32, #tpu.memory_space<hbm>>)
          tpu.yield
        }) : () -> ()
      } else {
      }
      %jit3A_124 = arith.constant 2 : i32
      %eq3A_125 = arith.constant 0 : i32
      %eq3A_126 = arith.cmpi eq, %jit3A_124, %eq3A_125 : i32
      %jit3A_127 = arith.constant 1 : i32
      %select_n3A_128 = arith.select %eq3A_126, %jit3A_127, %jit3A_124 : i32
      %rem3A_129 = arith.remsi %scan3A_110, %select_n3A_128 : i32
      %ne3A_130 = arith.constant 0 : i32
      %ne3A_131 = arith.cmpi ne, %rem3A_129, %ne3A_130 : i32
      %lt3A_132 = arith.constant 0 : i32
      %lt3A_133 = arith.cmpi slt, %rem3A_129, %lt3A_132 : i32
      %lt3A_134 = arith.constant 0 : i32
      %lt3A_135 = arith.cmpi slt, %select_n3A_128, %lt3A_134 : i32
      %ne3A_136 = arith.xori %lt3A_133, %lt3A_135 : i1
      %and3A_137 = arith.andi %ne3A_136, %ne3A_131 : i1
      %add3A_138 = arith.addi %rem3A_129, %select_n3A_128 : i32
      %select_n3A_139 = arith.select %and3A_137, %add3A_138, %rem3A_129 : i32
      %eq3A_140 = arith.constant 1 : i32
      %eq3A_141 = arith.cmpi eq, %select_n3A_139, %eq3A_140 : i32
      %convert_element_type3A_142 = arith.extui %eq3A_141 : i1 to i32
      %cond3A_143 = arith.constant 0 : i32
      %cond3A_144 = arith.cmpi ne, %convert_element_type3A_142, %cond3A_143 : i32
      scf.if %cond3A_144 {
        %add3A_146 = arith.constant 1 : i32
        %add3A_147 = arith.addi %scan3A_110, %add3A_146 : i32
        %lt3A_148 = arith.constant 3 : i32
        %lt3A_149 = arith.cmpi slt, %add3A_147, %lt3A_148 : i32
        %convert_element_type3A_150 = arith.extui %lt3A_149 : i1 to i32
        %cond3A_151 = arith.constant 0 : i32
        %cond3A_152 = arith.cmpi ne, %convert_element_type3A_150, %cond3A_151 : i32
        scf.if %cond3A_152 {
          %add3A_173 = arith.constant 1 : i32
          %add3A_174 = arith.addi %scan3A_110, %add3A_173 : i32
          %mul3A_175 = arith.constant 80 : i32
          %mul3A_176 = arith.muli %add3A_174, %mul3A_175 : i32
          %add3A_177 = arith.constant 0 : i32
          %add3A_178 = arith.addi %add3A_177, %mul3A_176 : i32
          %dma_start3A_179 = tpu.memref_slice %arg12[%add3A_178] : memref<800xi32, #tpu.memory_space<vmem>> -> memref<80xi32, #tpu.memory_space<vmem>>
          %dma_start3A_180 = arith.constant 0 : i32
          %dma_start3A_181 = arith.constant 0 : i32
          %dma_start3A_182 = tpu.memref_slice %arg6[%dma_start3A_180, %dma_start3A_181] : memref<100000x300xf32, #tpu.memory_space<hbm>> -> memref<100000x256xf32, #tpu.memory_space<hbm>>
          tpu.enqueue_indirect_dma source(%dma_start3A_182 : memref<100000x256xf32, #tpu.memory_space<hbm>>) target(%arg13 : memref<80x256xf32, #tpu.memory_space<vmem>>) offsets(%dma_start3A_179 : memref<80xi32, #tpu.memory_space<vmem>>) semaphore(%arg19 : memref<!tpu.dma_semaphore, #tpu.memory_space<semaphore_mem>>)
          %dma_start3A_183 = tpu.memref_slice %arg12[%add3A_178] : memref<800xi32, #tpu.memory_space<vmem>> -> memref<80xi32, #tpu.memory_space<vmem>>
          %dma_start3A_184 = arith.constant 0 : i32
          %dma_start3A_185 = arith.constant 0 : i32
          %dma_start3A_186 = tpu.memref_slice %arg7[%dma_start3A_184, %dma_start3A_185] : memref<100000x128xf32, #tpu.memory_space<hbm>> -> memref<100000x128xf32, #tpu.memory_space<hbm>>
          tpu.enqueue_indirect_dma source(%dma_start3A_186 : memref<100000x128xf32, #tpu.memory_space<hbm>>) target(%arg14 : memref<80x128xf32, #tpu.memory_space<vmem>>) offsets(%dma_start3A_183 : memref<80xi32, #tpu.memory_space<vmem>>) semaphore(%arg20 : memref<!tpu.dma_semaphore, #tpu.memory_space<semaphore_mem>>)
        } else {
        }
        %dma_wait3A_153 = arith.constant 0 : i32
        %dma_wait3A_154 = tpu.memref_slice %arg12[%dma_wait3A_153] : memref<800xi32, #tpu.memory_space<vmem>> -> memref<80xi32, #tpu.memory_space<vmem>>
        %dma_wait3A_155 = arith.constant 0 : i32
        %dma_wait3A_156 = arith.constant 0 : i32
        %dma_wait3A_157 = tpu.memref_slice %arg6[%dma_wait3A_155, %dma_wait3A_156] : memref<100000x300xf32, #tpu.memory_space<hbm>> -> memref<100000x256xf32, #tpu.memory_space<hbm>>
        tpu.wait_indirect_dma semaphore(%arg21 : memref<!tpu.dma_semaphore, #tpu.memory_space<semaphore_mem>>) src(%dma_wait3A_157 : memref<100000x256xf32, #tpu.memory_space<hbm>>) dst(%arg16 : memref<80x256xf32, #tpu.memory_space<vmem>>)
        %dma_wait3A_158 = arith.constant 0 : i32
        %dma_wait3A_159 = tpu.memref_slice %arg12[%dma_wait3A_158] : memref<800xi32, #tpu.memory_space<vmem>> -> memref<80xi32, #tpu.memory_space<vmem>>
        %dma_wait3A_160 = arith.constant 0 : i32
        %dma_wait3A_161 = arith.constant 0 : i32
        %dma_wait3A_162 = tpu.memref_slice %arg7[%dma_wait3A_160, %dma_wait3A_161] : memref<100000x128xf32, #tpu.memory_space<hbm>> -> memref<100000x128xf32, #tpu.memory_space<hbm>>
        tpu.wait_indirect_dma semaphore(%arg22 : memref<!tpu.dma_semaphore, #tpu.memory_space<semaphore_mem>>) src(%dma_wait3A_162 : memref<100000x128xf32, #tpu.memory_space<hbm>>) dst(%arg17 : memref<80x128xf32, #tpu.memory_space<vmem>>)
        %scan3A_163 = arith.constant 0 : i32
        %scan3A_164 = arith.constant 0 : i32
        %scan3A_165 = arith.constant 80 : i32
        %scan3A_166 = arith.addi %scan3A_164, %scan3A_165 : i32
        %scan3A_167 = arith.constant 4 : i32
        %scan3A_168 = scf.for %scan3A_173 = %scan3A_164 to %scan3A_166 step %scan3A_167 iter_args(%scan3A_174 = %scan3A_163) -> (i32)  : i32 {
          %get3A = arith.index_cast %scan3A_173 : i32 to index
          %get3A_175 = arith.constant 0 : index
          %get3A_176 = tpu.vector_load %arg17[%get3A, %get3A_175] {strides = array<i32>} : memref<80x128xf32, #tpu.memory_space<vmem>>, vector<1x16xf32>,
          %get3A_177 = vector.shape_cast %get3A_176 : vector<1x16xf32> to vector<16xf32>
          %swap3A = arith.index_cast %scan3A_173 : i32 to index
          %swap3A_178 = arith.constant 0 : index
          %swap3A_179 = tpu.vector_load %arg18[%swap3A, %swap3A_178] {strides = array<i32>} : memref<80x44xf32, #tpu.memory_space<vmem>>, vector<1x16xf32>,
          %swap3A_180 = vector.shape_cast %swap3A_179 : vector<1x16xf32> to vector<16xf32>
          %swap3A_181 = vector.shape_cast %get3A_177 : vector<16xf32> to vector<1x16xf32>
          tpu.vector_store %arg18[%swap3A, %swap3A_178], %swap3A_181 {strides = array<i32>} : memref<80x44xf32, #tpu.memory_space<vmem>>, vector<1x16xf32>,
          %get3A_182 = arith.index_cast %scan3A_173 : i32 to index
          %get3A_183 = arith.constant 16 : index
          %get3A_184 = tpu.vector_load %arg17[%get3A_182, %get3A_183] {strides = array<i32>} : memref<80x128xf32, #tpu.memory_space<vmem>>, vector<1x16xf32>,
          %get3A_185 = vector.shape_cast %get3A_184 : vector<1x16xf32> to vector<16xf32>
          %swap3A_186 = arith.index_cast %scan3A_173 : i32 to index
          %swap3A_187 = arith.constant 16 : index
          %swap3A_188 = tpu.vector_load %arg18[%swap3A_186, %swap3A_187] {strides = array<i32>} : memref<80x44xf32, #tpu.memory_space<vmem>>, vector<1x16xf32>,
          %swap3A_189 = vector.shape_cast %swap3A_188 : vector<1x16xf32> to vector<16xf32>
          %swap3A_190 = vector.shape_cast %get3A_185 : vector<16xf32> to vector<1x16xf32>
          tpu.vector_store %arg18[%swap3A_186, %swap3A_187], %swap3A_190 {strides = array<i32>} : memref<80x44xf32, #tpu.memory_space<vmem>>, vector<1x16xf32>,
          %get3A_191 = arith.index_cast %scan3A_173 : i32 to index
          %get3A_192 = arith.constant 28 : index
          %get3A_193 = tpu.vector_load %arg17[%get3A_191, %get3A_192] {strides = array<i32>} : memref<80x128xf32, #tpu.memory_space<vmem>>, vector<1x16xf32>,
          %get3A_194 = vector.shape_cast %get3A_193 : vector<1x16xf32> to vector<16xf32>
          %swap3A_195 = arith.index_cast %scan3A_173 : i32 to index
          %swap3A_196 = arith.constant 28 : index
          %swap3A_197 = tpu.vector_load %arg18[%swap3A_195, %swap3A_196] {strides = array<i32>} : memref<80x44xf32, #tpu.memory_space<vmem>>, vector<1x16xf32>,
          %swap3A_198 = vector.shape_cast %swap3A_197 : vector<1x16xf32> to vector<16xf32>
          %swap3A_199 = vector.shape_cast %get3A_194 : vector<16xf32> to vector<1x16xf32>
          tpu.vector_store %arg18[%swap3A_195, %swap3A_196], %swap3A_199 {strides = array<i32>} : memref<80x44xf32, #tpu.memory_space<vmem>>, vector<1x16xf32>,
          %scan3A_200 = arith.constant 0 : i32
          %scan3A_201 = arith.constant 1 : i32
          %scan3A_202 = arith.addi %scan3A_173, %scan3A_201 : i32
          %get3A_203 = arith.index_cast %scan3A_202 : i32 to index
          %get3A_204 = arith.constant 0 : index
          %get3A_205 = tpu.vector_load %arg17[%get3A_203, %get3A_204] {strides = array<i32>} : memref<80x128xf32, #tpu.memory_space<vmem>>, vector<1x16xf32>,
          %get3A_206 = vector.shape_cast %get3A_205 : vector<1x16xf32> to vector<16xf32>
          %swap3A_207 = arith.index_cast %scan3A_202 : i32 to index
          %swap3A_208 = arith.constant 0 : index
          %swap3A_209 = tpu.vector_load %arg18[%swap3A_207, %swap3A_208] {strides = array<i32>} : memref<80x44xf32, #tpu.memory_space<vmem>>, vector<1x16xf32>,
          %swap3A_210 = vector.shape_cast %swap3A_209 : vector<1x16xf32> to vector<16xf32>
          %swap3A_211 = vector.shape_cast %get3A_206 : vector<16xf32> to vector<1x16xf32>
          tpu.vector_store %arg18[%swap3A_207, %swap3A_208], %swap3A_211 {strides = array<i32>} : memref<80x44xf32, #tpu.memory_space<vmem>>, vector<1x16xf32>,
          %get3A_212 = arith.index_cast %scan3A_202 : i32 to index
          %get3A_213 = arith.constant 16 : index
          %get3A_214 = tpu.vector_load %arg17[%get3A_212, %get3A_213] {strides = array<i32>} : memref<80x128xf32, #tpu.memory_space<vmem>>, vector<1x16xf32>,
          %get3A_215 = vector.shape_cast %get3A_214 : vector<1x16xf32> to vector<16xf32>
          %swap3A_216 = arith.index_cast %scan3A_202 : i32 to index
          %swap3A_217 = arith.constant 16 : index
          %swap3A_218 = tpu.vector_load %arg18[%swap3A_216, %swap3A_217] {strides = array<i32>} : memref<80x44xf32, #tpu.memory_space<vmem>>, vector<1x16xf32>,
          %swap3A_219 = vector.shape_cast %swap3A_218 : vector<1x16xf32> to vector<16xf32>
          %swap3A_220 = vector.shape_cast %get3A_215 : vector<16xf32> to vector<1x16xf32>
          tpu.vector_store %arg18[%swap3A_216, %swap3A_217], %swap3A_220 {strides = array<i32>} : memref<80x44xf32, #tpu.memory_space<vmem>>, vector<1x16xf32>,
          %get3A_221 = arith.index_cast %scan3A_202 : i32 to index
          %get3A_222 = arith.constant 28 : index
          %get3A_223 = tpu.vector_load %arg17[%get3A_221, %get3A_222] {strides = array<i32>} : memref<80x128xf32, #tpu.memory_space<vmem>>, vector<1x16xf32>,
          %get3A_224 = vector.shape_cast %get3A_223 : vector<1x16xf32> to vector<16xf32>
          %swap3A_225 = arith.index_cast %scan3A_202 : i32 to index
          %swap3A_226 = arith.constant 28 : index
          %swap3A_227 = tpu.vector_load %arg18[%swap3A_225, %swap3A_226] {strides = array<i32>} : memref<80x44xf32, #tpu.memory_space<vmem>>, vector<1x16xf32>,
          %swap3A_228 = vector.shape_cast %swap3A_227 : vector<1x16xf32> to vector<16xf32>
          %swap3A_229 = vector.shape_cast %get3A_224 : vector<16xf32> to vector<1x16xf32>
          tpu.vector_store %arg18[%swap3A_225, %swap3A_226], %swap3A_229 {strides = array<i32>} : memref<80x44xf32, #tpu.memory_space<vmem>>, vector<1x16xf32>,
          %scan3A_230 = arith.constant 0 : i32
          %scan3A_231 = arith.constant 2 : i32
          %scan3A_232 = arith.addi %scan3A_173, %scan3A_231 : i32
          %get3A_233 = arith.index_cast %scan3A_232 : i32 to index
          %get3A_234 = arith.constant 0 : index
          %get3A_235 = tpu.vector_load %arg17[%get3A_233, %get3A_234] {strides = array<i32>} : memref<80x128xf32, #tpu.memory_space<vmem>>, vector<1x16xf32>,
          %get3A_236 = vector.shape_cast %get3A_235 : vector<1x16xf32> to vector<16xf32>
          %swap3A_237 = arith.index_cast %scan3A_232 : i32 to index
          %swap3A_238 = arith.constant 0 : index
          %swap3A_239 = tpu.vector_load %arg18[%swap3A_237, %swap3A_238] {strides = array<i32>} : memref<80x44xf32, #tpu.memory_space<vmem>>, vector<1x16xf32>,
          %swap3A_240 = vector.shape_cast %swap3A_239 : vector<1x16xf32> to vector<16xf32>
          %swap3A_241 = vector.shape_cast %get3A_236 : vector<16xf32> to vector<1x16xf32>
          tpu.vector_store %arg18[%swap3A_237, %swap3A_238], %swap3A_241 {strides = array<i32>} : memref<80x44xf32, #tpu.memory_space<vmem>>, vector<1x16xf32>,
          %get3A_242 = arith.index_cast %scan3A_232 : i32 to index
          %get3A_243 = arith.constant 16 : index
          %get3A_244 = tpu.vector_load %arg17[%get3A_242, %get3A_243] {strides = array<i32>} : memref<80x128xf32, #tpu.memory_space<vmem>>, vector<1x16xf32>,
          %get3A_245 = vector.shape_cast %get3A_244 : vector<1x16xf32> to vector<16xf32>
          %swap3A_246 = arith.index_cast %scan3A_232 : i32 to index
          %swap3A_247 = arith.constant 16 : index
          %swap3A_248 = tpu.vector_load %arg18[%swap3A_246, %swap3A_247] {strides = array<i32>} : memref<80x44xf32, #tpu.memory_space<vmem>>, vector<1x16xf32>,
          %swap3A_249 = vector.shape_cast %swap3A_248 : vector<1x16xf32> to vector<16xf32>
          %swap3A_250 = vector.shape_cast %get3A_245 : vector<16xf32> to vector<1x16xf32>
          tpu.vector_store %arg18[%swap3A_246, %swap3A_247], %swap3A_250 {strides = array<i32>} : memref<80x44xf32, #tpu.memory_space<vmem>>, vector<1x16xf32>,
          %get3A_251 = arith.index_cast %scan3A_232 : i32 to index
          %get3A_252 = arith.constant 28 : index
          %get3A_253 = tpu.vector_load %arg17[%get3A_251, %get3A_252] {strides = array<i32>} : memref<80x128xf32, #tpu.memory_space<vmem>>, vector<1x16xf32>,
          %get3A_254 = vector.shape_cast %get3A_253 : vector<1x16xf32> to vector<16xf32>
          %swap3A_255 = arith.index_cast %scan3A_232 : i32 to index
          %swap3A_256 = arith.constant 28 : index
          %swap3A_257 = tpu.vector_load %arg18[%swap3A_255, %swap3A_256] {strides = array<i32>} : memref<80x44xf32, #tpu.memory_space<vmem>>, vector<1x16xf32>,
          %swap3A_258 = vector.shape_cast %swap3A_257 : vector<1x16xf32> to vector<16xf32>
          %swap3A_259 = vector.shape_cast %get3A_254 : vector<16xf32> to vector<1x16xf32>
          tpu.vector_store %arg18[%swap3A_255, %swap3A_256], %swap3A_259 {strides = array<i32>} : memref<80x44xf32, #tpu.memory_space<vmem>>, vector<1x16xf32>,
          %scan3A_260 = arith.constant 0 : i32
          %scan3A_261 = arith.constant 3 : i32
          %scan3A_262 = arith.addi %scan3A_173, %scan3A_261 : i32
          %get3A_263 = arith.index_cast %scan3A_262 : i32 to index
          %get3A_264 = arith.constant 0 : index
          %get3A_265 = tpu.vector_load %arg17[%get3A_263, %get3A_264] {strides = array<i32>} : memref<80x128xf32, #tpu.memory_space<vmem>>, vector<1x16xf32>,
          %get3A_266 = vector.shape_cast %get3A_265 : vector<1x16xf32> to vector<16xf32>
          %swap3A_267 = arith.index_cast %scan3A_262 : i32 to index
          %swap3A_268 = arith.constant 0 : index
          %swap3A_269 = tpu.vector_load %arg18[%swap3A_267, %swap3A_268] {strides = array<i32>} : memref<80x44xf32, #tpu.memory_space<vmem>>, vector<1x16xf32>,
          %swap3A_270 = vector.shape_cast %swap3A_269 : vector<1x16xf32> to vector<16xf32>
          %swap3A_271 = vector.shape_cast %get3A_266 : vector<16xf32> to vector<1x16xf32>
          tpu.vector_store %arg18[%swap3A_267, %swap3A_268], %swap3A_271 {strides = array<i32>} : memref<80x44xf32, #tpu.memory_space<vmem>>, vector<1x16xf32>,
          %get3A_272 = arith.index_cast %scan3A_262 : i32 to index
          %get3A_273 = arith.constant 16 : index
          %get3A_274 = tpu.vector_load %arg17[%get3A_272, %get3A_273] {strides = array<i32>} : memref<80x128xf32, #tpu.memory_space<vmem>>, vector<1x16xf32>,
          %get3A_275 = vector.shape_cast %get3A_274 : vector<1x16xf32> to vector<16xf32>
          %swap3A_276 = arith.index_cast %scan3A_262 : i32 to index
          %swap3A_277 = arith.constant 16 : index
          %swap3A_278 = tpu.vector_load %arg18[%swap3A_276, %swap3A_277] {strides = array<i32>} : memref<80x44xf32, #tpu.memory_space<vmem>>, vector<1x16xf32>,
          %swap3A_279 = vector.shape_cast %swap3A_278 : vector<1x16xf32> to vector<16xf32>
          %swap3A_280 = vector.shape_cast %get3A_275 : vector<16xf32> to vector<1x16xf32>
          tpu.vector_store %arg18[%swap3A_276, %swap3A_277], %swap3A_280 {strides = array<i32>} : memref<80x44xf32, #tpu.memory_space<vmem>>, vector<1x16xf32>,
          %get3A_281 = arith.index_cast %scan3A_262 : i32 to index
          %get3A_282 = arith.constant 28 : index
          %get3A_283 = tpu.vector_load %arg17[%get3A_281, %get3A_282] {strides = array<i32>} : memref<80x128xf32, #tpu.memory_space<vmem>>, vector<1x16xf32>,
          %get3A_284 = vector.shape_cast %get3A_283 : vector<1x16xf32> to vector<16xf32>
          %swap3A_285 = arith.index_cast %scan3A_262 : i32 to index
          %swap3A_286 = arith.constant 28 : index
          %swap3A_287 = tpu.vector_load %arg18[%swap3A_285, %swap3A_286] {strides = array<i32>} : memref<80x44xf32, #tpu.memory_space<vmem>>, vector<1x16xf32>,
          %swap3A_288 = vector.shape_cast %swap3A_287 : vector<1x16xf32> to vector<16xf32>
          %swap3A_289 = vector.shape_cast %get3A_284 : vector<16xf32> to vector<1x16xf32>
          tpu.vector_store %arg18[%swap3A_285, %swap3A_286], %swap3A_289 {strides = array<i32>} : memref<80x44xf32, #tpu.memory_space<vmem>>, vector<1x16xf32>,
          %scan3A_290 = arith.constant 0 : i32
          scf.yield %scan3A_290 : i32
        }
        %scan3A_169 = arith.constant 80 : i32
        %mul3A_170 = arith.constant 80 : i32
        %mul3A_171 = arith.muli %scan3A_110, %mul3A_170 : i32
        %add3A_172 = arith.addi %mul3A_36, %mul3A_171 : i32
        "tpu.region"() ({
          %run_scoped3A = tpu.sem_alloc : memref<!tpu.dma_semaphore, #tpu.memory_space<semaphore_mem>>
          %dma_start3A_173 = arith.constant 0 : i32
          %dma_start3A_174 = tpu.memref_slice %arg8[%add3A_172, %dma_start3A_173] : memref<7680x300xf32, #tpu.memory_space<hbm>> -> memref<80x256xf32, #tpu.memory_space<hbm>>
          %dma_start3A_175 = arith.constant 0 : i32
          %dma_start3A_176 = tpu.memref_slice %arg8[%add3A_172, %dma_start3A_175] : memref<7680x300xf32, #tpu.memory_space<hbm>> -> memref<80x256xf32, #tpu.memory_space<hbm>>
          tpu.enqueue_dma source(%arg16 : memref<80x256xf32, #tpu.memory_space<vmem>>) target(%dma_start3A_176 : memref<80x256xf32, #tpu.memory_space<hbm>>) target_semaphore(%run_scoped3A : memref<!tpu.dma_semaphore, #tpu.memory_space<semaphore_mem>>)
          %dma_wait3A_177 = arith.constant 0 : i32
          %dma_wait3A_178 = tpu.memref_slice %arg8[%add3A_172, %dma_wait3A_177] : memref<7680x300xf32, #tpu.memory_space<hbm>> -> memref<80x256xf32, #tpu.memory_space<hbm>>
          %dma_wait3A_179 = arith.constant 0 : i32
          %dma_wait3A_180 = tpu.memref_slice %arg8[%add3A_172, %dma_wait3A_179] : memref<7680x300xf32, #tpu.memory_space<hbm>> -> memref<80x256xf32, #tpu.memory_space<hbm>>
          tpu.wait_dma2 semaphore(%run_scoped3A : memref<!tpu.dma_semaphore, #tpu.memory_space<semaphore_mem>>) src(%arg16 : memref<80x256xf32, #tpu.memory_space<vmem>>) dst(%dma_wait3A_180 : memref<80x256xf32, #tpu.memory_space<hbm>>)
          tpu.yield
        }) : () -> ()
        "tpu.region"() ({
          %run_scoped3A = tpu.sem_alloc : memref<!tpu.dma_semaphore, #tpu.memory_space<semaphore_mem>>
          %dma_start3A_173 = arith.constant 256 : i32
          %dma_start3A_174 = tpu.memref_slice %arg8[%add3A_172, %dma_start3A_173] : memref<7680x300xf32, #tpu.memory_space<hbm>> -> memref<80x44xf32, #tpu.memory_space<hbm>>
          %dma_start3A_175 = arith.constant 256 : i32
          %dma_start3A_176 = tpu.memref_slice %arg8[%add3A_172, %dma_start3A_175] : memref<7680x300xf32, #tpu.memory_space<hbm>> -> memref<80x44xf32, #tpu.memory_space<hbm>>
          tpu.enqueue_dma source(%arg18 : memref<80x44xf32, #tpu.memory_space<vmem>>) target(%dma_start3A_176 : memref<80x44xf32, #tpu.memory_space<hbm>>) target_semaphore(%run_scoped3A : memref<!tpu.dma_semaphore, #tpu.memory_space<semaphore_mem>>)
          %dma_wait3A_177 = arith.constant 256 : i32
          %dma_wait3A_178 = tpu.memref_slice %arg8[%add3A_172, %dma_wait3A_177] : memref<7680x300xf32, #tpu.memory_space<hbm>> -> memref<80x44xf32, #tpu.memory_space<hbm>>
          %dma_wait3A_179 = arith.constant 256 : i32
          %dma_wait3A_180 = tpu.memref_slice %arg8[%add3A_172, %dma_wait3A_179] : memref<7680x300xf32, #tpu.memory_space<hbm>> -> memref<80x44xf32, #tpu.memory_space<hbm>>
          tpu.wait_dma2 semaphore(%run_scoped3A : memref<!tpu.dma_semaphore, #tpu.memory_space<semaphore_mem>>) src(%arg18 : memref<80x44xf32, #tpu.memory_space<vmem>>) dst(%dma_wait3A_180 : memref<80x44xf32, #tpu.memory_space<hbm>>)
          tpu.yield
        }) : () -> ()
      } else {
      }
      %scan3A_145 = arith.constant 0 : i32
      scf.yield %scan3A_145 : i32
    }
    %scan3A_52 = arith.constant 3 : i32
    %mul3A_53 = arith.constant 240 : i32
    %mul3A_54 = arith.muli %add3A, %mul3A_53 : i32
    %dma_start3A_55 = arith.constant 240 : i32
    %dma_start3A_56 = tpu.memref_slice %arg12[%dma_start3A_55] : memref<800xi32, #tpu.memory_space<vmem>> -> memref<80xi32, #tpu.memory_space<vmem>>
    %dma_start3A_57 = arith.constant 0 : i32
    %dma_start3A_58 = arith.constant 0 : i32
    %dma_start3A_59 = tpu.memref_slice %arg6[%dma_start3A_57, %dma_start3A_58] : memref<100000x300xf32, #tpu.memory_space<hbm>> -> memref<100000x256xf32, #tpu.memory_space<hbm>>
    tpu.enqueue_indirect_dma source(%dma_start3A_59 : memref<100000x256xf32, #tpu.memory_space<hbm>>) target(%arg13 : memref<80x256xf32, #tpu.memory_space<vmem>>) offsets(%dma_start3A_56 : memref<80xi32, #tpu.memory_space<vmem>>) semaphore(%arg19 : memref<!tpu.dma_semaphore, #tpu.memory_space<semaphore_mem>>)
    %dma_start3A_60 = arith.constant 240 : i32
    %dma_start3A_61 = tpu.memref_slice %arg12[%dma_start3A_60] : memref<800xi32, #tpu.memory_space<vmem>> -> memref<80xi32, #tpu.memory_space<vmem>>
    %dma_start3A_62 = arith.constant 0 : i32
    %dma_start3A_63 = arith.constant 0 : i32
    %dma_start3A_64 = tpu.memref_slice %arg7[%dma_start3A_62, %dma_start3A_63] : memref<100000x128xf32, #tpu.memory_space<hbm>> -> memref<100000x128xf32, #tpu.memory_space<hbm>>
    tpu.enqueue_indirect_dma source(%dma_start3A_64 : memref<100000x128xf32, #tpu.memory_space<hbm>>) target(%arg14 : memref<80x128xf32, #tpu.memory_space<vmem>>) offsets(%dma_start3A_61 : memref<80xi32, #tpu.memory_space<vmem>>) semaphore(%arg20 : memref<!tpu.dma_semaphore, #tpu.memory_space<semaphore_mem>>)
    %scan3A_65 = arith.constant 0 : i32
    %scan3A_66 = arith.constant 0 : i32
    %scan3A_67 = arith.constant 3 : i32
    %scan3A_68 = arith.addi %scan3A_66, %scan3A_67 : i32
    %scan3A_69 = arith.constant 1 : i32
    %scan3A_70 = scf.for %scan3A_110 = %scan3A_66 to %scan3A_68 step %scan3A_69 iter_args(%scan3A_111 = %scan3A_65) -> (i32)  : i32 {
      %jit3A = arith.constant 2 : i32
      %eq3A = arith.constant 0 : i32
      %eq3A_112 = arith.cmpi eq, %jit3A, %eq3A : i32
      %jit3A_113 = arith.constant 1 : i32
      %select_n3A = arith.select %eq3A_112, %jit3A_113, %jit3A : i32
      %rem3A = arith.remsi %scan3A_110, %select_n3A : i32
      %ne3A = arith.constant 0 : i32
      %ne3A_114 = arith.cmpi ne, %rem3A, %ne3A : i32
      %lt3A = arith.constant 0 : i32
      %lt3A_115 = arith.cmpi slt, %rem3A, %lt3A : i32
      %lt3A_116 = arith.constant 0 : i32
      %lt3A_117 = arith.cmpi slt, %select_n3A, %lt3A_116 : i32
      %ne3A_118 = arith.xori %lt3A_115, %lt3A_117 : i1
      %and3A = arith.andi %ne3A_118, %ne3A_114 : i1
      %add3A_119 = arith.addi %rem3A, %select_n3A : i32
      %select_n3A_120 = arith.select %and3A, %add3A_119, %rem3A : i32
      %eq3A_121 = arith.constant 0 : i32
      %eq3A_122 = arith.cmpi eq, %select_n3A_120, %eq3A_121 : i32
      %convert_element_type3A = arith.extui %eq3A_122 : i1 to i32
      %cond3A = arith.constant 0 : i32
      %cond3A_123 = arith.cmpi ne, %convert_element_type3A, %cond3A : i32
      scf.if %cond3A_123 {
        %add3A_146 = arith.constant 1 : i32
        %add3A_147 = arith.addi %scan3A_110, %add3A_146 : i32
        %lt3A_148 = arith.constant 3 : i32
        %lt3A_149 = arith.cmpi slt, %add3A_147, %lt3A_148 : i32
        %convert_element_type3A_150 = arith.extui %lt3A_149 : i1 to i32
        %cond3A_151 = arith.constant 0 : i32
        %cond3A_152 = arith.cmpi ne, %convert_element_type3A_150, %cond3A_151 : i32
        scf.if %cond3A_152 {
          %add3A_173 = arith.constant 1 : i32
          %add3A_174 = arith.addi %scan3A_110, %add3A_173 : i32
          %mul3A_175 = arith.constant 80 : i32
          %mul3A_176 = arith.muli %add3A_174, %mul3A_175 : i32
          %add3A_177 = arith.constant 240 : i32
          %add3A_178 = arith.addi %add3A_177, %mul3A_176 : i32
          %dma_start3A_179 = tpu.memref_slice %arg12[%add3A_178] : memref<800xi32, #tpu.memory_space<vmem>> -> memref<80xi32, #tpu.memory_space<vmem>>
          %dma_start3A_180 = arith.constant 0 : i32
          %dma_start3A_181 = arith.constant 0 : i32
          %dma_start3A_182 = tpu.memref_slice %arg6[%dma_start3A_180, %dma_start3A_181] : memref<100000x300xf32, #tpu.memory_space<hbm>> -> memref<100000x256xf32, #tpu.memory_space<hbm>>
          tpu.enqueue_indirect_dma source(%dma_start3A_182 : memref<100000x256xf32, #tpu.memory_space<hbm>>) target(%arg16 : memref<80x256xf32, #tpu.memory_space<vmem>>) offsets(%dma_start3A_179 : memref<80xi32, #tpu.memory_space<vmem>>) semaphore(%arg21 : memref<!tpu.dma_semaphore, #tpu.memory_space<semaphore_mem>>)
          %dma_start3A_183 = tpu.memref_slice %arg12[%add3A_178] : memref<800xi32, #tpu.memory_space<vmem>> -> memref<80xi32, #tpu.memory_space<vmem>>
          %dma_start3A_184 = arith.constant 0 : i32
          %dma_start3A_185 = arith.constant 0 : i32
          %dma_start3A_186 = tpu.memref_slice %arg7[%dma_start3A_184, %dma_start3A_185] : memref<100000x128xf32, #tpu.memory_space<hbm>> -> memref<100000x128xf32, #tpu.memory_space<hbm>>
          tpu.enqueue_indirect_dma source(%dma_start3A_186 : memref<100000x128xf32, #tpu.memory_space<hbm>>) target(%arg17 : memref<80x128xf32, #tpu.memory_space<vmem>>) offsets(%dma_start3A_183 : memref<80xi32, #tpu.memory_space<vmem>>) semaphore(%arg22 : memref<!tpu.dma_semaphore, #tpu.memory_space<semaphore_mem>>)
        } else {
        }
        %dma_wait3A_153 = arith.constant 0 : i32
        %dma_wait3A_154 = tpu.memref_slice %arg12[%dma_wait3A_153] : memref<800xi32, #tpu.memory_space<vmem>> -> memref<80xi32, #tpu.memory_space<vmem>>
        %dma_wait3A_155 = arith.constant 0 : i32
        %dma_wait3A_156 = arith.constant 0 : i32
        %dma_wait3A_157 = tpu.memref_slice %arg6[%dma_wait3A_155, %dma_wait3A_156] : memref<100000x300xf32, #tpu.memory_space<hbm>> -> memref<100000x256xf32, #tpu.memory_space<hbm>>
        tpu.wait_indirect_dma semaphore(%arg19 : memref<!tpu.dma_semaphore, #tpu.memory_space<semaphore_mem>>) src(%dma_wait3A_157 : memref<100000x256xf32, #tpu.memory_space<hbm>>) dst(%arg13 : memref<80x256xf32, #tpu.memory_space<vmem>>)
        %dma_wait3A_158 = arith.constant 0 : i32
        %dma_wait3A_159 = tpu.memref_slice %arg12[%dma_wait3A_158] : memref<800xi32, #tpu.memory_space<vmem>> -> memref<80xi32, #tpu.memory_space<vmem>>
        %dma_wait3A_160 = arith.constant 0 : i32
        %dma_wait3A_161 = arith.constant 0 : i32
        %dma_wait3A_162 = tpu.memref_slice %arg7[%dma_wait3A_160, %dma_wait3A_161] : memref<100000x128xf32, #tpu.memory_space<hbm>> -> memref<100000x128xf32, #tpu.memory_space<hbm>>
        tpu.wait_indirect_dma semaphore(%arg20 : memref<!tpu.dma_semaphore, #tpu.memory_space<semaphore_mem>>) src(%dma_wait3A_162 : memref<100000x128xf32, #tpu.memory_space<hbm>>) dst(%arg14 : memref<80x128xf32, #tpu.memory_space<vmem>>)
        %scan3A_163 = arith.constant 0 : i32
        %scan3A_164 = arith.constant 0 : i32
        %scan3A_165 = arith.constant 80 : i32
        %scan3A_166 = arith.addi %scan3A_164, %scan3A_165 : i32
        %scan3A_167 = arith.constant 4 : i32
        %scan3A_168 = scf.for %scan3A_173 = %scan3A_164 to %scan3A_166 step %scan3A_167 iter_args(%scan3A_174 = %scan3A_163) -> (i32)  : i32 {
          %get3A = arith.index_cast %scan3A_173 : i32 to index
          %get3A_175 = arith.constant 0 : index
          %get3A_176 = tpu.vector_load %arg14[%get3A, %get3A_175] {strides = array<i32>} : memref<80x128xf32, #tpu.memory_space<vmem>>, vector<1x16xf32>,
          %get3A_177 = vector.shape_cast %get3A_176 : vector<1x16xf32> to vector<16xf32>
          %swap3A = arith.index_cast %scan3A_173 : i32 to index
          %swap3A_178 = arith.constant 0 : index
          %swap3A_179 = tpu.vector_load %arg15[%swap3A, %swap3A_178] {strides = array<i32>} : memref<80x44xf32, #tpu.memory_space<vmem>>, vector<1x16xf32>,
          %swap3A_180 = vector.shape_cast %swap3A_179 : vector<1x16xf32> to vector<16xf32>
          %swap3A_181 = vector.shape_cast %get3A_177 : vector<16xf32> to vector<1x16xf32>
          tpu.vector_store %arg15[%swap3A, %swap3A_178], %swap3A_181 {strides = array<i32>} : memref<80x44xf32, #tpu.memory_space<vmem>>, vector<1x16xf32>,
          %get3A_182 = arith.index_cast %scan3A_173 : i32 to index
          %get3A_183 = arith.constant 16 : index
          %get3A_184 = tpu.vector_load %arg14[%get3A_182, %get3A_183] {strides = array<i32>} : memref<80x128xf32, #tpu.memory_space<vmem>>, vector<1x16xf32>,
          %get3A_185 = vector.shape_cast %get3A_184 : vector<1x16xf32> to vector<16xf32>
          %swap3A_186 = arith.index_cast %scan3A_173 : i32 to index
          %swap3A_187 = arith.constant 16 : index
          %swap3A_188 = tpu.vector_load %arg15[%swap3A_186, %swap3A_187] {strides = array<i32>} : memref<80x44xf32, #tpu.memory_space<vmem>>, vector<1x16xf32>,
          %swap3A_189 = vector.shape_cast %swap3A_188 : vector<1x16xf32> to vector<16xf32>
          %swap3A_190 = vector.shape_cast %get3A_185 : vector<16xf32> to vector<1x16xf32>
          tpu.vector_store %arg15[%swap3A_186, %swap3A_187], %swap3A_190 {strides = array<i32>} : memref<80x44xf32, #tpu.memory_space<vmem>>, vector<1x16xf32>,
          %get3A_191 = arith.index_cast %scan3A_173 : i32 to index
          %get3A_192 = arith.constant 28 : index
          %get3A_193 = tpu.vector_load %arg14[%get3A_191, %get3A_192] {strides = array<i32>} : memref<80x128xf32, #tpu.memory_space<vmem>>, vector<1x16xf32>,
          %get3A_194 = vector.shape_cast %get3A_193 : vector<1x16xf32> to vector<16xf32>
          %swap3A_195 = arith.index_cast %scan3A_173 : i32 to index
          %swap3A_196 = arith.constant 28 : index
          %swap3A_197 = tpu.vector_load %arg15[%swap3A_195, %swap3A_196] {strides = array<i32>} : memref<80x44xf32, #tpu.memory_space<vmem>>, vector<1x16xf32>,
          %swap3A_198 = vector.shape_cast %swap3A_197 : vector<1x16xf32> to vector<16xf32>
          %swap3A_199 = vector.shape_cast %get3A_194 : vector<16xf32> to vector<1x16xf32>
          tpu.vector_store %arg15[%swap3A_195, %swap3A_196], %swap3A_199 {strides = array<i32>} : memref<80x44xf32, #tpu.memory_space<vmem>>, vector<1x16xf32>,
          %scan3A_200 = arith.constant 0 : i32
          %scan3A_201 = arith.constant 1 : i32
          %scan3A_202 = arith.addi %scan3A_173, %scan3A_201 : i32
          %get3A_203 = arith.index_cast %scan3A_202 : i32 to index
          %get3A_204 = arith.constant 0 : index
          %get3A_205 = tpu.vector_load %arg14[%get3A_203, %get3A_204] {strides = array<i32>} : memref<80x128xf32, #tpu.memory_space<vmem>>, vector<1x16xf32>,
          %get3A_206 = vector.shape_cast %get3A_205 : vector<1x16xf32> to vector<16xf32>
          %swap3A_207 = arith.index_cast %scan3A_202 : i32 to index
          %swap3A_208 = arith.constant 0 : index
          %swap3A_209 = tpu.vector_load %arg15[%swap3A_207, %swap3A_208] {strides = array<i32>} : memref<80x44xf32, #tpu.memory_space<vmem>>, vector<1x16xf32>,
          %swap3A_210 = vector.shape_cast %swap3A_209 : vector<1x16xf32> to vector<16xf32>
          %swap3A_211 = vector.shape_cast %get3A_206 : vector<16xf32> to vector<1x16xf32>
          tpu.vector_store %arg15[%swap3A_207, %swap3A_208], %swap3A_211 {strides = array<i32>} : memref<80x44xf32, #tpu.memory_space<vmem>>, vector<1x16xf32>,
          %get3A_212 = arith.index_cast %scan3A_202 : i32 to index
          %get3A_213 = arith.constant 16 : index
          %get3A_214 = tpu.vector_load %arg14[%get3A_212, %get3A_213] {strides = array<i32>} : memref<80x128xf32, #tpu.memory_space<vmem>>, vector<1x16xf32>,
          %get3A_215 = vector.shape_cast %get3A_214 : vector<1x16xf32> to vector<16xf32>
          %swap3A_216 = arith.index_cast %scan3A_202 : i32 to index
          %swap3A_217 = arith.constant 16 : index
          %swap3A_218 = tpu.vector_load %arg15[%swap3A_216, %swap3A_217] {strides = array<i32>} : memref<80x44xf32, #tpu.memory_space<vmem>>, vector<1x16xf32>,
          %swap3A_219 = vector.shape_cast %swap3A_218 : vector<1x16xf32> to vector<16xf32>
          %swap3A_220 = vector.shape_cast %get3A_215 : vector<16xf32> to vector<1x16xf32>
          tpu.vector_store %arg15[%swap3A_216, %swap3A_217], %swap3A_220 {strides = array<i32>} : memref<80x44xf32, #tpu.memory_space<vmem>>, vector<1x16xf32>,
          %get3A_221 = arith.index_cast %scan3A_202 : i32 to index
          %get3A_222 = arith.constant 28 : index
          %get3A_223 = tpu.vector_load %arg14[%get3A_221, %get3A_222] {strides = array<i32>} : memref<80x128xf32, #tpu.memory_space<vmem>>, vector<1x16xf32>,
          %get3A_224 = vector.shape_cast %get3A_223 : vector<1x16xf32> to vector<16xf32>
          %swap3A_225 = arith.index_cast %scan3A_202 : i32 to index
          %swap3A_226 = arith.constant 28 : index
          %swap3A_227 = tpu.vector_load %arg15[%swap3A_225, %swap3A_226] {strides = array<i32>} : memref<80x44xf32, #tpu.memory_space<vmem>>, vector<1x16xf32>,
          %swap3A_228 = vector.shape_cast %swap3A_227 : vector<1x16xf32> to vector<16xf32>
          %swap3A_229 = vector.shape_cast %get3A_224 : vector<16xf32> to vector<1x16xf32>
          tpu.vector_store %arg15[%swap3A_225, %swap3A_226], %swap3A_229 {strides = array<i32>} : memref<80x44xf32, #tpu.memory_space<vmem>>, vector<1x16xf32>,
          %scan3A_230 = arith.constant 0 : i32
          %scan3A_231 = arith.constant 2 : i32
          %scan3A_232 = arith.addi %scan3A_173, %scan3A_231 : i32
          %get3A_233 = arith.index_cast %scan3A_232 : i32 to index
          %get3A_234 = arith.constant 0 : index
          %get3A_235 = tpu.vector_load %arg14[%get3A_233, %get3A_234] {strides = array<i32>} : memref<80x128xf32, #tpu.memory_space<vmem>>, vector<1x16xf32>,
          %get3A_236 = vector.shape_cast %get3A_235 : vector<1x16xf32> to vector<16xf32>
          %swap3A_237 = arith.index_cast %scan3A_232 : i32 to index
          %swap3A_238 = arith.constant 0 : index
          %swap3A_239 = tpu.vector_load %arg15[%swap3A_237, %swap3A_238] {strides = array<i32>} : memref<80x44xf32, #tpu.memory_space<vmem>>, vector<1x16xf32>,
          %swap3A_240 = vector.shape_cast %swap3A_239 : vector<1x16xf32> to vector<16xf32>
          %swap3A_241 = vector.shape_cast %get3A_236 : vector<16xf32> to vector<1x16xf32>
          tpu.vector_store %arg15[%swap3A_237, %swap3A_238], %swap3A_241 {strides = array<i32>} : memref<80x44xf32, #tpu.memory_space<vmem>>, vector<1x16xf32>,
          %get3A_242 = arith.index_cast %scan3A_232 : i32 to index
          %get3A_243 = arith.constant 16 : index
          %get3A_244 = tpu.vector_load %arg14[%get3A_242, %get3A_243] {strides = array<i32>} : memref<80x128xf32, #tpu.memory_space<vmem>>, vector<1x16xf32>,
          %get3A_245 = vector.shape_cast %get3A_244 : vector<1x16xf32> to vector<16xf32>
          %swap3A_246 = arith.index_cast %scan3A_232 : i32 to index
          %swap3A_247 = arith.constant 16 : index
          %swap3A_248 = tpu.vector_load %arg15[%swap3A_246, %swap3A_247] {strides = array<i32>} : memref<80x44xf32, #tpu.memory_space<vmem>>, vector<1x16xf32>,
          %swap3A_249 = vector.shape_cast %swap3A_248 : vector<1x16xf32> to vector<16xf32>
          %swap3A_250 = vector.shape_cast %get3A_245 : vector<16xf32> to vector<1x16xf32>
          tpu.vector_store %arg15[%swap3A_246, %swap3A_247], %swap3A_250 {strides = array<i32>} : memref<80x44xf32, #tpu.memory_space<vmem>>, vector<1x16xf32>,
          %get3A_251 = arith.index_cast %scan3A_232 : i32 to index
          %get3A_252 = arith.constant 28 : index
          %get3A_253 = tpu.vector_load %arg14[%get3A_251, %get3A_252] {strides = array<i32>} : memref<80x128xf32, #tpu.memory_space<vmem>>, vector<1x16xf32>,
          %get3A_254 = vector.shape_cast %get3A_253 : vector<1x16xf32> to vector<16xf32>
          %swap3A_255 = arith.index_cast %scan3A_232 : i32 to index
          %swap3A_256 = arith.constant 28 : index
          %swap3A_257 = tpu.vector_load %arg15[%swap3A_255, %swap3A_256] {strides = array<i32>} : memref<80x44xf32, #tpu.memory_space<vmem>>, vector<1x16xf32>,
          %swap3A_258 = vector.shape_cast %swap3A_257 : vector<1x16xf32> to vector<16xf32>
          %swap3A_259 = vector.shape_cast %get3A_254 : vector<16xf32> to vector<1x16xf32>
          tpu.vector_store %arg15[%swap3A_255, %swap3A_256], %swap3A_259 {strides = array<i32>} : memref<80x44xf32, #tpu.memory_space<vmem>>, vector<1x16xf32>,
          %scan3A_260 = arith.constant 0 : i32
          %scan3A_261 = arith.constant 3 : i32
          %scan3A_262 = arith.addi %scan3A_173, %scan3A_261 : i32
          %get3A_263 = arith.index_cast %scan3A_262 : i32 to index
          %get3A_264 = arith.constant 0 : index
          %get3A_265 = tpu.vector_load %arg14[%get3A_263, %get3A_264] {strides = array<i32>} : memref<80x128xf32, #tpu.memory_space<vmem>>, vector<1x16xf32>,
          %get3A_266 = vector.shape_cast %get3A_265 : vector<1x16xf32> to vector<16xf32>
          %swap3A_267 = arith.index_cast %scan3A_262 : i32 to index
          %swap3A_268 = arith.constant 0 : index
          %swap3A_269 = tpu.vector_load %arg15[%swap3A_267, %swap3A_268] {strides = array<i32>} : memref<80x44xf32, #tpu.memory_space<vmem>>, vector<1x16xf32>,
          %swap3A_270 = vector.shape_cast %swap3A_269 : vector<1x16xf32> to vector<16xf32>
          %swap3A_271 = vector.shape_cast %get3A_266 : vector<16xf32> to vector<1x16xf32>
          tpu.vector_store %arg15[%swap3A_267, %swap3A_268], %swap3A_271 {strides = array<i32>} : memref<80x44xf32, #tpu.memory_space<vmem>>, vector<1x16xf32>,
          %get3A_272 = arith.index_cast %scan3A_262 : i32 to index
          %get3A_273 = arith.constant 16 : index
          %get3A_274 = tpu.vector_load %arg14[%get3A_272, %get3A_273] {strides = array<i32>} : memref<80x128xf32, #tpu.memory_space<vmem>>, vector<1x16xf32>,
          %get3A_275 = vector.shape_cast %get3A_274 : vector<1x16xf32> to vector<16xf32>
          %swap3A_276 = arith.index_cast %scan3A_262 : i32 to index
          %swap3A_277 = arith.constant 16 : index
          %swap3A_278 = tpu.vector_load %arg15[%swap3A_276, %swap3A_277] {strides = array<i32>} : memref<80x44xf32, #tpu.memory_space<vmem>>, vector<1x16xf32>,
          %swap3A_279 = vector.shape_cast %swap3A_278 : vector<1x16xf32> to vector<16xf32>
          %swap3A_280 = vector.shape_cast %get3A_275 : vector<16xf32> to vector<1x16xf32>
          tpu.vector_store %arg15[%swap3A_276, %swap3A_277], %swap3A_280 {strides = array<i32>} : memref<80x44xf32, #tpu.memory_space<vmem>>, vector<1x16xf32>,
          %get3A_281 = arith.index_cast %scan3A_262 : i32 to index
          %get3A_282 = arith.constant 28 : index
          %get3A_283 = tpu.vector_load %arg14[%get3A_281, %get3A_282] {strides = array<i32>} : memref<80x128xf32, #tpu.memory_space<vmem>>, vector<1x16xf32>,
          %get3A_284 = vector.shape_cast %get3A_283 : vector<1x16xf32> to vector<16xf32>
          %swap3A_285 = arith.index_cast %scan3A_262 : i32 to index
          %swap3A_286 = arith.constant 28 : index
          %swap3A_287 = tpu.vector_load %arg15[%swap3A_285, %swap3A_286] {strides = array<i32>} : memref<80x44xf32, #tpu.memory_space<vmem>>, vector<1x16xf32>,
          %swap3A_288 = vector.shape_cast %swap3A_287 : vector<1x16xf32> to vector<16xf32>
          %swap3A_289 = vector.shape_cast %get3A_284 : vector<16xf32> to vector<1x16xf32>
          tpu.vector_store %arg15[%swap3A_285, %swap3A_286], %swap3A_289 {strides = array<i32>} : memref<80x44xf32, #tpu.memory_space<vmem>>, vector<1x16xf32>,
          %scan3A_290 = arith.constant 0 : i32
          scf.yield %scan3A_290 : i32
        }
        %scan3A_169 = arith.constant 80 : i32
        %mul3A_170 = arith.constant 80 : i32
        %mul3A_171 = arith.muli %scan3A_110, %mul3A_170 : i32
        %add3A_172 = arith.addi %mul3A_54, %mul3A_171 : i32
        "tpu.region"() ({
          %run_scoped3A = tpu.sem_alloc : memref<!tpu.dma_semaphore, #tpu.memory_space<semaphore_mem>>
          %dma_start3A_173 = arith.constant 0 : i32
          %dma_start3A_174 = tpu.memref_slice %arg9[%add3A_172, %dma_start3A_173] : memref<7680x300xf32, #tpu.memory_space<hbm>> -> memref<80x256xf32, #tpu.memory_space<hbm>>
          %dma_start3A_175 = arith.constant 0 : i32
          %dma_start3A_176 = tpu.memref_slice %arg9[%add3A_172, %dma_start3A_175] : memref<7680x300xf32, #tpu.memory_space<hbm>> -> memref<80x256xf32, #tpu.memory_space<hbm>>
          tpu.enqueue_dma source(%arg13 : memref<80x256xf32, #tpu.memory_space<vmem>>) target(%dma_start3A_176 : memref<80x256xf32, #tpu.memory_space<hbm>>) target_semaphore(%run_scoped3A : memref<!tpu.dma_semaphore, #tpu.memory_space<semaphore_mem>>)
          %dma_wait3A_177 = arith.constant 0 : i32
          %dma_wait3A_178 = tpu.memref_slice %arg9[%add3A_172, %dma_wait3A_177] : memref<7680x300xf32, #tpu.memory_space<hbm>> -> memref<80x256xf32, #tpu.memory_space<hbm>>
          %dma_wait3A_179 = arith.constant 0 : i32
          %dma_wait3A_180 = tpu.memref_slice %arg9[%add3A_172, %dma_wait3A_179] : memref<7680x300xf32, #tpu.memory_space<hbm>> -> memref<80x256xf32, #tpu.memory_space<hbm>>
          tpu.wait_dma2 semaphore(%run_scoped3A : memref<!tpu.dma_semaphore, #tpu.memory_space<semaphore_mem>>) src(%arg13 : memref<80x256xf32, #tpu.memory_space<vmem>>) dst(%dma_wait3A_180 : memref<80x256xf32, #tpu.memory_space<hbm>>)
          tpu.yield
        }) : () -> ()
        "tpu.region"() ({
          %run_scoped3A = tpu.sem_alloc : memref<!tpu.dma_semaphore, #tpu.memory_space<semaphore_mem>>
          %dma_start3A_173 = arith.constant 256 : i32
          %dma_start3A_174 = tpu.memref_slice %arg9[%add3A_172, %dma_start3A_173] : memref<7680x300xf32, #tpu.memory_space<hbm>> -> memref<80x44xf32, #tpu.memory_space<hbm>>
          %dma_start3A_175 = arith.constant 256 : i32
          %dma_start3A_176 = tpu.memref_slice %arg9[%add3A_172, %dma_start3A_175] : memref<7680x300xf32, #tpu.memory_space<hbm>> -> memref<80x44xf32, #tpu.memory_space<hbm>>
          tpu.enqueue_dma source(%arg15 : memref<80x44xf32, #tpu.memory_space<vmem>>) target(%dma_start3A_176 : memref<80x44xf32, #tpu.memory_space<hbm>>) target_semaphore(%run_scoped3A : memref<!tpu.dma_semaphore, #tpu.memory_space<semaphore_mem>>)
          %dma_wait3A_177 = arith.constant 256 : i32
          %dma_wait3A_178 = tpu.memref_slice %arg9[%add3A_172, %dma_wait3A_177] : memref<7680x300xf32, #tpu.memory_space<hbm>> -> memref<80x44xf32, #tpu.memory_space<hbm>>
          %dma_wait3A_179 = arith.constant 256 : i32
          %dma_wait3A_180 = tpu.memref_slice %arg9[%add3A_172, %dma_wait3A_179] : memref<7680x300xf32, #tpu.memory_space<hbm>> -> memref<80x44xf32, #tpu.memory_space<hbm>>
          tpu.wait_dma2 semaphore(%run_scoped3A : memref<!tpu.dma_semaphore, #tpu.memory_space<semaphore_mem>>) src(%arg15 : memref<80x44xf32, #tpu.memory_space<vmem>>) dst(%dma_wait3A_180 : memref<80x44xf32, #tpu.memory_space<hbm>>)
          tpu.yield
        }) : () -> ()
      } else {
      }
      %jit3A_124 = arith.constant 2 : i32
      %eq3A_125 = arith.constant 0 : i32
      %eq3A_126 = arith.cmpi eq, %jit3A_124, %eq3A_125 : i32
      %jit3A_127 = arith.constant 1 : i32
      %select_n3A_128 = arith.select %eq3A_126, %jit3A_127, %jit3A_124 : i32
      %rem3A_129 = arith.remsi %scan3A_110, %select_n3A_128 : i32
      %ne3A_130 = arith.constant 0 : i32
      %ne3A_131 = arith.cmpi ne, %rem3A_129, %ne3A_130 : i32
      %lt3A_132 = arith.constant 0 : i32
      %lt3A_133 = arith.cmpi slt, %rem3A_129, %lt3A_132 : i32
      %lt3A_134 = arith.constant 0 : i32
      %lt3A_135 = arith.cmpi slt, %select_n3A_128, %lt3A_134 : i32
      %ne3A_136 = arith.xori %lt3A_133, %lt3A_135 : i1
      %and3A_137 = arith.andi %ne3A_136, %ne3A_131 : i1
      %add3A_138 = arith.addi %rem3A_129, %select_n3A_128 : i32
      %select_n3A_139 = arith.select %and3A_137, %add3A_138, %rem3A_129 : i32
      %eq3A_140 = arith.constant 1 : i32
      %eq3A_141 = arith.cmpi eq, %select_n3A_139, %eq3A_140 : i32
      %convert_element_type3A_142 = arith.extui %eq3A_141 : i1 to i32
      %cond3A_143 = arith.constant 0 : i32
      %cond3A_144 = arith.cmpi ne, %convert_element_type3A_142, %cond3A_143 : i32
      scf.if %cond3A_144 {
        %add3A_146 = arith.constant 1 : i32
        %add3A_147 = arith.addi %scan3A_110, %add3A_146 : i32
        %lt3A_148 = arith.constant 3 : i32
        %lt3A_149 = arith.cmpi slt, %add3A_147, %lt3A_148 : i32
        %convert_element_type3A_150 = arith.extui %lt3A_149 : i1 to i32
        %cond3A_151 = arith.constant 0 : i32
        %cond3A_152 = arith.cmpi ne, %convert_element_type3A_150, %cond3A_151 : i32
        scf.if %cond3A_152 {
          %add3A_173 = arith.constant 1 : i32
          %add3A_174 = arith.addi %scan3A_110, %add3A_173 : i32
          %mul3A_175 = arith.constant 80 : i32
          %mul3A_176 = arith.muli %add3A_174, %mul3A_175 : i32
          %add3A_177 = arith.constant 240 : i32
          %add3A_178 = arith.addi %add3A_177, %mul3A_176 : i32
          %dma_start3A_179 = tpu.memref_slice %arg12[%add3A_178] : memref<800xi32, #tpu.memory_space<vmem>> -> memref<80xi32, #tpu.memory_space<vmem>>
          %dma_start3A_180 = arith.constant 0 : i32
          %dma_start3A_181 = arith.constant 0 : i32
          %dma_start3A_182 = tpu.memref_slice %arg6[%dma_start3A_180, %dma_start3A_181] : memref<100000x300xf32, #tpu.memory_space<hbm>> -> memref<100000x256xf32, #tpu.memory_space<hbm>>
          tpu.enqueue_indirect_dma source(%dma_start3A_182 : memref<100000x256xf32, #tpu.memory_space<hbm>>) target(%arg13 : memref<80x256xf32, #tpu.memory_space<vmem>>) offsets(%dma_start3A_179 : memref<80xi32, #tpu.memory_space<vmem>>) semaphore(%arg19 : memref<!tpu.dma_semaphore, #tpu.memory_space<semaphore_mem>>)
          %dma_start3A_183 = tpu.memref_slice %arg12[%add3A_178] : memref<800xi32, #tpu.memory_space<vmem>> -> memref<80xi32, #tpu.memory_space<vmem>>
          %dma_start3A_184 = arith.constant 0 : i32
          %dma_start3A_185 = arith.constant 0 : i32
          %dma_start3A_186 = tpu.memref_slice %arg7[%dma_start3A_184, %dma_start3A_185] : memref<100000x128xf32, #tpu.memory_space<hbm>> -> memref<100000x128xf32, #tpu.memory_space<hbm>>
          tpu.enqueue_indirect_dma source(%dma_start3A_186 : memref<100000x128xf32, #tpu.memory_space<hbm>>) target(%arg14 : memref<80x128xf32, #tpu.memory_space<vmem>>) offsets(%dma_start3A_183 : memref<80xi32, #tpu.memory_space<vmem>>) semaphore(%arg20 : memref<!tpu.dma_semaphore, #tpu.memory_space<semaphore_mem>>)
        } else {
        }
        %dma_wait3A_153 = arith.constant 0 : i32
        %dma_wait3A_154 = tpu.memref_slice %arg12[%dma_wait3A_153] : memref<800xi32, #tpu.memory_space<vmem>> -> memref<80xi32, #tpu.memory_space<vmem>>
        %dma_wait3A_155 = arith.constant 0 : i32
        %dma_wait3A_156 = arith.constant 0 : i32
        %dma_wait3A_157 = tpu.memref_slice %arg6[%dma_wait3A_155, %dma_wait3A_156] : memref<100000x300xf32, #tpu.memory_space<hbm>> -> memref<100000x256xf32, #tpu.memory_space<hbm>>
        tpu.wait_indirect_dma semaphore(%arg21 : memref<!tpu.dma_semaphore, #tpu.memory_space<semaphore_mem>>) src(%dma_wait3A_157 : memref<100000x256xf32, #tpu.memory_space<hbm>>) dst(%arg16 : memref<80x256xf32, #tpu.memory_space<vmem>>)
        %dma_wait3A_158 = arith.constant 0 : i32
        %dma_wait3A_159 = tpu.memref_slice %arg12[%dma_wait3A_158] : memref<800xi32, #tpu.memory_space<vmem>> -> memref<80xi32, #tpu.memory_space<vmem>>
        %dma_wait3A_160 = arith.constant 0 : i32
        %dma_wait3A_161 = arith.constant 0 : i32
        %dma_wait3A_162 = tpu.memref_slice %arg7[%dma_wait3A_160, %dma_wait3A_161] : memref<100000x128xf32, #tpu.memory_space<hbm>> -> memref<100000x128xf32, #tpu.memory_space<hbm>>
        tpu.wait_indirect_dma semaphore(%arg22 : memref<!tpu.dma_semaphore, #tpu.memory_space<semaphore_mem>>) src(%dma_wait3A_162 : memref<100000x128xf32, #tpu.memory_space<hbm>>) dst(%arg17 : memref<80x128xf32, #tpu.memory_space<vmem>>)
        %scan3A_163 = arith.constant 0 : i32
        %scan3A_164 = arith.constant 0 : i32
        %scan3A_165 = arith.constant 80 : i32
        %scan3A_166 = arith.addi %scan3A_164, %scan3A_165 : i32
        %scan3A_167 = arith.constant 4 : i32
        %scan3A_168 = scf.for %scan3A_173 = %scan3A_164 to %scan3A_166 step %scan3A_167 iter_args(%scan3A_174 = %scan3A_163) -> (i32)  : i32 {
          %get3A = arith.index_cast %scan3A_173 : i32 to index
          %get3A_175 = arith.constant 0 : index
          %get3A_176 = tpu.vector_load %arg17[%get3A, %get3A_175] {strides = array<i32>} : memref<80x128xf32, #tpu.memory_space<vmem>>, vector<1x16xf32>,
          %get3A_177 = vector.shape_cast %get3A_176 : vector<1x16xf32> to vector<16xf32>
          %swap3A = arith.index_cast %scan3A_173 : i32 to index
          %swap3A_178 = arith.constant 0 : index
          %swap3A_179 = tpu.vector_load %arg18[%swap3A, %swap3A_178] {strides = array<i32>} : memref<80x44xf32, #tpu.memory_space<vmem>>, vector<1x16xf32>,
          %swap3A_180 = vector.shape_cast %swap3A_179 : vector<1x16xf32> to vector<16xf32>
          %swap3A_181 = vector.shape_cast %get3A_177 : vector<16xf32> to vector<1x16xf32>
          tpu.vector_store %arg18[%swap3A, %swap3A_178], %swap3A_181 {strides = array<i32>} : memref<80x44xf32, #tpu.memory_space<vmem>>, vector<1x16xf32>,
          %get3A_182 = arith.index_cast %scan3A_173 : i32 to index
          %get3A_183 = arith.constant 16 : index
          %get3A_184 = tpu.vector_load %arg17[%get3A_182, %get3A_183] {strides = array<i32>} : memref<80x128xf32, #tpu.memory_space<vmem>>, vector<1x16xf32>,
          %get3A_185 = vector.shape_cast %get3A_184 : vector<1x16xf32> to vector<16xf32>
          %swap3A_186 = arith.index_cast %scan3A_173 : i32 to index
          %swap3A_187 = arith.constant 16 : index
          %swap3A_188 = tpu.vector_load %arg18[%swap3A_186, %swap3A_187] {strides = array<i32>} : memref<80x44xf32, #tpu.memory_space<vmem>>, vector<1x16xf32>,
          %swap3A_189 = vector.shape_cast %swap3A_188 : vector<1x16xf32> to vector<16xf32>
          %swap3A_190 = vector.shape_cast %get3A_185 : vector<16xf32> to vector<1x16xf32>
          tpu.vector_store %arg18[%swap3A_186, %swap3A_187], %swap3A_190 {strides = array<i32>} : memref<80x44xf32, #tpu.memory_space<vmem>>, vector<1x16xf32>,
          %get3A_191 = arith.index_cast %scan3A_173 : i32 to index
          %get3A_192 = arith.constant 28 : index
          %get3A_193 = tpu.vector_load %arg17[%get3A_191, %get3A_192] {strides = array<i32>} : memref<80x128xf32, #tpu.memory_space<vmem>>, vector<1x16xf32>,
          %get3A_194 = vector.shape_cast %get3A_193 : vector<1x16xf32> to vector<16xf32>
          %swap3A_195 = arith.index_cast %scan3A_173 : i32 to index
          %swap3A_196 = arith.constant 28 : index
          %swap3A_197 = tpu.vector_load %arg18[%swap3A_195, %swap3A_196] {strides = array<i32>} : memref<80x44xf32, #tpu.memory_space<vmem>>, vector<1x16xf32>,
          %swap3A_198 = vector.shape_cast %swap3A_197 : vector<1x16xf32> to vector<16xf32>
          %swap3A_199 = vector.shape_cast %get3A_194 : vector<16xf32> to vector<1x16xf32>
          tpu.vector_store %arg18[%swap3A_195, %swap3A_196], %swap3A_199 {strides = array<i32>} : memref<80x44xf32, #tpu.memory_space<vmem>>, vector<1x16xf32>,
          %scan3A_200 = arith.constant 0 : i32
          %scan3A_201 = arith.constant 1 : i32
          %scan3A_202 = arith.addi %scan3A_173, %scan3A_201 : i32
          %get3A_203 = arith.index_cast %scan3A_202 : i32 to index
          %get3A_204 = arith.constant 0 : index
          %get3A_205 = tpu.vector_load %arg17[%get3A_203, %get3A_204] {strides = array<i32>} : memref<80x128xf32, #tpu.memory_space<vmem>>, vector<1x16xf32>,
          %get3A_206 = vector.shape_cast %get3A_205 : vector<1x16xf32> to vector<16xf32>
          %swap3A_207 = arith.index_cast %scan3A_202 : i32 to index
          %swap3A_208 = arith.constant 0 : index
          %swap3A_209 = tpu.vector_load %arg18[%swap3A_207, %swap3A_208] {strides = array<i32>} : memref<80x44xf32, #tpu.memory_space<vmem>>, vector<1x16xf32>,
          %swap3A_210 = vector.shape_cast %swap3A_209 : vector<1x16xf32> to vector<16xf32>
          %swap3A_211 = vector.shape_cast %get3A_206 : vector<16xf32> to vector<1x16xf32>
          tpu.vector_store %arg18[%swap3A_207, %swap3A_208], %swap3A_211 {strides = array<i32>} : memref<80x44xf32, #tpu.memory_space<vmem>>, vector<1x16xf32>,
          %get3A_212 = arith.index_cast %scan3A_202 : i32 to index
          %get3A_213 = arith.constant 16 : index
          %get3A_214 = tpu.vector_load %arg17[%get3A_212, %get3A_213] {strides = array<i32>} : memref<80x128xf32, #tpu.memory_space<vmem>>, vector<1x16xf32>,
          %get3A_215 = vector.shape_cast %get3A_214 : vector<1x16xf32> to vector<16xf32>
          %swap3A_216 = arith.index_cast %scan3A_202 : i32 to index
          %swap3A_217 = arith.constant 16 : index
          %swap3A_218 = tpu.vector_load %arg18[%swap3A_216, %swap3A_217] {strides = array<i32>} : memref<80x44xf32, #tpu.memory_space<vmem>>, vector<1x16xf32>,
          %swap3A_219 = vector.shape_cast %swap3A_218 : vector<1x16xf32> to vector<16xf32>
          %swap3A_220 = vector.shape_cast %get3A_215 : vector<16xf32> to vector<1x16xf32>
          tpu.vector_store %arg18[%swap3A_216, %swap3A_217], %swap3A_220 {strides = array<i32>} : memref<80x44xf32, #tpu.memory_space<vmem>>, vector<1x16xf32>,
          %get3A_221 = arith.index_cast %scan3A_202 : i32 to index
          %get3A_222 = arith.constant 28 : index
          %get3A_223 = tpu.vector_load %arg17[%get3A_221, %get3A_222] {strides = array<i32>} : memref<80x128xf32, #tpu.memory_space<vmem>>, vector<1x16xf32>,
          %get3A_224 = vector.shape_cast %get3A_223 : vector<1x16xf32> to vector<16xf32>
          %swap3A_225 = arith.index_cast %scan3A_202 : i32 to index
          %swap3A_226 = arith.constant 28 : index
          %swap3A_227 = tpu.vector_load %arg18[%swap3A_225, %swap3A_226] {strides = array<i32>} : memref<80x44xf32, #tpu.memory_space<vmem>>, vector<1x16xf32>,
          %swap3A_228 = vector.shape_cast %swap3A_227 : vector<1x16xf32> to vector<16xf32>
          %swap3A_229 = vector.shape_cast %get3A_224 : vector<16xf32> to vector<1x16xf32>
          tpu.vector_store %arg18[%swap3A_225, %swap3A_226], %swap3A_229 {strides = array<i32>} : memref<80x44xf32, #tpu.memory_space<vmem>>, vector<1x16xf32>,
          %scan3A_230 = arith.constant 0 : i32
          %scan3A_231 = arith.constant 2 : i32
          %scan3A_232 = arith.addi %scan3A_173, %scan3A_231 : i32
          %get3A_233 = arith.index_cast %scan3A_232 : i32 to index
          %get3A_234 = arith.constant 0 : index
          %get3A_235 = tpu.vector_load %arg17[%get3A_233, %get3A_234] {strides = array<i32>} : memref<80x128xf32, #tpu.memory_space<vmem>>, vector<1x16xf32>,
          %get3A_236 = vector.shape_cast %get3A_235 : vector<1x16xf32> to vector<16xf32>
          %swap3A_237 = arith.index_cast %scan3A_232 : i32 to index
          %swap3A_238 = arith.constant 0 : index
          %swap3A_239 = tpu.vector_load %arg18[%swap3A_237, %swap3A_238] {strides = array<i32>} : memref<80x44xf32, #tpu.memory_space<vmem>>, vector<1x16xf32>,
          %swap3A_240 = vector.shape_cast %swap3A_239 : vector<1x16xf32> to vector<16xf32>
          %swap3A_241 = vector.shape_cast %get3A_236 : vector<16xf32> to vector<1x16xf32>
          tpu.vector_store %arg18[%swap3A_237, %swap3A_238], %swap3A_241 {strides = array<i32>} : memref<80x44xf32, #tpu.memory_space<vmem>>, vector<1x16xf32>,
          %get3A_242 = arith.index_cast %scan3A_232 : i32 to index
          %get3A_243 = arith.constant 16 : index
          %get3A_244 = tpu.vector_load %arg17[%get3A_242, %get3A_243] {strides = array<i32>} : memref<80x128xf32, #tpu.memory_space<vmem>>, vector<1x16xf32>,
          %get3A_245 = vector.shape_cast %get3A_244 : vector<1x16xf32> to vector<16xf32>
          %swap3A_246 = arith.index_cast %scan3A_232 : i32 to index
          %swap3A_247 = arith.constant 16 : index
          %swap3A_248 = tpu.vector_load %arg18[%swap3A_246, %swap3A_247] {strides = array<i32>} : memref<80x44xf32, #tpu.memory_space<vmem>>, vector<1x16xf32>,
          %swap3A_249 = vector.shape_cast %swap3A_248 : vector<1x16xf32> to vector<16xf32>
          %swap3A_250 = vector.shape_cast %get3A_245 : vector<16xf32> to vector<1x16xf32>
          tpu.vector_store %arg18[%swap3A_246, %swap3A_247], %swap3A_250 {strides = array<i32>} : memref<80x44xf32, #tpu.memory_space<vmem>>, vector<1x16xf32>,
          %get3A_251 = arith.index_cast %scan3A_232 : i32 to index
          %get3A_252 = arith.constant 28 : index
          %get3A_253 = tpu.vector_load %arg17[%get3A_251, %get3A_252] {strides = array<i32>} : memref<80x128xf32, #tpu.memory_space<vmem>>, vector<1x16xf32>,
          %get3A_254 = vector.shape_cast %get3A_253 : vector<1x16xf32> to vector<16xf32>
          %swap3A_255 = arith.index_cast %scan3A_232 : i32 to index
          %swap3A_256 = arith.constant 28 : index
          %swap3A_257 = tpu.vector_load %arg18[%swap3A_255, %swap3A_256] {strides = array<i32>} : memref<80x44xf32, #tpu.memory_space<vmem>>, vector<1x16xf32>,
          %swap3A_258 = vector.shape_cast %swap3A_257 : vector<1x16xf32> to vector<16xf32>
          %swap3A_259 = vector.shape_cast %get3A_254 : vector<16xf32> to vector<1x16xf32>
          tpu.vector_store %arg18[%swap3A_255, %swap3A_256], %swap3A_259 {strides = array<i32>} : memref<80x44xf32, #tpu.memory_space<vmem>>, vector<1x16xf32>,
          %scan3A_260 = arith.constant 0 : i32
          %scan3A_261 = arith.constant 3 : i32
          %scan3A_262 = arith.addi %scan3A_173, %scan3A_261 : i32
          %get3A_263 = arith.index_cast %scan3A_262 : i32 to index
          %get3A_264 = arith.constant 0 : index
          %get3A_265 = tpu.vector_load %arg17[%get3A_263, %get3A_264] {strides = array<i32>} : memref<80x128xf32, #tpu.memory_space<vmem>>, vector<1x16xf32>,
          %get3A_266 = vector.shape_cast %get3A_265 : vector<1x16xf32> to vector<16xf32>
          %swap3A_267 = arith.index_cast %scan3A_262 : i32 to index
          %swap3A_268 = arith.constant 0 : index
          %swap3A_269 = tpu.vector_load %arg18[%swap3A_267, %swap3A_268] {strides = array<i32>} : memref<80x44xf32, #tpu.memory_space<vmem>>, vector<1x16xf32>,
          %swap3A_270 = vector.shape_cast %swap3A_269 : vector<1x16xf32> to vector<16xf32>
          %swap3A_271 = vector.shape_cast %get3A_266 : vector<16xf32> to vector<1x16xf32>
          tpu.vector_store %arg18[%swap3A_267, %swap3A_268], %swap3A_271 {strides = array<i32>} : memref<80x44xf32, #tpu.memory_space<vmem>>, vector<1x16xf32>,
          %get3A_272 = arith.index_cast %scan3A_262 : i32 to index
          %get3A_273 = arith.constant 16 : index
          %get3A_274 = tpu.vector_load %arg17[%get3A_272, %get3A_273] {strides = array<i32>} : memref<80x128xf32, #tpu.memory_space<vmem>>, vector<1x16xf32>,
          %get3A_275 = vector.shape_cast %get3A_274 : vector<1x16xf32> to vector<16xf32>
          %swap3A_276 = arith.index_cast %scan3A_262 : i32 to index
          %swap3A_277 = arith.constant 16 : index
          %swap3A_278 = tpu.vector_load %arg18[%swap3A_276, %swap3A_277] {strides = array<i32>} : memref<80x44xf32, #tpu.memory_space<vmem>>, vector<1x16xf32>,
          %swap3A_279 = vector.shape_cast %swap3A_278 : vector<1x16xf32> to vector<16xf32>
          %swap3A_280 = vector.shape_cast %get3A_275 : vector<16xf32> to vector<1x16xf32>
          tpu.vector_store %arg18[%swap3A_276, %swap3A_277], %swap3A_280 {strides = array<i32>} : memref<80x44xf32, #tpu.memory_space<vmem>>, vector<1x16xf32>,
          %get3A_281 = arith.index_cast %scan3A_262 : i32 to index
          %get3A_282 = arith.constant 28 : index
          %get3A_283 = tpu.vector_load %arg17[%get3A_281, %get3A_282] {strides = array<i32>} : memref<80x128xf32, #tpu.memory_space<vmem>>, vector<1x16xf32>,
          %get3A_284 = vector.shape_cast %get3A_283 : vector<1x16xf32> to vector<16xf32>
          %swap3A_285 = arith.index_cast %scan3A_262 : i32 to index
          %swap3A_286 = arith.constant 28 : index
          %swap3A_287 = tpu.vector_load %arg18[%swap3A_285, %swap3A_286] {strides = array<i32>} : memref<80x44xf32, #tpu.memory_space<vmem>>, vector<1x16xf32>,
          %swap3A_288 = vector.shape_cast %swap3A_287 : vector<1x16xf32> to vector<16xf32>
          %swap3A_289 = vector.shape_cast %get3A_284 : vector<16xf32> to vector<1x16xf32>
          tpu.vector_store %arg18[%swap3A_285, %swap3A_286], %swap3A_289 {strides = array<i32>} : memref<80x44xf32, #tpu.memory_space<vmem>>, vector<1x16xf32>,
          %scan3A_290 = arith.constant 0 : i32
          scf.yield %scan3A_290 : i32
        }
        %scan3A_169 = arith.constant 80 : i32
        %mul3A_170 = arith.constant 80 : i32
        %mul3A_171 = arith.muli %scan3A_110, %mul3A_170 : i32
        %add3A_172 = arith.addi %mul3A_54, %mul3A_171 : i32
        "tpu.region"() ({
          %run_scoped3A = tpu.sem_alloc : memref<!tpu.dma_semaphore, #tpu.memory_space<semaphore_mem>>
          %dma_start3A_173 = arith.constant 0 : i32
          %dma_start3A_174 = tpu.memref_slice %arg9[%add3A_172, %dma_start3A_173] : memref<7680x300xf32, #tpu.memory_space<hbm>> -> memref<80x256xf32, #tpu.memory_space<hbm>>
          %dma_start3A_175 = arith.constant 0 : i32
          %dma_start3A_176 = tpu.memref_slice %arg9[%add3A_172, %dma_start3A_175] : memref<7680x300xf32, #tpu.memory_space<hbm>> -> memref<80x256xf32, #tpu.memory_space<hbm>>
          tpu.enqueue_dma source(%arg16 : memref<80x256xf32, #tpu.memory_space<vmem>>) target(%dma_start3A_176 : memref<80x256xf32, #tpu.memory_space<hbm>>) target_semaphore(%run_scoped3A : memref<!tpu.dma_semaphore, #tpu.memory_space<semaphore_mem>>)
          %dma_wait3A_177 = arith.constant 0 : i32
          %dma_wait3A_178 = tpu.memref_slice %arg9[%add3A_172, %dma_wait3A_177] : memref<7680x300xf32, #tpu.memory_space<hbm>> -> memref<80x256xf32, #tpu.memory_space<hbm>>
          %dma_wait3A_179 = arith.constant 0 : i32
          %dma_wait3A_180 = tpu.memref_slice %arg9[%add3A_172, %dma_wait3A_179] : memref<7680x300xf32, #tpu.memory_space<hbm>> -> memref<80x256xf32, #tpu.memory_space<hbm>>
          tpu.wait_dma2 semaphore(%run_scoped3A : memref<!tpu.dma_semaphore, #tpu.memory_space<semaphore_mem>>) src(%arg16 : memref<80x256xf32, #tpu.memory_space<vmem>>) dst(%dma_wait3A_180 : memref<80x256xf32, #tpu.memory_space<hbm>>)
          tpu.yield
        }) : () -> ()
        "tpu.region"() ({
          %run_scoped3A = tpu.sem_alloc : memref<!tpu.dma_semaphore, #tpu.memory_space<semaphore_mem>>
          %dma_start3A_173 = arith.constant 256 : i32
          %dma_start3A_174 = tpu.memref_slice %arg9[%add3A_172, %dma_start3A_173] : memref<7680x300xf32, #tpu.memory_space<hbm>> -> memref<80x44xf32, #tpu.memory_space<hbm>>
          %dma_start3A_175 = arith.constant 256 : i32
          %dma_start3A_176 = tpu.memref_slice %arg9[%add3A_172, %dma_start3A_175] : memref<7680x300xf32, #tpu.memory_space<hbm>> -> memref<80x44xf32, #tpu.memory_space<hbm>>
          tpu.enqueue_dma source(%arg18 : memref<80x44xf32, #tpu.memory_space<vmem>>) target(%dma_start3A_176 : memref<80x44xf32, #tpu.memory_space<hbm>>) target_semaphore(%run_scoped3A : memref<!tpu.dma_semaphore, #tpu.memory_space<semaphore_mem>>)
          %dma_wait3A_177 = arith.constant 256 : i32
          %dma_wait3A_178 = tpu.memref_slice %arg9[%add3A_172, %dma_wait3A_177] : memref<7680x300xf32, #tpu.memory_space<hbm>> -> memref<80x44xf32, #tpu.memory_space<hbm>>
          %dma_wait3A_179 = arith.constant 256 : i32
          %dma_wait3A_180 = tpu.memref_slice %arg9[%add3A_172, %dma_wait3A_179] : memref<7680x300xf32, #tpu.memory_space<hbm>> -> memref<80x44xf32, #tpu.memory_space<hbm>>
          tpu.wait_dma2 semaphore(%run_scoped3A : memref<!tpu.dma_semaphore, #tpu.memory_space<semaphore_mem>>) src(%arg18 : memref<80x44xf32, #tpu.memory_space<vmem>>) dst(%dma_wait3A_180 : memref<80x44xf32, #tpu.memory_space<hbm>>)
          tpu.yield
        }) : () -> ()
      } else {
      }
      %scan3A_145 = arith.constant 0 : i32
      scf.yield %scan3A_145 : i32
    }
    %scan3A_71 = arith.constant 3 : i32
    %mul3A_72 = arith.constant 160 : i32
    %mul3A_73 = arith.muli %add3A, %mul3A_72 : i32
    %dma_start3A_74 = arith.constant 480 : i32
    %dma_start3A_75 = tpu.memref_slice %arg12[%dma_start3A_74] : memref<800xi32, #tpu.memory_space<vmem>> -> memref<80xi32, #tpu.memory_space<vmem>>
    %dma_start3A_76 = arith.constant 0 : i32
    %dma_start3A_77 = arith.constant 0 : i32
    %dma_start3A_78 = tpu.memref_slice %arg6[%dma_start3A_76, %dma_start3A_77] : memref<100000x300xf32, #tpu.memory_space<hbm>> -> memref<100000x256xf32, #tpu.memory_space<hbm>>
    tpu.enqueue_indirect_dma source(%dma_start3A_78 : memref<100000x256xf32, #tpu.memory_space<hbm>>) target(%arg13 : memref<80x256xf32, #tpu.memory_space<vmem>>) offsets(%dma_start3A_75 : memref<80xi32, #tpu.memory_space<vmem>>) semaphore(%arg19 : memref<!tpu.dma_semaphore, #tpu.memory_space<semaphore_mem>>)
    %dma_start3A_79 = arith.constant 480 : i32
    %dma_start3A_80 = tpu.memref_slice %arg12[%dma_start3A_79] : memref<800xi32, #tpu.memory_space<vmem>> -> memref<80xi32, #tpu.memory_space<vmem>>
    %dma_start3A_81 = arith.constant 0 : i32
    %dma_start3A_82 = arith.constant 0 : i32
    %dma_start3A_83 = tpu.memref_slice %arg7[%dma_start3A_81, %dma_start3A_82] : memref<100000x128xf32, #tpu.memory_space<hbm>> -> memref<100000x128xf32, #tpu.memory_space<hbm>>
    tpu.enqueue_indirect_dma source(%dma_start3A_83 : memref<100000x128xf32, #tpu.memory_space<hbm>>) target(%arg14 : memref<80x128xf32, #tpu.memory_space<vmem>>) offsets(%dma_start3A_80 : memref<80xi32, #tpu.memory_space<vmem>>) semaphore(%arg20 : memref<!tpu.dma_semaphore, #tpu.memory_space<semaphore_mem>>)
    %scan3A_84 = arith.constant 0 : i32
    %scan3A_85 = arith.constant 0 : i32
    %scan3A_86 = arith.constant 2 : i32
    %scan3A_87 = arith.addi %scan3A_85, %scan3A_86 : i32
    %scan3A_88 = arith.constant 1 : i32
    %scan3A_89 = scf.for %scan3A_110 = %scan3A_85 to %scan3A_87 step %scan3A_88 iter_args(%scan3A_111 = %scan3A_84) -> (i32)  : i32 {
      %jit3A = arith.constant 2 : i32
      %eq3A = arith.constant 0 : i32
      %eq3A_112 = arith.cmpi eq, %jit3A, %eq3A : i32
      %jit3A_113 = arith.constant 1 : i32
      %select_n3A = arith.select %eq3A_112, %jit3A_113, %jit3A : i32
      %rem3A = arith.remsi %scan3A_110, %select_n3A : i32
      %ne3A = arith.constant 0 : i32
      %ne3A_114 = arith.cmpi ne, %rem3A, %ne3A : i32
      %lt3A = arith.constant 0 : i32
      %lt3A_115 = arith.cmpi slt, %rem3A, %lt3A : i32
      %lt3A_116 = arith.constant 0 : i32
      %lt3A_117 = arith.cmpi slt, %select_n3A, %lt3A_116 : i32
      %ne3A_118 = arith.xori %lt3A_115, %lt3A_117 : i1
      %and3A = arith.andi %ne3A_118, %ne3A_114 : i1
      %add3A_119 = arith.addi %rem3A, %select_n3A : i32
      %select_n3A_120 = arith.select %and3A, %add3A_119, %rem3A : i32
      %eq3A_121 = arith.constant 0 : i32
      %eq3A_122 = arith.cmpi eq, %select_n3A_120, %eq3A_121 : i32
      %convert_element_type3A = arith.extui %eq3A_122 : i1 to i32
      %cond3A = arith.constant 0 : i32
      %cond3A_123 = arith.cmpi ne, %convert_element_type3A, %cond3A : i32
      scf.if %cond3A_123 {
        %add3A_146 = arith.constant 1 : i32
        %add3A_147 = arith.addi %scan3A_110, %add3A_146 : i32
        %lt3A_148 = arith.constant 2 : i32
        %lt3A_149 = arith.cmpi slt, %add3A_147, %lt3A_148 : i32
        %convert_element_type3A_150 = arith.extui %lt3A_149 : i1 to i32
        %cond3A_151 = arith.constant 0 : i32
        %cond3A_152 = arith.cmpi ne, %convert_element_type3A_150, %cond3A_151 : i32
        scf.if %cond3A_152 {
          %add3A_173 = arith.constant 1 : i32
          %add3A_174 = arith.addi %scan3A_110, %add3A_173 : i32
          %mul3A_175 = arith.constant 80 : i32
          %mul3A_176 = arith.muli %add3A_174, %mul3A_175 : i32
          %add3A_177 = arith.constant 480 : i32
          %add3A_178 = arith.addi %add3A_177, %mul3A_176 : i32
          %dma_start3A_179 = tpu.memref_slice %arg12[%add3A_178] : memref<800xi32, #tpu.memory_space<vmem>> -> memref<80xi32, #tpu.memory_space<vmem>>
          %dma_start3A_180 = arith.constant 0 : i32
          %dma_start3A_181 = arith.constant 0 : i32
          %dma_start3A_182 = tpu.memref_slice %arg6[%dma_start3A_180, %dma_start3A_181] : memref<100000x300xf32, #tpu.memory_space<hbm>> -> memref<100000x256xf32, #tpu.memory_space<hbm>>
          tpu.enqueue_indirect_dma source(%dma_start3A_182 : memref<100000x256xf32, #tpu.memory_space<hbm>>) target(%arg16 : memref<80x256xf32, #tpu.memory_space<vmem>>) offsets(%dma_start3A_179 : memref<80xi32, #tpu.memory_space<vmem>>) semaphore(%arg21 : memref<!tpu.dma_semaphore, #tpu.memory_space<semaphore_mem>>)
          %dma_start3A_183 = tpu.memref_slice %arg12[%add3A_178] : memref<800xi32, #tpu.memory_space<vmem>> -> memref<80xi32, #tpu.memory_space<vmem>>
          %dma_start3A_184 = arith.constant 0 : i32
          %dma_start3A_185 = arith.constant 0 : i32
          %dma_start3A_186 = tpu.memref_slice %arg7[%dma_start3A_184, %dma_start3A_185] : memref<100000x128xf32, #tpu.memory_space<hbm>> -> memref<100000x128xf32, #tpu.memory_space<hbm>>
          tpu.enqueue_indirect_dma source(%dma_start3A_186 : memref<100000x128xf32, #tpu.memory_space<hbm>>) target(%arg17 : memref<80x128xf32, #tpu.memory_space<vmem>>) offsets(%dma_start3A_183 : memref<80xi32, #tpu.memory_space<vmem>>) semaphore(%arg22 : memref<!tpu.dma_semaphore, #tpu.memory_space<semaphore_mem>>)
        } else {
        }
        %dma_wait3A_153 = arith.constant 0 : i32
        %dma_wait3A_154 = tpu.memref_slice %arg12[%dma_wait3A_153] : memref<800xi32, #tpu.memory_space<vmem>> -> memref<80xi32, #tpu.memory_space<vmem>>
        %dma_wait3A_155 = arith.constant 0 : i32
        %dma_wait3A_156 = arith.constant 0 : i32
        %dma_wait3A_157 = tpu.memref_slice %arg6[%dma_wait3A_155, %dma_wait3A_156] : memref<100000x300xf32, #tpu.memory_space<hbm>> -> memref<100000x256xf32, #tpu.memory_space<hbm>>
        tpu.wait_indirect_dma semaphore(%arg19 : memref<!tpu.dma_semaphore, #tpu.memory_space<semaphore_mem>>) src(%dma_wait3A_157 : memref<100000x256xf32, #tpu.memory_space<hbm>>) dst(%arg13 : memref<80x256xf32, #tpu.memory_space<vmem>>)
        %dma_wait3A_158 = arith.constant 0 : i32
        %dma_wait3A_159 = tpu.memref_slice %arg12[%dma_wait3A_158] : memref<800xi32, #tpu.memory_space<vmem>> -> memref<80xi32, #tpu.memory_space<vmem>>
        %dma_wait3A_160 = arith.constant 0 : i32
        %dma_wait3A_161 = arith.constant 0 : i32
        %dma_wait3A_162 = tpu.memref_slice %arg7[%dma_wait3A_160, %dma_wait3A_161] : memref<100000x128xf32, #tpu.memory_space<hbm>> -> memref<100000x128xf32, #tpu.memory_space<hbm>>
        tpu.wait_indirect_dma semaphore(%arg20 : memref<!tpu.dma_semaphore, #tpu.memory_space<semaphore_mem>>) src(%dma_wait3A_162 : memref<100000x128xf32, #tpu.memory_space<hbm>>) dst(%arg14 : memref<80x128xf32, #tpu.memory_space<vmem>>)
        %scan3A_163 = arith.constant 0 : i32
        %scan3A_164 = arith.constant 0 : i32
        %scan3A_165 = arith.constant 80 : i32
        %scan3A_166 = arith.addi %scan3A_164, %scan3A_165 : i32
        %scan3A_167 = arith.constant 4 : i32
        %scan3A_168 = scf.for %scan3A_173 = %scan3A_164 to %scan3A_166 step %scan3A_167 iter_args(%scan3A_174 = %scan3A_163) -> (i32)  : i32 {
          %get3A = arith.index_cast %scan3A_173 : i32 to index
          %get3A_175 = arith.constant 0 : index
          %get3A_176 = tpu.vector_load %arg14[%get3A, %get3A_175] {strides = array<i32>} : memref<80x128xf32, #tpu.memory_space<vmem>>, vector<1x16xf32>,
          %get3A_177 = vector.shape_cast %get3A_176 : vector<1x16xf32> to vector<16xf32>
          %swap3A = arith.index_cast %scan3A_173 : i32 to index
          %swap3A_178 = arith.constant 0 : index
          %swap3A_179 = tpu.vector_load %arg15[%swap3A, %swap3A_178] {strides = array<i32>} : memref<80x44xf32, #tpu.memory_space<vmem>>, vector<1x16xf32>,
          %swap3A_180 = vector.shape_cast %swap3A_179 : vector<1x16xf32> to vector<16xf32>
          %swap3A_181 = vector.shape_cast %get3A_177 : vector<16xf32> to vector<1x16xf32>
          tpu.vector_store %arg15[%swap3A, %swap3A_178], %swap3A_181 {strides = array<i32>} : memref<80x44xf32, #tpu.memory_space<vmem>>, vector<1x16xf32>,
          %get3A_182 = arith.index_cast %scan3A_173 : i32 to index
          %get3A_183 = arith.constant 16 : index
          %get3A_184 = tpu.vector_load %arg14[%get3A_182, %get3A_183] {strides = array<i32>} : memref<80x128xf32, #tpu.memory_space<vmem>>, vector<1x16xf32>,
          %get3A_185 = vector.shape_cast %get3A_184 : vector<1x16xf32> to vector<16xf32>
          %swap3A_186 = arith.index_cast %scan3A_173 : i32 to index
          %swap3A_187 = arith.constant 16 : index
          %swap3A_188 = tpu.vector_load %arg15[%swap3A_186, %swap3A_187] {strides = array<i32>} : memref<80x44xf32, #tpu.memory_space<vmem>>, vector<1x16xf32>,
          %swap3A_189 = vector.shape_cast %swap3A_188 : vector<1x16xf32> to vector<16xf32>
          %swap3A_190 = vector.shape_cast %get3A_185 : vector<16xf32> to vector<1x16xf32>
          tpu.vector_store %arg15[%swap3A_186, %swap3A_187], %swap3A_190 {strides = array<i32>} : memref<80x44xf32, #tpu.memory_space<vmem>>, vector<1x16xf32>,
          %get3A_191 = arith.index_cast %scan3A_173 : i32 to index
          %get3A_192 = arith.constant 28 : index
          %get3A_193 = tpu.vector_load %arg14[%get3A_191, %get3A_192] {strides = array<i32>} : memref<80x128xf32, #tpu.memory_space<vmem>>, vector<1x16xf32>,
          %get3A_194 = vector.shape_cast %get3A_193 : vector<1x16xf32> to vector<16xf32>
          %swap3A_195 = arith.index_cast %scan3A_173 : i32 to index
          %swap3A_196 = arith.constant 28 : index
          %swap3A_197 = tpu.vector_load %arg15[%swap3A_195, %swap3A_196] {strides = array<i32>} : memref<80x44xf32, #tpu.memory_space<vmem>>, vector<1x16xf32>,
          %swap3A_198 = vector.shape_cast %swap3A_197 : vector<1x16xf32> to vector<16xf32>
          %swap3A_199 = vector.shape_cast %get3A_194 : vector<16xf32> to vector<1x16xf32>
          tpu.vector_store %arg15[%swap3A_195, %swap3A_196], %swap3A_199 {strides = array<i32>} : memref<80x44xf32, #tpu.memory_space<vmem>>, vector<1x16xf32>,
          %scan3A_200 = arith.constant 0 : i32
          %scan3A_201 = arith.constant 1 : i32
          %scan3A_202 = arith.addi %scan3A_173, %scan3A_201 : i32
          %get3A_203 = arith.index_cast %scan3A_202 : i32 to index
          %get3A_204 = arith.constant 0 : index
          %get3A_205 = tpu.vector_load %arg14[%get3A_203, %get3A_204] {strides = array<i32>} : memref<80x128xf32, #tpu.memory_space<vmem>>, vector<1x16xf32>,
          %get3A_206 = vector.shape_cast %get3A_205 : vector<1x16xf32> to vector<16xf32>
          %swap3A_207 = arith.index_cast %scan3A_202 : i32 to index
          %swap3A_208 = arith.constant 0 : index
          %swap3A_209 = tpu.vector_load %arg15[%swap3A_207, %swap3A_208] {strides = array<i32>} : memref<80x44xf32, #tpu.memory_space<vmem>>, vector<1x16xf32>,
          %swap3A_210 = vector.shape_cast %swap3A_209 : vector<1x16xf32> to vector<16xf32>
          %swap3A_211 = vector.shape_cast %get3A_206 : vector<16xf32> to vector<1x16xf32>
          tpu.vector_store %arg15[%swap3A_207, %swap3A_208], %swap3A_211 {strides = array<i32>} : memref<80x44xf32, #tpu.memory_space<vmem>>, vector<1x16xf32>,
          %get3A_212 = arith.index_cast %scan3A_202 : i32 to index
          %get3A_213 = arith.constant 16 : index
          %get3A_214 = tpu.vector_load %arg14[%get3A_212, %get3A_213] {strides = array<i32>} : memref<80x128xf32, #tpu.memory_space<vmem>>, vector<1x16xf32>,
          %get3A_215 = vector.shape_cast %get3A_214 : vector<1x16xf32> to vector<16xf32>
          %swap3A_216 = arith.index_cast %scan3A_202 : i32 to index
          %swap3A_217 = arith.constant 16 : index
          %swap3A_218 = tpu.vector_load %arg15[%swap3A_216, %swap3A_217] {strides = array<i32>} : memref<80x44xf32, #tpu.memory_space<vmem>>, vector<1x16xf32>,
          %swap3A_219 = vector.shape_cast %swap3A_218 : vector<1x16xf32> to vector<16xf32>
          %swap3A_220 = vector.shape_cast %get3A_215 : vector<16xf32> to vector<1x16xf32>
          tpu.vector_store %arg15[%swap3A_216, %swap3A_217], %swap3A_220 {strides = array<i32>} : memref<80x44xf32, #tpu.memory_space<vmem>>, vector<1x16xf32>,
          %get3A_221 = arith.index_cast %scan3A_202 : i32 to index
          %get3A_222 = arith.constant 28 : index
          %get3A_223 = tpu.vector_load %arg14[%get3A_221, %get3A_222] {strides = array<i32>} : memref<80x128xf32, #tpu.memory_space<vmem>>, vector<1x16xf32>,
          %get3A_224 = vector.shape_cast %get3A_223 : vector<1x16xf32> to vector<16xf32>
          %swap3A_225 = arith.index_cast %scan3A_202 : i32 to index
          %swap3A_226 = arith.constant 28 : index
          %swap3A_227 = tpu.vector_load %arg15[%swap3A_225, %swap3A_226] {strides = array<i32>} : memref<80x44xf32, #tpu.memory_space<vmem>>, vector<1x16xf32>,
          %swap3A_228 = vector.shape_cast %swap3A_227 : vector<1x16xf32> to vector<16xf32>
          %swap3A_229 = vector.shape_cast %get3A_224 : vector<16xf32> to vector<1x16xf32>
          tpu.vector_store %arg15[%swap3A_225, %swap3A_226], %swap3A_229 {strides = array<i32>} : memref<80x44xf32, #tpu.memory_space<vmem>>, vector<1x16xf32>,
          %scan3A_230 = arith.constant 0 : i32
          %scan3A_231 = arith.constant 2 : i32
          %scan3A_232 = arith.addi %scan3A_173, %scan3A_231 : i32
          %get3A_233 = arith.index_cast %scan3A_232 : i32 to index
          %get3A_234 = arith.constant 0 : index
          %get3A_235 = tpu.vector_load %arg14[%get3A_233, %get3A_234] {strides = array<i32>} : memref<80x128xf32, #tpu.memory_space<vmem>>, vector<1x16xf32>,
          %get3A_236 = vector.shape_cast %get3A_235 : vector<1x16xf32> to vector<16xf32>
          %swap3A_237 = arith.index_cast %scan3A_232 : i32 to index
          %swap3A_238 = arith.constant 0 : index
          %swap3A_239 = tpu.vector_load %arg15[%swap3A_237, %swap3A_238] {strides = array<i32>} : memref<80x44xf32, #tpu.memory_space<vmem>>, vector<1x16xf32>,
          %swap3A_240 = vector.shape_cast %swap3A_239 : vector<1x16xf32> to vector<16xf32>
          %swap3A_241 = vector.shape_cast %get3A_236 : vector<16xf32> to vector<1x16xf32>
          tpu.vector_store %arg15[%swap3A_237, %swap3A_238], %swap3A_241 {strides = array<i32>} : memref<80x44xf32, #tpu.memory_space<vmem>>, vector<1x16xf32>,
          %get3A_242 = arith.index_cast %scan3A_232 : i32 to index
          %get3A_243 = arith.constant 16 : index
          %get3A_244 = tpu.vector_load %arg14[%get3A_242, %get3A_243] {strides = array<i32>} : memref<80x128xf32, #tpu.memory_space<vmem>>, vector<1x16xf32>,
          %get3A_245 = vector.shape_cast %get3A_244 : vector<1x16xf32> to vector<16xf32>
          %swap3A_246 = arith.index_cast %scan3A_232 : i32 to index
          %swap3A_247 = arith.constant 16 : index
          %swap3A_248 = tpu.vector_load %arg15[%swap3A_246, %swap3A_247] {strides = array<i32>} : memref<80x44xf32, #tpu.memory_space<vmem>>, vector<1x16xf32>,
          %swap3A_249 = vector.shape_cast %swap3A_248 : vector<1x16xf32> to vector<16xf32>
          %swap3A_250 = vector.shape_cast %get3A_245 : vector<16xf32> to vector<1x16xf32>
          tpu.vector_store %arg15[%swap3A_246, %swap3A_247], %swap3A_250 {strides = array<i32>} : memref<80x44xf32, #tpu.memory_space<vmem>>, vector<1x16xf32>,
          %get3A_251 = arith.index_cast %scan3A_232 : i32 to index
          %get3A_252 = arith.constant 28 : index
          %get3A_253 = tpu.vector_load %arg14[%get3A_251, %get3A_252] {strides = array<i32>} : memref<80x128xf32, #tpu.memory_space<vmem>>, vector<1x16xf32>,
          %get3A_254 = vector.shape_cast %get3A_253 : vector<1x16xf32> to vector<16xf32>
          %swap3A_255 = arith.index_cast %scan3A_232 : i32 to index
          %swap3A_256 = arith.constant 28 : index
          %swap3A_257 = tpu.vector_load %arg15[%swap3A_255, %swap3A_256] {strides = array<i32>} : memref<80x44xf32, #tpu.memory_space<vmem>>, vector<1x16xf32>,
          %swap3A_258 = vector.shape_cast %swap3A_257 : vector<1x16xf32> to vector<16xf32>
          %swap3A_259 = vector.shape_cast %get3A_254 : vector<16xf32> to vector<1x16xf32>
          tpu.vector_store %arg15[%swap3A_255, %swap3A_256], %swap3A_259 {strides = array<i32>} : memref<80x44xf32, #tpu.memory_space<vmem>>, vector<1x16xf32>,
          %scan3A_260 = arith.constant 0 : i32
          %scan3A_261 = arith.constant 3 : i32
          %scan3A_262 = arith.addi %scan3A_173, %scan3A_261 : i32
          %get3A_263 = arith.index_cast %scan3A_262 : i32 to index
          %get3A_264 = arith.constant 0 : index
          %get3A_265 = tpu.vector_load %arg14[%get3A_263, %get3A_264] {strides = array<i32>} : memref<80x128xf32, #tpu.memory_space<vmem>>, vector<1x16xf32>,
          %get3A_266 = vector.shape_cast %get3A_265 : vector<1x16xf32> to vector<16xf32>
          %swap3A_267 = arith.index_cast %scan3A_262 : i32 to index
          %swap3A_268 = arith.constant 0 : index
          %swap3A_269 = tpu.vector_load %arg15[%swap3A_267, %swap3A_268] {strides = array<i32>} : memref<80x44xf32, #tpu.memory_space<vmem>>, vector<1x16xf32>,
          %swap3A_270 = vector.shape_cast %swap3A_269 : vector<1x16xf32> to vector<16xf32>
          %swap3A_271 = vector.shape_cast %get3A_266 : vector<16xf32> to vector<1x16xf32>
          tpu.vector_store %arg15[%swap3A_267, %swap3A_268], %swap3A_271 {strides = array<i32>} : memref<80x44xf32, #tpu.memory_space<vmem>>, vector<1x16xf32>,
          %get3A_272 = arith.index_cast %scan3A_262 : i32 to index
          %get3A_273 = arith.constant 16 : index
          %get3A_274 = tpu.vector_load %arg14[%get3A_272, %get3A_273] {strides = array<i32>} : memref<80x128xf32, #tpu.memory_space<vmem>>, vector<1x16xf32>,
          %get3A_275 = vector.shape_cast %get3A_274 : vector<1x16xf32> to vector<16xf32>
          %swap3A_276 = arith.index_cast %scan3A_262 : i32 to index
          %swap3A_277 = arith.constant 16 : index
          %swap3A_278 = tpu.vector_load %arg15[%swap3A_276, %swap3A_277] {strides = array<i32>} : memref<80x44xf32, #tpu.memory_space<vmem>>, vector<1x16xf32>,
          %swap3A_279 = vector.shape_cast %swap3A_278 : vector<1x16xf32> to vector<16xf32>
          %swap3A_280 = vector.shape_cast %get3A_275 : vector<16xf32> to vector<1x16xf32>
          tpu.vector_store %arg15[%swap3A_276, %swap3A_277], %swap3A_280 {strides = array<i32>} : memref<80x44xf32, #tpu.memory_space<vmem>>, vector<1x16xf32>,
          %get3A_281 = arith.index_cast %scan3A_262 : i32 to index
          %get3A_282 = arith.constant 28 : index
          %get3A_283 = tpu.vector_load %arg14[%get3A_281, %get3A_282] {strides = array<i32>} : memref<80x128xf32, #tpu.memory_space<vmem>>, vector<1x16xf32>,
          %get3A_284 = vector.shape_cast %get3A_283 : vector<1x16xf32> to vector<16xf32>
          %swap3A_285 = arith.index_cast %scan3A_262 : i32 to index
          %swap3A_286 = arith.constant 28 : index
          %swap3A_287 = tpu.vector_load %arg15[%swap3A_285, %swap3A_286] {strides = array<i32>} : memref<80x44xf32, #tpu.memory_space<vmem>>, vector<1x16xf32>,
          %swap3A_288 = vector.shape_cast %swap3A_287 : vector<1x16xf32> to vector<16xf32>
          %swap3A_289 = vector.shape_cast %get3A_284 : vector<16xf32> to vector<1x16xf32>
          tpu.vector_store %arg15[%swap3A_285, %swap3A_286], %swap3A_289 {strides = array<i32>} : memref<80x44xf32, #tpu.memory_space<vmem>>, vector<1x16xf32>,
          %scan3A_290 = arith.constant 0 : i32
          scf.yield %scan3A_290 : i32
        }
        %scan3A_169 = arith.constant 80 : i32
        %mul3A_170 = arith.constant 80 : i32
        %mul3A_171 = arith.muli %scan3A_110, %mul3A_170 : i32
        %add3A_172 = arith.addi %mul3A_73, %mul3A_171 : i32
        "tpu.region"() ({
          %run_scoped3A = tpu.sem_alloc : memref<!tpu.dma_semaphore, #tpu.memory_space<semaphore_mem>>
          %dma_start3A_173 = arith.constant 0 : i32
          %dma_start3A_174 = tpu.memref_slice %arg10[%add3A_172, %dma_start3A_173] : memref<5120x300xf32, #tpu.memory_space<hbm>> -> memref<80x256xf32, #tpu.memory_space<hbm>>
          %dma_start3A_175 = arith.constant 0 : i32
          %dma_start3A_176 = tpu.memref_slice %arg10[%add3A_172, %dma_start3A_175] : memref<5120x300xf32, #tpu.memory_space<hbm>> -> memref<80x256xf32, #tpu.memory_space<hbm>>
          tpu.enqueue_dma source(%arg13 : memref<80x256xf32, #tpu.memory_space<vmem>>) target(%dma_start3A_176 : memref<80x256xf32, #tpu.memory_space<hbm>>) target_semaphore(%run_scoped3A : memref<!tpu.dma_semaphore, #tpu.memory_space<semaphore_mem>>)
          %dma_wait3A_177 = arith.constant 0 : i32
          %dma_wait3A_178 = tpu.memref_slice %arg10[%add3A_172, %dma_wait3A_177] : memref<5120x300xf32, #tpu.memory_space<hbm>> -> memref<80x256xf32, #tpu.memory_space<hbm>>
          %dma_wait3A_179 = arith.constant 0 : i32
          %dma_wait3A_180 = tpu.memref_slice %arg10[%add3A_172, %dma_wait3A_179] : memref<5120x300xf32, #tpu.memory_space<hbm>> -> memref<80x256xf32, #tpu.memory_space<hbm>>
          tpu.wait_dma2 semaphore(%run_scoped3A : memref<!tpu.dma_semaphore, #tpu.memory_space<semaphore_mem>>) src(%arg13 : memref<80x256xf32, #tpu.memory_space<vmem>>) dst(%dma_wait3A_180 : memref<80x256xf32, #tpu.memory_space<hbm>>)
          tpu.yield
        }) : () -> ()
        "tpu.region"() ({
          %run_scoped3A = tpu.sem_alloc : memref<!tpu.dma_semaphore, #tpu.memory_space<semaphore_mem>>
          %dma_start3A_173 = arith.constant 256 : i32
          %dma_start3A_174 = tpu.memref_slice %arg10[%add3A_172, %dma_start3A_173] : memref<5120x300xf32, #tpu.memory_space<hbm>> -> memref<80x44xf32, #tpu.memory_space<hbm>>
          %dma_start3A_175 = arith.constant 256 : i32
          %dma_start3A_176 = tpu.memref_slice %arg10[%add3A_172, %dma_start3A_175] : memref<5120x300xf32, #tpu.memory_space<hbm>> -> memref<80x44xf32, #tpu.memory_space<hbm>>
          tpu.enqueue_dma source(%arg15 : memref<80x44xf32, #tpu.memory_space<vmem>>) target(%dma_start3A_176 : memref<80x44xf32, #tpu.memory_space<hbm>>) target_semaphore(%run_scoped3A : memref<!tpu.dma_semaphore, #tpu.memory_space<semaphore_mem>>)
          %dma_wait3A_177 = arith.constant 256 : i32
          %dma_wait3A_178 = tpu.memref_slice %arg10[%add3A_172, %dma_wait3A_177] : memref<5120x300xf32, #tpu.memory_space<hbm>> -> memref<80x44xf32, #tpu.memory_space<hbm>>
          %dma_wait3A_179 = arith.constant 256 : i32
          %dma_wait3A_180 = tpu.memref_slice %arg10[%add3A_172, %dma_wait3A_179] : memref<5120x300xf32, #tpu.memory_space<hbm>> -> memref<80x44xf32, #tpu.memory_space<hbm>>
          tpu.wait_dma2 semaphore(%run_scoped3A : memref<!tpu.dma_semaphore, #tpu.memory_space<semaphore_mem>>) src(%arg15 : memref<80x44xf32, #tpu.memory_space<vmem>>) dst(%dma_wait3A_180 : memref<80x44xf32, #tpu.memory_space<hbm>>)
          tpu.yield
        }) : () -> ()
      } else {
      }
      %jit3A_124 = arith.constant 2 : i32
      %eq3A_125 = arith.constant 0 : i32
      %eq3A_126 = arith.cmpi eq, %jit3A_124, %eq3A_125 : i32
      %jit3A_127 = arith.constant 1 : i32
      %select_n3A_128 = arith.select %eq3A_126, %jit3A_127, %jit3A_124 : i32
      %rem3A_129 = arith.remsi %scan3A_110, %select_n3A_128 : i32
      %ne3A_130 = arith.constant 0 : i32
      %ne3A_131 = arith.cmpi ne, %rem3A_129, %ne3A_130 : i32
      %lt3A_132 = arith.constant 0 : i32
      %lt3A_133 = arith.cmpi slt, %rem3A_129, %lt3A_132 : i32
      %lt3A_134 = arith.constant 0 : i32
      %lt3A_135 = arith.cmpi slt, %select_n3A_128, %lt3A_134 : i32
      %ne3A_136 = arith.xori %lt3A_133, %lt3A_135 : i1
      %and3A_137 = arith.andi %ne3A_136, %ne3A_131 : i1
      %add3A_138 = arith.addi %rem3A_129, %select_n3A_128 : i32
      %select_n3A_139 = arith.select %and3A_137, %add3A_138, %rem3A_129 : i32
      %eq3A_140 = arith.constant 1 : i32
      %eq3A_141 = arith.cmpi eq, %select_n3A_139, %eq3A_140 : i32
      %convert_element_type3A_142 = arith.extui %eq3A_141 : i1 to i32
      %cond3A_143 = arith.constant 0 : i32
      %cond3A_144 = arith.cmpi ne, %convert_element_type3A_142, %cond3A_143 : i32
      scf.if %cond3A_144 {
        %add3A_146 = arith.constant 1 : i32
        %add3A_147 = arith.addi %scan3A_110, %add3A_146 : i32
        %lt3A_148 = arith.constant 2 : i32
        %lt3A_149 = arith.cmpi slt, %add3A_147, %lt3A_148 : i32
        %convert_element_type3A_150 = arith.extui %lt3A_149 : i1 to i32
        %cond3A_151 = arith.constant 0 : i32
        %cond3A_152 = arith.cmpi ne, %convert_element_type3A_150, %cond3A_151 : i32
        scf.if %cond3A_152 {
          %add3A_173 = arith.constant 1 : i32
          %add3A_174 = arith.addi %scan3A_110, %add3A_173 : i32
          %mul3A_175 = arith.constant 80 : i32
          %mul3A_176 = arith.muli %add3A_174, %mul3A_175 : i32
          %add3A_177 = arith.constant 480 : i32
          %add3A_178 = arith.addi %add3A_177, %mul3A_176 : i32
          %dma_start3A_179 = tpu.memref_slice %arg12[%add3A_178] : memref<800xi32, #tpu.memory_space<vmem>> -> memref<80xi32, #tpu.memory_space<vmem>>
          %dma_start3A_180 = arith.constant 0 : i32
          %dma_start3A_181 = arith.constant 0 : i32
          %dma_start3A_182 = tpu.memref_slice %arg6[%dma_start3A_180, %dma_start3A_181] : memref<100000x300xf32, #tpu.memory_space<hbm>> -> memref<100000x256xf32, #tpu.memory_space<hbm>>
          tpu.enqueue_indirect_dma source(%dma_start3A_182 : memref<100000x256xf32, #tpu.memory_space<hbm>>) target(%arg13 : memref<80x256xf32, #tpu.memory_space<vmem>>) offsets(%dma_start3A_179 : memref<80xi32, #tpu.memory_space<vmem>>) semaphore(%arg19 : memref<!tpu.dma_semaphore, #tpu.memory_space<semaphore_mem>>)
          %dma_start3A_183 = tpu.memref_slice %arg12[%add3A_178] : memref<800xi32, #tpu.memory_space<vmem>> -> memref<80xi32, #tpu.memory_space<vmem>>
          %dma_start3A_184 = arith.constant 0 : i32
          %dma_start3A_185 = arith.constant 0 : i32
          %dma_start3A_186 = tpu.memref_slice %arg7[%dma_start3A_184, %dma_start3A_185] : memref<100000x128xf32, #tpu.memory_space<hbm>> -> memref<100000x128xf32, #tpu.memory_space<hbm>>
          tpu.enqueue_indirect_dma source(%dma_start3A_186 : memref<100000x128xf32, #tpu.memory_space<hbm>>) target(%arg14 : memref<80x128xf32, #tpu.memory_space<vmem>>) offsets(%dma_start3A_183 : memref<80xi32, #tpu.memory_space<vmem>>) semaphore(%arg20 : memref<!tpu.dma_semaphore, #tpu.memory_space<semaphore_mem>>)
        } else {
        }
        %dma_wait3A_153 = arith.constant 0 : i32
        %dma_wait3A_154 = tpu.memref_slice %arg12[%dma_wait3A_153] : memref<800xi32, #tpu.memory_space<vmem>> -> memref<80xi32, #tpu.memory_space<vmem>>
        %dma_wait3A_155 = arith.constant 0 : i32
        %dma_wait3A_156 = arith.constant 0 : i32
        %dma_wait3A_157 = tpu.memref_slice %arg6[%dma_wait3A_155, %dma_wait3A_156] : memref<100000x300xf32, #tpu.memory_space<hbm>> -> memref<100000x256xf32, #tpu.memory_space<hbm>>
        tpu.wait_indirect_dma semaphore(%arg21 : memref<!tpu.dma_semaphore, #tpu.memory_space<semaphore_mem>>) src(%dma_wait3A_157 : memref<100000x256xf32, #tpu.memory_space<hbm>>) dst(%arg16 : memref<80x256xf32, #tpu.memory_space<vmem>>)
        %dma_wait3A_158 = arith.constant 0 : i32
        %dma_wait3A_159 = tpu.memref_slice %arg12[%dma_wait3A_158] : memref<800xi32, #tpu.memory_space<vmem>> -> memref<80xi32, #tpu.memory_space<vmem>>
        %dma_wait3A_160 = arith.constant 0 : i32
        %dma_wait3A_161 = arith.constant 0 : i32
        %dma_wait3A_162 = tpu.memref_slice %arg7[%dma_wait3A_160, %dma_wait3A_161] : memref<100000x128xf32, #tpu.memory_space<hbm>> -> memref<100000x128xf32, #tpu.memory_space<hbm>>
        tpu.wait_indirect_dma semaphore(%arg22 : memref<!tpu.dma_semaphore, #tpu.memory_space<semaphore_mem>>) src(%dma_wait3A_162 : memref<100000x128xf32, #tpu.memory_space<hbm>>) dst(%arg17 : memref<80x128xf32, #tpu.memory_space<vmem>>)
        %scan3A_163 = arith.constant 0 : i32
        %scan3A_164 = arith.constant 0 : i32
        %scan3A_165 = arith.constant 80 : i32
        %scan3A_166 = arith.addi %scan3A_164, %scan3A_165 : i32
        %scan3A_167 = arith.constant 4 : i32
        %scan3A_168 = scf.for %scan3A_173 = %scan3A_164 to %scan3A_166 step %scan3A_167 iter_args(%scan3A_174 = %scan3A_163) -> (i32)  : i32 {
          %get3A = arith.index_cast %scan3A_173 : i32 to index
          %get3A_175 = arith.constant 0 : index
          %get3A_176 = tpu.vector_load %arg17[%get3A, %get3A_175] {strides = array<i32>} : memref<80x128xf32, #tpu.memory_space<vmem>>, vector<1x16xf32>,
          %get3A_177 = vector.shape_cast %get3A_176 : vector<1x16xf32> to vector<16xf32>
          %swap3A = arith.index_cast %scan3A_173 : i32 to index
          %swap3A_178 = arith.constant 0 : index
          %swap3A_179 = tpu.vector_load %arg18[%swap3A, %swap3A_178] {strides = array<i32>} : memref<80x44xf32, #tpu.memory_space<vmem>>, vector<1x16xf32>,
          %swap3A_180 = vector.shape_cast %swap3A_179 : vector<1x16xf32> to vector<16xf32>
          %swap3A_181 = vector.shape_cast %get3A_177 : vector<16xf32> to vector<1x16xf32>
          tpu.vector_store %arg18[%swap3A, %swap3A_178], %swap3A_181 {strides = array<i32>} : memref<80x44xf32, #tpu.memory_space<vmem>>, vector<1x16xf32>,
          %get3A_182 = arith.index_cast %scan3A_173 : i32 to index
          %get3A_183 = arith.constant 16 : index
          %get3A_184 = tpu.vector_load %arg17[%get3A_182, %get3A_183] {strides = array<i32>} : memref<80x128xf32, #tpu.memory_space<vmem>>, vector<1x16xf32>,
          %get3A_185 = vector.shape_cast %get3A_184 : vector<1x16xf32> to vector<16xf32>
          %swap3A_186 = arith.index_cast %scan3A_173 : i32 to index
          %swap3A_187 = arith.constant 16 : index
          %swap3A_188 = tpu.vector_load %arg18[%swap3A_186, %swap3A_187] {strides = array<i32>} : memref<80x44xf32, #tpu.memory_space<vmem>>, vector<1x16xf32>,
          %swap3A_189 = vector.shape_cast %swap3A_188 : vector<1x16xf32> to vector<16xf32>
          %swap3A_190 = vector.shape_cast %get3A_185 : vector<16xf32> to vector<1x16xf32>
          tpu.vector_store %arg18[%swap3A_186, %swap3A_187], %swap3A_190 {strides = array<i32>} : memref<80x44xf32, #tpu.memory_space<vmem>>, vector<1x16xf32>,
          %get3A_191 = arith.index_cast %scan3A_173 : i32 to index
          %get3A_192 = arith.constant 28 : index
          %get3A_193 = tpu.vector_load %arg17[%get3A_191, %get3A_192] {strides = array<i32>} : memref<80x128xf32, #tpu.memory_space<vmem>>, vector<1x16xf32>,
          %get3A_194 = vector.shape_cast %get3A_193 : vector<1x16xf32> to vector<16xf32>
          %swap3A_195 = arith.index_cast %scan3A_173 : i32 to index
          %swap3A_196 = arith.constant 28 : index
          %swap3A_197 = tpu.vector_load %arg18[%swap3A_195, %swap3A_196] {strides = array<i32>} : memref<80x44xf32, #tpu.memory_space<vmem>>, vector<1x16xf32>,
          %swap3A_198 = vector.shape_cast %swap3A_197 : vector<1x16xf32> to vector<16xf32>
          %swap3A_199 = vector.shape_cast %get3A_194 : vector<16xf32> to vector<1x16xf32>
          tpu.vector_store %arg18[%swap3A_195, %swap3A_196], %swap3A_199 {strides = array<i32>} : memref<80x44xf32, #tpu.memory_space<vmem>>, vector<1x16xf32>,
          %scan3A_200 = arith.constant 0 : i32
          %scan3A_201 = arith.constant 1 : i32
          %scan3A_202 = arith.addi %scan3A_173, %scan3A_201 : i32
          %get3A_203 = arith.index_cast %scan3A_202 : i32 to index
          %get3A_204 = arith.constant 0 : index
          %get3A_205 = tpu.vector_load %arg17[%get3A_203, %get3A_204] {strides = array<i32>} : memref<80x128xf32, #tpu.memory_space<vmem>>, vector<1x16xf32>,
          %get3A_206 = vector.shape_cast %get3A_205 : vector<1x16xf32> to vector<16xf32>
          %swap3A_207 = arith.index_cast %scan3A_202 : i32 to index
          %swap3A_208 = arith.constant 0 : index
          %swap3A_209 = tpu.vector_load %arg18[%swap3A_207, %swap3A_208] {strides = array<i32>} : memref<80x44xf32, #tpu.memory_space<vmem>>, vector<1x16xf32>,
          %swap3A_210 = vector.shape_cast %swap3A_209 : vector<1x16xf32> to vector<16xf32>
          %swap3A_211 = vector.shape_cast %get3A_206 : vector<16xf32> to vector<1x16xf32>
          tpu.vector_store %arg18[%swap3A_207, %swap3A_208], %swap3A_211 {strides = array<i32>} : memref<80x44xf32, #tpu.memory_space<vmem>>, vector<1x16xf32>,
          %get3A_212 = arith.index_cast %scan3A_202 : i32 to index
          %get3A_213 = arith.constant 16 : index
          %get3A_214 = tpu.vector_load %arg17[%get3A_212, %get3A_213] {strides = array<i32>} : memref<80x128xf32, #tpu.memory_space<vmem>>, vector<1x16xf32>,
          %get3A_215 = vector.shape_cast %get3A_214 : vector<1x16xf32> to vector<16xf32>
          %swap3A_216 = arith.index_cast %scan3A_202 : i32 to index
          %swap3A_217 = arith.constant 16 : index
          %swap3A_218 = tpu.vector_load %arg18[%swap3A_216, %swap3A_217] {strides = array<i32>} : memref<80x44xf32, #tpu.memory_space<vmem>>, vector<1x16xf32>,
          %swap3A_219 = vector.shape_cast %swap3A_218 : vector<1x16xf32> to vector<16xf32>
          %swap3A_220 = vector.shape_cast %get3A_215 : vector<16xf32> to vector<1x16xf32>
          tpu.vector_store %arg18[%swap3A_216, %swap3A_217], %swap3A_220 {strides = array<i32>} : memref<80x44xf32, #tpu.memory_space<vmem>>, vector<1x16xf32>,
          %get3A_221 = arith.index_cast %scan3A_202 : i32 to index
          %get3A_222 = arith.constant 28 : index
          %get3A_223 = tpu.vector_load %arg17[%get3A_221, %get3A_222] {strides = array<i32>} : memref<80x128xf32, #tpu.memory_space<vmem>>, vector<1x16xf32>,
          %get3A_224 = vector.shape_cast %get3A_223 : vector<1x16xf32> to vector<16xf32>
          %swap3A_225 = arith.index_cast %scan3A_202 : i32 to index
          %swap3A_226 = arith.constant 28 : index
          %swap3A_227 = tpu.vector_load %arg18[%swap3A_225, %swap3A_226] {strides = array<i32>} : memref<80x44xf32, #tpu.memory_space<vmem>>, vector<1x16xf32>,
          %swap3A_228 = vector.shape_cast %swap3A_227 : vector<1x16xf32> to vector<16xf32>
          %swap3A_229 = vector.shape_cast %get3A_224 : vector<16xf32> to vector<1x16xf32>
          tpu.vector_store %arg18[%swap3A_225, %swap3A_226], %swap3A_229 {strides = array<i32>} : memref<80x44xf32, #tpu.memory_space<vmem>>, vector<1x16xf32>,
          %scan3A_230 = arith.constant 0 : i32
          %scan3A_231 = arith.constant 2 : i32
          %scan3A_232 = arith.addi %scan3A_173, %scan3A_231 : i32
          %get3A_233 = arith.index_cast %scan3A_232 : i32 to index
          %get3A_234 = arith.constant 0 : index
          %get3A_235 = tpu.vector_load %arg17[%get3A_233, %get3A_234] {strides = array<i32>} : memref<80x128xf32, #tpu.memory_space<vmem>>, vector<1x16xf32>,
          %get3A_236 = vector.shape_cast %get3A_235 : vector<1x16xf32> to vector<16xf32>
          %swap3A_237 = arith.index_cast %scan3A_232 : i32 to index
          %swap3A_238 = arith.constant 0 : index
          %swap3A_239 = tpu.vector_load %arg18[%swap3A_237, %swap3A_238] {strides = array<i32>} : memref<80x44xf32, #tpu.memory_space<vmem>>, vector<1x16xf32>,
          %swap3A_240 = vector.shape_cast %swap3A_239 : vector<1x16xf32> to vector<16xf32>
          %swap3A_241 = vector.shape_cast %get3A_236 : vector<16xf32> to vector<1x16xf32>
          tpu.vector_store %arg18[%swap3A_237, %swap3A_238], %swap3A_241 {strides = array<i32>} : memref<80x44xf32, #tpu.memory_space<vmem>>, vector<1x16xf32>,
          %get3A_242 = arith.index_cast %scan3A_232 : i32 to index
          %get3A_243 = arith.constant 16 : index
          %get3A_244 = tpu.vector_load %arg17[%get3A_242, %get3A_243] {strides = array<i32>} : memref<80x128xf32, #tpu.memory_space<vmem>>, vector<1x16xf32>,
          %get3A_245 = vector.shape_cast %get3A_244 : vector<1x16xf32> to vector<16xf32>
          %swap3A_246 = arith.index_cast %scan3A_232 : i32 to index
          %swap3A_247 = arith.constant 16 : index
          %swap3A_248 = tpu.vector_load %arg18[%swap3A_246, %swap3A_247] {strides = array<i32>} : memref<80x44xf32, #tpu.memory_space<vmem>>, vector<1x16xf32>,
          %swap3A_249 = vector.shape_cast %swap3A_248 : vector<1x16xf32> to vector<16xf32>
          %swap3A_250 = vector.shape_cast %get3A_245 : vector<16xf32> to vector<1x16xf32>
          tpu.vector_store %arg18[%swap3A_246, %swap3A_247], %swap3A_250 {strides = array<i32>} : memref<80x44xf32, #tpu.memory_space<vmem>>, vector<1x16xf32>,
          %get3A_251 = arith.index_cast %scan3A_232 : i32 to index
          %get3A_252 = arith.constant 28 : index
          %get3A_253 = tpu.vector_load %arg17[%get3A_251, %get3A_252] {strides = array<i32>} : memref<80x128xf32, #tpu.memory_space<vmem>>, vector<1x16xf32>,
          %get3A_254 = vector.shape_cast %get3A_253 : vector<1x16xf32> to vector<16xf32>
          %swap3A_255 = arith.index_cast %scan3A_232 : i32 to index
          %swap3A_256 = arith.constant 28 : index
          %swap3A_257 = tpu.vector_load %arg18[%swap3A_255, %swap3A_256] {strides = array<i32>} : memref<80x44xf32, #tpu.memory_space<vmem>>, vector<1x16xf32>,
          %swap3A_258 = vector.shape_cast %swap3A_257 : vector<1x16xf32> to vector<16xf32>
          %swap3A_259 = vector.shape_cast %get3A_254 : vector<16xf32> to vector<1x16xf32>
          tpu.vector_store %arg18[%swap3A_255, %swap3A_256], %swap3A_259 {strides = array<i32>} : memref<80x44xf32, #tpu.memory_space<vmem>>, vector<1x16xf32>,
          %scan3A_260 = arith.constant 0 : i32
          %scan3A_261 = arith.constant 3 : i32
          %scan3A_262 = arith.addi %scan3A_173, %scan3A_261 : i32
          %get3A_263 = arith.index_cast %scan3A_262 : i32 to index
          %get3A_264 = arith.constant 0 : index
          %get3A_265 = tpu.vector_load %arg17[%get3A_263, %get3A_264] {strides = array<i32>} : memref<80x128xf32, #tpu.memory_space<vmem>>, vector<1x16xf32>,
          %get3A_266 = vector.shape_cast %get3A_265 : vector<1x16xf32> to vector<16xf32>
          %swap3A_267 = arith.index_cast %scan3A_262 : i32 to index
          %swap3A_268 = arith.constant 0 : index
          %swap3A_269 = tpu.vector_load %arg18[%swap3A_267, %swap3A_268] {strides = array<i32>} : memref<80x44xf32, #tpu.memory_space<vmem>>, vector<1x16xf32>,
          %swap3A_270 = vector.shape_cast %swap3A_269 : vector<1x16xf32> to vector<16xf32>
          %swap3A_271 = vector.shape_cast %get3A_266 : vector<16xf32> to vector<1x16xf32>
          tpu.vector_store %arg18[%swap3A_267, %swap3A_268], %swap3A_271 {strides = array<i32>} : memref<80x44xf32, #tpu.memory_space<vmem>>, vector<1x16xf32>,
          %get3A_272 = arith.index_cast %scan3A_262 : i32 to index
          %get3A_273 = arith.constant 16 : index
          %get3A_274 = tpu.vector_load %arg17[%get3A_272, %get3A_273] {strides = array<i32>} : memref<80x128xf32, #tpu.memory_space<vmem>>, vector<1x16xf32>,
          %get3A_275 = vector.shape_cast %get3A_274 : vector<1x16xf32> to vector<16xf32>
          %swap3A_276 = arith.index_cast %scan3A_262 : i32 to index
          %swap3A_277 = arith.constant 16 : index
          %swap3A_278 = tpu.vector_load %arg18[%swap3A_276, %swap3A_277] {strides = array<i32>} : memref<80x44xf32, #tpu.memory_space<vmem>>, vector<1x16xf32>,
          %swap3A_279 = vector.shape_cast %swap3A_278 : vector<1x16xf32> to vector<16xf32>
          %swap3A_280 = vector.shape_cast %get3A_275 : vector<16xf32> to vector<1x16xf32>
          tpu.vector_store %arg18[%swap3A_276, %swap3A_277], %swap3A_280 {strides = array<i32>} : memref<80x44xf32, #tpu.memory_space<vmem>>, vector<1x16xf32>,
          %get3A_281 = arith.index_cast %scan3A_262 : i32 to index
          %get3A_282 = arith.constant 28 : index
          %get3A_283 = tpu.vector_load %arg17[%get3A_281, %get3A_282] {strides = array<i32>} : memref<80x128xf32, #tpu.memory_space<vmem>>, vector<1x16xf32>,
          %get3A_284 = vector.shape_cast %get3A_283 : vector<1x16xf32> to vector<16xf32>
          %swap3A_285 = arith.index_cast %scan3A_262 : i32 to index
          %swap3A_286 = arith.constant 28 : index
          %swap3A_287 = tpu.vector_load %arg18[%swap3A_285, %swap3A_286] {strides = array<i32>} : memref<80x44xf32, #tpu.memory_space<vmem>>, vector<1x16xf32>,
          %swap3A_288 = vector.shape_cast %swap3A_287 : vector<1x16xf32> to vector<16xf32>
          %swap3A_289 = vector.shape_cast %get3A_284 : vector<16xf32> to vector<1x16xf32>
          tpu.vector_store %arg18[%swap3A_285, %swap3A_286], %swap3A_289 {strides = array<i32>} : memref<80x44xf32, #tpu.memory_space<vmem>>, vector<1x16xf32>,
          %scan3A_290 = arith.constant 0 : i32
          scf.yield %scan3A_290 : i32
        }
        %scan3A_169 = arith.constant 80 : i32
        %mul3A_170 = arith.constant 80 : i32
        %mul3A_171 = arith.muli %scan3A_110, %mul3A_170 : i32
        %add3A_172 = arith.addi %mul3A_73, %mul3A_171 : i32
        "tpu.region"() ({
          %run_scoped3A = tpu.sem_alloc : memref<!tpu.dma_semaphore, #tpu.memory_space<semaphore_mem>>
          %dma_start3A_173 = arith.constant 0 : i32
          %dma_start3A_174 = tpu.memref_slice %arg10[%add3A_172, %dma_start3A_173] : memref<5120x300xf32, #tpu.memory_space<hbm>> -> memref<80x256xf32, #tpu.memory_space<hbm>>
          %dma_start3A_175 = arith.constant 0 : i32
          %dma_start3A_176 = tpu.memref_slice %arg10[%add3A_172, %dma_start3A_175] : memref<5120x300xf32, #tpu.memory_space<hbm>> -> memref<80x256xf32, #tpu.memory_space<hbm>>
          tpu.enqueue_dma source(%arg16 : memref<80x256xf32, #tpu.memory_space<vmem>>) target(%dma_start3A_176 : memref<80x256xf32, #tpu.memory_space<hbm>>) target_semaphore(%run_scoped3A : memref<!tpu.dma_semaphore, #tpu.memory_space<semaphore_mem>>)
          %dma_wait3A_177 = arith.constant 0 : i32
          %dma_wait3A_178 = tpu.memref_slice %arg10[%add3A_172, %dma_wait3A_177] : memref<5120x300xf32, #tpu.memory_space<hbm>> -> memref<80x256xf32, #tpu.memory_space<hbm>>
          %dma_wait3A_179 = arith.constant 0 : i32
          %dma_wait3A_180 = tpu.memref_slice %arg10[%add3A_172, %dma_wait3A_179] : memref<5120x300xf32, #tpu.memory_space<hbm>> -> memref<80x256xf32, #tpu.memory_space<hbm>>
          tpu.wait_dma2 semaphore(%run_scoped3A : memref<!tpu.dma_semaphore, #tpu.memory_space<semaphore_mem>>) src(%arg16 : memref<80x256xf32, #tpu.memory_space<vmem>>) dst(%dma_wait3A_180 : memref<80x256xf32, #tpu.memory_space<hbm>>)
          tpu.yield
        }) : () -> ()
        "tpu.region"() ({
          %run_scoped3A = tpu.sem_alloc : memref<!tpu.dma_semaphore, #tpu.memory_space<semaphore_mem>>
          %dma_start3A_173 = arith.constant 256 : i32
          %dma_start3A_174 = tpu.memref_slice %arg10[%add3A_172, %dma_start3A_173] : memref<5120x300xf32, #tpu.memory_space<hbm>> -> memref<80x44xf32, #tpu.memory_space<hbm>>
          %dma_start3A_175 = arith.constant 256 : i32
          %dma_start3A_176 = tpu.memref_slice %arg10[%add3A_172, %dma_start3A_175] : memref<5120x300xf32, #tpu.memory_space<hbm>> -> memref<80x44xf32, #tpu.memory_space<hbm>>
          tpu.enqueue_dma source(%arg18 : memref<80x44xf32, #tpu.memory_space<vmem>>) target(%dma_start3A_176 : memref<80x44xf32, #tpu.memory_space<hbm>>) target_semaphore(%run_scoped3A : memref<!tpu.dma_semaphore, #tpu.memory_space<semaphore_mem>>)
          %dma_wait3A_177 = arith.constant 256 : i32
          %dma_wait3A_178 = tpu.memref_slice %arg10[%add3A_172, %dma_wait3A_177] : memref<5120x300xf32, #tpu.memory_space<hbm>> -> memref<80x44xf32, #tpu.memory_space<hbm>>
          %dma_wait3A_179 = arith.constant 256 : i32
          %dma_wait3A_180 = tpu.memref_slice %arg10[%add3A_172, %dma_wait3A_179] : memref<5120x300xf32, #tpu.memory_space<hbm>> -> memref<80x44xf32, #tpu.memory_space<hbm>>
          tpu.wait_dma2 semaphore(%run_scoped3A : memref<!tpu.dma_semaphore, #tpu.memory_space<semaphore_mem>>) src(%arg18 : memref<80x44xf32, #tpu.memory_space<vmem>>) dst(%dma_wait3A_180 : memref<80x44xf32, #tpu.memory_space<hbm>>)
          tpu.yield
        }) : () -> ()
      } else {
      }
      %scan3A_145 = arith.constant 0 : i32
      scf.yield %scan3A_145 : i32
    }
    %scan3A_90 = arith.constant 2 : i32
    %mul3A_91 = arith.constant 160 : i32
    %mul3A_92 = arith.muli %add3A, %mul3A_91 : i32
    %dma_start3A_93 = arith.constant 640 : i32
    %dma_start3A_94 = tpu.memref_slice %arg12[%dma_start3A_93] : memref<800xi32, #tpu.memory_space<vmem>> -> memref<80xi32, #tpu.memory_space<vmem>>
    %dma_start3A_95 = arith.constant 0 : i32
    %dma_start3A_96 = arith.constant 0 : i32
    %dma_start3A_97 = tpu.memref_slice %arg6[%dma_start3A_95, %dma_start3A_96] : memref<100000x300xf32, #tpu.memory_space<hbm>> -> memref<100000x256xf32, #tpu.memory_space<hbm>>
    tpu.enqueue_indirect_dma source(%dma_start3A_97 : memref<100000x256xf32, #tpu.memory_space<hbm>>) target(%arg13 : memref<80x256xf32, #tpu.memory_space<vmem>>) offsets(%dma_start3A_94 : memref<80xi32, #tpu.memory_space<vmem>>) semaphore(%arg19 : memref<!tpu.dma_semaphore, #tpu.memory_space<semaphore_mem>>)
    %dma_start3A_98 = arith.constant 640 : i32
    %dma_start3A_99 = tpu.memref_slice %arg12[%dma_start3A_98] : memref<800xi32, #tpu.memory_space<vmem>> -> memref<80xi32, #tpu.memory_space<vmem>>
    %dma_start3A_100 = arith.constant 0 : i32
    %dma_start3A_101 = arith.constant 0 : i32
    %dma_start3A_102 = tpu.memref_slice %arg7[%dma_start3A_100, %dma_start3A_101] : memref<100000x128xf32, #tpu.memory_space<hbm>> -> memref<100000x128xf32, #tpu.memory_space<hbm>>
    tpu.enqueue_indirect_dma source(%dma_start3A_102 : memref<100000x128xf32, #tpu.memory_space<hbm>>) target(%arg14 : memref<80x128xf32, #tpu.memory_space<vmem>>) offsets(%dma_start3A_99 : memref<80xi32, #tpu.memory_space<vmem>>) semaphore(%arg20 : memref<!tpu.dma_semaphore, #tpu.memory_space<semaphore_mem>>)
    %scan3A_103 = arith.constant 0 : i32
    %scan3A_104 = arith.constant 0 : i32
    %scan3A_105 = arith.constant 2 : i32
    %scan3A_106 = arith.addi %scan3A_104, %scan3A_105 : i32
    %scan3A_107 = arith.constant 1 : i32
    %scan3A_108 = scf.for %scan3A_110 = %scan3A_104 to %scan3A_106 step %scan3A_107 iter_args(%scan3A_111 = %scan3A_103) -> (i32)  : i32 {
      %jit3A = arith.constant 2 : i32
      %eq3A = arith.constant 0 : i32
      %eq3A_112 = arith.cmpi eq, %jit3A, %eq3A : i32
      %jit3A_113 = arith.constant 1 : i32
      %select_n3A = arith.select %eq3A_112, %jit3A_113, %jit3A : i32
      %rem3A = arith.remsi %scan3A_110, %select_n3A : i32
      %ne3A = arith.constant 0 : i32
      %ne3A_114 = arith.cmpi ne, %rem3A, %ne3A : i32
      %lt3A = arith.constant 0 : i32
      %lt3A_115 = arith.cmpi slt, %rem3A, %lt3A : i32
      %lt3A_116 = arith.constant 0 : i32
      %lt3A_117 = arith.cmpi slt, %select_n3A, %lt3A_116 : i32
      %ne3A_118 = arith.xori %lt3A_115, %lt3A_117 : i1
      %and3A = arith.andi %ne3A_118, %ne3A_114 : i1
      %add3A_119 = arith.addi %rem3A, %select_n3A : i32
      %select_n3A_120 = arith.select %and3A, %add3A_119, %rem3A : i32
      %eq3A_121 = arith.constant 0 : i32
      %eq3A_122 = arith.cmpi eq, %select_n3A_120, %eq3A_121 : i32
      %convert_element_type3A = arith.extui %eq3A_122 : i1 to i32
      %cond3A = arith.constant 0 : i32
      %cond3A_123 = arith.cmpi ne, %convert_element_type3A, %cond3A : i32
      scf.if %cond3A_123 {
        %add3A_146 = arith.constant 1 : i32
        %add3A_147 = arith.addi %scan3A_110, %add3A_146 : i32
        %lt3A_148 = arith.constant 2 : i32
        %lt3A_149 = arith.cmpi slt, %add3A_147, %lt3A_148 : i32
        %convert_element_type3A_150 = arith.extui %lt3A_149 : i1 to i32
        %cond3A_151 = arith.constant 0 : i32
        %cond3A_152 = arith.cmpi ne, %convert_element_type3A_150, %cond3A_151 : i32
        scf.if %cond3A_152 {
          %add3A_173 = arith.constant 1 : i32
          %add3A_174 = arith.addi %scan3A_110, %add3A_173 : i32
          %mul3A_175 = arith.constant 80 : i32
          %mul3A_176 = arith.muli %add3A_174, %mul3A_175 : i32
          %add3A_177 = arith.constant 640 : i32
          %add3A_178 = arith.addi %add3A_177, %mul3A_176 : i32
          %dma_start3A_179 = tpu.memref_slice %arg12[%add3A_178] : memref<800xi32, #tpu.memory_space<vmem>> -> memref<80xi32, #tpu.memory_space<vmem>>
          %dma_start3A_180 = arith.constant 0 : i32
          %dma_start3A_181 = arith.constant 0 : i32
          %dma_start3A_182 = tpu.memref_slice %arg6[%dma_start3A_180, %dma_start3A_181] : memref<100000x300xf32, #tpu.memory_space<hbm>> -> memref<100000x256xf32, #tpu.memory_space<hbm>>
          tpu.enqueue_indirect_dma source(%dma_start3A_182 : memref<100000x256xf32, #tpu.memory_space<hbm>>) target(%arg16 : memref<80x256xf32, #tpu.memory_space<vmem>>) offsets(%dma_start3A_179 : memref<80xi32, #tpu.memory_space<vmem>>) semaphore(%arg21 : memref<!tpu.dma_semaphore, #tpu.memory_space<semaphore_mem>>)
          %dma_start3A_183 = tpu.memref_slice %arg12[%add3A_178] : memref<800xi32, #tpu.memory_space<vmem>> -> memref<80xi32, #tpu.memory_space<vmem>>
          %dma_start3A_184 = arith.constant 0 : i32
          %dma_start3A_185 = arith.constant 0 : i32
          %dma_start3A_186 = tpu.memref_slice %arg7[%dma_start3A_184, %dma_start3A_185] : memref<100000x128xf32, #tpu.memory_space<hbm>> -> memref<100000x128xf32, #tpu.memory_space<hbm>>
          tpu.enqueue_indirect_dma source(%dma_start3A_186 : memref<100000x128xf32, #tpu.memory_space<hbm>>) target(%arg17 : memref<80x128xf32, #tpu.memory_space<vmem>>) offsets(%dma_start3A_183 : memref<80xi32, #tpu.memory_space<vmem>>) semaphore(%arg22 : memref<!tpu.dma_semaphore, #tpu.memory_space<semaphore_mem>>)
        } else {
        }
        %dma_wait3A_153 = arith.constant 0 : i32
        %dma_wait3A_154 = tpu.memref_slice %arg12[%dma_wait3A_153] : memref<800xi32, #tpu.memory_space<vmem>> -> memref<80xi32, #tpu.memory_space<vmem>>
        %dma_wait3A_155 = arith.constant 0 : i32
        %dma_wait3A_156 = arith.constant 0 : i32
        %dma_wait3A_157 = tpu.memref_slice %arg6[%dma_wait3A_155, %dma_wait3A_156] : memref<100000x300xf32, #tpu.memory_space<hbm>> -> memref<100000x256xf32, #tpu.memory_space<hbm>>
        tpu.wait_indirect_dma semaphore(%arg19 : memref<!tpu.dma_semaphore, #tpu.memory_space<semaphore_mem>>) src(%dma_wait3A_157 : memref<100000x256xf32, #tpu.memory_space<hbm>>) dst(%arg13 : memref<80x256xf32, #tpu.memory_space<vmem>>)
        %dma_wait3A_158 = arith.constant 0 : i32
        %dma_wait3A_159 = tpu.memref_slice %arg12[%dma_wait3A_158] : memref<800xi32, #tpu.memory_space<vmem>> -> memref<80xi32, #tpu.memory_space<vmem>>
        %dma_wait3A_160 = arith.constant 0 : i32
        %dma_wait3A_161 = arith.constant 0 : i32
        %dma_wait3A_162 = tpu.memref_slice %arg7[%dma_wait3A_160, %dma_wait3A_161] : memref<100000x128xf32, #tpu.memory_space<hbm>> -> memref<100000x128xf32, #tpu.memory_space<hbm>>
        tpu.wait_indirect_dma semaphore(%arg20 : memref<!tpu.dma_semaphore, #tpu.memory_space<semaphore_mem>>) src(%dma_wait3A_162 : memref<100000x128xf32, #tpu.memory_space<hbm>>) dst(%arg14 : memref<80x128xf32, #tpu.memory_space<vmem>>)
        %scan3A_163 = arith.constant 0 : i32
        %scan3A_164 = arith.constant 0 : i32
        %scan3A_165 = arith.constant 80 : i32
        %scan3A_166 = arith.addi %scan3A_164, %scan3A_165 : i32
        %scan3A_167 = arith.constant 4 : i32
        %scan3A_168 = scf.for %scan3A_173 = %scan3A_164 to %scan3A_166 step %scan3A_167 iter_args(%scan3A_174 = %scan3A_163) -> (i32)  : i32 {
          %get3A = arith.index_cast %scan3A_173 : i32 to index
          %get3A_175 = arith.constant 0 : index
          %get3A_176 = tpu.vector_load %arg14[%get3A, %get3A_175] {strides = array<i32>} : memref<80x128xf32, #tpu.memory_space<vmem>>, vector<1x16xf32>,
          %get3A_177 = vector.shape_cast %get3A_176 : vector<1x16xf32> to vector<16xf32>
          %swap3A = arith.index_cast %scan3A_173 : i32 to index
          %swap3A_178 = arith.constant 0 : index
          %swap3A_179 = tpu.vector_load %arg15[%swap3A, %swap3A_178] {strides = array<i32>} : memref<80x44xf32, #tpu.memory_space<vmem>>, vector<1x16xf32>,
          %swap3A_180 = vector.shape_cast %swap3A_179 : vector<1x16xf32> to vector<16xf32>
          %swap3A_181 = vector.shape_cast %get3A_177 : vector<16xf32> to vector<1x16xf32>
          tpu.vector_store %arg15[%swap3A, %swap3A_178], %swap3A_181 {strides = array<i32>} : memref<80x44xf32, #tpu.memory_space<vmem>>, vector<1x16xf32>,
          %get3A_182 = arith.index_cast %scan3A_173 : i32 to index
          %get3A_183 = arith.constant 16 : index
          %get3A_184 = tpu.vector_load %arg14[%get3A_182, %get3A_183] {strides = array<i32>} : memref<80x128xf32, #tpu.memory_space<vmem>>, vector<1x16xf32>,
          %get3A_185 = vector.shape_cast %get3A_184 : vector<1x16xf32> to vector<16xf32>
          %swap3A_186 = arith.index_cast %scan3A_173 : i32 to index
          %swap3A_187 = arith.constant 16 : index
          %swap3A_188 = tpu.vector_load %arg15[%swap3A_186, %swap3A_187] {strides = array<i32>} : memref<80x44xf32, #tpu.memory_space<vmem>>, vector<1x16xf32>,
          %swap3A_189 = vector.shape_cast %swap3A_188 : vector<1x16xf32> to vector<16xf32>
          %swap3A_190 = vector.shape_cast %get3A_185 : vector<16xf32> to vector<1x16xf32>
          tpu.vector_store %arg15[%swap3A_186, %swap3A_187], %swap3A_190 {strides = array<i32>} : memref<80x44xf32, #tpu.memory_space<vmem>>, vector<1x16xf32>,
          %get3A_191 = arith.index_cast %scan3A_173 : i32 to index
          %get3A_192 = arith.constant 28 : index
          %get3A_193 = tpu.vector_load %arg14[%get3A_191, %get3A_192] {strides = array<i32>} : memref<80x128xf32, #tpu.memory_space<vmem>>, vector<1x16xf32>,
          %get3A_194 = vector.shape_cast %get3A_193 : vector<1x16xf32> to vector<16xf32>
          %swap3A_195 = arith.index_cast %scan3A_173 : i32 to index
          %swap3A_196 = arith.constant 28 : index
          %swap3A_197 = tpu.vector_load %arg15[%swap3A_195, %swap3A_196] {strides = array<i32>} : memref<80x44xf32, #tpu.memory_space<vmem>>, vector<1x16xf32>,
          %swap3A_198 = vector.shape_cast %swap3A_197 : vector<1x16xf32> to vector<16xf32>
          %swap3A_199 = vector.shape_cast %get3A_194 : vector<16xf32> to vector<1x16xf32>
          tpu.vector_store %arg15[%swap3A_195, %swap3A_196], %swap3A_199 {strides = array<i32>} : memref<80x44xf32, #tpu.memory_space<vmem>>, vector<1x16xf32>,
          %scan3A_200 = arith.constant 0 : i32
          %scan3A_201 = arith.constant 1 : i32
          %scan3A_202 = arith.addi %scan3A_173, %scan3A_201 : i32
          %get3A_203 = arith.index_cast %scan3A_202 : i32 to index
          %get3A_204 = arith.constant 0 : index
          %get3A_205 = tpu.vector_load %arg14[%get3A_203, %get3A_204] {strides = array<i32>} : memref<80x128xf32, #tpu.memory_space<vmem>>, vector<1x16xf32>,
          %get3A_206 = vector.shape_cast %get3A_205 : vector<1x16xf32> to vector<16xf32>
          %swap3A_207 = arith.index_cast %scan3A_202 : i32 to index
          %swap3A_208 = arith.constant 0 : index
          %swap3A_209 = tpu.vector_load %arg15[%swap3A_207, %swap3A_208] {strides = array<i32>} : memref<80x44xf32, #tpu.memory_space<vmem>>, vector<1x16xf32>,
          %swap3A_210 = vector.shape_cast %swap3A_209 : vector<1x16xf32> to vector<16xf32>
          %swap3A_211 = vector.shape_cast %get3A_206 : vector<16xf32> to vector<1x16xf32>
          tpu.vector_store %arg15[%swap3A_207, %swap3A_208], %swap3A_211 {strides = array<i32>} : memref<80x44xf32, #tpu.memory_space<vmem>>, vector<1x16xf32>,
          %get3A_212 = arith.index_cast %scan3A_202 : i32 to index
          %get3A_213 = arith.constant 16 : index
          %get3A_214 = tpu.vector_load %arg14[%get3A_212, %get3A_213] {strides = array<i32>} : memref<80x128xf32, #tpu.memory_space<vmem>>, vector<1x16xf32>,
          %get3A_215 = vector.shape_cast %get3A_214 : vector<1x16xf32> to vector<16xf32>
          %swap3A_216 = arith.index_cast %scan3A_202 : i32 to index
          %swap3A_217 = arith.constant 16 : index
          %swap3A_218 = tpu.vector_load %arg15[%swap3A_216, %swap3A_217] {strides = array<i32>} : memref<80x44xf32, #tpu.memory_space<vmem>>, vector<1x16xf32>,
          %swap3A_219 = vector.shape_cast %swap3A_218 : vector<1x16xf32> to vector<16xf32>
          %swap3A_220 = vector.shape_cast %get3A_215 : vector<16xf32> to vector<1x16xf32>
          tpu.vector_store %arg15[%swap3A_216, %swap3A_217], %swap3A_220 {strides = array<i32>} : memref<80x44xf32, #tpu.memory_space<vmem>>, vector<1x16xf32>,
          %get3A_221 = arith.index_cast %scan3A_202 : i32 to index
          %get3A_222 = arith.constant 28 : index
          %get3A_223 = tpu.vector_load %arg14[%get3A_221, %get3A_222] {strides = array<i32>} : memref<80x128xf32, #tpu.memory_space<vmem>>, vector<1x16xf32>,
          %get3A_224 = vector.shape_cast %get3A_223 : vector<1x16xf32> to vector<16xf32>
          %swap3A_225 = arith.index_cast %scan3A_202 : i32 to index
          %swap3A_226 = arith.constant 28 : index
          %swap3A_227 = tpu.vector_load %arg15[%swap3A_225, %swap3A_226] {strides = array<i32>} : memref<80x44xf32, #tpu.memory_space<vmem>>, vector<1x16xf32>,
          %swap3A_228 = vector.shape_cast %swap3A_227 : vector<1x16xf32> to vector<16xf32>
          %swap3A_229 = vector.shape_cast %get3A_224 : vector<16xf32> to vector<1x16xf32>
          tpu.vector_store %arg15[%swap3A_225, %swap3A_226], %swap3A_229 {strides = array<i32>} : memref<80x44xf32, #tpu.memory_space<vmem>>, vector<1x16xf32>,
          %scan3A_230 = arith.constant 0 : i32
          %scan3A_231 = arith.constant 2 : i32
          %scan3A_232 = arith.addi %scan3A_173, %scan3A_231 : i32
          %get3A_233 = arith.index_cast %scan3A_232 : i32 to index
          %get3A_234 = arith.constant 0 : index
          %get3A_235 = tpu.vector_load %arg14[%get3A_233, %get3A_234] {strides = array<i32>} : memref<80x128xf32, #tpu.memory_space<vmem>>, vector<1x16xf32>,
          %get3A_236 = vector.shape_cast %get3A_235 : vector<1x16xf32> to vector<16xf32>
          %swap3A_237 = arith.index_cast %scan3A_232 : i32 to index
          %swap3A_238 = arith.constant 0 : index
          %swap3A_239 = tpu.vector_load %arg15[%swap3A_237, %swap3A_238] {strides = array<i32>} : memref<80x44xf32, #tpu.memory_space<vmem>>, vector<1x16xf32>,
          %swap3A_240 = vector.shape_cast %swap3A_239 : vector<1x16xf32> to vector<16xf32>
          %swap3A_241 = vector.shape_cast %get3A_236 : vector<16xf32> to vector<1x16xf32>
          tpu.vector_store %arg15[%swap3A_237, %swap3A_238], %swap3A_241 {strides = array<i32>} : memref<80x44xf32, #tpu.memory_space<vmem>>, vector<1x16xf32>,
          %get3A_242 = arith.index_cast %scan3A_232 : i32 to index
          %get3A_243 = arith.constant 16 : index
          %get3A_244 = tpu.vector_load %arg14[%get3A_242, %get3A_243] {strides = array<i32>} : memref<80x128xf32, #tpu.memory_space<vmem>>, vector<1x16xf32>,
          %get3A_245 = vector.shape_cast %get3A_244 : vector<1x16xf32> to vector<16xf32>
          %swap3A_246 = arith.index_cast %scan3A_232 : i32 to index
          %swap3A_247 = arith.constant 16 : index
          %swap3A_248 = tpu.vector_load %arg15[%swap3A_246, %swap3A_247] {strides = array<i32>} : memref<80x44xf32, #tpu.memory_space<vmem>>, vector<1x16xf32>,
          %swap3A_249 = vector.shape_cast %swap3A_248 : vector<1x16xf32> to vector<16xf32>
          %swap3A_250 = vector.shape_cast %get3A_245 : vector<16xf32> to vector<1x16xf32>
          tpu.vector_store %arg15[%swap3A_246, %swap3A_247], %swap3A_250 {strides = array<i32>} : memref<80x44xf32, #tpu.memory_space<vmem>>, vector<1x16xf32>,
          %get3A_251 = arith.index_cast %scan3A_232 : i32 to index
          %get3A_252 = arith.constant 28 : index
          %get3A_253 = tpu.vector_load %arg14[%get3A_251, %get3A_252] {strides = array<i32>} : memref<80x128xf32, #tpu.memory_space<vmem>>, vector<1x16xf32>,
          %get3A_254 = vector.shape_cast %get3A_253 : vector<1x16xf32> to vector<16xf32>
          %swap3A_255 = arith.index_cast %scan3A_232 : i32 to index
          %swap3A_256 = arith.constant 28 : index
          %swap3A_257 = tpu.vector_load %arg15[%swap3A_255, %swap3A_256] {strides = array<i32>} : memref<80x44xf32, #tpu.memory_space<vmem>>, vector<1x16xf32>,
          %swap3A_258 = vector.shape_cast %swap3A_257 : vector<1x16xf32> to vector<16xf32>
          %swap3A_259 = vector.shape_cast %get3A_254 : vector<16xf32> to vector<1x16xf32>
          tpu.vector_store %arg15[%swap3A_255, %swap3A_256], %swap3A_259 {strides = array<i32>} : memref<80x44xf32, #tpu.memory_space<vmem>>, vector<1x16xf32>,
          %scan3A_260 = arith.constant 0 : i32
          %scan3A_261 = arith.constant 3 : i32
          %scan3A_262 = arith.addi %scan3A_173, %scan3A_261 : i32
          %get3A_263 = arith.index_cast %scan3A_262 : i32 to index
          %get3A_264 = arith.constant 0 : index
          %get3A_265 = tpu.vector_load %arg14[%get3A_263, %get3A_264] {strides = array<i32>} : memref<80x128xf32, #tpu.memory_space<vmem>>, vector<1x16xf32>,
          %get3A_266 = vector.shape_cast %get3A_265 : vector<1x16xf32> to vector<16xf32>
          %swap3A_267 = arith.index_cast %scan3A_262 : i32 to index
          %swap3A_268 = arith.constant 0 : index
          %swap3A_269 = tpu.vector_load %arg15[%swap3A_267, %swap3A_268] {strides = array<i32>} : memref<80x44xf32, #tpu.memory_space<vmem>>, vector<1x16xf32>,
          %swap3A_270 = vector.shape_cast %swap3A_269 : vector<1x16xf32> to vector<16xf32>
          %swap3A_271 = vector.shape_cast %get3A_266 : vector<16xf32> to vector<1x16xf32>
          tpu.vector_store %arg15[%swap3A_267, %swap3A_268], %swap3A_271 {strides = array<i32>} : memref<80x44xf32, #tpu.memory_space<vmem>>, vector<1x16xf32>,
          %get3A_272 = arith.index_cast %scan3A_262 : i32 to index
          %get3A_273 = arith.constant 16 : index
          %get3A_274 = tpu.vector_load %arg14[%get3A_272, %get3A_273] {strides = array<i32>} : memref<80x128xf32, #tpu.memory_space<vmem>>, vector<1x16xf32>,
          %get3A_275 = vector.shape_cast %get3A_274 : vector<1x16xf32> to vector<16xf32>
          %swap3A_276 = arith.index_cast %scan3A_262 : i32 to index
          %swap3A_277 = arith.constant 16 : index
          %swap3A_278 = tpu.vector_load %arg15[%swap3A_276, %swap3A_277] {strides = array<i32>} : memref<80x44xf32, #tpu.memory_space<vmem>>, vector<1x16xf32>,
          %swap3A_279 = vector.shape_cast %swap3A_278 : vector<1x16xf32> to vector<16xf32>
          %swap3A_280 = vector.shape_cast %get3A_275 : vector<16xf32> to vector<1x16xf32>
          tpu.vector_store %arg15[%swap3A_276, %swap3A_277], %swap3A_280 {strides = array<i32>} : memref<80x44xf32, #tpu.memory_space<vmem>>, vector<1x16xf32>,
          %get3A_281 = arith.index_cast %scan3A_262 : i32 to index
          %get3A_282 = arith.constant 28 : index
          %get3A_283 = tpu.vector_load %arg14[%get3A_281, %get3A_282] {strides = array<i32>} : memref<80x128xf32, #tpu.memory_space<vmem>>, vector<1x16xf32>,
          %get3A_284 = vector.shape_cast %get3A_283 : vector<1x16xf32> to vector<16xf32>
          %swap3A_285 = arith.index_cast %scan3A_262 : i32 to index
          %swap3A_286 = arith.constant 28 : index
          %swap3A_287 = tpu.vector_load %arg15[%swap3A_285, %swap3A_286] {strides = array<i32>} : memref<80x44xf32, #tpu.memory_space<vmem>>, vector<1x16xf32>,
          %swap3A_288 = vector.shape_cast %swap3A_287 : vector<1x16xf32> to vector<16xf32>
          %swap3A_289 = vector.shape_cast %get3A_284 : vector<16xf32> to vector<1x16xf32>
          tpu.vector_store %arg15[%swap3A_285, %swap3A_286], %swap3A_289 {strides = array<i32>} : memref<80x44xf32, #tpu.memory_space<vmem>>, vector<1x16xf32>,
          %scan3A_290 = arith.constant 0 : i32
          scf.yield %scan3A_290 : i32
        }
        %scan3A_169 = arith.constant 80 : i32
        %mul3A_170 = arith.constant 80 : i32
        %mul3A_171 = arith.muli %scan3A_110, %mul3A_170 : i32
        %add3A_172 = arith.addi %mul3A_92, %mul3A_171 : i32
        "tpu.region"() ({
          %run_scoped3A = tpu.sem_alloc : memref<!tpu.dma_semaphore, #tpu.memory_space<semaphore_mem>>
          %dma_start3A_173 = arith.constant 0 : i32
          %dma_start3A_174 = tpu.memref_slice %arg11[%add3A_172, %dma_start3A_173] : memref<5120x300xf32, #tpu.memory_space<hbm>> -> memref<80x256xf32, #tpu.memory_space<hbm>>
          %dma_start3A_175 = arith.constant 0 : i32
          %dma_start3A_176 = tpu.memref_slice %arg11[%add3A_172, %dma_start3A_175] : memref<5120x300xf32, #tpu.memory_space<hbm>> -> memref<80x256xf32, #tpu.memory_space<hbm>>
          tpu.enqueue_dma source(%arg13 : memref<80x256xf32, #tpu.memory_space<vmem>>) target(%dma_start3A_176 : memref<80x256xf32, #tpu.memory_space<hbm>>) target_semaphore(%run_scoped3A : memref<!tpu.dma_semaphore, #tpu.memory_space<semaphore_mem>>)
          %dma_wait3A_177 = arith.constant 0 : i32
          %dma_wait3A_178 = tpu.memref_slice %arg11[%add3A_172, %dma_wait3A_177] : memref<5120x300xf32, #tpu.memory_space<hbm>> -> memref<80x256xf32, #tpu.memory_space<hbm>>
          %dma_wait3A_179 = arith.constant 0 : i32
          %dma_wait3A_180 = tpu.memref_slice %arg11[%add3A_172, %dma_wait3A_179] : memref<5120x300xf32, #tpu.memory_space<hbm>> -> memref<80x256xf32, #tpu.memory_space<hbm>>
          tpu.wait_dma2 semaphore(%run_scoped3A : memref<!tpu.dma_semaphore, #tpu.memory_space<semaphore_mem>>) src(%arg13 : memref<80x256xf32, #tpu.memory_space<vmem>>) dst(%dma_wait3A_180 : memref<80x256xf32, #tpu.memory_space<hbm>>)
          tpu.yield
        }) : () -> ()
        "tpu.region"() ({
          %run_scoped3A = tpu.sem_alloc : memref<!tpu.dma_semaphore, #tpu.memory_space<semaphore_mem>>
          %dma_start3A_173 = arith.constant 256 : i32
          %dma_start3A_174 = tpu.memref_slice %arg11[%add3A_172, %dma_start3A_173] : memref<5120x300xf32, #tpu.memory_space<hbm>> -> memref<80x44xf32, #tpu.memory_space<hbm>>
          %dma_start3A_175 = arith.constant 256 : i32
          %dma_start3A_176 = tpu.memref_slice %arg11[%add3A_172, %dma_start3A_175] : memref<5120x300xf32, #tpu.memory_space<hbm>> -> memref<80x44xf32, #tpu.memory_space<hbm>>
          tpu.enqueue_dma source(%arg15 : memref<80x44xf32, #tpu.memory_space<vmem>>) target(%dma_start3A_176 : memref<80x44xf32, #tpu.memory_space<hbm>>) target_semaphore(%run_scoped3A : memref<!tpu.dma_semaphore, #tpu.memory_space<semaphore_mem>>)
          %dma_wait3A_177 = arith.constant 256 : i32
          %dma_wait3A_178 = tpu.memref_slice %arg11[%add3A_172, %dma_wait3A_177] : memref<5120x300xf32, #tpu.memory_space<hbm>> -> memref<80x44xf32, #tpu.memory_space<hbm>>
          %dma_wait3A_179 = arith.constant 256 : i32
          %dma_wait3A_180 = tpu.memref_slice %arg11[%add3A_172, %dma_wait3A_179] : memref<5120x300xf32, #tpu.memory_space<hbm>> -> memref<80x44xf32, #tpu.memory_space<hbm>>
          tpu.wait_dma2 semaphore(%run_scoped3A : memref<!tpu.dma_semaphore, #tpu.memory_space<semaphore_mem>>) src(%arg15 : memref<80x44xf32, #tpu.memory_space<vmem>>) dst(%dma_wait3A_180 : memref<80x44xf32, #tpu.memory_space<hbm>>)
          tpu.yield
        }) : () -> ()
      } else {
      }
      %jit3A_124 = arith.constant 2 : i32
      %eq3A_125 = arith.constant 0 : i32
      %eq3A_126 = arith.cmpi eq, %jit3A_124, %eq3A_125 : i32
      %jit3A_127 = arith.constant 1 : i32
      %select_n3A_128 = arith.select %eq3A_126, %jit3A_127, %jit3A_124 : i32
      %rem3A_129 = arith.remsi %scan3A_110, %select_n3A_128 : i32
      %ne3A_130 = arith.constant 0 : i32
      %ne3A_131 = arith.cmpi ne, %rem3A_129, %ne3A_130 : i32
      %lt3A_132 = arith.constant 0 : i32
      %lt3A_133 = arith.cmpi slt, %rem3A_129, %lt3A_132 : i32
      %lt3A_134 = arith.constant 0 : i32
      %lt3A_135 = arith.cmpi slt, %select_n3A_128, %lt3A_134 : i32
      %ne3A_136 = arith.xori %lt3A_133, %lt3A_135 : i1
      %and3A_137 = arith.andi %ne3A_136, %ne3A_131 : i1
      %add3A_138 = arith.addi %rem3A_129, %select_n3A_128 : i32
      %select_n3A_139 = arith.select %and3A_137, %add3A_138, %rem3A_129 : i32
      %eq3A_140 = arith.constant 1 : i32
      %eq3A_141 = arith.cmpi eq, %select_n3A_139, %eq3A_140 : i32
      %convert_element_type3A_142 = arith.extui %eq3A_141 : i1 to i32
      %cond3A_143 = arith.constant 0 : i32
      %cond3A_144 = arith.cmpi ne, %convert_element_type3A_142, %cond3A_143 : i32
      scf.if %cond3A_144 {
        %add3A_146 = arith.constant 1 : i32
        %add3A_147 = arith.addi %scan3A_110, %add3A_146 : i32
        %lt3A_148 = arith.constant 2 : i32
        %lt3A_149 = arith.cmpi slt, %add3A_147, %lt3A_148 : i32
        %convert_element_type3A_150 = arith.extui %lt3A_149 : i1 to i32
        %cond3A_151 = arith.constant 0 : i32
        %cond3A_152 = arith.cmpi ne, %convert_element_type3A_150, %cond3A_151 : i32
        scf.if %cond3A_152 {
          %add3A_173 = arith.constant 1 : i32
          %add3A_174 = arith.addi %scan3A_110, %add3A_173 : i32
          %mul3A_175 = arith.constant 80 : i32
          %mul3A_176 = arith.muli %add3A_174, %mul3A_175 : i32
          %add3A_177 = arith.constant 640 : i32
          %add3A_178 = arith.addi %add3A_177, %mul3A_176 : i32
          %dma_start3A_179 = tpu.memref_slice %arg12[%add3A_178] : memref<800xi32, #tpu.memory_space<vmem>> -> memref<80xi32, #tpu.memory_space<vmem>>
          %dma_start3A_180 = arith.constant 0 : i32
          %dma_start3A_181 = arith.constant 0 : i32
          %dma_start3A_182 = tpu.memref_slice %arg6[%dma_start3A_180, %dma_start3A_181] : memref<100000x300xf32, #tpu.memory_space<hbm>> -> memref<100000x256xf32, #tpu.memory_space<hbm>>
          tpu.enqueue_indirect_dma source(%dma_start3A_182 : memref<100000x256xf32, #tpu.memory_space<hbm>>) target(%arg13 : memref<80x256xf32, #tpu.memory_space<vmem>>) offsets(%dma_start3A_179 : memref<80xi32, #tpu.memory_space<vmem>>) semaphore(%arg19 : memref<!tpu.dma_semaphore, #tpu.memory_space<semaphore_mem>>)
          %dma_start3A_183 = tpu.memref_slice %arg12[%add3A_178] : memref<800xi32, #tpu.memory_space<vmem>> -> memref<80xi32, #tpu.memory_space<vmem>>
          %dma_start3A_184 = arith.constant 0 : i32
          %dma_start3A_185 = arith.constant 0 : i32
          %dma_start3A_186 = tpu.memref_slice %arg7[%dma_start3A_184, %dma_start3A_185] : memref<100000x128xf32, #tpu.memory_space<hbm>> -> memref<100000x128xf32, #tpu.memory_space<hbm>>
          tpu.enqueue_indirect_dma source(%dma_start3A_186 : memref<100000x128xf32, #tpu.memory_space<hbm>>) target(%arg14 : memref<80x128xf32, #tpu.memory_space<vmem>>) offsets(%dma_start3A_183 : memref<80xi32, #tpu.memory_space<vmem>>) semaphore(%arg20 : memref<!tpu.dma_semaphore, #tpu.memory_space<semaphore_mem>>)
        } else {
        }
        %dma_wait3A_153 = arith.constant 0 : i32
        %dma_wait3A_154 = tpu.memref_slice %arg12[%dma_wait3A_153] : memref<800xi32, #tpu.memory_space<vmem>> -> memref<80xi32, #tpu.memory_space<vmem>>
        %dma_wait3A_155 = arith.constant 0 : i32
        %dma_wait3A_156 = arith.constant 0 : i32
        %dma_wait3A_157 = tpu.memref_slice %arg6[%dma_wait3A_155, %dma_wait3A_156] : memref<100000x300xf32, #tpu.memory_space<hbm>> -> memref<100000x256xf32, #tpu.memory_space<hbm>>
        tpu.wait_indirect_dma semaphore(%arg21 : memref<!tpu.dma_semaphore, #tpu.memory_space<semaphore_mem>>) src(%dma_wait3A_157 : memref<100000x256xf32, #tpu.memory_space<hbm>>) dst(%arg16 : memref<80x256xf32, #tpu.memory_space<vmem>>)
        %dma_wait3A_158 = arith.constant 0 : i32
        %dma_wait3A_159 = tpu.memref_slice %arg12[%dma_wait3A_158] : memref<800xi32, #tpu.memory_space<vmem>> -> memref<80xi32, #tpu.memory_space<vmem>>
        %dma_wait3A_160 = arith.constant 0 : i32
        %dma_wait3A_161 = arith.constant 0 : i32
        %dma_wait3A_162 = tpu.memref_slice %arg7[%dma_wait3A_160, %dma_wait3A_161] : memref<100000x128xf32, #tpu.memory_space<hbm>> -> memref<100000x128xf32, #tpu.memory_space<hbm>>
        tpu.wait_indirect_dma semaphore(%arg22 : memref<!tpu.dma_semaphore, #tpu.memory_space<semaphore_mem>>) src(%dma_wait3A_162 : memref<100000x128xf32, #tpu.memory_space<hbm>>) dst(%arg17 : memref<80x128xf32, #tpu.memory_space<vmem>>)
        %scan3A_163 = arith.constant 0 : i32
        %scan3A_164 = arith.constant 0 : i32
        %scan3A_165 = arith.constant 80 : i32
        %scan3A_166 = arith.addi %scan3A_164, %scan3A_165 : i32
        %scan3A_167 = arith.constant 4 : i32
        %scan3A_168 = scf.for %scan3A_173 = %scan3A_164 to %scan3A_166 step %scan3A_167 iter_args(%scan3A_174 = %scan3A_163) -> (i32)  : i32 {
          %get3A = arith.index_cast %scan3A_173 : i32 to index
          %get3A_175 = arith.constant 0 : index
          %get3A_176 = tpu.vector_load %arg17[%get3A, %get3A_175] {strides = array<i32>} : memref<80x128xf32, #tpu.memory_space<vmem>>, vector<1x16xf32>,
          %get3A_177 = vector.shape_cast %get3A_176 : vector<1x16xf32> to vector<16xf32>
          %swap3A = arith.index_cast %scan3A_173 : i32 to index
          %swap3A_178 = arith.constant 0 : index
          %swap3A_179 = tpu.vector_load %arg18[%swap3A, %swap3A_178] {strides = array<i32>} : memref<80x44xf32, #tpu.memory_space<vmem>>, vector<1x16xf32>,
          %swap3A_180 = vector.shape_cast %swap3A_179 : vector<1x16xf32> to vector<16xf32>
          %swap3A_181 = vector.shape_cast %get3A_177 : vector<16xf32> to vector<1x16xf32>
          tpu.vector_store %arg18[%swap3A, %swap3A_178], %swap3A_181 {strides = array<i32>} : memref<80x44xf32, #tpu.memory_space<vmem>>, vector<1x16xf32>,
          %get3A_182 = arith.index_cast %scan3A_173 : i32 to index
          %get3A_183 = arith.constant 16 : index
          %get3A_184 = tpu.vector_load %arg17[%get3A_182, %get3A_183] {strides = array<i32>} : memref<80x128xf32, #tpu.memory_space<vmem>>, vector<1x16xf32>,
          %get3A_185 = vector.shape_cast %get3A_184 : vector<1x16xf32> to vector<16xf32>
          %swap3A_186 = arith.index_cast %scan3A_173 : i32 to index
          %swap3A_187 = arith.constant 16 : index
          %swap3A_188 = tpu.vector_load %arg18[%swap3A_186, %swap3A_187] {strides = array<i32>} : memref<80x44xf32, #tpu.memory_space<vmem>>, vector<1x16xf32>,
          %swap3A_189 = vector.shape_cast %swap3A_188 : vector<1x16xf32> to vector<16xf32>
          %swap3A_190 = vector.shape_cast %get3A_185 : vector<16xf32> to vector<1x16xf32>
          tpu.vector_store %arg18[%swap3A_186, %swap3A_187], %swap3A_190 {strides = array<i32>} : memref<80x44xf32, #tpu.memory_space<vmem>>, vector<1x16xf32>,
          %get3A_191 = arith.index_cast %scan3A_173 : i32 to index
          %get3A_192 = arith.constant 28 : index
          %get3A_193 = tpu.vector_load %arg17[%get3A_191, %get3A_192] {strides = array<i32>} : memref<80x128xf32, #tpu.memory_space<vmem>>, vector<1x16xf32>,
          %get3A_194 = vector.shape_cast %get3A_193 : vector<1x16xf32> to vector<16xf32>
          %swap3A_195 = arith.index_cast %scan3A_173 : i32 to index
          %swap3A_196 = arith.constant 28 : index
          %swap3A_197 = tpu.vector_load %arg18[%swap3A_195, %swap3A_196] {strides = array<i32>} : memref<80x44xf32, #tpu.memory_space<vmem>>, vector<1x16xf32>,
          %swap3A_198 = vector.shape_cast %swap3A_197 : vector<1x16xf32> to vector<16xf32>
          %swap3A_199 = vector.shape_cast %get3A_194 : vector<16xf32> to vector<1x16xf32>
          tpu.vector_store %arg18[%swap3A_195, %swap3A_196], %swap3A_199 {strides = array<i32>} : memref<80x44xf32, #tpu.memory_space<vmem>>, vector<1x16xf32>,
          %scan3A_200 = arith.constant 0 : i32
          %scan3A_201 = arith.constant 1 : i32
          %scan3A_202 = arith.addi %scan3A_173, %scan3A_201 : i32
          %get3A_203 = arith.index_cast %scan3A_202 : i32 to index
          %get3A_204 = arith.constant 0 : index
          %get3A_205 = tpu.vector_load %arg17[%get3A_203, %get3A_204] {strides = array<i32>} : memref<80x128xf32, #tpu.memory_space<vmem>>, vector<1x16xf32>,
          %get3A_206 = vector.shape_cast %get3A_205 : vector<1x16xf32> to vector<16xf32>
          %swap3A_207 = arith.index_cast %scan3A_202 : i32 to index
          %swap3A_208 = arith.constant 0 : index
          %swap3A_209 = tpu.vector_load %arg18[%swap3A_207, %swap3A_208] {strides = array<i32>} : memref<80x44xf32, #tpu.memory_space<vmem>>, vector<1x16xf32>,
          %swap3A_210 = vector.shape_cast %swap3A_209 : vector<1x16xf32> to vector<16xf32>
          %swap3A_211 = vector.shape_cast %get3A_206 : vector<16xf32> to vector<1x16xf32>
          tpu.vector_store %arg18[%swap3A_207, %swap3A_208], %swap3A_211 {strides = array<i32>} : memref<80x44xf32, #tpu.memory_space<vmem>>, vector<1x16xf32>,
          %get3A_212 = arith.index_cast %scan3A_202 : i32 to index
          %get3A_213 = arith.constant 16 : index
          %get3A_214 = tpu.vector_load %arg17[%get3A_212, %get3A_213] {strides = array<i32>} : memref<80x128xf32, #tpu.memory_space<vmem>>, vector<1x16xf32>,
          %get3A_215 = vector.shape_cast %get3A_214 : vector<1x16xf32> to vector<16xf32>
          %swap3A_216 = arith.index_cast %scan3A_202 : i32 to index
          %swap3A_217 = arith.constant 16 : index
          %swap3A_218 = tpu.vector_load %arg18[%swap3A_216, %swap3A_217] {strides = array<i32>} : memref<80x44xf32, #tpu.memory_space<vmem>>, vector<1x16xf32>,
          %swap3A_219 = vector.shape_cast %swap3A_218 : vector<1x16xf32> to vector<16xf32>
          %swap3A_220 = vector.shape_cast %get3A_215 : vector<16xf32> to vector<1x16xf32>
          tpu.vector_store %arg18[%swap3A_216, %swap3A_217], %swap3A_220 {strides = array<i32>} : memref<80x44xf32, #tpu.memory_space<vmem>>, vector<1x16xf32>,
          %get3A_221 = arith.index_cast %scan3A_202 : i32 to index
          %get3A_222 = arith.constant 28 : index
          %get3A_223 = tpu.vector_load %arg17[%get3A_221, %get3A_222] {strides = array<i32>} : memref<80x128xf32, #tpu.memory_space<vmem>>, vector<1x16xf32>,
          %get3A_224 = vector.shape_cast %get3A_223 : vector<1x16xf32> to vector<16xf32>
          %swap3A_225 = arith.index_cast %scan3A_202 : i32 to index
          %swap3A_226 = arith.constant 28 : index
          %swap3A_227 = tpu.vector_load %arg18[%swap3A_225, %swap3A_226] {strides = array<i32>} : memref<80x44xf32, #tpu.memory_space<vmem>>, vector<1x16xf32>,
          %swap3A_228 = vector.shape_cast %swap3A_227 : vector<1x16xf32> to vector<16xf32>
          %swap3A_229 = vector.shape_cast %get3A_224 : vector<16xf32> to vector<1x16xf32>
          tpu.vector_store %arg18[%swap3A_225, %swap3A_226], %swap3A_229 {strides = array<i32>} : memref<80x44xf32, #tpu.memory_space<vmem>>, vector<1x16xf32>,
          %scan3A_230 = arith.constant 0 : i32
          %scan3A_231 = arith.constant 2 : i32
          %scan3A_232 = arith.addi %scan3A_173, %scan3A_231 : i32
          %get3A_233 = arith.index_cast %scan3A_232 : i32 to index
          %get3A_234 = arith.constant 0 : index
          %get3A_235 = tpu.vector_load %arg17[%get3A_233, %get3A_234] {strides = array<i32>} : memref<80x128xf32, #tpu.memory_space<vmem>>, vector<1x16xf32>,
          %get3A_236 = vector.shape_cast %get3A_235 : vector<1x16xf32> to vector<16xf32>
          %swap3A_237 = arith.index_cast %scan3A_232 : i32 to index
          %swap3A_238 = arith.constant 0 : index
          %swap3A_239 = tpu.vector_load %arg18[%swap3A_237, %swap3A_238] {strides = array<i32>} : memref<80x44xf32, #tpu.memory_space<vmem>>, vector<1x16xf32>,
          %swap3A_240 = vector.shape_cast %swap3A_239 : vector<1x16xf32> to vector<16xf32>
          %swap3A_241 = vector.shape_cast %get3A_236 : vector<16xf32> to vector<1x16xf32>
          tpu.vector_store %arg18[%swap3A_237, %swap3A_238], %swap3A_241 {strides = array<i32>} : memref<80x44xf32, #tpu.memory_space<vmem>>, vector<1x16xf32>,
          %get3A_242 = arith.index_cast %scan3A_232 : i32 to index
          %get3A_243 = arith.constant 16 : index
          %get3A_244 = tpu.vector_load %arg17[%get3A_242, %get3A_243] {strides = array<i32>} : memref<80x128xf32, #tpu.memory_space<vmem>>, vector<1x16xf32>,
          %get3A_245 = vector.shape_cast %get3A_244 : vector<1x16xf32> to vector<16xf32>
          %swap3A_246 = arith.index_cast %scan3A_232 : i32 to index
          %swap3A_247 = arith.constant 16 : index
          %swap3A_248 = tpu.vector_load %arg18[%swap3A_246, %swap3A_247] {strides = array<i32>} : memref<80x44xf32, #tpu.memory_space<vmem>>, vector<1x16xf32>,
          %swap3A_249 = vector.shape_cast %swap3A_248 : vector<1x16xf32> to vector<16xf32>
          %swap3A_250 = vector.shape_cast %get3A_245 : vector<16xf32> to vector<1x16xf32>
          tpu.vector_store %arg18[%swap3A_246, %swap3A_247], %swap3A_250 {strides = array<i32>} : memref<80x44xf32, #tpu.memory_space<vmem>>, vector<1x16xf32>,
          %get3A_251 = arith.index_cast %scan3A_232 : i32 to index
          %get3A_252 = arith.constant 28 : index
          %get3A_253 = tpu.vector_load %arg17[%get3A_251, %get3A_252] {strides = array<i32>} : memref<80x128xf32, #tpu.memory_space<vmem>>, vector<1x16xf32>,
          %get3A_254 = vector.shape_cast %get3A_253 : vector<1x16xf32> to vector<16xf32>
          %swap3A_255 = arith.index_cast %scan3A_232 : i32 to index
          %swap3A_256 = arith.constant 28 : index
          %swap3A_257 = tpu.vector_load %arg18[%swap3A_255, %swap3A_256] {strides = array<i32>} : memref<80x44xf32, #tpu.memory_space<vmem>>, vector<1x16xf32>,
          %swap3A_258 = vector.shape_cast %swap3A_257 : vector<1x16xf32> to vector<16xf32>
          %swap3A_259 = vector.shape_cast %get3A_254 : vector<16xf32> to vector<1x16xf32>
          tpu.vector_store %arg18[%swap3A_255, %swap3A_256], %swap3A_259 {strides = array<i32>} : memref<80x44xf32, #tpu.memory_space<vmem>>, vector<1x16xf32>,
          %scan3A_260 = arith.constant 0 : i32
          %scan3A_261 = arith.constant 3 : i32
          %scan3A_262 = arith.addi %scan3A_173, %scan3A_261 : i32
          %get3A_263 = arith.index_cast %scan3A_262 : i32 to index
          %get3A_264 = arith.constant 0 : index
          %get3A_265 = tpu.vector_load %arg17[%get3A_263, %get3A_264] {strides = array<i32>} : memref<80x128xf32, #tpu.memory_space<vmem>>, vector<1x16xf32>,
          %get3A_266 = vector.shape_cast %get3A_265 : vector<1x16xf32> to vector<16xf32>
          %swap3A_267 = arith.index_cast %scan3A_262 : i32 to index
          %swap3A_268 = arith.constant 0 : index
          %swap3A_269 = tpu.vector_load %arg18[%swap3A_267, %swap3A_268] {strides = array<i32>} : memref<80x44xf32, #tpu.memory_space<vmem>>, vector<1x16xf32>,
          %swap3A_270 = vector.shape_cast %swap3A_269 : vector<1x16xf32> to vector<16xf32>
          %swap3A_271 = vector.shape_cast %get3A_266 : vector<16xf32> to vector<1x16xf32>
          tpu.vector_store %arg18[%swap3A_267, %swap3A_268], %swap3A_271 {strides = array<i32>} : memref<80x44xf32, #tpu.memory_space<vmem>>, vector<1x16xf32>,
          %get3A_272 = arith.index_cast %scan3A_262 : i32 to index
          %get3A_273 = arith.constant 16 : index
          %get3A_274 = tpu.vector_load %arg17[%get3A_272, %get3A_273] {strides = array<i32>} : memref<80x128xf32, #tpu.memory_space<vmem>>, vector<1x16xf32>,
          %get3A_275 = vector.shape_cast %get3A_274 : vector<1x16xf32> to vector<16xf32>
          %swap3A_276 = arith.index_cast %scan3A_262 : i32 to index
          %swap3A_277 = arith.constant 16 : index
          %swap3A_278 = tpu.vector_load %arg18[%swap3A_276, %swap3A_277] {strides = array<i32>} : memref<80x44xf32, #tpu.memory_space<vmem>>, vector<1x16xf32>,
          %swap3A_279 = vector.shape_cast %swap3A_278 : vector<1x16xf32> to vector<16xf32>
          %swap3A_280 = vector.shape_cast %get3A_275 : vector<16xf32> to vector<1x16xf32>
          tpu.vector_store %arg18[%swap3A_276, %swap3A_277], %swap3A_280 {strides = array<i32>} : memref<80x44xf32, #tpu.memory_space<vmem>>, vector<1x16xf32>,
          %get3A_281 = arith.index_cast %scan3A_262 : i32 to index
          %get3A_282 = arith.constant 28 : index
          %get3A_283 = tpu.vector_load %arg17[%get3A_281, %get3A_282] {strides = array<i32>} : memref<80x128xf32, #tpu.memory_space<vmem>>, vector<1x16xf32>,
          %get3A_284 = vector.shape_cast %get3A_283 : vector<1x16xf32> to vector<16xf32>
          %swap3A_285 = arith.index_cast %scan3A_262 : i32 to index
          %swap3A_286 = arith.constant 28 : index
          %swap3A_287 = tpu.vector_load %arg18[%swap3A_285, %swap3A_286] {strides = array<i32>} : memref<80x44xf32, #tpu.memory_space<vmem>>, vector<1x16xf32>,
          %swap3A_288 = vector.shape_cast %swap3A_287 : vector<1x16xf32> to vector<16xf32>
          %swap3A_289 = vector.shape_cast %get3A_284 : vector<16xf32> to vector<1x16xf32>
          tpu.vector_store %arg18[%swap3A_285, %swap3A_286], %swap3A_289 {strides = array<i32>} : memref<80x44xf32, #tpu.memory_space<vmem>>, vector<1x16xf32>,
          %scan3A_290 = arith.constant 0 : i32
          scf.yield %scan3A_290 : i32
        }
        %scan3A_169 = arith.constant 80 : i32
        %mul3A_170 = arith.constant 80 : i32
        %mul3A_171 = arith.muli %scan3A_110, %mul3A_170 : i32
        %add3A_172 = arith.addi %mul3A_92, %mul3A_171 : i32
        "tpu.region"() ({
          %run_scoped3A = tpu.sem_alloc : memref<!tpu.dma_semaphore, #tpu.memory_space<semaphore_mem>>
          %dma_start3A_173 = arith.constant 0 : i32
          %dma_start3A_174 = tpu.memref_slice %arg11[%add3A_172, %dma_start3A_173] : memref<5120x300xf32, #tpu.memory_space<hbm>> -> memref<80x256xf32, #tpu.memory_space<hbm>>
          %dma_start3A_175 = arith.constant 0 : i32
          %dma_start3A_176 = tpu.memref_slice %arg11[%add3A_172, %dma_start3A_175] : memref<5120x300xf32, #tpu.memory_space<hbm>> -> memref<80x256xf32, #tpu.memory_space<hbm>>
          tpu.enqueue_dma source(%arg16 : memref<80x256xf32, #tpu.memory_space<vmem>>) target(%dma_start3A_176 : memref<80x256xf32, #tpu.memory_space<hbm>>) target_semaphore(%run_scoped3A : memref<!tpu.dma_semaphore, #tpu.memory_space<semaphore_mem>>)
          %dma_wait3A_177 = arith.constant 0 : i32
          %dma_wait3A_178 = tpu.memref_slice %arg11[%add3A_172, %dma_wait3A_177] : memref<5120x300xf32, #tpu.memory_space<hbm>> -> memref<80x256xf32, #tpu.memory_space<hbm>>
          %dma_wait3A_179 = arith.constant 0 : i32
          %dma_wait3A_180 = tpu.memref_slice %arg11[%add3A_172, %dma_wait3A_179] : memref<5120x300xf32, #tpu.memory_space<hbm>> -> memref<80x256xf32, #tpu.memory_space<hbm>>
          tpu.wait_dma2 semaphore(%run_scoped3A : memref<!tpu.dma_semaphore, #tpu.memory_space<semaphore_mem>>) src(%arg16 : memref<80x256xf32, #tpu.memory_space<vmem>>) dst(%dma_wait3A_180 : memref<80x256xf32, #tpu.memory_space<hbm>>)
          tpu.yield
        }) : () -> ()
        "tpu.region"() ({
          %run_scoped3A = tpu.sem_alloc : memref<!tpu.dma_semaphore, #tpu.memory_space<semaphore_mem>>
          %dma_start3A_173 = arith.constant 256 : i32
          %dma_start3A_174 = tpu.memref_slice %arg11[%add3A_172, %dma_start3A_173] : memref<5120x300xf32, #tpu.memory_space<hbm>> -> memref<80x44xf32, #tpu.memory_space<hbm>>
          %dma_start3A_175 = arith.constant 256 : i32
          %dma_start3A_176 = tpu.memref_slice %arg11[%add3A_172, %dma_start3A_175] : memref<5120x300xf32, #tpu.memory_space<hbm>> -> memref<80x44xf32, #tpu.memory_space<hbm>>
          tpu.enqueue_dma source(%arg18 : memref<80x44xf32, #tpu.memory_space<vmem>>) target(%dma_start3A_176 : memref<80x44xf32, #tpu.memory_space<hbm>>) target_semaphore(%run_scoped3A : memref<!tpu.dma_semaphore, #tpu.memory_space<semaphore_mem>>)
          %dma_wait3A_177 = arith.constant 256 : i32
          %dma_wait3A_178 = tpu.memref_slice %arg11[%add3A_172, %dma_wait3A_177] : memref<5120x300xf32, #tpu.memory_space<hbm>> -> memref<80x44xf32, #tpu.memory_space<hbm>>
          %dma_wait3A_179 = arith.constant 256 : i32
          %dma_wait3A_180 = tpu.memref_slice %arg11[%add3A_172, %dma_wait3A_179] : memref<5120x300xf32, #tpu.memory_space<hbm>> -> memref<80x44xf32, #tpu.memory_space<hbm>>
          tpu.wait_dma2 semaphore(%run_scoped3A : memref<!tpu.dma_semaphore, #tpu.memory_space<semaphore_mem>>) src(%arg18 : memref<80x44xf32, #tpu.memory_space<vmem>>) dst(%dma_wait3A_180 : memref<80x44xf32, #tpu.memory_space<hbm>>)
          tpu.yield
        }) : () -> ()
      } else {
      }
      %scan3A_145 = arith.constant 0 : i32
      scf.yield %scan3A_145 : i32
    }
    %scan3A_109 = arith.constant 2 : i32
    return
  }
}

#map = affine_map<(d0, d1) -> (0)>
#map1 = affine_map<(d0, d1) -> (0, 0)>
module attributes {stable_mosaic.version = 14 : i64} {
  func.func @body(%arg0: i32, %arg1: i32, %arg2: memref<51200xi32, #tpu.memory_space<hbm>>, %arg3: memref<100000x300xf32, #tpu.memory_space<hbm>>, %arg4: memref<100000x128xf32, #tpu.memory_space<hbm>>, %arg5: memref<51200x300xf32, #tpu.memory_space<hbm>>, %arg6: memref<1600xi32, #tpu.memory_space<vmem>>, %arg7: memref<80x256xf32, #tpu.memory_space<vmem>>, %arg8: memref<80x128xf32, #tpu.memory_space<vmem>>, %arg9: memref<80x44xf32, #tpu.memory_space<vmem>>, %arg10: memref<80x256xf32, #tpu.memory_space<vmem>>, %arg11: memref<80x128xf32, #tpu.memory_space<vmem>>, %arg12: memref<80x44xf32, #tpu.memory_space<vmem>>, %arg13: memref<!tpu.dma_semaphore, #tpu.memory_space<semaphore_mem>>, %arg14: memref<!tpu.dma_semaphore, #tpu.memory_space<semaphore_mem>>, %arg15: memref<!tpu.dma_semaphore, #tpu.memory_space<semaphore_mem>>, %arg16: memref<!tpu.dma_semaphore, #tpu.memory_space<semaphore_mem>>, %arg17: memref<!tpu.dma_semaphore, #tpu.memory_space<semaphore_mem>>) attributes {dimension_semantics = [#tpu.dimension_semantics<core_parallel>, #tpu.dimension_semantics<subcore_parallel>], iteration_bounds = array<i64: 2, 16>, scalar_prefetch = 0 : i64, scratch_operands = 12 : i64, tpu.core_type = #tpu.core_type<sc_vector_subcore>, window_params = [{transform_indices = #map}, {transform_indices = #map1}, {transform_indices = #map1}, {transform_indices = #map1}]} {
    %mul3A = arith.constant 2 : i32
    %mul3A_0 = arith.muli %arg1, %mul3A : i32
    %add3A = arith.addi %mul3A_0, %arg0 : i32
    %mul3A_1 = arith.constant 1600 : i32
    %mul3A_2 = arith.muli %add3A, %mul3A_1 : i32
    %dma_start3A = arith.constant 0 : i32
    %dma_start3A_3 = tpu.memref_slice %arg6[%dma_start3A] : memref<1600xi32, #tpu.memory_space<vmem>> -> memref<1600xi32, #tpu.memory_space<vmem>>
    %dma_start3A_4 = tpu.memref_slice %arg2[%mul3A_2] : memref<51200xi32, #tpu.memory_space<hbm>> -> memref<1600xi32, #tpu.memory_space<hbm>>
    %dma_start3A_5 = arith.constant 0 : i32
    %dma_start3A_6 = tpu.memref_slice %arg6[%dma_start3A_5] : memref<1600xi32, #tpu.memory_space<vmem>> -> memref<1600xi32, #tpu.memory_space<vmem>>
    %dma_start3A_7 = tpu.memref_slice %arg2[%mul3A_2] : memref<51200xi32, #tpu.memory_space<hbm>> -> memref<1600xi32, #tpu.memory_space<hbm>>
    tpu.enqueue_dma source(%dma_start3A_7 : memref<1600xi32, #tpu.memory_space<hbm>>) target(%dma_start3A_6 : memref<1600xi32, #tpu.memory_space<vmem>>) target_semaphore(%arg17 : memref<!tpu.dma_semaphore, #tpu.memory_space<semaphore_mem>>)
    %dma_wait3A = arith.constant 0 : i32
    %dma_wait3A_8 = tpu.memref_slice %arg2[%dma_wait3A] : memref<51200xi32, #tpu.memory_space<hbm>> -> memref<1600xi32, #tpu.memory_space<hbm>>
    %dma_wait3A_9 = arith.constant 0 : i32
    %dma_wait3A_10 = tpu.memref_slice %arg2[%dma_wait3A_9] : memref<51200xi32, #tpu.memory_space<hbm>> -> memref<1600xi32, #tpu.memory_space<hbm>>
    tpu.wait_dma2 semaphore(%arg17 : memref<!tpu.dma_semaphore, #tpu.memory_space<semaphore_mem>>) src(%dma_wait3A_10 : memref<1600xi32, #tpu.memory_space<hbm>>) dst(%arg6 : memref<1600xi32, #tpu.memory_space<vmem>>)
    %mul3A_11 = arith.constant 1600 : i32
    %mul3A_12 = arith.muli %add3A, %mul3A_11 : i32
    %dma_start3A_13 = arith.constant 0 : i32
    %dma_start3A_14 = tpu.memref_slice %arg6[%dma_start3A_13] : memref<1600xi32, #tpu.memory_space<vmem>> -> memref<80xi32, #tpu.memory_space<vmem>>
    %dma_start3A_15 = arith.constant 0 : i32
    %dma_start3A_16 = arith.constant 0 : i32
    %dma_start3A_17 = tpu.memref_slice %arg3[%dma_start3A_15, %dma_start3A_16] : memref<100000x300xf32, #tpu.memory_space<hbm>> -> memref<100000x256xf32, #tpu.memory_space<hbm>>
    tpu.enqueue_indirect_dma source(%dma_start3A_17 : memref<100000x256xf32, #tpu.memory_space<hbm>>) target(%arg7 : memref<80x256xf32, #tpu.memory_space<vmem>>) offsets(%dma_start3A_14 : memref<80xi32, #tpu.memory_space<vmem>>) semaphore(%arg13 : memref<!tpu.dma_semaphore, #tpu.memory_space<semaphore_mem>>)
    %dma_start3A_18 = arith.constant 0 : i32
    %dma_start3A_19 = tpu.memref_slice %arg6[%dma_start3A_18] : memref<1600xi32, #tpu.memory_space<vmem>> -> memref<80xi32, #tpu.memory_space<vmem>>
    %dma_start3A_20 = arith.constant 0 : i32
    %dma_start3A_21 = arith.constant 0 : i32
    %dma_start3A_22 = tpu.memref_slice %arg4[%dma_start3A_20, %dma_start3A_21] : memref<100000x128xf32, #tpu.memory_space<hbm>> -> memref<100000x128xf32, #tpu.memory_space<hbm>>
    tpu.enqueue_indirect_dma source(%dma_start3A_22 : memref<100000x128xf32, #tpu.memory_space<hbm>>) target(%arg8 : memref<80x128xf32, #tpu.memory_space<vmem>>) offsets(%dma_start3A_19 : memref<80xi32, #tpu.memory_space<vmem>>) semaphore(%arg14 : memref<!tpu.dma_semaphore, #tpu.memory_space<semaphore_mem>>)
    %scan3A = arith.constant 0 : i32
    %scan3A_23 = arith.constant 0 : i32
    %scan3A_24 = arith.constant 20 : i32
    %scan3A_25 = arith.addi %scan3A_23, %scan3A_24 : i32
    %scan3A_26 = arith.constant 1 : i32
    %scan3A_27 = scf.for %scan3A_29 = %scan3A_23 to %scan3A_25 step %scan3A_26 iter_args(%scan3A_30 = %scan3A) -> (i32)  : i32 {
      %jit3A = arith.constant 2 : i32
      %eq3A = arith.constant 0 : i32
      %eq3A_31 = arith.cmpi eq, %jit3A, %eq3A : i32
      %jit3A_32 = arith.constant 1 : i32
      %select_n3A = arith.select %eq3A_31, %jit3A_32, %jit3A : i32
      %rem3A = arith.remsi %scan3A_29, %select_n3A : i32
      %ne3A = arith.constant 0 : i32
      %ne3A_33 = arith.cmpi ne, %rem3A, %ne3A : i32
      %lt3A = arith.constant 0 : i32
      %lt3A_34 = arith.cmpi slt, %rem3A, %lt3A : i32
      %lt3A_35 = arith.constant 0 : i32
      %lt3A_36 = arith.cmpi slt, %select_n3A, %lt3A_35 : i32
      %ne3A_37 = arith.xori %lt3A_34, %lt3A_36 : i1
      %and3A = arith.andi %ne3A_37, %ne3A_33 : i1
      %add3A_38 = arith.addi %rem3A, %select_n3A : i32
      %select_n3A_39 = arith.select %and3A, %add3A_38, %rem3A : i32
      %eq3A_40 = arith.constant 0 : i32
      %eq3A_41 = arith.cmpi eq, %select_n3A_39, %eq3A_40 : i32
      %convert_element_type3A = arith.extui %eq3A_41 : i1 to i32
      %cond3A = arith.constant 0 : i32
      %cond3A_42 = arith.cmpi ne, %convert_element_type3A, %cond3A : i32
      scf.if %cond3A_42 {
        %add3A_65 = arith.constant 1 : i32
        %add3A_66 = arith.addi %scan3A_29, %add3A_65 : i32
        %lt3A_67 = arith.constant 20 : i32
        %lt3A_68 = arith.cmpi slt, %add3A_66, %lt3A_67 : i32
        %convert_element_type3A_69 = arith.extui %lt3A_68 : i1 to i32
        %cond3A_70 = arith.constant 0 : i32
        %cond3A_71 = arith.cmpi ne, %convert_element_type3A_69, %cond3A_70 : i32
        scf.if %cond3A_71 {
          %add3A_92 = arith.constant 1 : i32
          %add3A_93 = arith.addi %scan3A_29, %add3A_92 : i32
          %mul3A_94 = arith.constant 80 : i32
          %mul3A_95 = arith.muli %add3A_93, %mul3A_94 : i32
          %add3A_96 = arith.constant 0 : i32
          %add3A_97 = arith.addi %add3A_96, %mul3A_95 : i32
          %dma_start3A_98 = tpu.memref_slice %arg6[%add3A_97] : memref<1600xi32, #tpu.memory_space<vmem>> -> memref<80xi32, #tpu.memory_space<vmem>>
          %dma_start3A_99 = arith.constant 0 : i32
          %dma_start3A_100 = arith.constant 0 : i32
          %dma_start3A_101 = tpu.memref_slice %arg3[%dma_start3A_99, %dma_start3A_100] : memref<100000x300xf32, #tpu.memory_space<hbm>> -> memref<100000x256xf32, #tpu.memory_space<hbm>>
          tpu.enqueue_indirect_dma source(%dma_start3A_101 : memref<100000x256xf32, #tpu.memory_space<hbm>>) target(%arg10 : memref<80x256xf32, #tpu.memory_space<vmem>>) offsets(%dma_start3A_98 : memref<80xi32, #tpu.memory_space<vmem>>) semaphore(%arg15 : memref<!tpu.dma_semaphore, #tpu.memory_space<semaphore_mem>>)
          %dma_start3A_102 = tpu.memref_slice %arg6[%add3A_97] : memref<1600xi32, #tpu.memory_space<vmem>> -> memref<80xi32, #tpu.memory_space<vmem>>
          %dma_start3A_103 = arith.constant 0 : i32
          %dma_start3A_104 = arith.constant 0 : i32
          %dma_start3A_105 = tpu.memref_slice %arg4[%dma_start3A_103, %dma_start3A_104] : memref<100000x128xf32, #tpu.memory_space<hbm>> -> memref<100000x128xf32, #tpu.memory_space<hbm>>
          tpu.enqueue_indirect_dma source(%dma_start3A_105 : memref<100000x128xf32, #tpu.memory_space<hbm>>) target(%arg11 : memref<80x128xf32, #tpu.memory_space<vmem>>) offsets(%dma_start3A_102 : memref<80xi32, #tpu.memory_space<vmem>>) semaphore(%arg16 : memref<!tpu.dma_semaphore, #tpu.memory_space<semaphore_mem>>)
        } else {
        }
        %dma_wait3A_72 = arith.constant 0 : i32
        %dma_wait3A_73 = tpu.memref_slice %arg6[%dma_wait3A_72] : memref<1600xi32, #tpu.memory_space<vmem>> -> memref<80xi32, #tpu.memory_space<vmem>>
        %dma_wait3A_74 = arith.constant 0 : i32
        %dma_wait3A_75 = arith.constant 0 : i32
        %dma_wait3A_76 = tpu.memref_slice %arg3[%dma_wait3A_74, %dma_wait3A_75] : memref<100000x300xf32, #tpu.memory_space<hbm>> -> memref<100000x256xf32, #tpu.memory_space<hbm>>
        tpu.wait_indirect_dma semaphore(%arg13 : memref<!tpu.dma_semaphore, #tpu.memory_space<semaphore_mem>>) src(%dma_wait3A_76 : memref<100000x256xf32, #tpu.memory_space<hbm>>) dst(%arg7 : memref<80x256xf32, #tpu.memory_space<vmem>>)
        %dma_wait3A_77 = arith.constant 0 : i32
        %dma_wait3A_78 = tpu.memref_slice %arg6[%dma_wait3A_77] : memref<1600xi32, #tpu.memory_space<vmem>> -> memref<80xi32, #tpu.memory_space<vmem>>
        %dma_wait3A_79 = arith.constant 0 : i32
        %dma_wait3A_80 = arith.constant 0 : i32
        %dma_wait3A_81 = tpu.memref_slice %arg4[%dma_wait3A_79, %dma_wait3A_80] : memref<100000x128xf32, #tpu.memory_space<hbm>> -> memref<100000x128xf32, #tpu.memory_space<hbm>>
        tpu.wait_indirect_dma semaphore(%arg14 : memref<!tpu.dma_semaphore, #tpu.memory_space<semaphore_mem>>) src(%dma_wait3A_81 : memref<100000x128xf32, #tpu.memory_space<hbm>>) dst(%arg8 : memref<80x128xf32, #tpu.memory_space<vmem>>)
        %scan3A_82 = arith.constant 0 : i32
        %scan3A_83 = arith.constant 0 : i32
        %scan3A_84 = arith.constant 80 : i32
        %scan3A_85 = arith.addi %scan3A_83, %scan3A_84 : i32
        %scan3A_86 = arith.constant 4 : i32
        %scan3A_87 = scf.for %scan3A_92 = %scan3A_83 to %scan3A_85 step %scan3A_86 iter_args(%scan3A_93 = %scan3A_82) -> (i32)  : i32 {
          %get3A = arith.index_cast %scan3A_92 : i32 to index
          %get3A_94 = arith.constant 0 : index
          %get3A_95 = tpu.vector_load %arg8[%get3A, %get3A_94] {strides = array<i32>} : memref<80x128xf32, #tpu.memory_space<vmem>>, vector<1x16xf32>,
          %get3A_96 = vector.shape_cast %get3A_95 : vector<1x16xf32> to vector<16xf32>
          %swap3A = arith.index_cast %scan3A_92 : i32 to index
          %swap3A_97 = arith.constant 0 : index
          %swap3A_98 = tpu.vector_load %arg9[%swap3A, %swap3A_97] {strides = array<i32>} : memref<80x44xf32, #tpu.memory_space<vmem>>, vector<1x16xf32>,
          %swap3A_99 = vector.shape_cast %swap3A_98 : vector<1x16xf32> to vector<16xf32>
          %swap3A_100 = vector.shape_cast %get3A_96 : vector<16xf32> to vector<1x16xf32>
          tpu.vector_store %arg9[%swap3A, %swap3A_97], %swap3A_100 {strides = array<i32>} : memref<80x44xf32, #tpu.memory_space<vmem>>, vector<1x16xf32>,
          %get3A_101 = arith.index_cast %scan3A_92 : i32 to index
          %get3A_102 = arith.constant 16 : index
          %get3A_103 = tpu.vector_load %arg8[%get3A_101, %get3A_102] {strides = array<i32>} : memref<80x128xf32, #tpu.memory_space<vmem>>, vector<1x16xf32>,
          %get3A_104 = vector.shape_cast %get3A_103 : vector<1x16xf32> to vector<16xf32>
          %swap3A_105 = arith.index_cast %scan3A_92 : i32 to index
          %swap3A_106 = arith.constant 16 : index
          %swap3A_107 = tpu.vector_load %arg9[%swap3A_105, %swap3A_106] {strides = array<i32>} : memref<80x44xf32, #tpu.memory_space<vmem>>, vector<1x16xf32>,
          %swap3A_108 = vector.shape_cast %swap3A_107 : vector<1x16xf32> to vector<16xf32>
          %swap3A_109 = vector.shape_cast %get3A_104 : vector<16xf32> to vector<1x16xf32>
          tpu.vector_store %arg9[%swap3A_105, %swap3A_106], %swap3A_109 {strides = array<i32>} : memref<80x44xf32, #tpu.memory_space<vmem>>, vector<1x16xf32>,
          %get3A_110 = arith.index_cast %scan3A_92 : i32 to index
          %get3A_111 = arith.constant 28 : index
          %get3A_112 = tpu.vector_load %arg8[%get3A_110, %get3A_111] {strides = array<i32>} : memref<80x128xf32, #tpu.memory_space<vmem>>, vector<1x16xf32>,
          %get3A_113 = vector.shape_cast %get3A_112 : vector<1x16xf32> to vector<16xf32>
          %swap3A_114 = arith.index_cast %scan3A_92 : i32 to index
          %swap3A_115 = arith.constant 28 : index
          %swap3A_116 = tpu.vector_load %arg9[%swap3A_114, %swap3A_115] {strides = array<i32>} : memref<80x44xf32, #tpu.memory_space<vmem>>, vector<1x16xf32>,
          %swap3A_117 = vector.shape_cast %swap3A_116 : vector<1x16xf32> to vector<16xf32>
          %swap3A_118 = vector.shape_cast %get3A_113 : vector<16xf32> to vector<1x16xf32>
          tpu.vector_store %arg9[%swap3A_114, %swap3A_115], %swap3A_118 {strides = array<i32>} : memref<80x44xf32, #tpu.memory_space<vmem>>, vector<1x16xf32>,
          %scan3A_119 = arith.constant 0 : i32
          %scan3A_120 = arith.constant 1 : i32
          %scan3A_121 = arith.addi %scan3A_92, %scan3A_120 : i32
          %get3A_122 = arith.index_cast %scan3A_121 : i32 to index
          %get3A_123 = arith.constant 0 : index
          %get3A_124 = tpu.vector_load %arg8[%get3A_122, %get3A_123] {strides = array<i32>} : memref<80x128xf32, #tpu.memory_space<vmem>>, vector<1x16xf32>,
          %get3A_125 = vector.shape_cast %get3A_124 : vector<1x16xf32> to vector<16xf32>
          %swap3A_126 = arith.index_cast %scan3A_121 : i32 to index
          %swap3A_127 = arith.constant 0 : index
          %swap3A_128 = tpu.vector_load %arg9[%swap3A_126, %swap3A_127] {strides = array<i32>} : memref<80x44xf32, #tpu.memory_space<vmem>>, vector<1x16xf32>,
          %swap3A_129 = vector.shape_cast %swap3A_128 : vector<1x16xf32> to vector<16xf32>
          %swap3A_130 = vector.shape_cast %get3A_125 : vector<16xf32> to vector<1x16xf32>
          tpu.vector_store %arg9[%swap3A_126, %swap3A_127], %swap3A_130 {strides = array<i32>} : memref<80x44xf32, #tpu.memory_space<vmem>>, vector<1x16xf32>,
          %get3A_131 = arith.index_cast %scan3A_121 : i32 to index
          %get3A_132 = arith.constant 16 : index
          %get3A_133 = tpu.vector_load %arg8[%get3A_131, %get3A_132] {strides = array<i32>} : memref<80x128xf32, #tpu.memory_space<vmem>>, vector<1x16xf32>,
          %get3A_134 = vector.shape_cast %get3A_133 : vector<1x16xf32> to vector<16xf32>
          %swap3A_135 = arith.index_cast %scan3A_121 : i32 to index
          %swap3A_136 = arith.constant 16 : index
          %swap3A_137 = tpu.vector_load %arg9[%swap3A_135, %swap3A_136] {strides = array<i32>} : memref<80x44xf32, #tpu.memory_space<vmem>>, vector<1x16xf32>,
          %swap3A_138 = vector.shape_cast %swap3A_137 : vector<1x16xf32> to vector<16xf32>
          %swap3A_139 = vector.shape_cast %get3A_134 : vector<16xf32> to vector<1x16xf32>
          tpu.vector_store %arg9[%swap3A_135, %swap3A_136], %swap3A_139 {strides = array<i32>} : memref<80x44xf32, #tpu.memory_space<vmem>>, vector<1x16xf32>,
          %get3A_140 = arith.index_cast %scan3A_121 : i32 to index
          %get3A_141 = arith.constant 28 : index
          %get3A_142 = tpu.vector_load %arg8[%get3A_140, %get3A_141] {strides = array<i32>} : memref<80x128xf32, #tpu.memory_space<vmem>>, vector<1x16xf32>,
          %get3A_143 = vector.shape_cast %get3A_142 : vector<1x16xf32> to vector<16xf32>
          %swap3A_144 = arith.index_cast %scan3A_121 : i32 to index
          %swap3A_145 = arith.constant 28 : index
          %swap3A_146 = tpu.vector_load %arg9[%swap3A_144, %swap3A_145] {strides = array<i32>} : memref<80x44xf32, #tpu.memory_space<vmem>>, vector<1x16xf32>,
          %swap3A_147 = vector.shape_cast %swap3A_146 : vector<1x16xf32> to vector<16xf32>
          %swap3A_148 = vector.shape_cast %get3A_143 : vector<16xf32> to vector<1x16xf32>
          tpu.vector_store %arg9[%swap3A_144, %swap3A_145], %swap3A_148 {strides = array<i32>} : memref<80x44xf32, #tpu.memory_space<vmem>>, vector<1x16xf32>,
          %scan3A_149 = arith.constant 0 : i32
          %scan3A_150 = arith.constant 2 : i32
          %scan3A_151 = arith.addi %scan3A_92, %scan3A_150 : i32
          %get3A_152 = arith.index_cast %scan3A_151 : i32 to index
          %get3A_153 = arith.constant 0 : index
          %get3A_154 = tpu.vector_load %arg8[%get3A_152, %get3A_153] {strides = array<i32>} : memref<80x128xf32, #tpu.memory_space<vmem>>, vector<1x16xf32>,
          %get3A_155 = vector.shape_cast %get3A_154 : vector<1x16xf32> to vector<16xf32>
          %swap3A_156 = arith.index_cast %scan3A_151 : i32 to index
          %swap3A_157 = arith.constant 0 : index
          %swap3A_158 = tpu.vector_load %arg9[%swap3A_156, %swap3A_157] {strides = array<i32>} : memref<80x44xf32, #tpu.memory_space<vmem>>, vector<1x16xf32>,
          %swap3A_159 = vector.shape_cast %swap3A_158 : vector<1x16xf32> to vector<16xf32>
          %swap3A_160 = vector.shape_cast %get3A_155 : vector<16xf32> to vector<1x16xf32>
          tpu.vector_store %arg9[%swap3A_156, %swap3A_157], %swap3A_160 {strides = array<i32>} : memref<80x44xf32, #tpu.memory_space<vmem>>, vector<1x16xf32>,
          %get3A_161 = arith.index_cast %scan3A_151 : i32 to index
          %get3A_162 = arith.constant 16 : index
          %get3A_163 = tpu.vector_load %arg8[%get3A_161, %get3A_162] {strides = array<i32>} : memref<80x128xf32, #tpu.memory_space<vmem>>, vector<1x16xf32>,
          %get3A_164 = vector.shape_cast %get3A_163 : vector<1x16xf32> to vector<16xf32>
          %swap3A_165 = arith.index_cast %scan3A_151 : i32 to index
          %swap3A_166 = arith.constant 16 : index
          %swap3A_167 = tpu.vector_load %arg9[%swap3A_165, %swap3A_166] {strides = array<i32>} : memref<80x44xf32, #tpu.memory_space<vmem>>, vector<1x16xf32>,
          %swap3A_168 = vector.shape_cast %swap3A_167 : vector<1x16xf32> to vector<16xf32>
          %swap3A_169 = vector.shape_cast %get3A_164 : vector<16xf32> to vector<1x16xf32>
          tpu.vector_store %arg9[%swap3A_165, %swap3A_166], %swap3A_169 {strides = array<i32>} : memref<80x44xf32, #tpu.memory_space<vmem>>, vector<1x16xf32>,
          %get3A_170 = arith.index_cast %scan3A_151 : i32 to index
          %get3A_171 = arith.constant 28 : index
          %get3A_172 = tpu.vector_load %arg8[%get3A_170, %get3A_171] {strides = array<i32>} : memref<80x128xf32, #tpu.memory_space<vmem>>, vector<1x16xf32>,
          %get3A_173 = vector.shape_cast %get3A_172 : vector<1x16xf32> to vector<16xf32>
          %swap3A_174 = arith.index_cast %scan3A_151 : i32 to index
          %swap3A_175 = arith.constant 28 : index
          %swap3A_176 = tpu.vector_load %arg9[%swap3A_174, %swap3A_175] {strides = array<i32>} : memref<80x44xf32, #tpu.memory_space<vmem>>, vector<1x16xf32>,
          %swap3A_177 = vector.shape_cast %swap3A_176 : vector<1x16xf32> to vector<16xf32>
          %swap3A_178 = vector.shape_cast %get3A_173 : vector<16xf32> to vector<1x16xf32>
          tpu.vector_store %arg9[%swap3A_174, %swap3A_175], %swap3A_178 {strides = array<i32>} : memref<80x44xf32, #tpu.memory_space<vmem>>, vector<1x16xf32>,
          %scan3A_179 = arith.constant 0 : i32
          %scan3A_180 = arith.constant 3 : i32
          %scan3A_181 = arith.addi %scan3A_92, %scan3A_180 : i32
          %get3A_182 = arith.index_cast %scan3A_181 : i32 to index
          %get3A_183 = arith.constant 0 : index
          %get3A_184 = tpu.vector_load %arg8[%get3A_182, %get3A_183] {strides = array<i32>} : memref<80x128xf32, #tpu.memory_space<vmem>>, vector<1x16xf32>,
          %get3A_185 = vector.shape_cast %get3A_184 : vector<1x16xf32> to vector<16xf32>
          %swap3A_186 = arith.index_cast %scan3A_181 : i32 to index
          %swap3A_187 = arith.constant 0 : index
          %swap3A_188 = tpu.vector_load %arg9[%swap3A_186, %swap3A_187] {strides = array<i32>} : memref<80x44xf32, #tpu.memory_space<vmem>>, vector<1x16xf32>,
          %swap3A_189 = vector.shape_cast %swap3A_188 : vector<1x16xf32> to vector<16xf32>
          %swap3A_190 = vector.shape_cast %get3A_185 : vector<16xf32> to vector<1x16xf32>
          tpu.vector_store %arg9[%swap3A_186, %swap3A_187], %swap3A_190 {strides = array<i32>} : memref<80x44xf32, #tpu.memory_space<vmem>>, vector<1x16xf32>,
          %get3A_191 = arith.index_cast %scan3A_181 : i32 to index
          %get3A_192 = arith.constant 16 : index
          %get3A_193 = tpu.vector_load %arg8[%get3A_191, %get3A_192] {strides = array<i32>} : memref<80x128xf32, #tpu.memory_space<vmem>>, vector<1x16xf32>,
          %get3A_194 = vector.shape_cast %get3A_193 : vector<1x16xf32> to vector<16xf32>
          %swap3A_195 = arith.index_cast %scan3A_181 : i32 to index
          %swap3A_196 = arith.constant 16 : index
          %swap3A_197 = tpu.vector_load %arg9[%swap3A_195, %swap3A_196] {strides = array<i32>} : memref<80x44xf32, #tpu.memory_space<vmem>>, vector<1x16xf32>,
          %swap3A_198 = vector.shape_cast %swap3A_197 : vector<1x16xf32> to vector<16xf32>
          %swap3A_199 = vector.shape_cast %get3A_194 : vector<16xf32> to vector<1x16xf32>
          tpu.vector_store %arg9[%swap3A_195, %swap3A_196], %swap3A_199 {strides = array<i32>} : memref<80x44xf32, #tpu.memory_space<vmem>>, vector<1x16xf32>,
          %get3A_200 = arith.index_cast %scan3A_181 : i32 to index
          %get3A_201 = arith.constant 28 : index
          %get3A_202 = tpu.vector_load %arg8[%get3A_200, %get3A_201] {strides = array<i32>} : memref<80x128xf32, #tpu.memory_space<vmem>>, vector<1x16xf32>,
          %get3A_203 = vector.shape_cast %get3A_202 : vector<1x16xf32> to vector<16xf32>
          %swap3A_204 = arith.index_cast %scan3A_181 : i32 to index
          %swap3A_205 = arith.constant 28 : index
          %swap3A_206 = tpu.vector_load %arg9[%swap3A_204, %swap3A_205] {strides = array<i32>} : memref<80x44xf32, #tpu.memory_space<vmem>>, vector<1x16xf32>,
          %swap3A_207 = vector.shape_cast %swap3A_206 : vector<1x16xf32> to vector<16xf32>
          %swap3A_208 = vector.shape_cast %get3A_203 : vector<16xf32> to vector<1x16xf32>
          tpu.vector_store %arg9[%swap3A_204, %swap3A_205], %swap3A_208 {strides = array<i32>} : memref<80x44xf32, #tpu.memory_space<vmem>>, vector<1x16xf32>,
          %scan3A_209 = arith.constant 0 : i32
          scf.yield %scan3A_209 : i32
        }
        %scan3A_88 = arith.constant 80 : i32
        %mul3A_89 = arith.constant 80 : i32
        %mul3A_90 = arith.muli %scan3A_29, %mul3A_89 : i32
        %add3A_91 = arith.addi %mul3A_12, %mul3A_90 : i32
        "tpu.region"() ({
          %run_scoped3A = tpu.sem_alloc : memref<!tpu.dma_semaphore, #tpu.memory_space<semaphore_mem>>
          %dma_start3A_92 = arith.constant 0 : i32
          %dma_start3A_93 = tpu.memref_slice %arg5[%add3A_91, %dma_start3A_92] : memref<51200x300xf32, #tpu.memory_space<hbm>> -> memref<80x256xf32, #tpu.memory_space<hbm>>
          %dma_start3A_94 = arith.constant 0 : i32
          %dma_start3A_95 = tpu.memref_slice %arg5[%add3A_91, %dma_start3A_94] : memref<51200x300xf32, #tpu.memory_space<hbm>> -> memref<80x256xf32, #tpu.memory_space<hbm>>
          tpu.enqueue_dma source(%arg7 : memref<80x256xf32, #tpu.memory_space<vmem>>) target(%dma_start3A_95 : memref<80x256xf32, #tpu.memory_space<hbm>>) target_semaphore(%run_scoped3A : memref<!tpu.dma_semaphore, #tpu.memory_space<semaphore_mem>>)
          %dma_wait3A_96 = arith.constant 0 : i32
          %dma_wait3A_97 = tpu.memref_slice %arg5[%add3A_91, %dma_wait3A_96] : memref<51200x300xf32, #tpu.memory_space<hbm>> -> memref<80x256xf32, #tpu.memory_space<hbm>>
          %dma_wait3A_98 = arith.constant 0 : i32
          %dma_wait3A_99 = tpu.memref_slice %arg5[%add3A_91, %dma_wait3A_98] : memref<51200x300xf32, #tpu.memory_space<hbm>> -> memref<80x256xf32, #tpu.memory_space<hbm>>
          tpu.wait_dma2 semaphore(%run_scoped3A : memref<!tpu.dma_semaphore, #tpu.memory_space<semaphore_mem>>) src(%arg7 : memref<80x256xf32, #tpu.memory_space<vmem>>) dst(%dma_wait3A_99 : memref<80x256xf32, #tpu.memory_space<hbm>>)
          tpu.yield
        }) : () -> ()
        "tpu.region"() ({
          %run_scoped3A = tpu.sem_alloc : memref<!tpu.dma_semaphore, #tpu.memory_space<semaphore_mem>>
          %dma_start3A_92 = arith.constant 256 : i32
          %dma_start3A_93 = tpu.memref_slice %arg5[%add3A_91, %dma_start3A_92] : memref<51200x300xf32, #tpu.memory_space<hbm>> -> memref<80x44xf32, #tpu.memory_space<hbm>>
          %dma_start3A_94 = arith.constant 256 : i32
          %dma_start3A_95 = tpu.memref_slice %arg5[%add3A_91, %dma_start3A_94] : memref<51200x300xf32, #tpu.memory_space<hbm>> -> memref<80x44xf32, #tpu.memory_space<hbm>>
          tpu.enqueue_dma source(%arg9 : memref<80x44xf32, #tpu.memory_space<vmem>>) target(%dma_start3A_95 : memref<80x44xf32, #tpu.memory_space<hbm>>) target_semaphore(%run_scoped3A : memref<!tpu.dma_semaphore, #tpu.memory_space<semaphore_mem>>)
          %dma_wait3A_96 = arith.constant 256 : i32
          %dma_wait3A_97 = tpu.memref_slice %arg5[%add3A_91, %dma_wait3A_96] : memref<51200x300xf32, #tpu.memory_space<hbm>> -> memref<80x44xf32, #tpu.memory_space<hbm>>
          %dma_wait3A_98 = arith.constant 256 : i32
          %dma_wait3A_99 = tpu.memref_slice %arg5[%add3A_91, %dma_wait3A_98] : memref<51200x300xf32, #tpu.memory_space<hbm>> -> memref<80x44xf32, #tpu.memory_space<hbm>>
          tpu.wait_dma2 semaphore(%run_scoped3A : memref<!tpu.dma_semaphore, #tpu.memory_space<semaphore_mem>>) src(%arg9 : memref<80x44xf32, #tpu.memory_space<vmem>>) dst(%dma_wait3A_99 : memref<80x44xf32, #tpu.memory_space<hbm>>)
          tpu.yield
        }) : () -> ()
      } else {
      }
      %jit3A_43 = arith.constant 2 : i32
      %eq3A_44 = arith.constant 0 : i32
      %eq3A_45 = arith.cmpi eq, %jit3A_43, %eq3A_44 : i32
      %jit3A_46 = arith.constant 1 : i32
      %select_n3A_47 = arith.select %eq3A_45, %jit3A_46, %jit3A_43 : i32
      %rem3A_48 = arith.remsi %scan3A_29, %select_n3A_47 : i32
      %ne3A_49 = arith.constant 0 : i32
      %ne3A_50 = arith.cmpi ne, %rem3A_48, %ne3A_49 : i32
      %lt3A_51 = arith.constant 0 : i32
      %lt3A_52 = arith.cmpi slt, %rem3A_48, %lt3A_51 : i32
      %lt3A_53 = arith.constant 0 : i32
      %lt3A_54 = arith.cmpi slt, %select_n3A_47, %lt3A_53 : i32
      %ne3A_55 = arith.xori %lt3A_52, %lt3A_54 : i1
      %and3A_56 = arith.andi %ne3A_55, %ne3A_50 : i1
      %add3A_57 = arith.addi %rem3A_48, %select_n3A_47 : i32
      %select_n3A_58 = arith.select %and3A_56, %add3A_57, %rem3A_48 : i32
      %eq3A_59 = arith.constant 1 : i32
      %eq3A_60 = arith.cmpi eq, %select_n3A_58, %eq3A_59 : i32
      %convert_element_type3A_61 = arith.extui %eq3A_60 : i1 to i32
      %cond3A_62 = arith.constant 0 : i32
      %cond3A_63 = arith.cmpi ne, %convert_element_type3A_61, %cond3A_62 : i32
      scf.if %cond3A_63 {
        %add3A_65 = arith.constant 1 : i32
        %add3A_66 = arith.addi %scan3A_29, %add3A_65 : i32
        %lt3A_67 = arith.constant 20 : i32
        %lt3A_68 = arith.cmpi slt, %add3A_66, %lt3A_67 : i32
        %convert_element_type3A_69 = arith.extui %lt3A_68 : i1 to i32
        %cond3A_70 = arith.constant 0 : i32
        %cond3A_71 = arith.cmpi ne, %convert_element_type3A_69, %cond3A_70 : i32
        scf.if %cond3A_71 {
          %add3A_92 = arith.constant 1 : i32
          %add3A_93 = arith.addi %scan3A_29, %add3A_92 : i32
          %mul3A_94 = arith.constant 80 : i32
          %mul3A_95 = arith.muli %add3A_93, %mul3A_94 : i32
          %add3A_96 = arith.constant 0 : i32
          %add3A_97 = arith.addi %add3A_96, %mul3A_95 : i32
          %dma_start3A_98 = tpu.memref_slice %arg6[%add3A_97] : memref<1600xi32, #tpu.memory_space<vmem>> -> memref<80xi32, #tpu.memory_space<vmem>>
          %dma_start3A_99 = arith.constant 0 : i32
          %dma_start3A_100 = arith.constant 0 : i32
          %dma_start3A_101 = tpu.memref_slice %arg3[%dma_start3A_99, %dma_start3A_100] : memref<100000x300xf32, #tpu.memory_space<hbm>> -> memref<100000x256xf32, #tpu.memory_space<hbm>>
          tpu.enqueue_indirect_dma source(%dma_start3A_101 : memref<100000x256xf32, #tpu.memory_space<hbm>>) target(%arg7 : memref<80x256xf32, #tpu.memory_space<vmem>>) offsets(%dma_start3A_98 : memref<80xi32, #tpu.memory_space<vmem>>) semaphore(%arg13 : memref<!tpu.dma_semaphore, #tpu.memory_space<semaphore_mem>>)
          %dma_start3A_102 = tpu.memref_slice %arg6[%add3A_97] : memref<1600xi32, #tpu.memory_space<vmem>> -> memref<80xi32, #tpu.memory_space<vmem>>
          %dma_start3A_103 = arith.constant 0 : i32
          %dma_start3A_104 = arith.constant 0 : i32
          %dma_start3A_105 = tpu.memref_slice %arg4[%dma_start3A_103, %dma_start3A_104] : memref<100000x128xf32, #tpu.memory_space<hbm>> -> memref<100000x128xf32, #tpu.memory_space<hbm>>
          tpu.enqueue_indirect_dma source(%dma_start3A_105 : memref<100000x128xf32, #tpu.memory_space<hbm>>) target(%arg8 : memref<80x128xf32, #tpu.memory_space<vmem>>) offsets(%dma_start3A_102 : memref<80xi32, #tpu.memory_space<vmem>>) semaphore(%arg14 : memref<!tpu.dma_semaphore, #tpu.memory_space<semaphore_mem>>)
        } else {
        }
        %dma_wait3A_72 = arith.constant 0 : i32
        %dma_wait3A_73 = tpu.memref_slice %arg6[%dma_wait3A_72] : memref<1600xi32, #tpu.memory_space<vmem>> -> memref<80xi32, #tpu.memory_space<vmem>>
        %dma_wait3A_74 = arith.constant 0 : i32
        %dma_wait3A_75 = arith.constant 0 : i32
        %dma_wait3A_76 = tpu.memref_slice %arg3[%dma_wait3A_74, %dma_wait3A_75] : memref<100000x300xf32, #tpu.memory_space<hbm>> -> memref<100000x256xf32, #tpu.memory_space<hbm>>
        tpu.wait_indirect_dma semaphore(%arg15 : memref<!tpu.dma_semaphore, #tpu.memory_space<semaphore_mem>>) src(%dma_wait3A_76 : memref<100000x256xf32, #tpu.memory_space<hbm>>) dst(%arg10 : memref<80x256xf32, #tpu.memory_space<vmem>>)
        %dma_wait3A_77 = arith.constant 0 : i32
        %dma_wait3A_78 = tpu.memref_slice %arg6[%dma_wait3A_77] : memref<1600xi32, #tpu.memory_space<vmem>> -> memref<80xi32, #tpu.memory_space<vmem>>
        %dma_wait3A_79 = arith.constant 0 : i32
        %dma_wait3A_80 = arith.constant 0 : i32
        %dma_wait3A_81 = tpu.memref_slice %arg4[%dma_wait3A_79, %dma_wait3A_80] : memref<100000x128xf32, #tpu.memory_space<hbm>> -> memref<100000x128xf32, #tpu.memory_space<hbm>>
        tpu.wait_indirect_dma semaphore(%arg16 : memref<!tpu.dma_semaphore, #tpu.memory_space<semaphore_mem>>) src(%dma_wait3A_81 : memref<100000x128xf32, #tpu.memory_space<hbm>>) dst(%arg11 : memref<80x128xf32, #tpu.memory_space<vmem>>)
        %scan3A_82 = arith.constant 0 : i32
        %scan3A_83 = arith.constant 0 : i32
        %scan3A_84 = arith.constant 80 : i32
        %scan3A_85 = arith.addi %scan3A_83, %scan3A_84 : i32
        %scan3A_86 = arith.constant 4 : i32
        %scan3A_87 = scf.for %scan3A_92 = %scan3A_83 to %scan3A_85 step %scan3A_86 iter_args(%scan3A_93 = %scan3A_82) -> (i32)  : i32 {
          %get3A = arith.index_cast %scan3A_92 : i32 to index
          %get3A_94 = arith.constant 0 : index
          %get3A_95 = tpu.vector_load %arg11[%get3A, %get3A_94] {strides = array<i32>} : memref<80x128xf32, #tpu.memory_space<vmem>>, vector<1x16xf32>,
          %get3A_96 = vector.shape_cast %get3A_95 : vector<1x16xf32> to vector<16xf32>
          %swap3A = arith.index_cast %scan3A_92 : i32 to index
          %swap3A_97 = arith.constant 0 : index
          %swap3A_98 = tpu.vector_load %arg12[%swap3A, %swap3A_97] {strides = array<i32>} : memref<80x44xf32, #tpu.memory_space<vmem>>, vector<1x16xf32>,
          %swap3A_99 = vector.shape_cast %swap3A_98 : vector<1x16xf32> to vector<16xf32>
          %swap3A_100 = vector.shape_cast %get3A_96 : vector<16xf32> to vector<1x16xf32>
          tpu.vector_store %arg12[%swap3A, %swap3A_97], %swap3A_100 {strides = array<i32>} : memref<80x44xf32, #tpu.memory_space<vmem>>, vector<1x16xf32>,
          %get3A_101 = arith.index_cast %scan3A_92 : i32 to index
          %get3A_102 = arith.constant 16 : index
          %get3A_103 = tpu.vector_load %arg11[%get3A_101, %get3A_102] {strides = array<i32>} : memref<80x128xf32, #tpu.memory_space<vmem>>, vector<1x16xf32>,
          %get3A_104 = vector.shape_cast %get3A_103 : vector<1x16xf32> to vector<16xf32>
          %swap3A_105 = arith.index_cast %scan3A_92 : i32 to index
          %swap3A_106 = arith.constant 16 : index
          %swap3A_107 = tpu.vector_load %arg12[%swap3A_105, %swap3A_106] {strides = array<i32>} : memref<80x44xf32, #tpu.memory_space<vmem>>, vector<1x16xf32>,
          %swap3A_108 = vector.shape_cast %swap3A_107 : vector<1x16xf32> to vector<16xf32>
          %swap3A_109 = vector.shape_cast %get3A_104 : vector<16xf32> to vector<1x16xf32>
          tpu.vector_store %arg12[%swap3A_105, %swap3A_106], %swap3A_109 {strides = array<i32>} : memref<80x44xf32, #tpu.memory_space<vmem>>, vector<1x16xf32>,
          %get3A_110 = arith.index_cast %scan3A_92 : i32 to index
          %get3A_111 = arith.constant 28 : index
          %get3A_112 = tpu.vector_load %arg11[%get3A_110, %get3A_111] {strides = array<i32>} : memref<80x128xf32, #tpu.memory_space<vmem>>, vector<1x16xf32>,
          %get3A_113 = vector.shape_cast %get3A_112 : vector<1x16xf32> to vector<16xf32>
          %swap3A_114 = arith.index_cast %scan3A_92 : i32 to index
          %swap3A_115 = arith.constant 28 : index
          %swap3A_116 = tpu.vector_load %arg12[%swap3A_114, %swap3A_115] {strides = array<i32>} : memref<80x44xf32, #tpu.memory_space<vmem>>, vector<1x16xf32>,
          %swap3A_117 = vector.shape_cast %swap3A_116 : vector<1x16xf32> to vector<16xf32>
          %swap3A_118 = vector.shape_cast %get3A_113 : vector<16xf32> to vector<1x16xf32>
          tpu.vector_store %arg12[%swap3A_114, %swap3A_115], %swap3A_118 {strides = array<i32>} : memref<80x44xf32, #tpu.memory_space<vmem>>, vector<1x16xf32>,
          %scan3A_119 = arith.constant 0 : i32
          %scan3A_120 = arith.constant 1 : i32
          %scan3A_121 = arith.addi %scan3A_92, %scan3A_120 : i32
          %get3A_122 = arith.index_cast %scan3A_121 : i32 to index
          %get3A_123 = arith.constant 0 : index
          %get3A_124 = tpu.vector_load %arg11[%get3A_122, %get3A_123] {strides = array<i32>} : memref<80x128xf32, #tpu.memory_space<vmem>>, vector<1x16xf32>,
          %get3A_125 = vector.shape_cast %get3A_124 : vector<1x16xf32> to vector<16xf32>
          %swap3A_126 = arith.index_cast %scan3A_121 : i32 to index
          %swap3A_127 = arith.constant 0 : index
          %swap3A_128 = tpu.vector_load %arg12[%swap3A_126, %swap3A_127] {strides = array<i32>} : memref<80x44xf32, #tpu.memory_space<vmem>>, vector<1x16xf32>,
          %swap3A_129 = vector.shape_cast %swap3A_128 : vector<1x16xf32> to vector<16xf32>
          %swap3A_130 = vector.shape_cast %get3A_125 : vector<16xf32> to vector<1x16xf32>
          tpu.vector_store %arg12[%swap3A_126, %swap3A_127], %swap3A_130 {strides = array<i32>} : memref<80x44xf32, #tpu.memory_space<vmem>>, vector<1x16xf32>,
          %get3A_131 = arith.index_cast %scan3A_121 : i32 to index
          %get3A_132 = arith.constant 16 : index
          %get3A_133 = tpu.vector_load %arg11[%get3A_131, %get3A_132] {strides = array<i32>} : memref<80x128xf32, #tpu.memory_space<vmem>>, vector<1x16xf32>,
          %get3A_134 = vector.shape_cast %get3A_133 : vector<1x16xf32> to vector<16xf32>
          %swap3A_135 = arith.index_cast %scan3A_121 : i32 to index
          %swap3A_136 = arith.constant 16 : index
          %swap3A_137 = tpu.vector_load %arg12[%swap3A_135, %swap3A_136] {strides = array<i32>} : memref<80x44xf32, #tpu.memory_space<vmem>>, vector<1x16xf32>,
          %swap3A_138 = vector.shape_cast %swap3A_137 : vector<1x16xf32> to vector<16xf32>
          %swap3A_139 = vector.shape_cast %get3A_134 : vector<16xf32> to vector<1x16xf32>
          tpu.vector_store %arg12[%swap3A_135, %swap3A_136], %swap3A_139 {strides = array<i32>} : memref<80x44xf32, #tpu.memory_space<vmem>>, vector<1x16xf32>,
          %get3A_140 = arith.index_cast %scan3A_121 : i32 to index
          %get3A_141 = arith.constant 28 : index
          %get3A_142 = tpu.vector_load %arg11[%get3A_140, %get3A_141] {strides = array<i32>} : memref<80x128xf32, #tpu.memory_space<vmem>>, vector<1x16xf32>,
          %get3A_143 = vector.shape_cast %get3A_142 : vector<1x16xf32> to vector<16xf32>
          %swap3A_144 = arith.index_cast %scan3A_121 : i32 to index
          %swap3A_145 = arith.constant 28 : index
          %swap3A_146 = tpu.vector_load %arg12[%swap3A_144, %swap3A_145] {strides = array<i32>} : memref<80x44xf32, #tpu.memory_space<vmem>>, vector<1x16xf32>,
          %swap3A_147 = vector.shape_cast %swap3A_146 : vector<1x16xf32> to vector<16xf32>
          %swap3A_148 = vector.shape_cast %get3A_143 : vector<16xf32> to vector<1x16xf32>
          tpu.vector_store %arg12[%swap3A_144, %swap3A_145], %swap3A_148 {strides = array<i32>} : memref<80x44xf32, #tpu.memory_space<vmem>>, vector<1x16xf32>,
          %scan3A_149 = arith.constant 0 : i32
          %scan3A_150 = arith.constant 2 : i32
          %scan3A_151 = arith.addi %scan3A_92, %scan3A_150 : i32
          %get3A_152 = arith.index_cast %scan3A_151 : i32 to index
          %get3A_153 = arith.constant 0 : index
          %get3A_154 = tpu.vector_load %arg11[%get3A_152, %get3A_153] {strides = array<i32>} : memref<80x128xf32, #tpu.memory_space<vmem>>, vector<1x16xf32>,
          %get3A_155 = vector.shape_cast %get3A_154 : vector<1x16xf32> to vector<16xf32>
          %swap3A_156 = arith.index_cast %scan3A_151 : i32 to index
          %swap3A_157 = arith.constant 0 : index
          %swap3A_158 = tpu.vector_load %arg12[%swap3A_156, %swap3A_157] {strides = array<i32>} : memref<80x44xf32, #tpu.memory_space<vmem>>, vector<1x16xf32>,
          %swap3A_159 = vector.shape_cast %swap3A_158 : vector<1x16xf32> to vector<16xf32>
          %swap3A_160 = vector.shape_cast %get3A_155 : vector<16xf32> to vector<1x16xf32>
          tpu.vector_store %arg12[%swap3A_156, %swap3A_157], %swap3A_160 {strides = array<i32>} : memref<80x44xf32, #tpu.memory_space<vmem>>, vector<1x16xf32>,
          %get3A_161 = arith.index_cast %scan3A_151 : i32 to index
          %get3A_162 = arith.constant 16 : index
          %get3A_163 = tpu.vector_load %arg11[%get3A_161, %get3A_162] {strides = array<i32>} : memref<80x128xf32, #tpu.memory_space<vmem>>, vector<1x16xf32>,
          %get3A_164 = vector.shape_cast %get3A_163 : vector<1x16xf32> to vector<16xf32>
          %swap3A_165 = arith.index_cast %scan3A_151 : i32 to index
          %swap3A_166 = arith.constant 16 : index
          %swap3A_167 = tpu.vector_load %arg12[%swap3A_165, %swap3A_166] {strides = array<i32>} : memref<80x44xf32, #tpu.memory_space<vmem>>, vector<1x16xf32>,
          %swap3A_168 = vector.shape_cast %swap3A_167 : vector<1x16xf32> to vector<16xf32>
          %swap3A_169 = vector.shape_cast %get3A_164 : vector<16xf32> to vector<1x16xf32>
          tpu.vector_store %arg12[%swap3A_165, %swap3A_166], %swap3A_169 {strides = array<i32>} : memref<80x44xf32, #tpu.memory_space<vmem>>, vector<1x16xf32>,
          %get3A_170 = arith.index_cast %scan3A_151 : i32 to index
          %get3A_171 = arith.constant 28 : index
          %get3A_172 = tpu.vector_load %arg11[%get3A_170, %get3A_171] {strides = array<i32>} : memref<80x128xf32, #tpu.memory_space<vmem>>, vector<1x16xf32>,
          %get3A_173 = vector.shape_cast %get3A_172 : vector<1x16xf32> to vector<16xf32>
          %swap3A_174 = arith.index_cast %scan3A_151 : i32 to index
          %swap3A_175 = arith.constant 28 : index
          %swap3A_176 = tpu.vector_load %arg12[%swap3A_174, %swap3A_175] {strides = array<i32>} : memref<80x44xf32, #tpu.memory_space<vmem>>, vector<1x16xf32>,
          %swap3A_177 = vector.shape_cast %swap3A_176 : vector<1x16xf32> to vector<16xf32>
          %swap3A_178 = vector.shape_cast %get3A_173 : vector<16xf32> to vector<1x16xf32>
          tpu.vector_store %arg12[%swap3A_174, %swap3A_175], %swap3A_178 {strides = array<i32>} : memref<80x44xf32, #tpu.memory_space<vmem>>, vector<1x16xf32>,
          %scan3A_179 = arith.constant 0 : i32
          %scan3A_180 = arith.constant 3 : i32
          %scan3A_181 = arith.addi %scan3A_92, %scan3A_180 : i32
          %get3A_182 = arith.index_cast %scan3A_181 : i32 to index
          %get3A_183 = arith.constant 0 : index
          %get3A_184 = tpu.vector_load %arg11[%get3A_182, %get3A_183] {strides = array<i32>} : memref<80x128xf32, #tpu.memory_space<vmem>>, vector<1x16xf32>,
          %get3A_185 = vector.shape_cast %get3A_184 : vector<1x16xf32> to vector<16xf32>
          %swap3A_186 = arith.index_cast %scan3A_181 : i32 to index
          %swap3A_187 = arith.constant 0 : index
          %swap3A_188 = tpu.vector_load %arg12[%swap3A_186, %swap3A_187] {strides = array<i32>} : memref<80x44xf32, #tpu.memory_space<vmem>>, vector<1x16xf32>,
          %swap3A_189 = vector.shape_cast %swap3A_188 : vector<1x16xf32> to vector<16xf32>
          %swap3A_190 = vector.shape_cast %get3A_185 : vector<16xf32> to vector<1x16xf32>
          tpu.vector_store %arg12[%swap3A_186, %swap3A_187], %swap3A_190 {strides = array<i32>} : memref<80x44xf32, #tpu.memory_space<vmem>>, vector<1x16xf32>,
          %get3A_191 = arith.index_cast %scan3A_181 : i32 to index
          %get3A_192 = arith.constant 16 : index
          %get3A_193 = tpu.vector_load %arg11[%get3A_191, %get3A_192] {strides = array<i32>} : memref<80x128xf32, #tpu.memory_space<vmem>>, vector<1x16xf32>,
          %get3A_194 = vector.shape_cast %get3A_193 : vector<1x16xf32> to vector<16xf32>
          %swap3A_195 = arith.index_cast %scan3A_181 : i32 to index
          %swap3A_196 = arith.constant 16 : index
          %swap3A_197 = tpu.vector_load %arg12[%swap3A_195, %swap3A_196] {strides = array<i32>} : memref<80x44xf32, #tpu.memory_space<vmem>>, vector<1x16xf32>,
          %swap3A_198 = vector.shape_cast %swap3A_197 : vector<1x16xf32> to vector<16xf32>
          %swap3A_199 = vector.shape_cast %get3A_194 : vector<16xf32> to vector<1x16xf32>
          tpu.vector_store %arg12[%swap3A_195, %swap3A_196], %swap3A_199 {strides = array<i32>} : memref<80x44xf32, #tpu.memory_space<vmem>>, vector<1x16xf32>,
          %get3A_200 = arith.index_cast %scan3A_181 : i32 to index
          %get3A_201 = arith.constant 28 : index
          %get3A_202 = tpu.vector_load %arg11[%get3A_200, %get3A_201] {strides = array<i32>} : memref<80x128xf32, #tpu.memory_space<vmem>>, vector<1x16xf32>,
          %get3A_203 = vector.shape_cast %get3A_202 : vector<1x16xf32> to vector<16xf32>
          %swap3A_204 = arith.index_cast %scan3A_181 : i32 to index
          %swap3A_205 = arith.constant 28 : index
          %swap3A_206 = tpu.vector_load %arg12[%swap3A_204, %swap3A_205] {strides = array<i32>} : memref<80x44xf32, #tpu.memory_space<vmem>>, vector<1x16xf32>,
          %swap3A_207 = vector.shape_cast %swap3A_206 : vector<1x16xf32> to vector<16xf32>
          %swap3A_208 = vector.shape_cast %get3A_203 : vector<16xf32> to vector<1x16xf32>
          tpu.vector_store %arg12[%swap3A_204, %swap3A_205], %swap3A_208 {strides = array<i32>} : memref<80x44xf32, #tpu.memory_space<vmem>>, vector<1x16xf32>,
          %scan3A_209 = arith.constant 0 : i32
          scf.yield %scan3A_209 : i32
        }
        %scan3A_88 = arith.constant 80 : i32
        %mul3A_89 = arith.constant 80 : i32
        %mul3A_90 = arith.muli %scan3A_29, %mul3A_89 : i32
        %add3A_91 = arith.addi %mul3A_12, %mul3A_90 : i32
        "tpu.region"() ({
          %run_scoped3A = tpu.sem_alloc : memref<!tpu.dma_semaphore, #tpu.memory_space<semaphore_mem>>
          %dma_start3A_92 = arith.constant 0 : i32
          %dma_start3A_93 = tpu.memref_slice %arg5[%add3A_91, %dma_start3A_92] : memref<51200x300xf32, #tpu.memory_space<hbm>> -> memref<80x256xf32, #tpu.memory_space<hbm>>
          %dma_start3A_94 = arith.constant 0 : i32
          %dma_start3A_95 = tpu.memref_slice %arg5[%add3A_91, %dma_start3A_94] : memref<51200x300xf32, #tpu.memory_space<hbm>> -> memref<80x256xf32, #tpu.memory_space<hbm>>
          tpu.enqueue_dma source(%arg10 : memref<80x256xf32, #tpu.memory_space<vmem>>) target(%dma_start3A_95 : memref<80x256xf32, #tpu.memory_space<hbm>>) target_semaphore(%run_scoped3A : memref<!tpu.dma_semaphore, #tpu.memory_space<semaphore_mem>>)
          %dma_wait3A_96 = arith.constant 0 : i32
          %dma_wait3A_97 = tpu.memref_slice %arg5[%add3A_91, %dma_wait3A_96] : memref<51200x300xf32, #tpu.memory_space<hbm>> -> memref<80x256xf32, #tpu.memory_space<hbm>>
          %dma_wait3A_98 = arith.constant 0 : i32
          %dma_wait3A_99 = tpu.memref_slice %arg5[%add3A_91, %dma_wait3A_98] : memref<51200x300xf32, #tpu.memory_space<hbm>> -> memref<80x256xf32, #tpu.memory_space<hbm>>
          tpu.wait_dma2 semaphore(%run_scoped3A : memref<!tpu.dma_semaphore, #tpu.memory_space<semaphore_mem>>) src(%arg10 : memref<80x256xf32, #tpu.memory_space<vmem>>) dst(%dma_wait3A_99 : memref<80x256xf32, #tpu.memory_space<hbm>>)
          tpu.yield
        }) : () -> ()
        "tpu.region"() ({
          %run_scoped3A = tpu.sem_alloc : memref<!tpu.dma_semaphore, #tpu.memory_space<semaphore_mem>>
          %dma_start3A_92 = arith.constant 256 : i32
          %dma_start3A_93 = tpu.memref_slice %arg5[%add3A_91, %dma_start3A_92] : memref<51200x300xf32, #tpu.memory_space<hbm>> -> memref<80x44xf32, #tpu.memory_space<hbm>>
          %dma_start3A_94 = arith.constant 256 : i32
          %dma_start3A_95 = tpu.memref_slice %arg5[%add3A_91, %dma_start3A_94] : memref<51200x300xf32, #tpu.memory_space<hbm>> -> memref<80x44xf32, #tpu.memory_space<hbm>>
          tpu.enqueue_dma source(%arg12 : memref<80x44xf32, #tpu.memory_space<vmem>>) target(%dma_start3A_95 : memref<80x44xf32, #tpu.memory_space<hbm>>) target_semaphore(%run_scoped3A : memref<!tpu.dma_semaphore, #tpu.memory_space<semaphore_mem>>)
          %dma_wait3A_96 = arith.constant 256 : i32
          %dma_wait3A_97 = tpu.memref_slice %arg5[%add3A_91, %dma_wait3A_96] : memref<51200x300xf32, #tpu.memory_space<hbm>> -> memref<80x44xf32, #tpu.memory_space<hbm>>
          %dma_wait3A_98 = arith.constant 256 : i32
          %dma_wait3A_99 = tpu.memref_slice %arg5[%add3A_91, %dma_wait3A_98] : memref<51200x300xf32, #tpu.memory_space<hbm>> -> memref<80x44xf32, #tpu.memory_space<hbm>>
          tpu.wait_dma2 semaphore(%run_scoped3A : memref<!tpu.dma_semaphore, #tpu.memory_space<semaphore_mem>>) src(%arg12 : memref<80x44xf32, #tpu.memory_space<vmem>>) dst(%dma_wait3A_99 : memref<80x44xf32, #tpu.memory_space<hbm>>)
          tpu.yield
        }) : () -> ()
      } else {
      }
      %scan3A_64 = arith.constant 0 : i32
      scf.yield %scan3A_64 : i32
    }
    %scan3A_28 = arith.constant 20 : i32
    return
  }
}

</mosaic_0001>

<sc_bundles>
// kernel: _gather_all.11.cloned.1.call-start
scs
__scs_entry_jumppad:
0x0: {  	(pc) =	sbr.rel $0x88, $3  }
0x1: {  	(tag) =	ssettag $0x0;
	lr =	simm.s32 $0x1  }
0x2: {  	[smem:$0x3F99] =	sst lr;
	_ =	strace $0xD0000000  }
0x3: {  	_ = 	snop  }
0x4: {  	_ = 	snop  }
0x5: {  	_ = 	snop  }
0x6: {  	_ = 	snop  }
0x7: {  	_ = 	snop  }
__scs_overlays_trampoline_lowered:
0x8: {  	[smem:$0x3FA8] =	sst s0  }
0x9: {  	[smem:$0x3FA9] =	sst s1  }
0xa: {  	[smem:$0x3FAA] =	sst s2  }
0xb: {  	[smem:$0x3FAB] =	sst s3  }
0xc: {  	[smem:$0x3FAC] =	sst s4  }
0xd: {  	[smem:$0x3FAD] =	sst s5  }
0xe: {  	[smem:$0x3FAE] =	sst s6  }
0xf: {  	[smem:$0x3FAF] =	sst s7  }
0x10: {  	[smem:$0x3FB0] =	sst s8  }
0x11: {  	[smem:$0x3FB1] =	sst s9;
	s0 =	simm.s32 @!p0 $0x0  }
0x12: {  	s1 =	sld [smem:$0x3F97];
	s0 =	simm.s32 @p0 $0x1  }
0x13: {  	[smem:$0x3FB2] =	sst s0;
	s0 =	simm.s32 @!p1 $0x0  }
0x14: {  	s2 =	sld [smem:$0x3F96];
	s0 =	simm.s32 @p1 $0x1  }
0x15: {  	[smem:$0x3FB3] =	sst s0;
	s0 =	simm.s32 @!p2 $0x0  }
0x16: {  	s3 =	sld [smem:$0x3FDB];
	s0 =	simm.s32 @p2 $0x1  }
0x17: {  	s4 =	simm.s32 $0x1BF5;
	[smem:$0x3FB5] =	sst s0  }
0x18: {  	s0 =	sld [smem:$0x3F98];
	_ =	swait.ge [sflag:s4], $0x0  }
0x19: {  	s7 =	sld [smem:$0x3F99]  }
0x1a: {  	s8 =	sadd.s32 $0xFFFFE003, lr  }
0x1b: {  	s9 =	sadd.s32 $0xFFFFFEF7, lr;
	s5 =	simm.s32 $0xFFFFFFFF;
	p2 =	slt.u32 s8, $0xFFFFF086  }
0x1c: {  	p1 =	slt.u32 s9, $0xF7A;
	s5 =	simm.s32 @!p2 $0x0  }
0x1d: {  	s5 =	simm.s32 @p1 $0x1;
	p0 =	seq.s32 s7, s2  }
0x1e: {  	s7 =	smul.u32 @!p0 $0xF7A, s2;
	p2 =	seq.s32 @!p0 s5, $0x0  }
0x1f: {  	s9 =	smul.u32 $0xF7A, s1;
	s8 =	simm.s32 @!p0 $0x1BF5;
	p2 =	por !p2, p0  }
0x20: {  	[sflag:s8] =	ssyncset.s32 @!p0 $0xFFFFF086;
	s6 =	sadd.s32 @!p0 s3, s7;
	s7 =	simm.s32 @!p0 $0x108  }
0x21: {  	s3 =	sadd.s32 s3, s9;
	s6 =	sadd.s32 @!p0 $0x88, s6;
	s7 =	simm.s32 @p2 $0x1082  }
0x22: {  	[simem:s7], [sflag:s8] =	dma.local @!p0 [hbm:s6], $0xF7A  }
0x23: {  	s9 =	sor.u32 $0xD0000000, s2;
	s6 =	simm.s32 $0x108;
	_ =	swait.ge @!p0 [sflag:s8], $0x0  }
0x24: {  	s3 =	sadd.s32 $0x88, s3;
	s6 =	simm.s32 @!p1 $0x1082;
	[sflag:s4] =	ssyncset.s32 $0xFFFFF086  }
0x25: {  	[simem:s6], [sflag:s4] =	dma.local [hbm:s3], $0xF7A  }
0x26: {  	[smem:$0x3F99] =	sst s1;
	(tag) =	ssettag s2;
	_ =	strace s9  }
0x27: {  	s1 =	sld [smem:$0x3FA9]  }
0x28: {  	s2 =	sld [smem:$0x3FAA]  }
0x29: {  	s4 =	sld [smem:$0x3FAC]  }
0x2a: {  	p0 =	seq.s32 s5, $0x0;
	s5 =	sld [smem:$0x3FAD]  }
0x2b: {  	s6 =	sld [smem:$0x3FAE]  }
0x2c: {  	s7 =	sld [smem:$0x3FAF]  }
0x2d: {  	s3 =	simm.s32 $0x108;
	s8 =	sld [smem:$0x3FB0]  }
0x2e: {  	s3 =	simm.s32 @!p0 $0x1082;
	s9 =	sld [smem:$0x3FB1]  }
0x2f: {  	lr =	sadd.s32 s0, s3;
	s0 =	sld [smem:$0x3FA8]  }
0x30: {  	s3 =	sld [smem:$0x3FAB]  }
0x31: {  	[smem:$0x3FB4] =	sst s10  }
0x32: {  	s10 =	sld [smem:$0x3FB2];
	_ =	sdelay $0x3  }
0x33: {  	p0 =	seq.s32 s10, $0x1;
	s10 =	sld [smem:$0x3FB4];
	_ =	sdelay $0x3  }
0x34: {  	[smem:$0x3FB4] =	sst s10  }
0x35: {  	s10 =	sld [smem:$0x3FB3];
	_ =	sdelay $0x3  }
0x36: {  	p1 =	seq.s32 s10, $0x1;
	s10 =	sld [smem:$0x3FB4];
	_ =	sdelay $0x3  }
0x37: {  	[smem:$0x3FB4] =	sst s10  }
0x38: {  	s10 =	sld [smem:$0x3FB5]  }
0x39: {  	_ = 	snop;
	(pc) =	sbr.ind lr, $3  }
0x3a: {  	_ = 	snop  }
0x3b: {  	_ = 	snop  }
0x3c: {  	p2 =	seq.s32 s10, $0x1;
	s10 =	sld [smem:$0x3FB4]  }
0x3d: {  	_ =	shalt  }
0x3e: {  	_ =	shalt  }
0x3f: {  	_ =	shalt  }
0x40: {  	_ =	shalt  }
0x41: {  	_ =	shalt  }
0x42: {  	_ =	shalt  }
0x43: {  	_ =	shalt  }
0x44: {  	_ =	shalt  }
0x45: {  	_ =	shalt  }
0x46: {  	_ =	shalt  }
0x47: {  	_ =	shalt  }
0x48: {  	_ =	shalt  }
0x49: {  	_ =	shalt  }
0x4a: {  	_ =	shalt  }
0x4b: {  	_ =	shalt  }
0x4c: {  	_ =	shalt  }
0x4d: {  	_ =	shalt  }
0x4e: {  	_ =	shalt  }
0x4f: {  	_ =	shalt  }
0x50: {  	_ =	shalt  }
0x51: {  	_ =	shalt  }
0x52: {  	_ =	shalt  }
0x53: {  	_ =	shalt  }
0x54: {  	_ =	shalt  }
0x55: {  	_ =	shalt  }
0x56: {  	_ =	shalt  }
0x57: {  	_ =	shalt  }
0x58: {  	_ =	shalt  }
0x59: {  	_ =	shalt  }
0x5a: {  	_ =	shalt  }
0x5b: {  	_ =	shalt  }
0x5c: {  	_ =	shalt  }
0x5d: {  	_ =	shalt  }
0x5e: {  	_ =	shalt  }
0x5f: {  	_ =	shalt  }
0x60: {  	_ =	shalt  }
0x61: {  	_ =	shalt  }
0x62: {  	_ =	shalt  }
0x63: {  	_ =	shalt  }
0x64: {  	_ =	shalt  }
0x65: {  	_ =	shalt  }
0x66: {  	_ =	shalt  }
0x67: {  	_ =	shalt  }
0x68: {  	_ =	shalt  }
0x69: {  	_ =	shalt  }
0x6a: {  	_ =	shalt  }
0x6b: {  	_ =	shalt  }
0x6c: {  	_ =	shalt  }
0x6d: {  	_ =	shalt  }
0x6e: {  	_ =	shalt  }
0x6f: {  	_ =	shalt  }
0x70: {  	_ =	shalt  }
0x71: {  	_ =	shalt  }
0x72: {  	_ =	shalt  }
0x73: {  	_ =	shalt  }
0x74: {  	_ =	shalt  }
0x75: {  	_ =	shalt  }
0x76: {  	_ =	shalt  }
0x77: {  	_ =	shalt  }
0x78: {  	_ =	shalt  }
0x79: {  	_ =	shalt  }
0x7a: {  	_ =	shalt  }
0x7b: {  	_ =	shalt  }
0x7c: {  	_ =	shalt  }
0x7d: {  	_ =	shalt  }
0x7e: {  	_ =	shalt  }
0x7f: {  	_ =	shalt  }
0x80: {  	_ =	shalt  }
0x81: {  	_ =	shalt  }
0x82: {  	_ =	shalt  }
0x83: {  	_ =	shalt  }
0x84: {  	_ =	shalt  }
0x85: {  	_ =	shalt  }
0x86: {  	_ =	shalt  }
0x87: {  	_ =	shalt  }
.Lfunc_end0:
.L_simem_size_0:
called_computation.2_lowered:
.L_overlay_start_0:
0x88: {  	s2 =	sld [smem:$0x3FD9]  }
0x89: {  	s3 =	sld [smem:$0x3FFE];
	_ =	sdelay $0x1  }
0x8a: {  	s1 =	srdreg.scid  }
0x8b: {  	s0 =	sand.u32 $0x1, s1  }
0x8c: {  	s14 =	sshll.u32 s0, $0xA;
	s2 =	sadd.s32 s3, s2  }
0x8d: {  	s2 =	sadd.s32 s2, s14  }
0x8e: {  	[smem:$0x3FC0] =	sst s2  }
0x8f: {  	_ = 	snop  }
0x90: {  	s2 =	sld [smem:$0x3FC7]  }
0x91: {  	s15 =	sld [smem:$0x3FD0]  }
0x92: {  	s4 =	sld [smem:$0x3FC6]  }
0x93: {  	s5 =	sld [smem:$0x3FC5]  }
0x94: {  	s7 =	simm.s32 $0xC;
	s8 =	simm.s32 $0x10;
	s6 =	sld [smem:$0x3FC4]  }
0x95: {  	[smem:s8], [sflag:s7] =	dma.local [hbm:s15], $0x1  }
0x96: {  	_ =	swait.eq [sflag:s7], $0x1  }
0x97: {  	[sflag:s7] =	ssyncset.done $0x0  }
0x98: {  	s16 =	sld [smem:$0x15];
	[sflag:s7] =	ssyncadd.s32 $0xFFFFFFFF  }
0x99: {  	s17 =	sld [smem:$0x16];
	(tm) =	ssettm $0x1  }
0x9a: {  	s18 =	sld [smem:$0x3FFB];
	_ =	sdelay $0x3  }
0x9b: {  	_ =	strace s18  }
0x9c: {  	s8 =	sld [smem:$0x3FFC];
	_ =	sdelay $0x3  }
0x9d: {  	_ =	strace s8  }
0x9e: {  	s8 =	sld [smem:$0x3FFD];
	_ =	sdelay $0x3  }
0x9f: {  	_ =	strace s8  }
0xa0: {  	_ =	strace $0x8FFFFFFF  }
0xa1: {  	s19 =	sld [smem:$0x3FDB];
	_ =	sdelay $0x1  }
0xa2: {  	s9 =	simm.s32 $_scs_section_size  }
0xa3: {  	s10 =	simm.s32 $_size__tile_overlayer_lowered;
	s11 =	simm.s32 $_tile_overlayer_lowered  }
0xa4: {  	s22 =	simm.s32 $0x1BFF;
	s21 =	sshll.u32 s11, $0x1;
	s8 =	sadd.s32 s9, s19  }
0xa5: {  	s12 =	simm.s32 $0x0;
	s20 =	sshll.u32 s10, $0x1;
	s10 =	sadd.s32 s21, s8  }
0xa6: {  	[timem:s12], [sflag:s22] =	dma.local [hbm:s10], s20  }
0xa7: {  	_ =	swait.ge [sflag:s22], s20  }
0xa8: {  	s9 =	ssub.s32 $0x0, s20;
	[sflag:s22] =	ssyncset.done $0x0  }
0xa9: {  	[sflag:s22] =	ssyncadd.s32 s9;
	_ =	sdelay $0x1  }
0xaa: {  	s23 =	simm.s32 $0x1B8B  }
0xab: {  	_ =	swait.ge [sflag:s23], $0x1  }
0xac: {  	[sflag:s23] =	ssyncset.done $0x0  }
0xad: {  	s25 =	simm.s32 $0x1B8E;
	s24 =	sld [smem:$0x3FFE];
	[sflag:s23] =	ssyncadd.s32 $0xFFFFFFFF  }
0xae: {  	s26 =	simm.s32 $execute0_lowered;
	[smem:$0x3FD2] =	sst s25  }
0xaf: {  	s10 =	sshll.u32 s26, $0x1;
	_ =	strace $0x80000046;
	[dreg:$0x1] =	wrdreg $0xFFFFFFFF  }
0xb0: {  	s28 =	simm.s32 $_size_execute0_lowered;
	s8 =	sadd.s32 s8, s10;
	[dreg:$0x0] =	wrdreg $0x0  }
0xb1: {  	s10 =	sshll.u32 s28, $0x1;
	[dreg:$0x2] =	wrdreg s8  }
0xb2: {  	[dreg:$0x3] =	wrdreg s10  }
0xb3: {  	[dreg:$0x4] =	wrdreg $0xC0  }
0xb4: {  	_ =	task [dreg:s12], $0x5FFFF  }
0xb5: {  	[dreg:$0x1] =	wrdreg $0xFFFFFFFF  }
0xb6: {  	[dreg:$0x0] =	wrdreg $0x60  }
0xb7: {  	[dreg:$0x2] =	wrdreg s2  }
0xb8: {  	[dreg:$0x3] =	wrdreg s4  }
0xb9: {  	[dreg:$0x4] =	wrdreg s5  }
0xba: {  	[dreg:$0x5] =	wrdreg s6  }
0xbb: {  	[dreg:$0x6] =	wrdreg s24  }
0xbc: {  	[dreg:$0x7] =	wrdreg s17  }
0xbd: {  	[dreg:$0x8] =	wrdreg s16  }
0xbe: {  	[dreg:$0x9] =	wrdreg $0xB  }
0xbf: {  	_ =	task.clear_ibuf [dreg:s12], $0xAFFFF;
	_ =	strace $0x90000046  }
0xc0: {  	s29 =	simm.s32 $0xB;
	_ =	strace $0x80000048  }
0xc1: {  	_ =	swait.ge [sflag:s29], $0x1  }
0xc2: {  	[sflag:s29] =	ssyncadd.s32 $0xFFFFFFFF  }
0xc3: {  	_ =	strace $0x90000048  }
0xc4: {  	_ =	sfence  }
0xc5: {  	s30 =	sld [smem:$0x0];
	_ =	sdelay $0x2  }
0xc6: {  	s31 =	sshll.u32 s1, $0xD;
	s1 =	sshrl.u32 s1, $0x2  }
0xc7: {  	s3 =	sand.u32 $0x4000, s31;
	s1 =	sadd.s32 s1, s30  }
0xc8: {  	s0 =	sor.u32 s3, s0;
	s1 =	sshll.u32 s1, $0x11  }
0xc9: {  	s0 =	sor.u32 s1, s0  }
0xca: {  	s0 =	sadd.s32 $0x8F2B, s0  }
0xcb: {  	[sflag:s0] =	ssyncadd.remote.s32 $0x1  }
0xcc: {  	_ =	sfence.sel $0xFFFF  }
0xcd: {  	[dreg:$0x0] =	wrdreg $0xFFFFFFFF;
	(pc) =	sbr.abs _section_cstart, $3  }
0xce: {  	[dreg:$0x1] =	wrdreg $0xFFFFFFFF  }
0xcf: {  	_ =	task.clear_ibuf [dreg:s12], $0x2FFFF;
	_ =	strace $0x9FFFFFFF  }
0xd0: {  	(tm) =	ssettm $0x7FFFFFFF  }
0xd1: {  	_ =	shalt  }
tec
execute0_lowered:
.L_overlay_start_1:
0x0: {  	(tag) =	ssettag $0x1  }
0x1: {  	s0 =	rddreg [dreg:$0x0]  }
0x2: {  	s1 =	rddreg [dreg:$0x1]  }
0x3: {  	s2 =	rddreg [dreg:$0x2]  }
0x4: {  	s3 =	rddreg [dreg:$0x3]  }
0x5: {  	s8 =	rddreg [dreg:$0x4]  }
0x6: {  	s5 =	srdreg.scid;
	s6 =	stileid.u32  }
0x7: {  	s4 =	simm.s32 $0x0;
	s28 =	simm.s32 $0x1380;
	s29 =	simm.s32 $0x1B80  }
0x8: {  	s30 =	simm.s32 $0x2380;
	s7 =	sand.u32 $0x1, s5;
	s25 =	sshll.u32 s6, $0x1  }
0x9: {  	s31 =	simm.s32 $0x2B80;
	[smem:$0x7FF] =	sst s4;
	s9 =	sor.u32 s7, s25  }
0xa: {  	s5 =	sadd.s32 $0x2800, s8;
	s6 =	sadd.s32 $0x496600, s8;
	s10 =	smul.u32 $0xA0, s9  }
0xb: {  	s11 =	sadd.s32 $0x61D000, s8;
	s12 =	ssub.s32 $0x2, s7;
	s7 =	smul.u32 $0xF0, s9  }
0xc: {  	s8 =	sadd.s32 $0x659000, s8;
	_ =	strace $0x80000047;
	s14 =	sshrl.u32 s12, $0x1  }
0xd: {  	s9 =	simm.s32 $0xA380;
	s26 =	sshrl.u32 s10, $0x3;
	s15 =	sshrl.u32 s7, $0x3  }
0xe: {  	s10 =	ssub.s32 s12, s14;
	s13 =	smul.u32 $0x180, s26;
	s0 =	sadd.s32 s0, s15  }
0xf: {  	s14 =	smul.u32 $0xC00, s26;
	s16 =	sadd.s32 s1, s15;
	[dreg:$0x8] =	wrdreg s0  }
0x10: {  	s17 =	sadd.s32 s2, s26;
	s18 =	sadd.s32 s3, s26;
	[dreg:$0x9] =	wrdreg s16  }
0x11: {  	s22 =	smax.u32 s10, $0x1;
	s10 =	simm.s32 $0x800;
	[dreg:$0xa] =	wrdreg s17  }
0x12: {  	s15 =	simm.s32 $0x400;
	s3 =	simm.s32 $0x0;
	[dreg:$0xb] =	wrdreg s18  }
0x13: {  	[dreg:$0x10] =	wrdreg s22;
	s22 =	simm.s32 $0x4B80;
	s17 =	simm.s32 $0x3  }
0x14: {  	s18 =	simm.s32 $0x4;
	s19 =	sadd.s32 s11, s13;
	s20 =	sadd.s32 $0x7800, s14  }
0x15: {  	s21 =	sadd.s32 s8, s13;
	s14 =	simm.s32 $0x1;
	s13 =	simm.s32 $0x7  }
0x16: {  	[dreg:$0xc] =	wrdreg s19;
	s1 =	sadd.s32 $0x100, s19;
	s0 =	sshrl.u32 s20, $0x3  }
0x17: {  	[dreg:$0xe] =	wrdreg s21;
	s19 =	simm.s32 $0x11B80;
	s20 =	simm.s32 $0x6  }
0x18: {  	[dreg:$0xd] =	wrdreg s1;
	s1 =	sadd.s32 $0x100, s21;
	s23 =	sadd.s32 $0x100, s0  }
0x19: {  	s24 =	sadd.s32 s11, s0;
	s0 =	sadd.s32 s8, s0;
	[dreg:$0xf] =	wrdreg s1  }
0x1a: {  	s21 =	simm.s32 $0x4380;
	[dreg:$0x11] =	wrdreg s24;
	s25 =	sadd.s32 s11, s23  }
0x1b: {  	[dreg:$0x13] =	wrdreg s0;
	s26 =	sadd.s32 s8, s23;
	s0 =	simm.s32 $0x3380  }
0x1c: {  	v2 =	vlaneseq.u32;
	s1 =	simm.s32 $0x3B80;
	s23 =	simm.s32 $0x50;
	s8 =	simm.s32 $0x5380  }
0x1d: {  	vm0 =	vmmov $0xffff;
	v1 =	vshrl.u32 v2, $0x3;
	s24 =	simm.s32 $0x2;
	s11 =	simm.s32 $0xC00;
	[dreg:$0x12] =	wrdreg s25  }
0x1e: {  	v0 =	vand.u32 $0x7, v2;
	v2 =	vor.u32 $0x8, v2;
	v1 =	vmul.u32 $0x8, v1;
	[dreg:$0x14] =	wrdreg s26;
	s25 =	simm.s32 $0x380;
	s26 =	simm.s32 $0xB80  }
.LBB2_1:
0x1f: {  	[dreg:$0x15] =	wrdreg s3  }
0x20: {  	s2 =	rddreg [dreg:$0x8]  }
0x21: {  	[tilespmem:s4], [sflag:$0x5] =	stream.linear.gather [hbm4b:s2+s4], $0xF0, $0x38;
	[tilespmem:$0x14380] =	vst v63  }
0x22: {  	s12 =	rddreg [dreg:$0x9];
	s16 =	simm.s32 $0xF0  }
0x23: {  	[tilespmem:s16], [sflag:$0x5] =	stream.linear.gather [hbm4b:s12+s4], $0xF0, $0x38;
	[tilespmem:$0x14380] =	vst v63  }
0x24: {  	s12 =	rddreg [dreg:$0xa];
	s16 =	simm.s32 $0x1E0  }
0x25: {  	[tilespmem:s16], [sflag:$0x5] =	stream.linear.gather [hbm4b:s12+s4], $0xA0, $0x38;
	[tilespmem:$0x14380] =	vst v63  }
0x26: {  	s3 =	rddreg [dreg:$0xb];
	s12 =	simm.s32 $0x280;
	s16 =	simm.s32 $0x5  }
0x27: {  	[tilespmem:s12], [sflag:$0x5] =	stream.linear.gather [hbm4b:s3+s4], $0xA0, $0x38;
	[tilespmem:$0x14380] =	vst v63  }
0x28: {  	_ =	swait.ge [sflag:s16], $0x320  }
0x29: {  	[sflag:s16] =	ssyncset.done $0x0  }
0x2a: {  	[sflag:s16] =	ssyncadd.s32 $0xFFFFFCE0  }
0x2b: {  	v3 =	vld [tilespmem:$0x0];
	_ =	sdelay $0x4  }
0x2c: {  	v4 =	vshrl.u32 v3, $0x3  }
0x2d: {  	v4 =	vmul.u32 $0x18, v4  }
0x2e: {  	v3 =	vand.u32 $0x7, v3  }
0x2f: {  	v3 =	vor.u32 v3, v4  }
0x30: {  	v4 =	vperm.xlane v3, v0;
	_ =	sdelay $0x1  }
0x31: {  	v3 =	vperm.xlane v3, v2;
	v4 =	vadd.s32 v1, v4;
	_ =	sdelay $0x1  }
0x32: {  	v3 =	vadd.s32 v1, v3;
	_ =	sdelay $0x2  }
0x33: {  	[tilespmem:s25], [sflag:$0x1] =	stream.indirect_vreg.gather [hbm4b:s5+s4], $0x80, v4, vm0, $0xb8;
	[tilespmem:$0x14380] =	vst v63  }
0x34: {  	_ = 	snop  }
0x35: {  	[tilespmem:s26], [sflag:$0x1] =	stream.indirect_vreg.gather [hbm4b:s5+s4], $0x80, v3, vm0, $0xb8;
	[tilespmem:$0x14380] =	vst v63  }
0x36: {  	v3 =	vld [tilespmem:$0x10];
	_ =	sdelay $0x4  }
0x37: {  	v60 =	vshrl.u32 v3, $0x3  }
0x38: {  	v4 =	vmul.u32 $0x18, v60  }
0x39: {  	v3 =	vand.u32 $0x7, v3  }
0x3a: {  	v3 =	vor.u32 v3, v4  }
0x3b: {  	v4 =	vperm.xlane v3, v0;
	_ =	sdelay $0x1  }
0x3c: {  	v3 =	vperm.xlane v3, v2;
	v4 =	vadd.s32 v1, v4;
	_ =	sdelay $0x1  }
0x3d: {  	v3 =	vadd.s32 v1, v3;
	_ =	sdelay $0x2  }
0x3e: {  	[tilespmem:s28], [sflag:$0x1] =	stream.indirect_vreg.gather [hbm4b:s5+s4], $0x80, v4, vm0, $0xb8;
	[tilespmem:$0x14380] =	vst v63  }
0x3f: {  	_ = 	snop  }
0x40: {  	[tilespmem:s29], [sflag:$0x1] =	stream.indirect_vreg.gather [hbm4b:s5+s4], $0x80, v3, vm0, $0xb8;
	[tilespmem:$0x14380] =	vst v63  }
0x41: {  	v3 =	vld [tilespmem:$0x20];
	_ =	sdelay $0x4  }
0x42: {  	v61 =	vshrl.u32 v3, $0x3  }
0x43: {  	v4 =	vmul.u32 $0x18, v61  }
0x44: {  	v3 =	vand.u32 $0x7, v3  }
0x45: {  	v3 =	vor.u32 v3, v4  }
0x46: {  	v4 =	vperm.xlane v3, v0;
	_ =	sdelay $0x1  }
0x47: {  	v3 =	vperm.xlane v3, v2;
	v4 =	vadd.s32 v1, v4;
	_ =	sdelay $0x1  }
0x48: {  	v3 =	vadd.s32 v1, v3;
	_ =	sdelay $0x2  }
0x49: {  	[tilespmem:s30], [sflag:$0x1] =	stream.indirect_vreg.gather [hbm4b:s5+s4], $0x80, v4, vm0, $0xb8;
	[tilespmem:$0x14380] =	vst v63  }
0x4a: {  	_ = 	snop  }
0x4b: {  	[tilespmem:s31], [sflag:$0x1] =	stream.indirect_vreg.gather [hbm4b:s5+s4], $0x80, v3, vm0, $0xb8;
	[tilespmem:$0x14380] =	vst v63  }
0x4c: {  	v3 =	vld [tilespmem:$0x30];
	_ =	sdelay $0x4  }
0x4d: {  	v62 =	vshrl.u32 v3, $0x3  }
0x4e: {  	v4 =	vmul.u32 $0x18, v62  }
0x4f: {  	v3 =	vand.u32 $0x7, v3  }
0x50: {  	v3 =	vor.u32 v3, v4  }
0x51: {  	v4 =	vperm.xlane v3, v0;
	_ =	sdelay $0x1  }
0x52: {  	v3 =	vperm.xlane v3, v2;
	v4 =	vadd.s32 v1, v4;
	_ =	sdelay $0x1  }
0x53: {  	v3 =	vadd.s32 v1, v3;
	_ =	sdelay $0x2  }
0x54: {  	[tilespmem:s0], [sflag:$0x1] =	stream.indirect_vreg.gather [hbm4b:s5+s4], $0x80, v4, vm0, $0xb8;
	[tilespmem:$0x14380] =	vst v63  }
0x55: {  	_ = 	snop  }
0x56: {  	[tilespmem:s1], [sflag:$0x1] =	stream.indirect_vreg.gather [hbm4b:s5+s4], $0x80, v3, vm0, $0xb8;
	[tilespmem:$0x14380] =	vst v63  }
0x57: {  	v3 =	vld [tilespmem:$0x40];
	_ =	sdelay $0x4  }
0x58: {  	v63 =	vshrl.u32 v3, $0x3  }
0x59: {  	v4 =	vmul.u32 $0x18, v63  }
0x5a: {  	v3 =	vand.u32 $0x7, v3  }
0x5b: {  	v3 =	vor.u32 v3, v4  }
0x5c: {  	v4 =	vperm.xlane v3, v0;
	_ =	sdelay $0x1  }
0x5d: {  	v4 =	vadd.s32 v1, v4  }
0x5e: {  	v3 =	vperm.xlane v3, v2;
	_ =	sdelay $0x1  }
0x5f: {  	v3 =	vadd.s32 v1, v3;
	_ =	sdelay $0x1  }
0x60: {  	[tilespmem:s21], [sflag:$0x1] =	stream.indirect_vreg.gather [hbm4b:s5+s4], $0x80, v4, vm0, $0xb8;
	[tilespmem:$0x14380] =	vst v63  }
.Ltmp0:
0x61: {  	_ = 	snop;
	(pc) =	sbr.rel .LBB2_2-.Ltmp0, $4  }
0x62: {  	_ = 	snop  }
0x63: {  	[tilespmem:s22], [sflag:$0x1] =	stream.indirect_vreg.gather [hbm4b:s5+s4], $0x80, v3, vm0, $0xb8;
	[tilespmem:$0x14380] =	vst v63  }
0x64: {  	s12 =	simm.s32 $0x0  }
0x65: {  	[tilespmem:s8], [sflag:$0x2] =	stream.indirect.gather [hbm4b:s6+s23], $0x80, s4, s23, $0xb8;
	[tilespmem:$0x14380] =	vst v63  }
.LBB2_5:
0x66: {  	s2 =	smul.u32 $0x50, s12;
	_ =	sdelay $0x1  }
0x67: {  	s2 =	sadd.s32 s7, s2  }
0x68: {  	s2 =	sshrl.u32 s2, $0x3  }
0x69: {  	s2 =	smul.u32 $0xC00, s2;
	_ =	sdelay $0x1  }
0x6a: {  	s3 =	rddreg [dreg:$0x5];
	s2 =	sshrl.u32 s2, $0x3  }
0x6b: {  	s2 =	sadd.s32 s3, s2  }
0x6c: {  	[hbm4b:s2+s10] =	stream.strided.scatter [tilespmem:s9], [sflag:$0x7], $0x5000, s11, s10, $0x38;
	[tilespmem:$0x14380] =	vst v63  }
0x6d: {  	_ =	swait.ge [sflag:s13], $0x5000  }
0x6e: {  	[sflag:s13] =	ssyncset.done $0x0  }
0x6f: {  	s2 =	sadd.s32 $0x100, s2;
	[sflag:s13] =	ssyncadd.s32 $0xFFFFB000  }
0x70: {  	[hbm4b:s2+s15] =	stream.strided.scatter [tilespmem:s19], [sflag:$0x6], $0x2800, s11, s15, $0x38;
	[tilespmem:$0x14380] =	vst v63  }
0x71: {  	_ =	swait.ge [sflag:s20], $0x2800  }
0x72: {  	[sflag:s20] =	ssyncset.done $0x0  }
0x73: {  	[sflag:s20] =	ssyncadd.s32 $0xFFFFD800  }
.LBB2_11:
0x74: {  	s12 =	sadd.s32 $0x1, s12  }
0x75: {  	p0 =	sne.s32 s12, $0x3  }
.Ltmp1:
0x76: {  	_ = 	snop;
	(pc) =	sbr.rel @!p0 .LBB2_12-.Ltmp1, $1  }
0x77: {  	_ =	sdelay $0x3  }
.LBB2_2:
0x78: {  	s2 =	sand.u32 $0x1, s12  }
0x79: {  	p0 =	seq.s32 s2, $0x0  }
.Ltmp2:
0x7a: {  	_ = 	snop;
	(pc) =	sbr.rel @!p0 .LBB2_3-.Ltmp2, $1  }
0x7b: {  	_ =	sdelay $0x3  }
0x7c: {  	s2 =	sor.u32 $0x1, s12  }
0x7d: {  	p0 =	sgt.u32 s2, $0x2  }
.Ltmp3:
0x7e: {  	_ = 	snop;
	(pc) =	sbr.rel @p0 .LBB2_8-.Ltmp3, $1  }
0x7f: {  	_ =	sdelay $0x3  }
0x80: {  	s2 =	smul.u32 $0x140, s2;
	_ =	sdelay $0x1  }
0x81: {  	s2 =	sshra.s32 s2, $0x2  }
0x82: {  	v3 =	vld [tilespmem:s2+$0x0];
	_ =	sdelay $0x4  }
0x83: {  	v4 =	vshrl.u32 v3, $0x3  }
0x84: {  	v4 =	vmul.u32 $0x18, v4  }
0x85: {  	v3 =	vand.u32 $0x7, v3  }
0x86: {  	v3 =	vor.u32 v3, v4  }
0x87: {  	v4 =	vperm.xlane v3, v0;
	_ =	sdelay $0x1  }
0x88: {  	v3 =	vperm.xlane v3, v2;
	v4 =	vadd.s32 v1, v4;
	_ =	sdelay $0x1  }
0x89: {  	v3 =	vadd.s32 v1, v3;
	_ =	sdelay $0x2  }
0x8a: {  	[tilespmem:s9], [sflag:$0x3] =	stream.indirect_vreg.gather [hbm4b:s5+s4], $0x80, v4, vm0, $0xb8;
	[tilespmem:$0x14380] =	vst v63  }
0x8b: {  	s3 =	simm.s32 $0xAB80  }
0x8c: {  	[tilespmem:s3], [sflag:$0x3] =	stream.indirect_vreg.gather [hbm4b:s5+s4], $0x80, v3, vm0, $0xb8;
	[tilespmem:$0x14380] =	vst v63  }
0x8d: {  	v3 =	vld [tilespmem:s2+$0x10];
	_ =	sdelay $0x4  }
0x8e: {  	v60 =	vshrl.u32 v3, $0x3  }
0x8f: {  	v4 =	vmul.u32 $0x18, v60  }
0x90: {  	v3 =	vand.u32 $0x7, v3  }
0x91: {  	v3 =	vor.u32 v3, v4  }
0x92: {  	v4 =	vperm.xlane v3, v0;
	_ =	sdelay $0x1  }
0x93: {  	v3 =	vperm.xlane v3, v2;
	v4 =	vadd.s32 v1, v4;
	_ =	sdelay $0x1  }
0x94: {  	v3 =	vadd.s32 v1, v3;
	_ =	sdelay $0x1  }
0x95: {  	s16 =	simm.s32 $0xB380  }
0x96: {  	[tilespmem:s16], [sflag:$0x3] =	stream.indirect_vreg.gather [hbm4b:s5+s4], $0x80, v4, vm0, $0xb8;
	[tilespmem:$0x14380] =	vst v63  }
0x97: {  	s16 =	simm.s32 $0xBB80  }
0x98: {  	[tilespmem:s16], [sflag:$0x3] =	stream.indirect_vreg.gather [hbm4b:s5+s4], $0x80, v3, vm0, $0xb8;
	[tilespmem:$0x14380] =	vst v63  }
0x99: {  	v3 =	vld [tilespmem:s2+$0x20];
	_ =	sdelay $0x4  }
0x9a: {  	v61 =	vshrl.u32 v3, $0x3  }
0x9b: {  	v4 =	vmul.u32 $0x18, v61  }
0x9c: {  	v3 =	vand.u32 $0x7, v3  }
0x9d: {  	v3 =	vor.u32 v3, v4  }
0x9e: {  	v4 =	vperm.xlane v3, v0;
	_ =	sdelay $0x1  }
0x9f: {  	v3 =	vperm.xlane v3, v2;
	v4 =	vadd.s32 v1, v4;
	_ =	sdelay $0x1  }
0xa0: {  	v3 =	vadd.s32 v1, v3;
	_ =	sdelay $0x1  }
0xa1: {  	s16 =	simm.s32 $0xC380  }
0xa2: {  	[tilespmem:s16], [sflag:$0x3] =	stream.indirect_vreg.gather [hbm4b:s5+s4], $0x80, v4, vm0, $0xb8;
	[tilespmem:$0x14380] =	vst v63  }
0xa3: {  	s16 =	simm.s32 $0xCB80  }
0xa4: {  	[tilespmem:s16], [sflag:$0x3] =	stream.indirect_vreg.gather [hbm4b:s5+s4], $0x80, v3, vm0, $0xb8;
	[tilespmem:$0x14380] =	vst v63  }
0xa5: {  	v3 =	vld [tilespmem:s2+$0x30];
	_ =	sdelay $0x4  }
0xa6: {  	v62 =	vshrl.u32 v3, $0x3  }
0xa7: {  	v4 =	vmul.u32 $0x18, v62  }
0xa8: {  	v3 =	vand.u32 $0x7, v3  }
0xa9: {  	v3 =	vor.u32 v3, v4  }
0xaa: {  	v4 =	vperm.xlane v3, v0;
	_ =	sdelay $0x1  }
0xab: {  	v3 =	vperm.xlane v3, v2;
	v4 =	vadd.s32 v1, v4;
	_ =	sdelay $0x1  }
0xac: {  	v3 =	vadd.s32 v1, v3;
	_ =	sdelay $0x1  }
0xad: {  	s16 =	simm.s32 $0xD380  }
0xae: {  	[tilespmem:s16], [sflag:$0x3] =	stream.indirect_vreg.gather [hbm4b:s5+s4], $0x80, v4, vm0, $0xb8;
	[tilespmem:$0x14380] =	vst v63  }
0xaf: {  	s16 =	simm.s32 $0xDB80  }
0xb0: {  	[tilespmem:s16], [sflag:$0x3] =	stream.indirect_vreg.gather [hbm4b:s5+s4], $0x80, v3, vm0, $0xb8;
	[tilespmem:$0x14380] =	vst v63  }
0xb1: {  	v3 =	vld [tilespmem:s2+$0x40];
	_ =	sdelay $0x4  }
0xb2: {  	v63 =	vshrl.u32 v3, $0x3  }
0xb3: {  	v4 =	vmul.u32 $0x18, v63  }
0xb4: {  	v3 =	vand.u32 $0x7, v3  }
0xb5: {  	v3 =	vor.u32 v3, v4  }
0xb6: {  	v4 =	vperm.xlane v3, v0;
	_ =	sdelay $0x1  }
0xb7: {  	v3 =	vperm.xlane v3, v2;
	v4 =	vadd.s32 v1, v4;
	_ =	sdelay $0x1  }
0xb8: {  	v3 =	vadd.s32 v1, v3;
	_ =	sdelay $0x1  }
0xb9: {  	s16 =	simm.s32 $0xE380  }
0xba: {  	[tilespmem:s16], [sflag:$0x3] =	stream.indirect_vreg.gather [hbm4b:s5+s4], $0x80, v4, vm0, $0xb8;
	[tilespmem:$0x14380] =	vst v63  }
0xbb: {  	s16 =	simm.s32 $0xEB80  }
0xbc: {  	[tilespmem:s16], [sflag:$0x3] =	stream.indirect_vreg.gather [hbm4b:s5+s4], $0x80, v3, vm0, $0xb8;
	[tilespmem:$0x14380] =	vst v63  }
0xbd: {  	s16 =	simm.s32 $0xF380  }
0xbe: {  	[tilespmem:s16], [sflag:$0x4] =	stream.indirect.gather [hbm4b:s6+s23], $0x80, s2, s23, $0xb8;
	[tilespmem:$0x14380] =	vst v63  }
.LBB2_8:
0xbf: {  	_ =	swait.ge [sflag:s14], $0x5000  }
0xc0: {  	[sflag:s14] =	ssyncset.done $0x0  }
0xc1: {  	[sflag:s14] =	ssyncadd.s32 $0xFFFFB000  }
0xc2: {  	_ =	swait.ge [sflag:s24], $0x2800  }
0xc3: {  	[sflag:s24] =	ssyncset.done $0x0  }
0xc4: {  	s3 =	simm.s32 $0x5480;
	[sflag:s24] =	ssyncadd.s32 $0xFFFFD800  }
0xc5: {  	v3 =	vld [tilespmem:s3+$0xFFFFFF00];
	_ =	sdelay $0x3  }
0xc6: {  	s2 =	simm.s32 $0x7C80  }
0xc7: {  	[tilespmem:s2+$0xFFFFFF00] =	vst v3  }
0xc8: {  	v3 =	vld [tilespmem:s3+$0xFFFFFF10];
	_ =	sdelay $0x4  }
0xc9: {  	[tilespmem:s2+$0xFFFFFF10] =	vst v3  }
0xca: {  	v3 =	vld [tilespmem:s3+$0xFFFFFF1C];
	_ =	sdelay $0x4  }
0xcb: {  	[tilespmem:s2+$0xFFFFFF1C] =	vst v3  }
0xcc: {  	v3 =	vld [tilespmem:s3+$0xFFFFFF80];
	_ =	sdelay $0x4  }
0xcd: {  	[tilespmem:s2+$0xFFFFFF80] =	vst v3  }
0xce: {  	v3 =	vld [tilespmem:s3+$0xFFFFFF90];
	_ =	sdelay $0x4  }
0xcf: {  	[tilespmem:s2+$0xFFFFFF90] =	vst v3  }
0xd0: {  	v3 =	vld [tilespmem:s3+$0xFFFFFF9C];
	_ =	sdelay $0x4  }
0xd1: {  	[tilespmem:s2+$0xFFFFFF9C] =	vst v3  }
0xd2: {  	v3 =	vld [tilespmem:s3+$0x0];
	_ =	sdelay $0x4  }
0xd3: {  	[tilespmem:s2+$0x0] =	vst v3  }
0xd4: {  	v3 =	vld [tilespmem:s3+$0x10];
	_ =	sdelay $0x4  }
0xd5: {  	[tilespmem:s2+$0x10] =	vst v3  }
0xd6: {  	v3 =	vld [tilespmem:s3+$0x1C];
	_ =	sdelay $0x4  }
0xd7: {  	[tilespmem:s2+$0x1C] =	vst v3  }
0xd8: {  	v3 =	vld [tilespmem:s3+$0x80];
	_ =	sdelay $0x4  }
0xd9: {  	[tilespmem:s2+$0x80] =	vst v3  }
0xda: {  	v3 =	vld [tilespmem:s3+$0x90];
	_ =	sdelay $0x4  }
0xdb: {  	[tilespmem:s2+$0x90] =	vst v3  }
0xdc: {  	v3 =	vld [tilespmem:s3+$0x9C];
	_ =	sdelay $0x4  }
0xdd: {  	s16 =	simm.s32 $0x5680;
	s3 =	simm.s32 $0x0;
	[tilespmem:s2+$0x9C] =	vst v3  }
.LBB2_9:
0xde: {  	v3 =	vld [tilespmem:s16+$0xFFFFFF00];
	s3 =	sadd.s32 $0x4, s3  }
0xdf: {  	p0 =	slt.u32 s3, $0x4C;
	_ =	sdelay $0x2  }
0xe0: {  	s2 =	sadd.s32 $0x200, s2  }
0xe1: {  	[tilespmem:s2+$0xFFFFFF00] =	vst v3  }
0xe2: {  	v3 =	vld [tilespmem:s16+$0xFFFFFF10];
	_ =	sdelay $0x4  }
0xe3: {  	[tilespmem:s2+$0xFFFFFF10] =	vst v3  }
0xe4: {  	v3 =	vld [tilespmem:s16+$0xFFFFFF1C];
	_ =	sdelay $0x4  }
0xe5: {  	[tilespmem:s2+$0xFFFFFF1C] =	vst v3  }
0xe6: {  	v3 =	vld [tilespmem:s16+$0xFFFFFF80];
	_ =	sdelay $0x4  }
0xe7: {  	[tilespmem:s2+$0xFFFFFF80] =	vst v3  }
0xe8: {  	v3 =	vld [tilespmem:s16+$0xFFFFFF90];
	_ =	sdelay $0x4  }
0xe9: {  	[tilespmem:s2+$0xFFFFFF90] =	vst v3  }
0xea: {  	v3 =	vld [tilespmem:s16+$0xFFFFFF9C];
	_ =	sdelay $0x4  }
0xeb: {  	[tilespmem:s2+$0xFFFFFF9C] =	vst v3  }
0xec: {  	v3 =	vld [tilespmem:s16+$0x0];
	_ =	sdelay $0x4  }
0xed: {  	[tilespmem:s2+$0x0] =	vst v3  }
0xee: {  	v3 =	vld [tilespmem:s16+$0x10];
	_ =	sdelay $0x4  }
0xef: {  	[tilespmem:s2+$0x10] =	vst v3  }
0xf0: {  	v3 =	vld [tilespmem:s16+$0x1C];
	_ =	sdelay $0x4  }
0xf1: {  	[tilespmem:s2+$0x1C] =	vst v3  }
0xf2: {  	v3 =	vld [tilespmem:s16+$0x80];
	_ =	sdelay $0x4  }
0xf3: {  	[tilespmem:s2+$0x80] =	vst v3  }
0xf4: {  	v3 =	vld [tilespmem:s16+$0x90];
	_ =	sdelay $0x4  }
0xf5: {  	[tilespmem:s2+$0x90] =	vst v3  }
0xf6: {  	v3 =	vld [tilespmem:s16+$0x9C]  }
.Ltmp4:
0xf7: {  	(pc) =	sbr.rel @p0 .LBB2_9-.Ltmp4, $2  }
0xf8: {  	_ =	sdelay $0x2  }
0xf9: {  	s16 =	sadd.s32 $0x200, s16;
	[tilespmem:s2+$0x9C] =	vst v3  }
0xfa: {  	s2 =	smul.u32 $0x50, s12;
	_ =	sdelay $0x1  }
0xfb: {  	s2 =	sadd.s32 s7, s2  }
0xfc: {  	s2 =	sshrl.u32 s2, $0x3  }
0xfd: {  	s2 =	smul.u32 $0xC00, s2;
	_ =	sdelay $0x1  }
0xfe: {  	s3 =	rddreg [dreg:$0x5];
	s2 =	sshrl.u32 s2, $0x3  }
0xff: {  	s2 =	sadd.s32 s3, s2  }
0x100: {  	[hbm4b:s2+s10] =	stream.strided.scatter [tilespmem:s25], [sflag:$0x7], $0x5000, s11, s10, $0x38;
	[tilespmem:$0x14380] =	vst v63  }
0x101: {  	_ =	swait.ge [sflag:s13], $0x5000  }
0x102: {  	s16 =	simm.s32 $0x7B80;
	[sflag:s13] =	ssyncset.done $0x0  }
.Ltmp5:
0x103: {  	s2 =	sadd.s32 $0x100, s2;
	[sflag:s13] =	ssyncadd.s32 $0xFFFFB000;
	(pc) =	sbr.rel .LBB2_11-.Ltmp5, $4  }
0x104: {  	[hbm4b:s2+s15] =	stream.strided.scatter [tilespmem:s16], [sflag:$0x7], $0x2800, s11, s15, $0x38;
	[tilespmem:$0x14380] =	vst v63  }
0x105: {  	_ =	swait.ge [sflag:s13], $0x2800  }
0x106: {  	[sflag:s13] =	ssyncset.done $0x0  }
0x107: {  	[sflag:s13] =	ssyncadd.s32 $0xFFFFD800  }
.LBB2_3:
0x108: {  	s2 =	smul.u32 $0x140, s12;
	_ =	sdelay $0x1  }
0x109: {  	s2 =	sshra.s32 s2, $0x2  }
0x10a: {  	v3 =	vld [tilespmem:s2+$0x50];
	_ =	sdelay $0x4  }
0x10b: {  	v4 =	vshrl.u32 v3, $0x3  }
0x10c: {  	v4 =	vmul.u32 $0x18, v4  }
0x10d: {  	v3 =	vand.u32 $0x7, v3  }
0x10e: {  	v3 =	vor.u32 v3, v4  }
0x10f: {  	v4 =	vperm.xlane v3, v0;
	_ =	sdelay $0x1  }
0x110: {  	v3 =	vperm.xlane v3, v2;
	v4 =	vadd.s32 v1, v4;
	_ =	sdelay $0x1  }
0x111: {  	v3 =	vadd.s32 v1, v3;
	_ =	sdelay $0x2  }
0x112: {  	[tilespmem:s25], [sflag:$0x1] =	stream.indirect_vreg.gather [hbm4b:s5+s4], $0x80, v4, vm0, $0xb8;
	[tilespmem:$0x14380] =	vst v63  }
0x113: {  	_ = 	snop  }
0x114: {  	[tilespmem:s26], [sflag:$0x1] =	stream.indirect_vreg.gather [hbm4b:s5+s4], $0x80, v3, vm0, $0xb8;
	[tilespmem:$0x14380] =	vst v63  }
0x115: {  	v3 =	vld [tilespmem:s2+$0x60];
	_ =	sdelay $0x4  }
0x116: {  	v60 =	vshrl.u32 v3, $0x3  }
0x117: {  	v4 =	vmul.u32 $0x18, v60  }
0x118: {  	v3 =	vand.u32 $0x7, v3  }
0x119: {  	v3 =	vor.u32 v3, v4  }
0x11a: {  	v4 =	vperm.xlane v3, v0;
	_ =	sdelay $0x1  }
0x11b: {  	v3 =	vperm.xlane v3, v2;
	v4 =	vadd.s32 v1, v4;
	_ =	sdelay $0x1  }
0x11c: {  	v3 =	vadd.s32 v1, v3;
	_ =	sdelay $0x2  }
0x11d: {  	[tilespmem:s28], [sflag:$0x1] =	stream.indirect_vreg.gather [hbm4b:s5+s4], $0x80, v4, vm0, $0xb8;
	[tilespmem:$0x14380] =	vst v63  }
0x11e: {  	_ = 	snop  }
0x11f: {  	[tilespmem:s29], [sflag:$0x1] =	stream.indirect_vreg.gather [hbm4b:s5+s4], $0x80, v3, vm0, $0xb8;
	[tilespmem:$0x14380] =	vst v63  }
0x120: {  	v3 =	vld [tilespmem:s2+$0x70];
	_ =	sdelay $0x4  }
0x121: {  	v61 =	vshrl.u32 v3, $0x3  }
0x122: {  	v4 =	vmul.u32 $0x18, v61  }
0x123: {  	v3 =	vand.u32 $0x7, v3  }
0x124: {  	v3 =	vor.u32 v3, v4  }
0x125: {  	v4 =	vperm.xlane v3, v0;
	_ =	sdelay $0x1  }
0x126: {  	v3 =	vperm.xlane v3, v2;
	v4 =	vadd.s32 v1, v4;
	_ =	sdelay $0x1  }
0x127: {  	v3 =	vadd.s32 v1, v3;
	_ =	sdelay $0x2  }
0x128: {  	[tilespmem:s30], [sflag:$0x1] =	stream.indirect_vreg.gather [hbm4b:s5+s4], $0x80, v4, vm0, $0xb8;
	[tilespmem:$0x14380] =	vst v63  }
0x129: {  	_ = 	snop  }
0x12a: {  	[tilespmem:s31], [sflag:$0x1] =	stream.indirect_vreg.gather [hbm4b:s5+s4], $0x80, v3, vm0, $0xb8;
	[tilespmem:$0x14380] =	vst v63  }
0x12b: {  	v3 =	vld [tilespmem:s2+$0x80];
	_ =	sdelay $0x4  }
0x12c: {  	v62 =	vshrl.u32 v3, $0x3  }
0x12d: {  	v4 =	vmul.u32 $0x18, v62  }
0x12e: {  	v3 =	vand.u32 $0x7, v3  }
0x12f: {  	v3 =	vor.u32 v3, v4  }
0x130: {  	v4 =	vperm.xlane v3, v0;
	_ =	sdelay $0x1  }
0x131: {  	v3 =	vperm.xlane v3, v2;
	v4 =	vadd.s32 v1, v4;
	_ =	sdelay $0x1  }
0x132: {  	v3 =	vadd.s32 v1, v3;
	_ =	sdelay $0x2  }
0x133: {  	[tilespmem:s0], [sflag:$0x1] =	stream.indirect_vreg.gather [hbm4b:s5+s4], $0x80, v4, vm0, $0xb8;
	[tilespmem:$0x14380] =	vst v63  }
0x134: {  	_ = 	snop  }
0x135: {  	[tilespmem:s1], [sflag:$0x1] =	stream.indirect_vreg.gather [hbm4b:s5+s4], $0x80, v3, vm0, $0xb8;
	[tilespmem:$0x14380] =	vst v63  }
0x136: {  	v3 =	vld [tilespmem:s2+$0x90];
	_ =	sdelay $0x4  }
0x137: {  	v63 =	vshrl.u32 v3, $0x3  }
0x138: {  	v4 =	vmul.u32 $0x18, v63  }
0x139: {  	v3 =	vand.u32 $0x7, v3  }
0x13a: {  	v3 =	vor.u32 v3, v4  }
0x13b: {  	v4 =	vperm.xlane v3, v0;
	_ =	sdelay $0x1  }
0x13c: {  	v3 =	vperm.xlane v3, v2;
	v4 =	vadd.s32 v1, v4;
	_ =	sdelay $0x1  }
0x13d: {  	v3 =	vadd.s32 v1, v3;
	_ =	sdelay $0x2  }
0x13e: {  	[tilespmem:s21], [sflag:$0x1] =	stream.indirect_vreg.gather [hbm4b:s5+s4], $0x80, v4, vm0, $0xb8;
	[tilespmem:$0x14380] =	vst v63  }
0x13f: {  	_ = 	snop  }
0x140: {  	[tilespmem:s22], [sflag:$0x1] =	stream.indirect_vreg.gather [hbm4b:s5+s4], $0x80, v3, vm0, $0xb8;
	[tilespmem:$0x14380] =	vst v63  }
0x141: {  	s2 =	sadd.s32 $0x50, s2  }
0x142: {  	[tilespmem:s8], [sflag:$0x2] =	stream.indirect.gather [hbm4b:s6+s23], $0x80, s2, s23, $0xb8;
	[tilespmem:$0x14380] =	vst v63  }
0x143: {  	_ =	swait.ge [sflag:s17], $0x5000  }
0x144: {  	[sflag:s17] =	ssyncset.done $0x0  }
0x145: {  	[sflag:s17] =	ssyncadd.s32 $0xFFFFB000  }
0x146: {  	_ =	swait.ge [sflag:s18], $0x2800  }
0x147: {  	[sflag:s18] =	ssyncset.done $0x0  }
0x148: {  	s3 =	simm.s32 $0xF480;
	[sflag:s18] =	ssyncadd.s32 $0xFFFFD800  }
0x149: {  	v3 =	vld [tilespmem:s3+$0xFFFFFF00];
	_ =	sdelay $0x3  }
0x14a: {  	s2 =	simm.s32 $0x11C80  }
0x14b: {  	[tilespmem:s2+$0xFFFFFF00] =	vst v3  }
0x14c: {  	v3 =	vld [tilespmem:s3+$0xFFFFFF10];
	_ =	sdelay $0x4  }
0x14d: {  	[tilespmem:s2+$0xFFFFFF10] =	vst v3  }
0x14e: {  	v3 =	vld [tilespmem:s3+$0xFFFFFF1C];
	_ =	sdelay $0x4  }
0x14f: {  	[tilespmem:s2+$0xFFFFFF1C] =	vst v3  }
0x150: {  	v3 =	vld [tilespmem:s3+$0xFFFFFF80];
	_ =	sdelay $0x4  }
0x151: {  	[tilespmem:s2+$0xFFFFFF80] =	vst v3  }
0x152: {  	v3 =	vld [tilespmem:s3+$0xFFFFFF90];
	_ =	sdelay $0x4  }
0x153: {  	[tilespmem:s2+$0xFFFFFF90] =	vst v3  }
0x154: {  	v3 =	vld [tilespmem:s3+$0xFFFFFF9C];
	_ =	sdelay $0x4  }
0x155: {  	[tilespmem:s2+$0xFFFFFF9C] =	vst v3  }
0x156: {  	v3 =	vld [tilespmem:s3+$0x0];
	_ =	sdelay $0x4  }
0x157: {  	[tilespmem:s2+$0x0] =	vst v3  }
0x158: {  	v3 =	vld [tilespmem:s3+$0x10];
	_ =	sdelay $0x4  }
0x159: {  	[tilespmem:s2+$0x10] =	vst v3  }
0x15a: {  	v3 =	vld [tilespmem:s3+$0x1C];
	_ =	sdelay $0x4  }
0x15b: {  	[tilespmem:s2+$0x1C] =	vst v3  }
0x15c: {  	v3 =	vld [tilespmem:s3+$0x80];
	_ =	sdelay $0x4  }
0x15d: {  	[tilespmem:s2+$0x80] =	vst v3  }
0x15e: {  	v3 =	vld [tilespmem:s3+$0x90];
	_ =	sdelay $0x4  }
0x15f: {  	[tilespmem:s2+$0x90] =	vst v3  }
0x160: {  	v3 =	vld [tilespmem:s3+$0x9C];
	_ =	sdelay $0x4  }
0x161: {  	s16 =	simm.s32 $0xF680;
	s3 =	simm.s32 $0x0;
	[tilespmem:s2+$0x9C] =	vst v3  }
.LBB2_4:
0x162: {  	v3 =	vld [tilespmem:s16+$0xFFFFFF00];
	s3 =	sadd.s32 $0x4, s3  }
0x163: {  	p0 =	slt.u32 s3, $0x4C;
	_ =	sdelay $0x2  }
0x164: {  	s2 =	sadd.s32 $0x200, s2  }
0x165: {  	[tilespmem:s2+$0xFFFFFF00] =	vst v3  }
0x166: {  	v3 =	vld [tilespmem:s16+$0xFFFFFF10];
	_ =	sdelay $0x4  }
0x167: {  	[tilespmem:s2+$0xFFFFFF10] =	vst v3  }
0x168: {  	v3 =	vld [tilespmem:s16+$0xFFFFFF1C];
	_ =	sdelay $0x4  }
0x169: {  	[tilespmem:s2+$0xFFFFFF1C] =	vst v3  }
0x16a: {  	v3 =	vld [tilespmem:s16+$0xFFFFFF80];
	_ =	sdelay $0x4  }
0x16b: {  	[tilespmem:s2+$0xFFFFFF80] =	vst v3  }
0x16c: {  	v3 =	vld [tilespmem:s16+$0xFFFFFF90];
	_ =	sdelay $0x4  }
0x16d: {  	[tilespmem:s2+$0xFFFFFF90] =	vst v3  }
0x16e: {  	v3 =	vld [tilespmem:s16+$0xFFFFFF9C];
	_ =	sdelay $0x4  }
0x16f: {  	[tilespmem:s2+$0xFFFFFF9C] =	vst v3  }
0x170: {  	v3 =	vld [tilespmem:s16+$0x0];
	_ =	sdelay $0x4  }
0x171: {  	[tilespmem:s2+$0x0] =	vst v3  }
0x172: {  	v3 =	vld [tilespmem:s16+$0x10];
	_ =	sdelay $0x4  }
0x173: {  	[tilespmem:s2+$0x10] =	vst v3  }
0x174: {  	v3 =	vld [tilespmem:s16+$0x1C];
	_ =	sdelay $0x4  }
0x175: {  	[tilespmem:s2+$0x1C] =	vst v3  }
0x176: {  	v3 =	vld [tilespmem:s16+$0x80];
	_ =	sdelay $0x4  }
0x177: {  	[tilespmem:s2+$0x80] =	vst v3  }
0x178: {  	v3 =	vld [tilespmem:s16+$0x90];
	_ =	sdelay $0x4  }
0x179: {  	[tilespmem:s2+$0x90] =	vst v3  }
0x17a: {  	v3 =	vld [tilespmem:s16+$0x9C]  }
.Ltmp6:
0x17b: {  	(pc) =	sbr.rel @p0 .LBB2_4-.Ltmp6, $2  }
0x17c: {  	_ =	sdelay $0x2  }
0x17d: {  	s16 =	sadd.s32 $0x200, s16;
	[tilespmem:s2+$0x9C] =	vst v3  }
.Ltmp7:
0x17e: {  	_ = 	snop;
	(pc) =	sbr.rel .LBB2_5-.Ltmp7, $1  }
0x17f: {  	_ =	sdelay $0x3  }
.LBB2_12:
0x180: {  	v3 =	vld [tilespmem:$0xF0];
	_ =	sdelay $0x4  }
0x181: {  	v4 =	vshrl.u32 v3, $0x3  }
0x182: {  	v4 =	vmul.u32 $0x18, v4  }
0x183: {  	v3 =	vand.u32 $0x7, v3  }
0x184: {  	v3 =	vor.u32 v3, v4  }
0x185: {  	v4 =	vperm.xlane v3, v0;
	_ =	sdelay $0x1  }
0x186: {  	v3 =	vperm.xlane v3, v2;
	v4 =	vadd.s32 v1, v4;
	_ =	sdelay $0x1  }
0x187: {  	v3 =	vadd.s32 v1, v3;
	_ =	sdelay $0x1  }
0x188: {  	s12 =	simm.s32 $0x0  }
0x189: {  	[tilespmem:s25], [sflag:$0x1] =	stream.indirect_vreg.gather [hbm4b:s5+s12], $0x80, v4, vm0, $0xb8;
	[tilespmem:$0x14380] =	vst v63  }
0x18a: {  	_ = 	snop  }
0x18b: {  	[tilespmem:s26], [sflag:$0x1] =	stream.indirect_vreg.gather [hbm4b:s5+s12], $0x80, v3, vm0, $0xb8;
	[tilespmem:$0x14380] =	vst v63  }
0x18c: {  	v3 =	vld [tilespmem:$0x100];
	_ =	sdelay $0x4  }
0x18d: {  	v60 =	vshrl.u32 v3, $0x3  }
0x18e: {  	v4 =	vmul.u32 $0x18, v60  }
0x18f: {  	v3 =	vand.u32 $0x7, v3  }
0x190: {  	v3 =	vor.u32 v3, v4  }
0x191: {  	v4 =	vperm.xlane v3, v0;
	_ =	sdelay $0x1  }
0x192: {  	v3 =	vperm.xlane v3, v2;
	v4 =	vadd.s32 v1, v4;
	_ =	sdelay $0x1  }
0x193: {  	v3 =	vadd.s32 v1, v3;
	_ =	sdelay $0x2  }
0x194: {  	[tilespmem:s28], [sflag:$0x1] =	stream.indirect_vreg.gather [hbm4b:s5+s12], $0x80, v4, vm0, $0xb8;
	[tilespmem:$0x14380] =	vst v63  }
0x195: {  	_ = 	snop  }
0x196: {  	[tilespmem:s29], [sflag:$0x1] =	stream.indirect_vreg.gather [hbm4b:s5+s12], $0x80, v3, vm0, $0xb8;
	[tilespmem:$0x14380] =	vst v63  }
0x197: {  	v3 =	vld [tilespmem:$0x110];
	_ =	sdelay $0x4  }
0x198: {  	v61 =	vshrl.u32 v3, $0x3  }
0x199: {  	v4 =	vmul.u32 $0x18, v61  }
0x19a: {  	v3 =	vand.u32 $0x7, v3  }
0x19b: {  	v3 =	vor.u32 v3, v4  }
0x19c: {  	v4 =	vperm.xlane v3, v0;
	_ =	sdelay $0x1  }
0x19d: {  	v3 =	vperm.xlane v3, v2;
	v4 =	vadd.s32 v1, v4;
	_ =	sdelay $0x1  }
0x19e: {  	v3 =	vadd.s32 v1, v3;
	_ =	sdelay $0x2  }
0x19f: {  	[tilespmem:s30], [sflag:$0x1] =	stream.indirect_vreg.gather [hbm4b:s5+s12], $0x80, v4, vm0, $0xb8;
	[tilespmem:$0x14380] =	vst v63  }
0x1a0: {  	_ = 	snop  }
0x1a1: {  	[tilespmem:s31], [sflag:$0x1] =	stream.indirect_vreg.gather [hbm4b:s5+s12], $0x80, v3, vm0, $0xb8;
	[tilespmem:$0x14380] =	vst v63  }
0x1a2: {  	v3 =	vld [tilespmem:$0x120];
	_ =	sdelay $0x4  }
0x1a3: {  	v62 =	vshrl.u32 v3, $0x3  }
0x1a4: {  	v4 =	vmul.u32 $0x18, v62  }
0x1a5: {  	v3 =	vand.u32 $0x7, v3  }
0x1a6: {  	v3 =	vor.u32 v3, v4  }
0x1a7: {  	v4 =	vperm.xlane v3, v0;
	_ =	sdelay $0x1  }
0x1a8: {  	v3 =	vperm.xlane v3, v2;
	v4 =	vadd.s32 v1, v4;
	_ =	sdelay $0x1  }
0x1a9: {  	v3 =	vadd.s32 v1, v3;
	_ =	sdelay $0x2  }
0x1aa: {  	[tilespmem:s0], [sflag:$0x1] =	stream.indirect_vreg.gather [hbm4b:s5+s12], $0x80, v4, vm0, $0xb8;
	[tilespmem:$0x14380] =	vst v63  }
0x1ab: {  	_ = 	snop  }
0x1ac: {  	[tilespmem:s1], [sflag:$0x1] =	stream.indirect_vreg.gather [hbm4b:s5+s12], $0x80, v3, vm0, $0xb8;
	[tilespmem:$0x14380] =	vst v63  }
0x1ad: {  	v3 =	vld [tilespmem:$0x130];
	_ =	sdelay $0x4  }
0x1ae: {  	v63 =	vshrl.u32 v3, $0x3  }
0x1af: {  	v4 =	vmul.u32 $0x18, v63  }
0x1b0: {  	v3 =	vand.u32 $0x7, v3  }
0x1b1: {  	v3 =	vor.u32 v3, v4  }
0x1b2: {  	v4 =	vperm.xlane v3, v0;
	_ =	sdelay $0x1  }
0x1b3: {  	v4 =	vadd.s32 v1, v4  }
0x1b4: {  	v3 =	vperm.xlane v3, v2;
	_ =	sdelay $0x1  }
0x1b5: {  	v3 =	vadd.s32 v1, v3;
	_ =	sdelay $0x1  }
0x1b6: {  	[tilespmem:s21], [sflag:$0x1] =	stream.indirect_vreg.gather [hbm4b:s5+s12], $0x80, v4, vm0, $0xb8;
	[tilespmem:$0x14380] =	vst v63  }
.Ltmp8:
0x1b7: {  	_ = 	snop;
	(pc) =	sbr.rel .LBB2_13-.Ltmp8, $4  }
0x1b8: {  	_ = 	snop  }
0x1b9: {  	[tilespmem:s22], [sflag:$0x1] =	stream.indirect_vreg.gather [hbm4b:s5+s12], $0x80, v3, vm0, $0xb8;
	[tilespmem:$0x14380] =	vst v63  }
0x1ba: {  	s2 =	simm.s32 $0xF0  }
0x1bb: {  	[tilespmem:s8], [sflag:$0x2] =	stream.indirect.gather [hbm4b:s6+s23], $0x80, s2, s23, $0xb8;
	[tilespmem:$0x14380] =	vst v63  }
.LBB2_16:
0x1bc: {  	s2 =	smul.u32 $0x50, s12;
	_ =	sdelay $0x1  }
0x1bd: {  	s2 =	sadd.s32 s7, s2  }
0x1be: {  	s2 =	sshrl.u32 s2, $0x3  }
0x1bf: {  	s2 =	smul.u32 $0xC00, s2;
	_ =	sdelay $0x1  }
0x1c0: {  	s3 =	rddreg [dreg:$0x6];
	s2 =	sshrl.u32 s2, $0x3  }
0x1c1: {  	s2 =	sadd.s32 s3, s2  }
0x1c2: {  	[hbm4b:s2+s10] =	stream.strided.scatter [tilespmem:s9], [sflag:$0x7], $0x5000, s11, s10, $0x38;
	[tilespmem:$0x14380] =	vst v63  }
0x1c3: {  	_ =	swait.ge [sflag:s13], $0x5000  }
0x1c4: {  	[sflag:s13] =	ssyncset.done $0x0  }
0x1c5: {  	s2 =	sadd.s32 $0x100, s2;
	[sflag:s13] =	ssyncadd.s32 $0xFFFFB000  }
0x1c6: {  	[hbm4b:s2+s15] =	stream.strided.scatter [tilespmem:s19], [sflag:$0x6], $0x2800, s11, s15, $0x38;
	[tilespmem:$0x14380] =	vst v63  }
0x1c7: {  	_ =	swait.ge [sflag:s20], $0x2800  }
0x1c8: {  	[sflag:s20] =	ssyncset.done $0x0  }
0x1c9: {  	[sflag:s20] =	ssyncadd.s32 $0xFFFFD800  }
.LBB2_22:
0x1ca: {  	s12 =	sadd.s32 $0x1, s12  }
0x1cb: {  	p0 =	sne.s32 s12, $0x3  }
.Ltmp9:
0x1cc: {  	_ = 	snop;
	(pc) =	sbr.rel @!p0 .LBB2_23-.Ltmp9, $1  }
0x1cd: {  	_ =	sdelay $0x3  }
.LBB2_13:
0x1ce: {  	s2 =	sand.u32 $0x1, s12  }
0x1cf: {  	p0 =	seq.s32 s2, $0x0  }
.Ltmp10:
0x1d0: {  	_ = 	snop;
	(pc) =	sbr.rel @!p0 .LBB2_14-.Ltmp10, $1  }
0x1d1: {  	_ =	sdelay $0x3  }
0x1d2: {  	s2 =	sor.u32 $0x1, s12  }
0x1d3: {  	p0 =	sgt.u32 s2, $0x2  }
.Ltmp11:
0x1d4: {  	_ = 	snop;
	(pc) =	sbr.rel @p0 .LBB2_19-.Ltmp11, $1  }
0x1d5: {  	_ =	sdelay $0x3  }
0x1d6: {  	s2 =	smul.u32 $0x140, s2;
	_ =	sdelay $0x1  }
0x1d7: {  	s2 =	sshra.s32 s2, $0x2  }
0x1d8: {  	v3 =	vld [tilespmem:s2+$0xF0];
	_ =	sdelay $0x4  }
0x1d9: {  	v4 =	vshrl.u32 v3, $0x3  }
0x1da: {  	v4 =	vmul.u32 $0x18, v4  }
0x1db: {  	v3 =	vand.u32 $0x7, v3  }
0x1dc: {  	v3 =	vor.u32 v3, v4  }
0x1dd: {  	v4 =	vperm.xlane v3, v0;
	_ =	sdelay $0x1  }
0x1de: {  	v3 =	vperm.xlane v3, v2;
	v4 =	vadd.s32 v1, v4;
	_ =	sdelay $0x1  }
0x1df: {  	v3 =	vadd.s32 v1, v3;
	_ =	sdelay $0x2  }
0x1e0: {  	[tilespmem:s9], [sflag:$0x3] =	stream.indirect_vreg.gather [hbm4b:s5+s4], $0x80, v4, vm0, $0xb8;
	[tilespmem:$0x14380] =	vst v63  }
0x1e1: {  	s3 =	simm.s32 $0xAB80  }
0x1e2: {  	[tilespmem:s3], [sflag:$0x3] =	stream.indirect_vreg.gather [hbm4b:s5+s4], $0x80, v3, vm0, $0xb8;
	[tilespmem:$0x14380] =	vst v63  }
0x1e3: {  	v3 =	vld [tilespmem:s2+$0x100];
	_ =	sdelay $0x4  }
0x1e4: {  	v60 =	vshrl.u32 v3, $0x3  }
0x1e5: {  	v4 =	vmul.u32 $0x18, v60  }
0x1e6: {  	v3 =	vand.u32 $0x7, v3  }
0x1e7: {  	v3 =	vor.u32 v3, v4  }
0x1e8: {  	v4 =	vperm.xlane v3, v0;
	_ =	sdelay $0x1  }
0x1e9: {  	v3 =	vperm.xlane v3, v2;
	v4 =	vadd.s32 v1, v4;
	_ =	sdelay $0x1  }
0x1ea: {  	v3 =	vadd.s32 v1, v3;
	_ =	sdelay $0x1  }
0x1eb: {  	s16 =	simm.s32 $0xB380  }
0x1ec: {  	[tilespmem:s16], [sflag:$0x3] =	stream.indirect_vreg.gather [hbm4b:s5+s4], $0x80, v4, vm0, $0xb8;
	[tilespmem:$0x14380] =	vst v63  }
0x1ed: {  	s16 =	simm.s32 $0xBB80  }
0x1ee: {  	[tilespmem:s16], [sflag:$0x3] =	stream.indirect_vreg.gather [hbm4b:s5+s4], $0x80, v3, vm0, $0xb8;
	[tilespmem:$0x14380] =	vst v63  }
0x1ef: {  	v3 =	vld [tilespmem:s2+$0x110];
	_ =	sdelay $0x4  }
0x1f0: {  	v61 =	vshrl.u32 v3, $0x3  }
0x1f1: {  	v4 =	vmul.u32 $0x18, v61  }
0x1f2: {  	v3 =	vand.u32 $0x7, v3  }
0x1f3: {  	v3 =	vor.u32 v3, v4  }
0x1f4: {  	v4 =	vperm.xlane v3, v0;
	_ =	sdelay $0x1  }
0x1f5: {  	v3 =	vperm.xlane v3, v2;
	v4 =	vadd.s32 v1, v4;
	_ =	sdelay $0x1  }
0x1f6: {  	v3 =	vadd.s32 v1, v3;
	_ =	sdelay $0x1  }
0x1f7: {  	s16 =	simm.s32 $0xC380  }
0x1f8: {  	[tilespmem:s16], [sflag:$0x3] =	stream.indirect_vreg.gather [hbm4b:s5+s4], $0x80, v4, vm0, $0xb8;
	[tilespmem:$0x14380] =	vst v63  }
0x1f9: {  	s16 =	simm.s32 $0xCB80  }
0x1fa: {  	[tilespmem:s16], [sflag:$0x3] =	stream.indirect_vreg.gather [hbm4b:s5+s4], $0x80, v3, vm0, $0xb8;
	[tilespmem:$0x14380] =	vst v63  }
0x1fb: {  	v3 =	vld [tilespmem:s2+$0x120];
	_ =	sdelay $0x4  }
0x1fc: {  	v62 =	vshrl.u32 v3, $0x3  }
0x1fd: {  	v4 =	vmul.u32 $0x18, v62  }
0x1fe: {  	v3 =	vand.u32 $0x7, v3  }
0x1ff: {  	v3 =	vor.u32 v3, v4  }
0x200: {  	v4 =	vperm.xlane v3, v0;
	_ =	sdelay $0x1  }
0x201: {  	v3 =	vperm.xlane v3, v2;
	v4 =	vadd.s32 v1, v4;
	_ =	sdelay $0x1  }
0x202: {  	v3 =	vadd.s32 v1, v3;
	_ =	sdelay $0x1  }
0x203: {  	s16 =	simm.s32 $0xD380  }
0x204: {  	[tilespmem:s16], [sflag:$0x3] =	stream.indirect_vreg.gather [hbm4b:s5+s4], $0x80, v4, vm0, $0xb8;
	[tilespmem:$0x14380] =	vst v63  }
0x205: {  	s16 =	simm.s32 $0xDB80  }
0x206: {  	[tilespmem:s16], [sflag:$0x3] =	stream.indirect_vreg.gather [hbm4b:s5+s4], $0x80, v3, vm0, $0xb8;
	[tilespmem:$0x14380] =	vst v63  }
0x207: {  	v3 =	vld [tilespmem:s2+$0x130];
	_ =	sdelay $0x4  }
0x208: {  	v63 =	vshrl.u32 v3, $0x3  }
0x209: {  	v4 =	vmul.u32 $0x18, v63  }
0x20a: {  	v3 =	vand.u32 $0x7, v3  }
0x20b: {  	v3 =	vor.u32 v3, v4  }
0x20c: {  	v4 =	vperm.xlane v3, v0;
	_ =	sdelay $0x1  }
0x20d: {  	v3 =	vperm.xlane v3, v2;
	v4 =	vadd.s32 v1, v4;
	_ =	sdelay $0x1  }
0x20e: {  	v3 =	vadd.s32 v1, v3;
	_ =	sdelay $0x1  }
0x20f: {  	s16 =	simm.s32 $0xE380  }
0x210: {  	[tilespmem:s16], [sflag:$0x3] =	stream.indirect_vreg.gather [hbm4b:s5+s4], $0x80, v4, vm0, $0xb8;
	[tilespmem:$0x14380] =	vst v63  }
0x211: {  	s16 =	simm.s32 $0xEB80  }
0x212: {  	[tilespmem:s16], [sflag:$0x3] =	stream.indirect_vreg.gather [hbm4b:s5+s4], $0x80, v3, vm0, $0xb8;
	[tilespmem:$0x14380] =	vst v63  }
0x213: {  	s2 =	sadd.s32 $0xF0, s2;
	s16 =	simm.s32 $0xF380  }
0x214: {  	[tilespmem:s16], [sflag:$0x4] =	stream.indirect.gather [hbm4b:s6+s23], $0x80, s2, s23, $0xb8;
	[tilespmem:$0x14380] =	vst v63  }
.LBB2_19:
0x215: {  	_ =	swait.ge [sflag:s14], $0x5000  }
0x216: {  	[sflag:s14] =	ssyncset.done $0x0  }
0x217: {  	[sflag:s14] =	ssyncadd.s32 $0xFFFFB000  }
0x218: {  	_ =	swait.ge [sflag:s24], $0x2800  }
0x219: {  	[sflag:s24] =	ssyncset.done $0x0  }
0x21a: {  	s3 =	simm.s32 $0x5480;
	[sflag:s24] =	ssyncadd.s32 $0xFFFFD800  }
0x21b: {  	v3 =	vld [tilespmem:s3+$0xFFFFFF00];
	_ =	sdelay $0x3  }
0x21c: {  	s2 =	simm.s32 $0x7C80  }
0x21d: {  	[tilespmem:s2+$0xFFFFFF00] =	vst v3  }
0x21e: {  	v3 =	vld [tilespmem:s3+$0xFFFFFF10];
	_ =	sdelay $0x4  }
0x21f: {  	[tilespmem:s2+$0xFFFFFF10] =	vst v3  }
0x220: {  	v3 =	vld [tilespmem:s3+$0xFFFFFF1C];
	_ =	sdelay $0x4  }
0x221: {  	[tilespmem:s2+$0xFFFFFF1C] =	vst v3  }
0x222: {  	v3 =	vld [tilespmem:s3+$0xFFFFFF80];
	_ =	sdelay $0x4  }
0x223: {  	[tilespmem:s2+$0xFFFFFF80] =	vst v3  }
0x224: {  	v3 =	vld [tilespmem:s3+$0xFFFFFF90];
	_ =	sdelay $0x4  }
0x225: {  	[tilespmem:s2+$0xFFFFFF90] =	vst v3  }
0x226: {  	v3 =	vld [tilespmem:s3+$0xFFFFFF9C];
	_ =	sdelay $0x4  }
0x227: {  	[tilespmem:s2+$0xFFFFFF9C] =	vst v3  }
0x228: {  	v3 =	vld [tilespmem:s3+$0x0];
	_ =	sdelay $0x4  }
0x229: {  	[tilespmem:s2+$0x0] =	vst v3  }
0x22a: {  	v3 =	vld [tilespmem:s3+$0x10];
	_ =	sdelay $0x4  }
0x22b: {  	[tilespmem:s2+$0x10] =	vst v3  }
0x22c: {  	v3 =	vld [tilespmem:s3+$0x1C];
	_ =	sdelay $0x4  }
0x22d: {  	[tilespmem:s2+$0x1C] =	vst v3  }
0x22e: {  	v3 =	vld [tilespmem:s3+$0x80];
	_ =	sdelay $0x4  }
0x22f: {  	[tilespmem:s2+$0x80] =	vst v3  }
0x230: {  	v3 =	vld [tilespmem:s3+$0x90];
	_ =	sdelay $0x4  }
0x231: {  	[tilespmem:s2+$0x90] =	vst v3  }
0x232: {  	v3 =	vld [tilespmem:s3+$0x9C];
	_ =	sdelay $0x4  }
0x233: {  	s16 =	simm.s32 $0x5680;
	s3 =	simm.s32 $0x0;
	[tilespmem:s2+$0x9C] =	vst v3  }
.LBB2_20:
0x234: {  	v3 =	vld [tilespmem:s16+$0xFFFFFF00];
	s3 =	sadd.s32 $0x4, s3  }
0x235: {  	p0 =	slt.u32 s3, $0x4C;
	_ =	sdelay $0x2  }
0x236: {  	s2 =	sadd.s32 $0x200, s2  }
0x237: {  	[tilespmem:s2+$0xFFFFFF00] =	vst v3  }
0x238: {  	v3 =	vld [tilespmem:s16+$0xFFFFFF10];
	_ =	sdelay $0x4  }
0x239: {  	[tilespmem:s2+$0xFFFFFF10] =	vst v3  }
0x23a: {  	v3 =	vld [tilespmem:s16+$0xFFFFFF1C];
	_ =	sdelay $0x4  }
0x23b: {  	[tilespmem:s2+$0xFFFFFF1C] =	vst v3  }
0x23c: {  	v3 =	vld [tilespmem:s16+$0xFFFFFF80];
	_ =	sdelay $0x4  }
0x23d: {  	[tilespmem:s2+$0xFFFFFF80] =	vst v3  }
0x23e: {  	v3 =	vld [tilespmem:s16+$0xFFFFFF90];
	_ =	sdelay $0x4  }
0x23f: {  	[tilespmem:s2+$0xFFFFFF90] =	vst v3  }
0x240: {  	v3 =	vld [tilespmem:s16+$0xFFFFFF9C];
	_ =	sdelay $0x4  }
0x241: {  	[tilespmem:s2+$0xFFFFFF9C] =	vst v3  }
0x242: {  	v3 =	vld [tilespmem:s16+$0x0];
	_ =	sdelay $0x4  }
0x243: {  	[tilespmem:s2+$0x0] =	vst v3  }
0x244: {  	v3 =	vld [tilespmem:s16+$0x10];
	_ =	sdelay $0x4  }
0x245: {  	[tilespmem:s2+$0x10] =	vst v3  }
0x246: {  	v3 =	vld [tilespmem:s16+$0x1C];
	_ =	sdelay $0x4  }
0x247: {  	[tilespmem:s2+$0x1C] =	vst v3  }
0x248: {  	v3 =	vld [tilespmem:s16+$0x80];
	_ =	sdelay $0x4  }
0x249: {  	[tilespmem:s2+$0x80] =	vst v3  }
0x24a: {  	v3 =	vld [tilespmem:s16+$0x90];
	_ =	sdelay $0x4  }
0x24b: {  	[tilespmem:s2+$0x90] =	vst v3  }
0x24c: {  	v3 =	vld [tilespmem:s16+$0x9C]  }
.Ltmp12:
0x24d: {  	(pc) =	sbr.rel @p0 .LBB2_20-.Ltmp12, $2  }
0x24e: {  	_ =	sdelay $0x2  }
0x24f: {  	s16 =	sadd.s32 $0x200, s16;
	[tilespmem:s2+$0x9C] =	vst v3  }
0x250: {  	s2 =	smul.u32 $0x50, s12;
	_ =	sdelay $0x1  }
0x251: {  	s2 =	sadd.s32 s7, s2  }
0x252: {  	s2 =	sshrl.u32 s2, $0x3  }
0x253: {  	s2 =	smul.u32 $0xC00, s2;
	_ =	sdelay $0x1  }
0x254: {  	s3 =	rddreg [dreg:$0x6];
	s2 =	sshrl.u32 s2, $0x3  }
0x255: {  	s2 =	sadd.s32 s3, s2  }
0x256: {  	[hbm4b:s2+s10] =	stream.strided.scatter [tilespmem:s25], [sflag:$0x7], $0x5000, s11, s10, $0x38;
	[tilespmem:$0x14380] =	vst v63  }
0x257: {  	_ =	swait.ge [sflag:s13], $0x5000  }
0x258: {  	s16 =	simm.s32 $0x7B80;
	[sflag:s13] =	ssyncset.done $0x0  }
.Ltmp13:
0x259: {  	s2 =	sadd.s32 $0x100, s2;
	[sflag:s13] =	ssyncadd.s32 $0xFFFFB000;
	(pc) =	sbr.rel .LBB2_22-.Ltmp13, $4  }
0x25a: {  	[hbm4b:s2+s15] =	stream.strided.scatter [tilespmem:s16], [sflag:$0x7], $0x2800, s11, s15, $0x38;
	[tilespmem:$0x14380] =	vst v63  }
0x25b: {  	_ =	swait.ge [sflag:s13], $0x2800  }
0x25c: {  	[sflag:s13] =	ssyncset.done $0x0  }
0x25d: {  	[sflag:s13] =	ssyncadd.s32 $0xFFFFD800  }
.LBB2_14:
0x25e: {  	s2 =	smul.u32 $0x140, s12;
	_ =	sdelay $0x1  }
0x25f: {  	s2 =	sshra.s32 s2, $0x2  }
0x260: {  	v3 =	vld [tilespmem:s2+$0x140];
	_ =	sdelay $0x4  }
0x261: {  	v4 =	vshrl.u32 v3, $0x3  }
0x262: {  	v4 =	vmul.u32 $0x18, v4  }
0x263: {  	v3 =	vand.u32 $0x7, v3  }
0x264: {  	v3 =	vor.u32 v3, v4  }
0x265: {  	v4 =	vperm.xlane v3, v0;
	_ =	sdelay $0x1  }
0x266: {  	v3 =	vperm.xlane v3, v2;
	v4 =	vadd.s32 v1, v4;
	_ =	sdelay $0x1  }
0x267: {  	v3 =	vadd.s32 v1, v3;
	_ =	sdelay $0x2  }
0x268: {  	[tilespmem:s25], [sflag:$0x1] =	stream.indirect_vreg.gather [hbm4b:s5+s4], $0x80, v4, vm0, $0xb8;
	[tilespmem:$0x14380] =	vst v63  }
0x269: {  	_ = 	snop  }
0x26a: {  	[tilespmem:s26], [sflag:$0x1] =	stream.indirect_vreg.gather [hbm4b:s5+s4], $0x80, v3, vm0, $0xb8;
	[tilespmem:$0x14380] =	vst v63  }
0x26b: {  	v3 =	vld [tilespmem:s2+$0x150];
	_ =	sdelay $0x4  }
0x26c: {  	v60 =	vshrl.u32 v3, $0x3  }
0x26d: {  	v4 =	vmul.u32 $0x18, v60  }
0x26e: {  	v3 =	vand.u32 $0x7, v3  }
0x26f: {  	v3 =	vor.u32 v3, v4  }
0x270: {  	v4 =	vperm.xlane v3, v0;
	_ =	sdelay $0x1  }
0x271: {  	v3 =	vperm.xlane v3, v2;
	v4 =	vadd.s32 v1, v4;
	_ =	sdelay $0x1  }
0x272: {  	v3 =	vadd.s32 v1, v3;
	_ =	sdelay $0x2  }
0x273: {  	[tilespmem:s28], [sflag:$0x1] =	stream.indirect_vreg.gather [hbm4b:s5+s4], $0x80, v4, vm0, $0xb8;
	[tilespmem:$0x14380] =	vst v63  }
0x274: {  	_ = 	snop  }
0x275: {  	[tilespmem:s29], [sflag:$0x1] =	stream.indirect_vreg.gather [hbm4b:s5+s4], $0x80, v3, vm0, $0xb8;
	[tilespmem:$0x14380] =	vst v63  }
0x276: {  	v3 =	vld [tilespmem:s2+$0x160];
	_ =	sdelay $0x4  }
0x277: {  	v61 =	vshrl.u32 v3, $0x3  }
0x278: {  	v4 =	vmul.u32 $0x18, v61  }
0x279: {  	v3 =	vand.u32 $0x7, v3  }
0x27a: {  	v3 =	vor.u32 v3, v4  }
0x27b: {  	v4 =	vperm.xlane v3, v0;
	_ =	sdelay $0x1  }
0x27c: {  	v3 =	vperm.xlane v3, v2;
	v4 =	vadd.s32 v1, v4;
	_ =	sdelay $0x1  }
0x27d: {  	v3 =	vadd.s32 v1, v3;
	_ =	sdelay $0x2  }
0x27e: {  	[tilespmem:s30], [sflag:$0x1] =	stream.indirect_vreg.gather [hbm4b:s5+s4], $0x80, v4, vm0, $0xb8;
	[tilespmem:$0x14380] =	vst v63  }
0x27f: {  	_ = 	snop  }
0x280: {  	[tilespmem:s31], [sflag:$0x1] =	stream.indirect_vreg.gather [hbm4b:s5+s4], $0x80, v3, vm0, $0xb8;
	[tilespmem:$0x14380] =	vst v63  }
0x281: {  	v3 =	vld [tilespmem:s2+$0x170];
	_ =	sdelay $0x4  }
0x282: {  	v62 =	vshrl.u32 v3, $0x3  }
0x283: {  	v4 =	vmul.u32 $0x18, v62  }
0x284: {  	v3 =	vand.u32 $0x7, v3  }
0x285: {  	v3 =	vor.u32 v3, v4  }
0x286: {  	v4 =	vperm.xlane v3, v0;
	_ =	sdelay $0x1  }
0x287: {  	v3 =	vperm.xlane v3, v2;
	v4 =	vadd.s32 v1, v4;
	_ =	sdelay $0x1  }
0x288: {  	v3 =	vadd.s32 v1, v3;
	_ =	sdelay $0x2  }
0x289: {  	[tilespmem:s0], [sflag:$0x1] =	stream.indirect_vreg.gather [hbm4b:s5+s4], $0x80, v4, vm0, $0xb8;
	[tilespmem:$0x14380] =	vst v63  }
0x28a: {  	_ = 	snop  }
0x28b: {  	[tilespmem:s1], [sflag:$0x1] =	stream.indirect_vreg.gather [hbm4b:s5+s4], $0x80, v3, vm0, $0xb8;
	[tilespmem:$0x14380] =	vst v63  }
0x28c: {  	v3 =	vld [tilespmem:s2+$0x180];
	_ =	sdelay $0x4  }
0x28d: {  	v63 =	vshrl.u32 v3, $0x3  }
0x28e: {  	v4 =	vmul.u32 $0x18, v63  }
0x28f: {  	v3 =	vand.u32 $0x7, v3  }
0x290: {  	v3 =	vor.u32 v3, v4  }
0x291: {  	v4 =	vperm.xlane v3, v0;
	_ =	sdelay $0x1  }
0x292: {  	v3 =	vperm.xlane v3, v2;
	v4 =	vadd.s32 v1, v4;
	_ =	sdelay $0x1  }
0x293: {  	v3 =	vadd.s32 v1, v3;
	_ =	sdelay $0x2  }
0x294: {  	[tilespmem:s21], [sflag:$0x1] =	stream.indirect_vreg.gather [hbm4b:s5+s4], $0x80, v4, vm0, $0xb8;
	[tilespmem:$0x14380] =	vst v63  }
0x295: {  	_ = 	snop  }
0x296: {  	[tilespmem:s22], [sflag:$0x1] =	stream.indirect_vreg.gather [hbm4b:s5+s4], $0x80, v3, vm0, $0xb8;
	[tilespmem:$0x14380] =	vst v63  }
0x297: {  	s2 =	sadd.s32 $0x140, s2  }
0x298: {  	[tilespmem:s8], [sflag:$0x2] =	stream.indirect.gather [hbm4b:s6+s23], $0x80, s2, s23, $0xb8;
	[tilespmem:$0x14380] =	vst v63  }
0x299: {  	_ =	swait.ge [sflag:s17], $0x5000  }
0x29a: {  	[sflag:s17] =	ssyncset.done $0x0  }
0x29b: {  	[sflag:s17] =	ssyncadd.s32 $0xFFFFB000  }
0x29c: {  	_ =	swait.ge [sflag:s18], $0x2800  }
0x29d: {  	[sflag:s18] =	ssyncset.done $0x0  }
0x29e: {  	s3 =	simm.s32 $0xF480;
	[sflag:s18] =	ssyncadd.s32 $0xFFFFD800  }
0x29f: {  	v3 =	vld [tilespmem:s3+$0xFFFFFF00];
	_ =	sdelay $0x3  }
0x2a0: {  	s2 =	simm.s32 $0x11C80  }
0x2a1: {  	[tilespmem:s2+$0xFFFFFF00] =	vst v3  }
0x2a2: {  	v3 =	vld [tilespmem:s3+$0xFFFFFF10];
	_ =	sdelay $0x4  }
0x2a3: {  	[tilespmem:s2+$0xFFFFFF10] =	vst v3  }
0x2a4: {  	v3 =	vld [tilespmem:s3+$0xFFFFFF1C];
	_ =	sdelay $0x4  }
0x2a5: {  	[tilespmem:s2+$0xFFFFFF1C] =	vst v3  }
0x2a6: {  	v3 =	vld [tilespmem:s3+$0xFFFFFF80];
	_ =	sdelay $0x4  }
0x2a7: {  	[tilespmem:s2+$0xFFFFFF80] =	vst v3  }
0x2a8: {  	v3 =	vld [tilespmem:s3+$0xFFFFFF90];
	_ =	sdelay $0x4  }
0x2a9: {  	[tilespmem:s2+$0xFFFFFF90] =	vst v3  }
0x2aa: {  	v3 =	vld [tilespmem:s3+$0xFFFFFF9C];
	_ =	sdelay $0x4  }
0x2ab: {  	[tilespmem:s2+$0xFFFFFF9C] =	vst v3  }
0x2ac: {  	v3 =	vld [tilespmem:s3+$0x0];
	_ =	sdelay $0x4  }
0x2ad: {  	[tilespmem:s2+$0x0] =	vst v3  }
0x2ae: {  	v3 =	vld [tilespmem:s3+$0x10];
	_ =	sdelay $0x4  }
0x2af: {  	[tilespmem:s2+$0x10] =	vst v3  }
0x2b0: {  	v3 =	vld [tilespmem:s3+$0x1C];
	_ =	sdelay $0x4  }
0x2b1: {  	[tilespmem:s2+$0x1C] =	vst v3  }
0x2b2: {  	v3 =	vld [tilespmem:s3+$0x80];
	_ =	sdelay $0x4  }
0x2b3: {  	[tilespmem:s2+$0x80] =	vst v3  }
0x2b4: {  	v3 =	vld [tilespmem:s3+$0x90];
	_ =	sdelay $0x4  }
0x2b5: {  	[tilespmem:s2+$0x90] =	vst v3  }
0x2b6: {  	v3 =	vld [tilespmem:s3+$0x9C];
	_ =	sdelay $0x4  }
0x2b7: {  	s16 =	simm.s32 $0xF680;
	s3 =	simm.s32 $0x0;
	[tilespmem:s2+$0x9C] =	vst v3  }
.LBB2_15:
0x2b8: {  	v3 =	vld [tilespmem:s16+$0xFFFFFF00];
	s3 =	sadd.s32 $0x4, s3  }
0x2b9: {  	p0 =	slt.u32 s3, $0x4C;
	_ =	sdelay $0x2  }
0x2ba: {  	s2 =	sadd.s32 $0x200, s2  }
0x2bb: {  	[tilespmem:s2+$0xFFFFFF00] =	vst v3  }
0x2bc: {  	v3 =	vld [tilespmem:s16+$0xFFFFFF10];
	_ =	sdelay $0x4  }
0x2bd: {  	[tilespmem:s2+$0xFFFFFF10] =	vst v3  }
0x2be: {  	v3 =	vld [tilespmem:s16+$0xFFFFFF1C];
	_ =	sdelay $0x4  }
0x2bf: {  	[tilespmem:s2+$0xFFFFFF1C] =	vst v3  }
0x2c0: {  	v3 =	vld [tilespmem:s16+$0xFFFFFF80];
	_ =	sdelay $0x4  }
0x2c1: {  	[tilespmem:s2+$0xFFFFFF80] =	vst v3  }
0x2c2: {  	v3 =	vld [tilespmem:s16+$0xFFFFFF90];
	_ =	sdelay $0x4  }
0x2c3: {  	[tilespmem:s2+$0xFFFFFF90] =	vst v3  }
0x2c4: {  	v3 =	vld [tilespmem:s16+$0xFFFFFF9C];
	_ =	sdelay $0x4  }
0x2c5: {  	[tilespmem:s2+$0xFFFFFF9C] =	vst v3  }
0x2c6: {  	v3 =	vld [tilespmem:s16+$0x0];
	_ =	sdelay $0x4  }
0x2c7: {  	[tilespmem:s2+$0x0] =	vst v3  }
0x2c8: {  	v3 =	vld [tilespmem:s16+$0x10];
	_ =	sdelay $0x4  }
0x2c9: {  	[tilespmem:s2+$0x10] =	vst v3  }
0x2ca: {  	v3 =	vld [tilespmem:s16+$0x1C];
	_ =	sdelay $0x4  }
0x2cb: {  	[tilespmem:s2+$0x1C] =	vst v3  }
0x2cc: {  	v3 =	vld [tilespmem:s16+$0x80];
	_ =	sdelay $0x4  }
0x2cd: {  	[tilespmem:s2+$0x80] =	vst v3  }
0x2ce: {  	v3 =	vld [tilespmem:s16+$0x90];
	_ =	sdelay $0x4  }
0x2cf: {  	[tilespmem:s2+$0x90] =	vst v3  }
0x2d0: {  	v3 =	vld [tilespmem:s16+$0x9C]  }
.Ltmp14:
0x2d1: {  	(pc) =	sbr.rel @p0 .LBB2_15-.Ltmp14, $2  }
0x2d2: {  	_ =	sdelay $0x2  }
0x2d3: {  	s16 =	sadd.s32 $0x200, s16;
	[tilespmem:s2+$0x9C] =	vst v3  }
.Ltmp15:
0x2d4: {  	_ = 	snop;
	(pc) =	sbr.rel .LBB2_16-.Ltmp15, $1  }
0x2d5: {  	_ =	sdelay $0x3  }
.LBB2_23:
0x2d6: {  	v3 =	vld [tilespmem:$0x1E0];
	_ =	sdelay $0x4  }
0x2d7: {  	v4 =	vshrl.u32 v3, $0x3  }
0x2d8: {  	v4 =	vmul.u32 $0x18, v4  }
0x2d9: {  	v3 =	vand.u32 $0x7, v3  }
0x2da: {  	v3 =	vor.u32 v3, v4  }
0x2db: {  	v4 =	vperm.xlane v3, v0;
	_ =	sdelay $0x1  }
0x2dc: {  	v3 =	vperm.xlane v3, v2;
	v4 =	vadd.s32 v1, v4;
	_ =	sdelay $0x1  }
0x2dd: {  	v3 =	vadd.s32 v1, v3;
	_ =	sdelay $0x2  }
0x2de: {  	[tilespmem:s25], [sflag:$0x1] =	stream.indirect_vreg.gather [hbm4b:s5+s4], $0x80, v4, vm0, $0xb8;
	[tilespmem:$0x14380] =	vst v63  }
0x2df: {  	_ = 	snop  }
0x2e0: {  	[tilespmem:s26], [sflag:$0x1] =	stream.indirect_vreg.gather [hbm4b:s5+s4], $0x80, v3, vm0, $0xb8;
	[tilespmem:$0x14380] =	vst v63  }
0x2e1: {  	v3 =	vld [tilespmem:$0x1F0];
	_ =	sdelay $0x4  }
0x2e2: {  	v55 =	vshrl.u32 v3, $0x3  }
0x2e3: {  	v4 =	vmul.u32 $0x18, v55  }
0x2e4: {  	v3 =	vand.u32 $0x7, v3  }
0x2e5: {  	v3 =	vor.u32 v3, v4  }
0x2e6: {  	v4 =	vperm.xlane v3, v0;
	_ =	sdelay $0x1  }
0x2e7: {  	v3 =	vperm.xlane v3, v2;
	v4 =	vadd.s32 v1, v4;
	_ =	sdelay $0x1  }
0x2e8: {  	v3 =	vadd.s32 v1, v3;
	_ =	sdelay $0x2  }
0x2e9: {  	[tilespmem:s28], [sflag:$0x1] =	stream.indirect_vreg.gather [hbm4b:s5+s4], $0x80, v4, vm0, $0xb8;
	[tilespmem:$0x14380] =	vst v63  }
0x2ea: {  	_ = 	snop  }
0x2eb: {  	[tilespmem:s29], [sflag:$0x1] =	stream.indirect_vreg.gather [hbm4b:s5+s4], $0x80, v3, vm0, $0xb8;
	[tilespmem:$0x14380] =	vst v63  }
0x2ec: {  	v3 =	vld [tilespmem:$0x200];
	_ =	sdelay $0x4  }
0x2ed: {  	v56 =	vshrl.u32 v3, $0x3  }
0x2ee: {  	v4 =	vmul.u32 $0x18, v56  }
0x2ef: {  	v3 =	vand.u32 $0x7, v3  }
0x2f0: {  	v3 =	vor.u32 v3, v4  }
0x2f1: {  	v4 =	vperm.xlane v3, v0;
	_ =	sdelay $0x1  }
0x2f2: {  	v3 =	vperm.xlane v3, v2;
	v4 =	vadd.s32 v1, v4;
	_ =	sdelay $0x1  }
0x2f3: {  	v3 =	vadd.s32 v1, v3;
	_ =	sdelay $0x2  }
0x2f4: {  	[tilespmem:s30], [sflag:$0x1] =	stream.indirect_vreg.gather [hbm4b:s5+s4], $0x80, v4, vm0, $0xb8;
	[tilespmem:$0x14380] =	vst v63  }
0x2f5: {  	_ = 	snop  }
0x2f6: {  	[tilespmem:s31], [sflag:$0x1] =	stream.indirect_vreg.gather [hbm4b:s5+s4], $0x80, v3, vm0, $0xb8;
	[tilespmem:$0x14380] =	vst v63  }
0x2f7: {  	v3 =	vld [tilespmem:$0x210];
	_ =	sdelay $0x4  }
0x2f8: {  	v57 =	vshrl.u32 v3, $0x3  }
0x2f9: {  	v4 =	vmul.u32 $0x18, v57  }
0x2fa: {  	v3 =	vand.u32 $0x7, v3  }
0x2fb: {  	v3 =	vor.u32 v3, v4  }
0x2fc: {  	v4 =	vperm.xlane v3, v0;
	_ =	sdelay $0x1  }
0x2fd: {  	v3 =	vperm.xlane v3, v2;
	v4 =	vadd.s32 v1, v4;
	_ =	sdelay $0x1  }
0x2fe: {  	v3 =	vadd.s32 v1, v3;
	_ =	sdelay $0x2  }
0x2ff: {  	[tilespmem:s0], [sflag:$0x1] =	stream.indirect_vreg.gather [hbm4b:s5+s4], $0x80, v4, vm0, $0xb8;
	[tilespmem:$0x14380] =	vst v63  }
0x300: {  	_ = 	snop  }
0x301: {  	[tilespmem:s1], [sflag:$0x1] =	stream.indirect_vreg.gather [hbm4b:s5+s4], $0x80, v3, vm0, $0xb8;
	[tilespmem:$0x14380] =	vst v63  }
0x302: {  	v3 =	vld [tilespmem:$0x220];
	_ =	sdelay $0x4  }
0x303: {  	v58 =	vshrl.u32 v3, $0x3  }
0x304: {  	v4 =	vmul.u32 $0x18, v58  }
0x305: {  	v3 =	vand.u32 $0x7, v3  }
0x306: {  	v3 =	vor.u32 v3, v4  }
0x307: {  	v4 =	vperm.xlane v3, v0;
	_ =	sdelay $0x1  }
0x308: {  	v3 =	vperm.xlane v3, v2;
	v4 =	vadd.s32 v1, v4;
	_ =	sdelay $0x1  }
0x309: {  	v3 =	vadd.s32 v1, v3;
	_ =	sdelay $0x2  }
0x30a: {  	[tilespmem:s21], [sflag:$0x1] =	stream.indirect_vreg.gather [hbm4b:s5+s4], $0x80, v4, vm0, $0xb8;
	[tilespmem:$0x14380] =	vst v63  }
0x30b: {  	_ = 	snop  }
0x30c: {  	[tilespmem:s22], [sflag:$0x1] =	stream.indirect_vreg.gather [hbm4b:s5+s4], $0x80, v3, vm0, $0xb8;
	[tilespmem:$0x14380] =	vst v63  }
0x30d: {  	s2 =	simm.s32 $0x1E0  }
0x30e: {  	[tilespmem:s8], [sflag:$0x2] =	stream.indirect.gather [hbm4b:s6+s23], $0x80, s2, s23, $0xb8;
	[tilespmem:$0x14380] =	vst v63  }
0x30f: {  	v3 =	vld [tilespmem:$0x230];
	_ =	sdelay $0x4  }
0x310: {  	v59 =	vshrl.u32 v3, $0x3  }
0x311: {  	v4 =	vmul.u32 $0x18, v59  }
0x312: {  	v3 =	vand.u32 $0x7, v3  }
0x313: {  	v3 =	vor.u32 v3, v4  }
0x314: {  	v4 =	vperm.xlane v3, v0;
	_ =	sdelay $0x1  }
0x315: {  	v3 =	vperm.xlane v3, v2;
	v4 =	vadd.s32 v1, v4;
	_ =	sdelay $0x1  }
0x316: {  	v3 =	vadd.s32 v1, v3;
	_ =	sdelay $0x2  }
0x317: {  	[tilespmem:s9], [sflag:$0x3] =	stream.indirect_vreg.gather [hbm4b:s5+s4], $0x80, v4, vm0, $0xb8;
	[tilespmem:$0x14380] =	vst v63  }
0x318: {  	s12 =	simm.s32 $0xAB80  }
0x319: {  	[tilespmem:s12], [sflag:$0x3] =	stream.indirect_vreg.gather [hbm4b:s5+s4], $0x80, v3, vm0, $0xb8;
	[tilespmem:$0x14380] =	vst v63  }
0x31a: {  	v3 =	vld [tilespmem:$0x240];
	_ =	sdelay $0x4  }
0x31b: {  	v60 =	vshrl.u32 v3, $0x3  }
0x31c: {  	v4 =	vmul.u32 $0x18, v60  }
0x31d: {  	v3 =	vand.u32 $0x7, v3  }
0x31e: {  	v3 =	vor.u32 v3, v4  }
0x31f: {  	v4 =	vperm.xlane v3, v0;
	_ =	sdelay $0x1  }
0x320: {  	v3 =	vperm.xlane v3, v2;
	v4 =	vadd.s32 v1, v4;
	_ =	sdelay $0x1  }
0x321: {  	v3 =	vadd.s32 v1, v3;
	_ =	sdelay $0x1  }
0x322: {  	s16 =	simm.s32 $0xB380  }
0x323: {  	[tilespmem:s16], [sflag:$0x3] =	stream.indirect_vreg.gather [hbm4b:s5+s4], $0x80, v4, vm0, $0xb8;
	[tilespmem:$0x14380] =	vst v63  }
0x324: {  	s3 =	simm.s32 $0xBB80  }
0x325: {  	[tilespmem:s3], [sflag:$0x3] =	stream.indirect_vreg.gather [hbm4b:s5+s4], $0x80, v3, vm0, $0xb8;
	[tilespmem:$0x14380] =	vst v63  }
0x326: {  	v3 =	vld [tilespmem:$0x250];
	_ =	sdelay $0x4  }
0x327: {  	v61 =	vshrl.u32 v3, $0x3  }
0x328: {  	v4 =	vmul.u32 $0x18, v61  }
0x329: {  	v3 =	vand.u32 $0x7, v3  }
0x32a: {  	v3 =	vor.u32 v3, v4  }
0x32b: {  	v4 =	vperm.xlane v3, v0;
	_ =	sdelay $0x1  }
0x32c: {  	v3 =	vperm.xlane v3, v2;
	v4 =	vadd.s32 v1, v4;
	_ =	sdelay $0x1  }
0x32d: {  	v3 =	vadd.s32 v1, v3;
	_ =	sdelay $0x1  }
0x32e: {  	s12 =	simm.s32 $0xC380  }
0x32f: {  	[tilespmem:s12], [sflag:$0x3] =	stream.indirect_vreg.gather [hbm4b:s5+s4], $0x80, v4, vm0, $0xb8;
	[tilespmem:$0x14380] =	vst v63  }
0x330: {  	s16 =	simm.s32 $0xCB80  }
0x331: {  	[tilespmem:s16], [sflag:$0x3] =	stream.indirect_vreg.gather [hbm4b:s5+s4], $0x80, v3, vm0, $0xb8;
	[tilespmem:$0x14380] =	vst v63  }
0x332: {  	v3 =	vld [tilespmem:$0x260];
	_ =	sdelay $0x4  }
0x333: {  	v62 =	vshrl.u32 v3, $0x3  }
0x334: {  	v4 =	vmul.u32 $0x18, v62  }
0x335: {  	v3 =	vand.u32 $0x7, v3  }
0x336: {  	v3 =	vor.u32 v3, v4  }
0x337: {  	v4 =	vperm.xlane v3, v0;
	_ =	sdelay $0x1  }
0x338: {  	v3 =	vperm.xlane v3, v2;
	v4 =	vadd.s32 v1, v4;
	_ =	sdelay $0x1  }
0x339: {  	v3 =	vadd.s32 v1, v3;
	_ =	sdelay $0x1  }
0x33a: {  	s3 =	simm.s32 $0xD380  }
0x33b: {  	[tilespmem:s3], [sflag:$0x3] =	stream.indirect_vreg.gather [hbm4b:s5+s4], $0x80, v4, vm0, $0xb8;
	[tilespmem:$0x14380] =	vst v63  }
0x33c: {  	s12 =	simm.s32 $0xDB80  }
0x33d: {  	[tilespmem:s12], [sflag:$0x3] =	stream.indirect_vreg.gather [hbm4b:s5+s4], $0x80, v3, vm0, $0xb8;
	[tilespmem:$0x14380] =	vst v63  }
0x33e: {  	v3 =	vld [tilespmem:$0x270];
	_ =	sdelay $0x4  }
0x33f: {  	v63 =	vshrl.u32 v3, $0x3  }
0x340: {  	v4 =	vmul.u32 $0x18, v63  }
0x341: {  	v3 =	vand.u32 $0x7, v3  }
0x342: {  	v3 =	vor.u32 v3, v4  }
0x343: {  	v4 =	vperm.xlane v3, v0;
	_ =	sdelay $0x1  }
0x344: {  	v3 =	vperm.xlane v3, v2;
	v4 =	vadd.s32 v1, v4;
	_ =	sdelay $0x1  }
0x345: {  	v3 =	vadd.s32 v1, v3;
	_ =	sdelay $0x1  }
0x346: {  	s16 =	simm.s32 $0xE380  }
0x347: {  	[tilespmem:s16], [sflag:$0x3] =	stream.indirect_vreg.gather [hbm4b:s5+s4], $0x80, v4, vm0, $0xb8;
	[tilespmem:$0x14380] =	vst v63  }
0x348: {  	s3 =	simm.s32 $0xEB80  }
0x349: {  	[tilespmem:s3], [sflag:$0x3] =	stream.indirect_vreg.gather [hbm4b:s5+s4], $0x80, v3, vm0, $0xb8;
	[tilespmem:$0x14380] =	vst v63  }
0x34a: {  	s12 =	simm.s32 $0xF380;
	s3 =	simm.s32 $0x230  }
0x34b: {  	[tilespmem:s12], [sflag:$0x4] =	stream.indirect.gather [hbm4b:s6+s23], $0x80, s3, s23, $0xb8;
	[tilespmem:$0x14380] =	vst v63  }
0x34c: {  	_ =	swait.ge [sflag:s14], $0x5000  }
0x34d: {  	[sflag:s14] =	ssyncset.done $0x0  }
0x34e: {  	[sflag:s14] =	ssyncadd.s32 $0xFFFFB000  }
0x34f: {  	_ =	swait.ge [sflag:s24], $0x2800  }
0x350: {  	[sflag:s24] =	ssyncset.done $0x0  }
0x351: {  	s16 =	simm.s32 $0x5480;
	[sflag:s24] =	ssyncadd.s32 $0xFFFFD800  }
0x352: {  	v3 =	vld [tilespmem:s16+$0xFFFFFF00];
	_ =	sdelay $0x3  }
0x353: {  	s2 =	simm.s32 $0x7C80  }
0x354: {  	[tilespmem:s2+$0xFFFFFF00] =	vst v3  }
0x355: {  	v3 =	vld [tilespmem:s16+$0xFFFFFF10];
	_ =	sdelay $0x4  }
0x356: {  	[tilespmem:s2+$0xFFFFFF10] =	vst v3  }
0x357: {  	v3 =	vld [tilespmem:s16+$0xFFFFFF1C];
	_ =	sdelay $0x4  }
0x358: {  	[tilespmem:s2+$0xFFFFFF1C] =	vst v3  }
0x359: {  	v3 =	vld [tilespmem:s16+$0xFFFFFF80];
	_ =	sdelay $0x4  }
0x35a: {  	[tilespmem:s2+$0xFFFFFF80] =	vst v3  }
0x35b: {  	v3 =	vld [tilespmem:s16+$0xFFFFFF90];
	_ =	sdelay $0x4  }
0x35c: {  	[tilespmem:s2+$0xFFFFFF90] =	vst v3  }
0x35d: {  	v3 =	vld [tilespmem:s16+$0xFFFFFF9C];
	_ =	sdelay $0x4  }
0x35e: {  	[tilespmem:s2+$0xFFFFFF9C] =	vst v3  }
0x35f: {  	v3 =	vld [tilespmem:s16+$0x0];
	_ =	sdelay $0x4  }
0x360: {  	[tilespmem:s2+$0x0] =	vst v3  }
0x361: {  	v3 =	vld [tilespmem:s16+$0x10];
	_ =	sdelay $0x4  }
0x362: {  	[tilespmem:s2+$0x10] =	vst v3  }
0x363: {  	v3 =	vld [tilespmem:s16+$0x1C];
	_ =	sdelay $0x4  }
0x364: {  	[tilespmem:s2+$0x1C] =	vst v3  }
0x365: {  	v3 =	vld [tilespmem:s16+$0x80];
	_ =	sdelay $0x4  }
0x366: {  	[tilespmem:s2+$0x80] =	vst v3  }
0x367: {  	v3 =	vld [tilespmem:s16+$0x90];
	_ =	sdelay $0x4  }
0x368: {  	[tilespmem:s2+$0x90] =	vst v3  }
0x369: {  	v3 =	vld [tilespmem:s16+$0x9C];
	_ =	sdelay $0x4  }
0x36a: {  	s3 =	simm.s32 $0x0;
	s12 =	simm.s32 $0x5680;
	[tilespmem:s2+$0x9C] =	vst v3  }
.LBB2_24:
0x36b: {  	v3 =	vld [tilespmem:s12+$0xFFFFFF00];
	s3 =	sadd.s32 $0x4, s3  }
0x36c: {  	p0 =	slt.u32 s3, $0x4C;
	_ =	sdelay $0x2  }
0x36d: {  	s2 =	sadd.s32 $0x200, s2  }
0x36e: {  	[tilespmem:s2+$0xFFFFFF00] =	vst v3  }
0x36f: {  	v3 =	vld [tilespmem:s12+$0xFFFFFF10];
	_ =	sdelay $0x4  }
0x370: {  	[tilespmem:s2+$0xFFFFFF10] =	vst v3  }
0x371: {  	v3 =	vld [tilespmem:s12+$0xFFFFFF1C];
	_ =	sdelay $0x4  }
0x372: {  	[tilespmem:s2+$0xFFFFFF1C] =	vst v3  }
0x373: {  	v3 =	vld [tilespmem:s12+$0xFFFFFF80];
	_ =	sdelay $0x4  }
0x374: {  	[tilespmem:s2+$0xFFFFFF80] =	vst v3  }
0x375: {  	v3 =	vld [tilespmem:s12+$0xFFFFFF90];
	_ =	sdelay $0x4  }
0x376: {  	[tilespmem:s2+$0xFFFFFF90] =	vst v3  }
0x377: {  	v3 =	vld [tilespmem:s12+$0xFFFFFF9C];
	_ =	sdelay $0x4  }
0x378: {  	[tilespmem:s2+$0xFFFFFF9C] =	vst v3  }
0x379: {  	v3 =	vld [tilespmem:s12+$0x0];
	_ =	sdelay $0x4  }
0x37a: {  	[tilespmem:s2+$0x0] =	vst v3  }
0x37b: {  	v3 =	vld [tilespmem:s12+$0x10];
	_ =	sdelay $0x4  }
0x37c: {  	[tilespmem:s2+$0x10] =	vst v3  }
0x37d: {  	v3 =	vld [tilespmem:s12+$0x1C];
	_ =	sdelay $0x4  }
0x37e: {  	[tilespmem:s2+$0x1C] =	vst v3  }
0x37f: {  	v3 =	vld [tilespmem:s12+$0x80];
	_ =	sdelay $0x4  }
0x380: {  	[tilespmem:s2+$0x80] =	vst v3  }
0x381: {  	v3 =	vld [tilespmem:s12+$0x90];
	_ =	sdelay $0x4  }
0x382: {  	[tilespmem:s2+$0x90] =	vst v3  }
0x383: {  	v3 =	vld [tilespmem:s12+$0x9C]  }
.Ltmp16:
0x384: {  	(pc) =	sbr.rel @p0 .LBB2_24-.Ltmp16, $2  }
0x385: {  	_ =	sdelay $0x2  }
0x386: {  	s12 =	sadd.s32 $0x200, s12;
	[tilespmem:s2+$0x9C] =	vst v3  }
0x387: {  	s2 =	rddreg [dreg:$0xc]  }
0x388: {  	[hbm4b:s2+s10] =	stream.strided.scatter [tilespmem:s25], [sflag:$0x7], $0x5000, s11, s10, $0x38;
	[tilespmem:$0x14380] =	vst v63  }
0x389: {  	_ =	swait.ge [sflag:s13], $0x5000  }
0x38a: {  	[sflag:s13] =	ssyncset.done $0x0  }
0x38b: {  	s3 =	simm.s32 $0x7B80;
	s12 =	rddreg [dreg:$0xd];
	[sflag:s13] =	ssyncadd.s32 $0xFFFFB000  }
0x38c: {  	[hbm4b:s12+s15] =	stream.strided.scatter [tilespmem:s3], [sflag:$0x7], $0x2800, s11, s15, $0x38;
	[tilespmem:$0x14380] =	vst v63  }
0x38d: {  	_ =	swait.ge [sflag:s13], $0x2800  }
0x38e: {  	[sflag:s13] =	ssyncset.done $0x0  }
0x38f: {  	[sflag:s13] =	ssyncadd.s32 $0xFFFFD800  }
0x390: {  	_ =	swait.ge [sflag:s17], $0x5000  }
0x391: {  	[sflag:s17] =	ssyncset.done $0x0  }
0x392: {  	[sflag:s17] =	ssyncadd.s32 $0xFFFFB000  }
0x393: {  	_ =	swait.ge [sflag:s18], $0x2800  }
0x394: {  	[sflag:s18] =	ssyncset.done $0x0  }
0x395: {  	s16 =	simm.s32 $0xF480;
	[sflag:s18] =	ssyncadd.s32 $0xFFFFD800  }
0x396: {  	v3 =	vld [tilespmem:s16+$0xFFFFFF00];
	_ =	sdelay $0x3  }
0x397: {  	s2 =	simm.s32 $0x11C80  }
0x398: {  	[tilespmem:s2+$0xFFFFFF00] =	vst v3  }
0x399: {  	v3 =	vld [tilespmem:s16+$0xFFFFFF10];
	_ =	sdelay $0x4  }
0x39a: {  	[tilespmem:s2+$0xFFFFFF10] =	vst v3  }
0x39b: {  	v3 =	vld [tilespmem:s16+$0xFFFFFF1C];
	_ =	sdelay $0x4  }
0x39c: {  	[tilespmem:s2+$0xFFFFFF1C] =	vst v3  }
0x39d: {  	v3 =	vld [tilespmem:s16+$0xFFFFFF80];
	_ =	sdelay $0x4  }
0x39e: {  	[tilespmem:s2+$0xFFFFFF80] =	vst v3  }
0x39f: {  	v3 =	vld [tilespmem:s16+$0xFFFFFF90];
	_ =	sdelay $0x4  }
0x3a0: {  	[tilespmem:s2+$0xFFFFFF90] =	vst v3  }
0x3a1: {  	v3 =	vld [tilespmem:s16+$0xFFFFFF9C];
	_ =	sdelay $0x4  }
0x3a2: {  	[tilespmem:s2+$0xFFFFFF9C] =	vst v3  }
0x3a3: {  	v3 =	vld [tilespmem:s16+$0x0];
	_ =	sdelay $0x4  }
0x3a4: {  	[tilespmem:s2+$0x0] =	vst v3  }
0x3a5: {  	v3 =	vld [tilespmem:s16+$0x10];
	_ =	sdelay $0x4  }
0x3a6: {  	[tilespmem:s2+$0x10] =	vst v3  }
0x3a7: {  	v3 =	vld [tilespmem:s16+$0x1C];
	_ =	sdelay $0x4  }
0x3a8: {  	[tilespmem:s2+$0x1C] =	vst v3  }
0x3a9: {  	v3 =	vld [tilespmem:s16+$0x80];
	_ =	sdelay $0x4  }
0x3aa: {  	[tilespmem:s2+$0x80] =	vst v3  }
0x3ab: {  	v3 =	vld [tilespmem:s16+$0x90];
	_ =	sdelay $0x4  }
0x3ac: {  	[tilespmem:s2+$0x90] =	vst v3  }
0x3ad: {  	v3 =	vld [tilespmem:s16+$0x9C];
	_ =	sdelay $0x4  }
0x3ae: {  	s3 =	simm.s32 $0x0;
	s12 =	simm.s32 $0xF680;
	[tilespmem:s2+$0x9C] =	vst v3  }
.LBB2_26:
0x3af: {  	v3 =	vld [tilespmem:s12+$0xFFFFFF00];
	s3 =	sadd.s32 $0x4, s3  }
0x3b0: {  	p0 =	slt.u32 s3, $0x4C;
	_ =	sdelay $0x2  }
0x3b1: {  	s2 =	sadd.s32 $0x200, s2  }
0x3b2: {  	[tilespmem:s2+$0xFFFFFF00] =	vst v3  }
0x3b3: {  	v3 =	vld [tilespmem:s12+$0xFFFFFF10];
	_ =	sdelay $0x4  }
0x3b4: {  	[tilespmem:s2+$0xFFFFFF10] =	vst v3  }
0x3b5: {  	v3 =	vld [tilespmem:s12+$0xFFFFFF1C];
	_ =	sdelay $0x4  }
0x3b6: {  	[tilespmem:s2+$0xFFFFFF1C] =	vst v3  }
0x3b7: {  	v3 =	vld [tilespmem:s12+$0xFFFFFF80];
	_ =	sdelay $0x4  }
0x3b8: {  	[tilespmem:s2+$0xFFFFFF80] =	vst v3  }
0x3b9: {  	v3 =	vld [tilespmem:s12+$0xFFFFFF90];
	_ =	sdelay $0x4  }
0x3ba: {  	[tilespmem:s2+$0xFFFFFF90] =	vst v3  }
0x3bb: {  	v3 =	vld [tilespmem:s12+$0xFFFFFF9C];
	_ =	sdelay $0x4  }
0x3bc: {  	[tilespmem:s2+$0xFFFFFF9C] =	vst v3  }
0x3bd: {  	v3 =	vld [tilespmem:s12+$0x0];
	_ =	sdelay $0x4  }
0x3be: {  	[tilespmem:s2+$0x0] =	vst v3  }
0x3bf: {  	v3 =	vld [tilespmem:s12+$0x10];
	_ =	sdelay $0x4  }
0x3c0: {  	[tilespmem:s2+$0x10] =	vst v3  }
0x3c1: {  	v3 =	vld [tilespmem:s12+$0x1C];
	_ =	sdelay $0x4  }
0x3c2: {  	[tilespmem:s2+$0x1C] =	vst v3  }
0x3c3: {  	v3 =	vld [tilespmem:s12+$0x80];
	_ =	sdelay $0x4  }
0x3c4: {  	[tilespmem:s2+$0x80] =	vst v3  }
0x3c5: {  	v3 =	vld [tilespmem:s12+$0x90];
	_ =	sdelay $0x4  }
0x3c6: {  	[tilespmem:s2+$0x90] =	vst v3  }
0x3c7: {  	v3 =	vld [tilespmem:s12+$0x9C]  }
.Ltmp17:
0x3c8: {  	(pc) =	sbr.rel @p0 .LBB2_26-.Ltmp17, $2  }
0x3c9: {  	_ =	sdelay $0x2  }
0x3ca: {  	s12 =	sadd.s32 $0x200, s12;
	[tilespmem:s2+$0x9C] =	vst v3  }
0x3cb: {  	s2 =	rddreg [dreg:$0x11]  }
0x3cc: {  	[hbm4b:s2+s10] =	stream.strided.scatter [tilespmem:s9], [sflag:$0x7], $0x5000, s11, s10, $0x38;
	[tilespmem:$0x14380] =	vst v63  }
0x3cd: {  	_ =	swait.ge [sflag:s13], $0x5000  }
0x3ce: {  	[sflag:s13] =	ssyncset.done $0x0  }
0x3cf: {  	s16 =	rddreg [dreg:$0x12];
	[sflag:s13] =	ssyncadd.s32 $0xFFFFB000  }
0x3d0: {  	[hbm4b:s16+s15] =	stream.strided.scatter [tilespmem:s19], [sflag:$0x6], $0x2800, s11, s15, $0x38;
	[tilespmem:$0x14380] =	vst v63  }
0x3d1: {  	_ =	swait.ge [sflag:s20], $0x2800  }
0x3d2: {  	[sflag:s20] =	ssyncset.done $0x0  }
0x3d3: {  	[sflag:s20] =	ssyncadd.s32 $0xFFFFD800  }
0x3d4: {  	v3 =	vld [tilespmem:$0x280];
	_ =	sdelay $0x4  }
0x3d5: {  	v4 =	vshrl.u32 v3, $0x3  }
0x3d6: {  	v4 =	vmul.u32 $0x18, v4  }
0x3d7: {  	v3 =	vand.u32 $0x7, v3  }
0x3d8: {  	v3 =	vor.u32 v3, v4  }
0x3d9: {  	v4 =	vperm.xlane v3, v0;
	_ =	sdelay $0x1  }
0x3da: {  	v3 =	vperm.xlane v3, v2;
	v4 =	vadd.s32 v1, v4;
	_ =	sdelay $0x1  }
0x3db: {  	v3 =	vadd.s32 v1, v3;
	_ =	sdelay $0x2  }
0x3dc: {  	[tilespmem:s25], [sflag:$0x1] =	stream.indirect_vreg.gather [hbm4b:s5+s4], $0x80, v4, vm0, $0xb8;
	[tilespmem:$0x14380] =	vst v63  }
0x3dd: {  	_ = 	snop  }
0x3de: {  	[tilespmem:s26], [sflag:$0x1] =	stream.indirect_vreg.gather [hbm4b:s5+s4], $0x80, v3, vm0, $0xb8;
	[tilespmem:$0x14380] =	vst v63  }
0x3df: {  	v3 =	vld [tilespmem:$0x290];
	_ =	sdelay $0x4  }
0x3e0: {  	v55 =	vshrl.u32 v3, $0x3  }
0x3e1: {  	v4 =	vmul.u32 $0x18, v55  }
0x3e2: {  	v3 =	vand.u32 $0x7, v3  }
0x3e3: {  	v3 =	vor.u32 v3, v4  }
0x3e4: {  	v4 =	vperm.xlane v3, v0;
	_ =	sdelay $0x1  }
0x3e5: {  	v3 =	vperm.xlane v3, v2;
	v4 =	vadd.s32 v1, v4;
	_ =	sdelay $0x1  }
0x3e6: {  	v3 =	vadd.s32 v1, v3;
	_ =	sdelay $0x2  }
0x3e7: {  	[tilespmem:s28], [sflag:$0x1] =	stream.indirect_vreg.gather [hbm4b:s5+s4], $0x80, v4, vm0, $0xb8;
	[tilespmem:$0x14380] =	vst v63  }
0x3e8: {  	_ = 	snop  }
0x3e9: {  	[tilespmem:s29], [sflag:$0x1] =	stream.indirect_vreg.gather [hbm4b:s5+s4], $0x80, v3, vm0, $0xb8;
	[tilespmem:$0x14380] =	vst v63  }
0x3ea: {  	v3 =	vld [tilespmem:$0x2A0];
	_ =	sdelay $0x4  }
0x3eb: {  	v56 =	vshrl.u32 v3, $0x3  }
0x3ec: {  	v4 =	vmul.u32 $0x18, v56  }
0x3ed: {  	v3 =	vand.u32 $0x7, v3  }
0x3ee: {  	v3 =	vor.u32 v3, v4  }
0x3ef: {  	v4 =	vperm.xlane v3, v0;
	_ =	sdelay $0x1  }
0x3f0: {  	v3 =	vperm.xlane v3, v2;
	v4 =	vadd.s32 v1, v4;
	_ =	sdelay $0x1  }
0x3f1: {  	v3 =	vadd.s32 v1, v3;
	_ =	sdelay $0x2  }
0x3f2: {  	[tilespmem:s30], [sflag:$0x1] =	stream.indirect_vreg.gather [hbm4b:s5+s4], $0x80, v4, vm0, $0xb8;
	[tilespmem:$0x14380] =	vst v63  }
0x3f3: {  	_ = 	snop  }
0x3f4: {  	[tilespmem:s31], [sflag:$0x1] =	stream.indirect_vreg.gather [hbm4b:s5+s4], $0x80, v3, vm0, $0xb8;
	[tilespmem:$0x14380] =	vst v63  }
0x3f5: {  	v3 =	vld [tilespmem:$0x2B0];
	_ =	sdelay $0x4  }
0x3f6: {  	v57 =	vshrl.u32 v3, $0x3  }
0x3f7: {  	v4 =	vmul.u32 $0x18, v57  }
0x3f8: {  	v3 =	vand.u32 $0x7, v3  }
0x3f9: {  	v3 =	vor.u32 v3, v4  }
0x3fa: {  	v4 =	vperm.xlane v3, v0;
	_ =	sdelay $0x1  }
0x3fb: {  	v3 =	vperm.xlane v3, v2;
	v4 =	vadd.s32 v1, v4;
	_ =	sdelay $0x1  }
0x3fc: {  	v3 =	vadd.s32 v1, v3;
	_ =	sdelay $0x2  }
0x3fd: {  	[tilespmem:s0], [sflag:$0x1] =	stream.indirect_vreg.gather [hbm4b:s5+s4], $0x80, v4, vm0, $0xb8;
	[tilespmem:$0x14380] =	vst v63  }
0x3fe: {  	_ = 	snop  }
0x3ff: {  	[tilespmem:s1], [sflag:$0x1] =	stream.indirect_vreg.gather [hbm4b:s5+s4], $0x80, v3, vm0, $0xb8;
	[tilespmem:$0x14380] =	vst v63  }
0x400: {  	v3 =	vld [tilespmem:$0x2C0];
	_ =	sdelay $0x4  }
0x401: {  	v58 =	vshrl.u32 v3, $0x3  }
0x402: {  	v4 =	vmul.u32 $0x18, v58  }
0x403: {  	v3 =	vand.u32 $0x7, v3  }
0x404: {  	v3 =	vor.u32 v3, v4  }
0x405: {  	v4 =	vperm.xlane v3, v0;
	_ =	sdelay $0x1  }
0x406: {  	v3 =	vperm.xlane v3, v2;
	v4 =	vadd.s32 v1, v4;
	_ =	sdelay $0x1  }
0x407: {  	v3 =	vadd.s32 v1, v3;
	_ =	sdelay $0x2  }
0x408: {  	[tilespmem:s21], [sflag:$0x1] =	stream.indirect_vreg.gather [hbm4b:s5+s4], $0x80, v4, vm0, $0xb8;
	[tilespmem:$0x14380] =	vst v63  }
0x409: {  	_ = 	snop  }
0x40a: {  	[tilespmem:s22], [sflag:$0x1] =	stream.indirect_vreg.gather [hbm4b:s5+s4], $0x80, v3, vm0, $0xb8;
	[tilespmem:$0x14380] =	vst v63  }
0x40b: {  	s3 =	simm.s32 $0x280  }
0x40c: {  	[tilespmem:s8], [sflag:$0x2] =	stream.indirect.gather [hbm4b:s6+s23], $0x80, s3, s23, $0xb8;
	[tilespmem:$0x14380] =	vst v63  }
0x40d: {  	v3 =	vld [tilespmem:$0x2D0];
	_ =	sdelay $0x4  }
0x40e: {  	v59 =	vshrl.u32 v3, $0x3  }
0x40f: {  	v4 =	vmul.u32 $0x18, v59  }
0x410: {  	v3 =	vand.u32 $0x7, v3  }
0x411: {  	v3 =	vor.u32 v3, v4  }
0x412: {  	v4 =	vperm.xlane v3, v0;
	_ =	sdelay $0x1  }
0x413: {  	v3 =	vperm.xlane v3, v2;
	v4 =	vadd.s32 v1, v4;
	_ =	sdelay $0x1  }
0x414: {  	v3 =	vadd.s32 v1, v3;
	_ =	sdelay $0x2  }
0x415: {  	[tilespmem:s9], [sflag:$0x3] =	stream.indirect_vreg.gather [hbm4b:s5+s4], $0x80, v4, vm0, $0xb8;
	[tilespmem:$0x14380] =	vst v63  }
0x416: {  	s12 =	simm.s32 $0xAB80  }
0x417: {  	[tilespmem:s12], [sflag:$0x3] =	stream.indirect_vreg.gather [hbm4b:s5+s4], $0x80, v3, vm0, $0xb8;
	[tilespmem:$0x14380] =	vst v63  }
0x418: {  	v3 =	vld [tilespmem:$0x2E0];
	_ =	sdelay $0x4  }
0x419: {  	v60 =	vshrl.u32 v3, $0x3  }
0x41a: {  	v4 =	vmul.u32 $0x18, v60  }
0x41b: {  	v3 =	vand.u32 $0x7, v3  }
0x41c: {  	v3 =	vor.u32 v3, v4  }
0x41d: {  	v4 =	vperm.xlane v3, v0;
	_ =	sdelay $0x1  }
0x41e: {  	v3 =	vperm.xlane v3, v2;
	v4 =	vadd.s32 v1, v4;
	_ =	sdelay $0x1  }
0x41f: {  	v3 =	vadd.s32 v1, v3;
	_ =	sdelay $0x1  }
0x420: {  	s16 =	simm.s32 $0xB380  }
0x421: {  	[tilespmem:s16], [sflag:$0x3] =	stream.indirect_vreg.gather [hbm4b:s5+s4], $0x80, v4, vm0, $0xb8;
	[tilespmem:$0x14380] =	vst v63  }
0x422: {  	s3 =	simm.s32 $0xBB80  }
0x423: {  	[tilespmem:s3], [sflag:$0x3] =	stream.indirect_vreg.gather [hbm4b:s5+s4], $0x80, v3, vm0, $0xb8;
	[tilespmem:$0x14380] =	vst v63  }
0x424: {  	v3 =	vld [tilespmem:$0x2F0];
	_ =	sdelay $0x4  }
0x425: {  	v61 =	vshrl.u32 v3, $0x3  }
0x426: {  	v4 =	vmul.u32 $0x18, v61  }
0x427: {  	v3 =	vand.u32 $0x7, v3  }
0x428: {  	v3 =	vor.u32 v3, v4  }
0x429: {  	v4 =	vperm.xlane v3, v0;
	_ =	sdelay $0x1  }
0x42a: {  	v3 =	vperm.xlane v3, v2;
	v4 =	vadd.s32 v1, v4;
	_ =	sdelay $0x1  }
0x42b: {  	v3 =	vadd.s32 v1, v3;
	_ =	sdelay $0x1  }
0x42c: {  	s12 =	simm.s32 $0xC380  }
0x42d: {  	[tilespmem:s12], [sflag:$0x3] =	stream.indirect_vreg.gather [hbm4b:s5+s4], $0x80, v4, vm0, $0xb8;
	[tilespmem:$0x14380] =	vst v63  }
0x42e: {  	s16 =	simm.s32 $0xCB80  }
0x42f: {  	[tilespmem:s16], [sflag:$0x3] =	stream.indirect_vreg.gather [hbm4b:s5+s4], $0x80, v3, vm0, $0xb8;
	[tilespmem:$0x14380] =	vst v63  }
0x430: {  	v3 =	vld [tilespmem:$0x300];
	_ =	sdelay $0x4  }
0x431: {  	v62 =	vshrl.u32 v3, $0x3  }
0x432: {  	v4 =	vmul.u32 $0x18, v62  }
0x433: {  	v3 =	vand.u32 $0x7, v3  }
0x434: {  	v3 =	vor.u32 v3, v4  }
0x435: {  	v4 =	vperm.xlane v3, v0;
	_ =	sdelay $0x1  }
0x436: {  	v3 =	vperm.xlane v3, v2;
	v4 =	vadd.s32 v1, v4;
	_ =	sdelay $0x1  }
0x437: {  	v3 =	vadd.s32 v1, v3;
	_ =	sdelay $0x1  }
0x438: {  	s3 =	simm.s32 $0xD380  }
0x439: {  	[tilespmem:s3], [sflag:$0x3] =	stream.indirect_vreg.gather [hbm4b:s5+s4], $0x80, v4, vm0, $0xb8;
	[tilespmem:$0x14380] =	vst v63  }
0x43a: {  	s12 =	simm.s32 $0xDB80  }
0x43b: {  	[tilespmem:s12], [sflag:$0x3] =	stream.indirect_vreg.gather [hbm4b:s5+s4], $0x80, v3, vm0, $0xb8;
	[tilespmem:$0x14380] =	vst v63  }
0x43c: {  	v3 =	vld [tilespmem:$0x310];
	_ =	sdelay $0x4  }
0x43d: {  	v63 =	vshrl.u32 v3, $0x3  }
0x43e: {  	v4 =	vmul.u32 $0x18, v63  }
0x43f: {  	v3 =	vand.u32 $0x7, v3  }
0x440: {  	v3 =	vor.u32 v3, v4  }
0x441: {  	v4 =	vperm.xlane v3, v0;
	_ =	sdelay $0x1  }
0x442: {  	v3 =	vperm.xlane v3, v2;
	v4 =	vadd.s32 v1, v4;
	_ =	sdelay $0x1  }
0x443: {  	v3 =	vadd.s32 v1, v3;
	_ =	sdelay $0x1  }
0x444: {  	s16 =	simm.s32 $0xE380  }
0x445: {  	[tilespmem:s16], [sflag:$0x3] =	stream.indirect_vreg.gather [hbm4b:s5+s4], $0x80, v4, vm0, $0xb8;
	[tilespmem:$0x14380] =	vst v63  }
0x446: {  	s3 =	simm.s32 $0xEB80  }
0x447: {  	[tilespmem:s3], [sflag:$0x3] =	stream.indirect_vreg.gather [hbm4b:s5+s4], $0x80, v3, vm0, $0xb8;
	[tilespmem:$0x14380] =	vst v63  }
0x448: {  	s12 =	simm.s32 $0xF380;
	s3 =	simm.s32 $0x2D0  }
0x449: {  	[tilespmem:s12], [sflag:$0x4] =	stream.indirect.gather [hbm4b:s6+s23], $0x80, s3, s23, $0xb8;
	[tilespmem:$0x14380] =	vst v63  }
0x44a: {  	_ =	swait.ge [sflag:s14], $0x5000  }
0x44b: {  	[sflag:s14] =	ssyncset.done $0x0  }
0x44c: {  	[sflag:s14] =	ssyncadd.s32 $0xFFFFB000  }
0x44d: {  	_ =	swait.ge [sflag:s24], $0x2800  }
0x44e: {  	[sflag:s24] =	ssyncset.done $0x0  }
0x44f: {  	s16 =	simm.s32 $0x5480;
	[sflag:s24] =	ssyncadd.s32 $0xFFFFD800  }
0x450: {  	v3 =	vld [tilespmem:s16+$0xFFFFFF00];
	_ =	sdelay $0x3  }
0x451: {  	s2 =	simm.s32 $0x7C80  }
0x452: {  	[tilespmem:s2+$0xFFFFFF00] =	vst v3  }
0x453: {  	v3 =	vld [tilespmem:s16+$0xFFFFFF10];
	_ =	sdelay $0x4  }
0x454: {  	[tilespmem:s2+$0xFFFFFF10] =	vst v3  }
0x455: {  	v3 =	vld [tilespmem:s16+$0xFFFFFF1C];
	_ =	sdelay $0x4  }
0x456: {  	[tilespmem:s2+$0xFFFFFF1C] =	vst v3  }
0x457: {  	v3 =	vld [tilespmem:s16+$0xFFFFFF80];
	_ =	sdelay $0x4  }
0x458: {  	[tilespmem:s2+$0xFFFFFF80] =	vst v3  }
0x459: {  	v3 =	vld [tilespmem:s16+$0xFFFFFF90];
	_ =	sdelay $0x4  }
0x45a: {  	[tilespmem:s2+$0xFFFFFF90] =	vst v3  }
0x45b: {  	v3 =	vld [tilespmem:s16+$0xFFFFFF9C];
	_ =	sdelay $0x4  }
0x45c: {  	[tilespmem:s2+$0xFFFFFF9C] =	vst v3  }
0x45d: {  	v3 =	vld [tilespmem:s16+$0x0];
	_ =	sdelay $0x4  }
0x45e: {  	[tilespmem:s2+$0x0] =	vst v3  }
0x45f: {  	v3 =	vld [tilespmem:s16+$0x10];
	_ =	sdelay $0x4  }
0x460: {  	[tilespmem:s2+$0x10] =	vst v3  }
0x461: {  	v3 =	vld [tilespmem:s16+$0x1C];
	_ =	sdelay $0x4  }
0x462: {  	[tilespmem:s2+$0x1C] =	vst v3  }
0x463: {  	v3 =	vld [tilespmem:s16+$0x80];
	_ =	sdelay $0x4  }
0x464: {  	[tilespmem:s2+$0x80] =	vst v3  }
0x465: {  	v3 =	vld [tilespmem:s16+$0x90];
	_ =	sdelay $0x4  }
0x466: {  	[tilespmem:s2+$0x90] =	vst v3  }
0x467: {  	v3 =	vld [tilespmem:s16+$0x9C];
	_ =	sdelay $0x4  }
0x468: {  	s3 =	simm.s32 $0x0;
	s12 =	simm.s32 $0x5680;
	[tilespmem:s2+$0x9C] =	vst v3  }
.LBB2_28:
0x469: {  	v3 =	vld [tilespmem:s12+$0xFFFFFF00];
	s3 =	sadd.s32 $0x4, s3  }
0x46a: {  	p0 =	slt.u32 s3, $0x4C;
	_ =	sdelay $0x2  }
0x46b: {  	s2 =	sadd.s32 $0x200, s2  }
0x46c: {  	[tilespmem:s2+$0xFFFFFF00] =	vst v3  }
0x46d: {  	v3 =	vld [tilespmem:s12+$0xFFFFFF10];
	_ =	sdelay $0x4  }
0x46e: {  	[tilespmem:s2+$0xFFFFFF10] =	vst v3  }
0x46f: {  	v3 =	vld [tilespmem:s12+$0xFFFFFF1C];
	_ =	sdelay $0x4  }
0x470: {  	[tilespmem:s2+$0xFFFFFF1C] =	vst v3  }
0x471: {  	v3 =	vld [tilespmem:s12+$0xFFFFFF80];
	_ =	sdelay $0x4  }
0x472: {  	[tilespmem:s2+$0xFFFFFF80] =	vst v3  }
0x473: {  	v3 =	vld [tilespmem:s12+$0xFFFFFF90];
	_ =	sdelay $0x4  }
0x474: {  	[tilespmem:s2+$0xFFFFFF90] =	vst v3  }
0x475: {  	v3 =	vld [tilespmem:s12+$0xFFFFFF9C];
	_ =	sdelay $0x4  }
0x476: {  	[tilespmem:s2+$0xFFFFFF9C] =	vst v3  }
0x477: {  	v3 =	vld [tilespmem:s12+$0x0];
	_ =	sdelay $0x4  }
0x478: {  	[tilespmem:s2+$0x0] =	vst v3  }
0x479: {  	v3 =	vld [tilespmem:s12+$0x10];
	_ =	sdelay $0x4  }
0x47a: {  	[tilespmem:s2+$0x10] =	vst v3  }
0x47b: {  	v3 =	vld [tilespmem:s12+$0x1C];
	_ =	sdelay $0x4  }
0x47c: {  	[tilespmem:s2+$0x1C] =	vst v3  }
0x47d: {  	v3 =	vld [tilespmem:s12+$0x80];
	_ =	sdelay $0x4  }
0x47e: {  	[tilespmem:s2+$0x80] =	vst v3  }
0x47f: {  	v3 =	vld [tilespmem:s12+$0x90];
	_ =	sdelay $0x4  }
0x480: {  	[tilespmem:s2+$0x90] =	vst v3  }
0x481: {  	v3 =	vld [tilespmem:s12+$0x9C]  }
.Ltmp18:
0x482: {  	(pc) =	sbr.rel @p0 .LBB2_28-.Ltmp18, $2  }
0x483: {  	_ =	sdelay $0x2  }
0x484: {  	s12 =	sadd.s32 $0x200, s12;
	[tilespmem:s2+$0x9C] =	vst v3  }
0x485: {  	s2 =	rddreg [dreg:$0xe]  }
0x486: {  	[hbm4b:s2+s10] =	stream.strided.scatter [tilespmem:s25], [sflag:$0x7], $0x5000, s11, s10, $0x38;
	[tilespmem:$0x14380] =	vst v63  }
0x487: {  	_ =	swait.ge [sflag:s13], $0x5000  }
0x488: {  	[sflag:s13] =	ssyncset.done $0x0  }
0x489: {  	s3 =	simm.s32 $0x7B80;
	s12 =	rddreg [dreg:$0xf];
	[sflag:s13] =	ssyncadd.s32 $0xFFFFB000  }
0x48a: {  	[hbm4b:s12+s15] =	stream.strided.scatter [tilespmem:s3], [sflag:$0x7], $0x2800, s11, s15, $0x38;
	[tilespmem:$0x14380] =	vst v63  }
0x48b: {  	_ =	swait.ge [sflag:s13], $0x2800  }
0x48c: {  	[sflag:s13] =	ssyncset.done $0x0  }
0x48d: {  	[sflag:s13] =	ssyncadd.s32 $0xFFFFD800  }
0x48e: {  	_ =	swait.ge [sflag:s17], $0x5000  }
0x48f: {  	[sflag:s17] =	ssyncset.done $0x0  }
0x490: {  	[sflag:s17] =	ssyncadd.s32 $0xFFFFB000  }
0x491: {  	_ =	swait.ge [sflag:s18], $0x2800  }
0x492: {  	[sflag:s18] =	ssyncset.done $0x0  }
0x493: {  	s16 =	simm.s32 $0xF480;
	[sflag:s18] =	ssyncadd.s32 $0xFFFFD800  }
0x494: {  	v3 =	vld [tilespmem:s16+$0xFFFFFF00];
	_ =	sdelay $0x3  }
0x495: {  	s2 =	simm.s32 $0x11C80  }
0x496: {  	[tilespmem:s2+$0xFFFFFF00] =	vst v3  }
0x497: {  	v3 =	vld [tilespmem:s16+$0xFFFFFF10];
	_ =	sdelay $0x4  }
0x498: {  	[tilespmem:s2+$0xFFFFFF10] =	vst v3  }
0x499: {  	v3 =	vld [tilespmem:s16+$0xFFFFFF1C];
	_ =	sdelay $0x4  }
0x49a: {  	[tilespmem:s2+$0xFFFFFF1C] =	vst v3  }
0x49b: {  	v3 =	vld [tilespmem:s16+$0xFFFFFF80];
	_ =	sdelay $0x4  }
0x49c: {  	[tilespmem:s2+$0xFFFFFF80] =	vst v3  }
0x49d: {  	v3 =	vld [tilespmem:s16+$0xFFFFFF90];
	_ =	sdelay $0x4  }
0x49e: {  	[tilespmem:s2+$0xFFFFFF90] =	vst v3  }
0x49f: {  	v3 =	vld [tilespmem:s16+$0xFFFFFF9C];
	_ =	sdelay $0x4  }
0x4a0: {  	[tilespmem:s2+$0xFFFFFF9C] =	vst v3  }
0x4a1: {  	v3 =	vld [tilespmem:s16+$0x0];
	_ =	sdelay $0x4  }
0x4a2: {  	[tilespmem:s2+$0x0] =	vst v3  }
0x4a3: {  	v3 =	vld [tilespmem:s16+$0x10];
	_ =	sdelay $0x4  }
0x4a4: {  	[tilespmem:s2+$0x10] =	vst v3  }
0x4a5: {  	v3 =	vld [tilespmem:s16+$0x1C];
	_ =	sdelay $0x4  }
0x4a6: {  	[tilespmem:s2+$0x1C] =	vst v3  }
0x4a7: {  	v3 =	vld [tilespmem:s16+$0x80];
	_ =	sdelay $0x4  }
0x4a8: {  	[tilespmem:s2+$0x80] =	vst v3  }
0x4a9: {  	v3 =	vld [tilespmem:s16+$0x90];
	_ =	sdelay $0x4  }
0x4aa: {  	[tilespmem:s2+$0x90] =	vst v3  }
0x4ab: {  	v3 =	vld [tilespmem:s16+$0x9C];
	_ =	sdelay $0x4  }
0x4ac: {  	s3 =	simm.s32 $0x0;
	s12 =	simm.s32 $0xF680;
	[tilespmem:s2+$0x9C] =	vst v3  }
.LBB2_30:
0x4ad: {  	v3 =	vld [tilespmem:s12+$0xFFFFFF00];
	s3 =	sadd.s32 $0x4, s3  }
0x4ae: {  	p0 =	slt.u32 s3, $0x4C;
	_ =	sdelay $0x2  }
0x4af: {  	s2 =	sadd.s32 $0x200, s2  }
0x4b0: {  	[tilespmem:s2+$0xFFFFFF00] =	vst v3  }
0x4b1: {  	v3 =	vld [tilespmem:s12+$0xFFFFFF10];
	_ =	sdelay $0x4  }
0x4b2: {  	[tilespmem:s2+$0xFFFFFF10] =	vst v3  }
0x4b3: {  	v3 =	vld [tilespmem:s12+$0xFFFFFF1C];
	_ =	sdelay $0x4  }
0x4b4: {  	[tilespmem:s2+$0xFFFFFF1C] =	vst v3  }
0x4b5: {  	v3 =	vld [tilespmem:s12+$0xFFFFFF80];
	_ =	sdelay $0x4  }
0x4b6: {  	[tilespmem:s2+$0xFFFFFF80] =	vst v3  }
0x4b7: {  	v3 =	vld [tilespmem:s12+$0xFFFFFF90];
	_ =	sdelay $0x4  }
0x4b8: {  	[tilespmem:s2+$0xFFFFFF90] =	vst v3  }
0x4b9: {  	v3 =	vld [tilespmem:s12+$0xFFFFFF9C];
	_ =	sdelay $0x4  }
0x4ba: {  	[tilespmem:s2+$0xFFFFFF9C] =	vst v3  }
0x4bb: {  	v3 =	vld [tilespmem:s12+$0x0];
	_ =	sdelay $0x4  }
0x4bc: {  	[tilespmem:s2+$0x0] =	vst v3  }
0x4bd: {  	v3 =	vld [tilespmem:s12+$0x10];
	_ =	sdelay $0x4  }
0x4be: {  	[tilespmem:s2+$0x10] =	vst v3  }
0x4bf: {  	v3 =	vld [tilespmem:s12+$0x1C];
	_ =	sdelay $0x4  }
0x4c0: {  	[tilespmem:s2+$0x1C] =	vst v3  }
0x4c1: {  	v3 =	vld [tilespmem:s12+$0x80];
	_ =	sdelay $0x4  }
0x4c2: {  	[tilespmem:s2+$0x80] =	vst v3  }
0x4c3: {  	v3 =	vld [tilespmem:s12+$0x90];
	_ =	sdelay $0x4  }
0x4c4: {  	[tilespmem:s2+$0x90] =	vst v3  }
0x4c5: {  	v3 =	vld [tilespmem:s12+$0x9C]  }
.Ltmp19:
0x4c6: {  	(pc) =	sbr.rel @p0 .LBB2_30-.Ltmp19, $2  }
0x4c7: {  	_ =	sdelay $0x2  }
0x4c8: {  	s12 =	sadd.s32 $0x200, s12;
	[tilespmem:s2+$0x9C] =	vst v3  }
0x4c9: {  	s2 =	rddreg [dreg:$0x13]  }
0x4ca: {  	[hbm4b:s2+s10] =	stream.strided.scatter [tilespmem:s9], [sflag:$0x7], $0x5000, s11, s10, $0x38;
	[tilespmem:$0x14380] =	vst v63  }
0x4cb: {  	s3 =	rddreg [dreg:$0x15];
	_ =	swait.ge [sflag:s13], $0x5000  }
0x4cc: {  	[sflag:s13] =	ssyncset.done $0x0  }
0x4cd: {  	s12 =	rddreg [dreg:$0x14];
	[sflag:s13] =	ssyncadd.s32 $0xFFFFB000  }
0x4ce: {  	[hbm4b:s12+s15] =	stream.strided.scatter [tilespmem:s19], [sflag:$0x6], $0x2800, s11, s15, $0x38;
	[tilespmem:$0x14380] =	vst v63  }
0x4cf: {  	_ =	swait.ge [sflag:s20], $0x2800  }
0x4d0: {  	s3 =	sadd.s32 $0x1, s3;
	s16 =	rddreg [dreg:$0x10]  }
0x4d1: {  	p0 =	sne.s32 s3, s16  }
.Ltmp20:
0x4d2: {  	_ = 	snop;
	(pc) =	sbr.rel @p0 .LBB2_1-.Ltmp20, $3  }
0x4d3: {  	_ =	sdelay $0x1  }
0x4d4: {  	[sflag:s20] =	ssyncset.done $0x0  }
0x4d5: {  	[sflag:s20] =	ssyncadd.s32 $0xFFFFD800  }
0x4d6: {  	_ =	sfence.sel $0x180000  }
0x4d7: {  	[bflag:$0x0] =	sbarrier.arrive $0xFFFF  }
0x4d8: {  	_ =	strace $0x90000047  }
0x4d9: {  	s0 =	stileid.u32;
	[bflag:$0x2] =	sbarrier.arrive $0xFFFF  }
0x4da: {  	p0 =	sne.s32 s0, $0x0;
	s0 =	rddreg [dreg:$0x7]  }
0x4db: {  	s0 =	sadd.s32 @!p0 $0x100000, s0  }
0x4dc: {  	[sflag:s0] =	ssyncadd.tile.s32 @!p0 $0x1;
	_ =	shalt  }
.Lfunc_end2:
_tile_overlayer_lowered:
.L_overlay_start_2:
0x4dd: {  	(tag) =	ssettag $0x2  }
0x4de: {  	s0 =	rddreg [dreg:$0x0];
	s2 =	stileid.u32  }
0x4df: {  	s1 =	rddreg [dreg:$0x1];
	p0 =	sne.s32 s2, $0x0  }
0x4e0: {  	s3 =	rddreg [dreg:$0x2];
	[bflag:$0x3] =	sbarrier.arrive $0xFFFF;
	s2 =	simm.s32 @!p0 $0x1C06  }
0x4e1: {  	[timem:s3], [sflag:s2] =	dma.local @!p0 [hbm:s0], s1  }
0x4e2: {  	s0 =	simm.s32 @!p0 $0x6  }
0x4e3: {  	_ =	swait.ge @!p0 [sflag:s0], s1  }
0x4e4: {  	s1 =	ssub.s32 @!p0 $0x0, s1;
	[sflag:s0] =	ssyncset.done @!p0 $0x0  }
0x4e5: {  	[sflag:s0] =	ssyncadd.s32 @!p0 s1  }
0x4e6: {  	[bflag:$0x3] =	sbarrier.arrive $0xFFFF  }
0x4e7: {  	_ =	shalt  }

// kernel: _gather_all.5.cloned.1.call-start
scs
__scs_entry_jumppad:
0x0: {  	(pc) =	sbr.rel $0x88, $3  }
0x1: {  	(tag) =	ssettag $0x0;
	lr =	simm.s32 $0x1  }
0x2: {  	[smem:$0x3F99] =	sst lr;
	_ =	strace $0xD0000000  }
0x3: {  	_ = 	snop  }
0x4: {  	_ = 	snop  }
0x5: {  	_ = 	snop  }
0x6: {  	_ = 	snop  }
0x7: {  	_ = 	snop  }
__scs_overlays_trampoline_lowered:
0x8: {  	[smem:$0x3FA8] =	sst s0  }
0x9: {  	[smem:$0x3FA9] =	sst s1  }
0xa: {  	[smem:$0x3FAA] =	sst s2  }
0xb: {  	[smem:$0x3FAB] =	sst s3  }
0xc: {  	[smem:$0x3FAC] =	sst s4  }
0xd: {  	[smem:$0x3FAD] =	sst s5  }
0xe: {  	[smem:$0x3FAE] =	sst s6  }
0xf: {  	[smem:$0x3FAF] =	sst s7  }
0x10: {  	[smem:$0x3FB0] =	sst s8  }
0x11: {  	[smem:$0x3FB1] =	sst s9;
	s0 =	simm.s32 @!p0 $0x0  }
0x12: {  	s1 =	sld [smem:$0x3F97];
	s0 =	simm.s32 @p0 $0x1  }
0x13: {  	[smem:$0x3FB2] =	sst s0;
	s0 =	simm.s32 @!p1 $0x0  }
0x14: {  	s2 =	sld [smem:$0x3F96];
	s0 =	simm.s32 @p1 $0x1  }
0x15: {  	[smem:$0x3FB3] =	sst s0;
	s0 =	simm.s32 @!p2 $0x0  }
0x16: {  	s3 =	sld [smem:$0x3FDB];
	s0 =	simm.s32 @p2 $0x1  }
0x17: {  	s4 =	simm.s32 $0x1BF5;
	[smem:$0x3FB5] =	sst s0  }
0x18: {  	s0 =	sld [smem:$0x3F98];
	_ =	swait.ge [sflag:s4], $0x0  }
0x19: {  	s7 =	sld [smem:$0x3F99]  }
0x1a: {  	s8 =	sadd.s32 $0xFFFFE003, lr  }
0x1b: {  	s9 =	sadd.s32 $0xFFFFFEF7, lr;
	s5 =	simm.s32 $0xFFFFFFFF;
	p2 =	slt.u32 s8, $0xFFFFF086  }
0x1c: {  	p1 =	slt.u32 s9, $0xF7A;
	s5 =	simm.s32 @!p2 $0x0  }
0x1d: {  	s5 =	simm.s32 @p1 $0x1;
	p0 =	seq.s32 s7, s2  }
0x1e: {  	s7 =	smul.u32 @!p0 $0xF7A, s2;
	p2 =	seq.s32 @!p0 s5, $0x0  }
0x1f: {  	s9 =	smul.u32 $0xF7A, s1;
	s8 =	simm.s32 @!p0 $0x1BF5;
	p2 =	por !p2, p0  }
0x20: {  	[sflag:s8] =	ssyncset.s32 @!p0 $0xFFFFF086;
	s6 =	sadd.s32 @!p0 s3, s7;
	s7 =	simm.s32 @!p0 $0x108  }
0x21: {  	s3 =	sadd.s32 s3, s9;
	s6 =	sadd.s32 @!p0 $0x88, s6;
	s7 =	simm.s32 @p2 $0x1082  }
0x22: {  	[simem:s7], [sflag:s8] =	dma.local @!p0 [hbm:s6], $0xF7A  }
0x23: {  	s9 =	sor.u32 $0xD0000000, s2;
	s6 =	simm.s32 $0x108;
	_ =	swait.ge @!p0 [sflag:s8], $0x0  }
0x24: {  	s3 =	sadd.s32 $0x88, s3;
	s6 =	simm.s32 @!p1 $0x1082;
	[sflag:s4] =	ssyncset.s32 $0xFFFFF086  }
0x25: {  	[simem:s6], [sflag:s4] =	dma.local [hbm:s3], $0xF7A  }
0x26: {  	[smem:$0x3F99] =	sst s1;
	(tag) =	ssettag s2;
	_ =	strace s9  }
0x27: {  	s1 =	sld [smem:$0x3FA9]  }
0x28: {  	s2 =	sld [smem:$0x3FAA]  }
0x29: {  	s4 =	sld [smem:$0x3FAC]  }
0x2a: {  	p0 =	seq.s32 s5, $0x0;
	s5 =	sld [smem:$0x3FAD]  }
0x2b: {  	s6 =	sld [smem:$0x3FAE]  }
0x2c: {  	s7 =	sld [smem:$0x3FAF]  }
0x2d: {  	s3 =	simm.s32 $0x108;
	s8 =	sld [smem:$0x3FB0]  }
0x2e: {  	s3 =	simm.s32 @!p0 $0x1082;
	s9 =	sld [smem:$0x3FB1]  }
0x2f: {  	lr =	sadd.s32 s0, s3;
	s0 =	sld [smem:$0x3FA8]  }
0x30: {  	s3 =	sld [smem:$0x3FAB]  }
0x31: {  	[smem:$0x3FB4] =	sst s10  }
0x32: {  	s10 =	sld [smem:$0x3FB2];
	_ =	sdelay $0x3  }
0x33: {  	p0 =	seq.s32 s10, $0x1;
	s10 =	sld [smem:$0x3FB4];
	_ =	sdelay $0x3  }
0x34: {  	[smem:$0x3FB4] =	sst s10  }
0x35: {  	s10 =	sld [smem:$0x3FB3];
	_ =	sdelay $0x3  }
0x36: {  	p1 =	seq.s32 s10, $0x1;
	s10 =	sld [smem:$0x3FB4];
	_ =	sdelay $0x3  }
0x37: {  	[smem:$0x3FB4] =	sst s10  }
0x38: {  	s10 =	sld [smem:$0x3FB5]  }
0x39: {  	_ = 	snop;
	(pc) =	sbr.ind lr, $3  }
0x3a: {  	_ = 	snop  }
0x3b: {  	_ = 	snop  }
0x3c: {  	p2 =	seq.s32 s10, $0x1;
	s10 =	sld [smem:$0x3FB4]  }
0x3d: {  	_ =	shalt  }
0x3e: {  	_ =	shalt  }
0x3f: {  	_ =	shalt  }
0x40: {  	_ =	shalt  }
0x41: {  	_ =	shalt  }
0x42: {  	_ =	shalt  }
0x43: {  	_ =	shalt  }
0x44: {  	_ =	shalt  }
0x45: {  	_ =	shalt  }
0x46: {  	_ =	shalt  }
0x47: {  	_ =	shalt  }
0x48: {  	_ =	shalt  }
0x49: {  	_ =	shalt  }
0x4a: {  	_ =	shalt  }
0x4b: {  	_ =	shalt  }
0x4c: {  	_ =	shalt  }
0x4d: {  	_ =	shalt  }
0x4e: {  	_ =	shalt  }
0x4f: {  	_ =	shalt  }
0x50: {  	_ =	shalt  }
0x51: {  	_ =	shalt  }
0x52: {  	_ =	shalt  }
0x53: {  	_ =	shalt  }
0x54: {  	_ =	shalt  }
0x55: {  	_ =	shalt  }
0x56: {  	_ =	shalt  }
0x57: {  	_ =	shalt  }
0x58: {  	_ =	shalt  }
0x59: {  	_ =	shalt  }
0x5a: {  	_ =	shalt  }
0x5b: {  	_ =	shalt  }
0x5c: {  	_ =	shalt  }
0x5d: {  	_ =	shalt  }
0x5e: {  	_ =	shalt  }
0x5f: {  	_ =	shalt  }
0x60: {  	_ =	shalt  }
0x61: {  	_ =	shalt  }
0x62: {  	_ =	shalt  }
0x63: {  	_ =	shalt  }
0x64: {  	_ =	shalt  }
0x65: {  	_ =	shalt  }
0x66: {  	_ =	shalt  }
0x67: {  	_ =	shalt  }
0x68: {  	_ =	shalt  }
0x69: {  	_ =	shalt  }
0x6a: {  	_ =	shalt  }
0x6b: {  	_ =	shalt  }
0x6c: {  	_ =	shalt  }
0x6d: {  	_ =	shalt  }
0x6e: {  	_ =	shalt  }
0x6f: {  	_ =	shalt  }
0x70: {  	_ =	shalt  }
0x71: {  	_ =	shalt  }
0x72: {  	_ =	shalt  }
0x73: {  	_ =	shalt  }
0x74: {  	_ =	shalt  }
0x75: {  	_ =	shalt  }
0x76: {  	_ =	shalt  }
0x77: {  	_ =	shalt  }
0x78: {  	_ =	shalt  }
0x79: {  	_ =	shalt  }
0x7a: {  	_ =	shalt  }
0x7b: {  	_ =	shalt  }
0x7c: {  	_ =	shalt  }
0x7d: {  	_ =	shalt  }
0x7e: {  	_ =	shalt  }
0x7f: {  	_ =	shalt  }
0x80: {  	_ =	shalt  }
0x81: {  	_ =	shalt  }
0x82: {  	_ =	shalt  }
0x83: {  	_ =	shalt  }
0x84: {  	_ =	shalt  }
0x85: {  	_ =	shalt  }
0x86: {  	_ =	shalt  }
0x87: {  	_ =	shalt  }
.Lfunc_end0:
.L_simem_size_0:
called_computation_lowered:
.L_overlay_start_0:
0x88: {  	s2 =	sld [smem:$0x3FD9]  }
0x89: {  	s3 =	sld [smem:$0x3FFE];
	_ =	sdelay $0x1  }
0x8a: {  	s1 =	srdreg.scid  }
0x8b: {  	s0 =	sand.u32 $0x1, s1  }
0x8c: {  	s17 =	sshll.u32 s0, $0xA;
	s2 =	sadd.s32 s3, s2  }
0x8d: {  	s2 =	sadd.s32 s2, s17  }
0x8e: {  	[smem:$0x3FC0] =	sst s2  }
0x8f: {  	_ = 	snop  }
0x90: {  	s18 =	sld [smem:$0x3FC8];
	(tm) =	ssettm $0x1  }
0x91: {  	s19 =	sld [smem:$0x3FFB];
	_ =	sdelay $0x3  }
0x92: {  	_ =	strace s19  }
0x93: {  	s2 =	sld [smem:$0x3FFC];
	_ =	sdelay $0x3  }
0x94: {  	_ =	strace s2  }
0x95: {  	s2 =	sld [smem:$0x3FFD];
	_ =	sdelay $0x3  }
0x96: {  	_ =	strace s2  }
0x97: {  	_ =	strace $0x8FFFFFFF  }
0x98: {  	s20 =	sld [smem:$0x3FDB];
	_ =	sdelay $0x1  }
0x99: {  	s4 =	simm.s32 $_scs_section_size  }
0x9a: {  	s5 =	simm.s32 $_size__tile_overlayer_lowered;
	s6 =	simm.s32 $_tile_overlayer_lowered  }
0x9b: {  	s7 =	simm.s32 $0x1BFF;
	s21 =	sshll.u32 s6, $0x1;
	s4 =	sadd.s32 s4, s20  }
0x9c: {  	s22 =	simm.s32 $0x0;
	s5 =	sshll.u32 s5, $0x1;
	s6 =	sadd.s32 s21, s4  }
0x9d: {  	[timem:s22], [sflag:s7] =	dma.local [hbm:s6], s5  }
0x9e: {  	_ =	swait.ge [sflag:s7], s5  }
0x9f: {  	s5 =	ssub.s32 $0x0, s5;
	[sflag:s7] =	ssyncset.done $0x0  }
0xa0: {  	[sflag:s7] =	ssyncadd.s32 s5;
	_ =	sdelay $0x1  }
0xa1: {  	s23 =	simm.s32 $0x1B8B  }
0xa2: {  	_ =	swait.ge [sflag:s23], $0x1  }
0xa3: {  	[sflag:s23] =	ssyncset.done $0x0  }
0xa4: {  	[sflag:s23] =	ssyncadd.s32 $0xFFFFFFFF  }
0xa5: {  	s5 =	sld [smem:$0x0]  }
0xa6: {  	s6 =	sand.u32 $0xFFFFFFFE, s1  }
0xa7: {  	p0 =	sne.s32 s1, s6  }
0xa8: {  	s6 =	sshll.u32 @p0 s6, $0xE  }
0xa9: {  	s6 =	sadd.s32 @p0 $0x11B8D, s6;
	s7 =	sshll.u32 @p0 s5, $0x11  }
0xaa: {  	s6 =	sor.u32 @p0 s7, s6  }
0xab: {  	[sflag:s6] =	ssyncadd.remote.s32 @p0 $0x1;
	_ =	sdelay $0x1  }
0xac: {  	s6 =	simm.s32 @p0 $0x1B8D  }
0xad: {  	_ =	swait.eq @p0 [sflag:s6], $0x1  }
0xae: {  	[sflag:s6] =	ssyncadd.s32 @p0 $0xFFFFFFFF  }
0xaf: {  	s7 =	sshll.u32 @!p0 s1, $0xE  }
0xb0: {  	s7 =	sor.u32 @!p0 $0x4000, s7;
	s6 =	simm.s32 @!p0 $0x1B8D  }
0xb1: {  	s5 =	sshll.u32 @!p0 s5, $0x11;
	s7 =	sadd.s32 @!p0 $0x11B8D, s7;
	_ =	swait.eq @!p0 [sflag:s6], $0x1  }
0xb2: {  	s5 =	sor.u32 @!p0 s5, s7;
	[sflag:s6] =	ssyncadd.s32 @!p0 $0xFFFFFFFF  }
0xb3: {  	s25 =	simm.s32 $0x1B8E;
	s24 =	sld [smem:$0x3FFE];
	[sflag:s5] =	ssyncadd.remote.s32 @!p0 $0x1  }
0xb4: {  	s26 =	simm.s32 $execute0_lowered;
	[smem:$0x3FD2] =	sst s25  }
0xb5: {  	s6 =	sshll.u32 s26, $0x1;
	_ =	strace $0x8000004C;
	[dreg:$0x1] =	wrdreg $0xFFFFFFFF  }
0xb6: {  	s28 =	simm.s32 $_size_execute0_lowered;
	s4 =	sadd.s32 s4, s6;
	[dreg:$0x0] =	wrdreg $0x0  }
0xb7: {  	s6 =	sshll.u32 s28, $0x1;
	[dreg:$0x2] =	wrdreg s4  }
0xb8: {  	[dreg:$0x3] =	wrdreg s6  }
0xb9: {  	[dreg:$0x4] =	wrdreg $0xC0  }
0xba: {  	_ =	task [dreg:s22], $0x5FFFF  }
0xbb: {  	[dreg:$0x1] =	wrdreg $0xFFFFFFFF  }
0xbc: {  	[dreg:$0x0] =	wrdreg $0x60  }
0xbd: {  	[dreg:$0x2] =	wrdreg s18  }
0xbe: {  	[dreg:$0x3] =	wrdreg s24  }
0xbf: {  	[dreg:$0x4] =	wrdreg $0x9  }
0xc0: {  	_ =	task.clear_ibuf [dreg:s22], $0x5FFFF;
	_ =	strace $0x9000004C  }
0xc1: {  	s29 =	simm.s32 $0x9;
	_ =	strace $0x8000004E  }
0xc2: {  	_ =	swait.ge [sflag:s29], $0x1  }
0xc3: {  	[sflag:s29] =	ssyncadd.s32 $0xFFFFFFFF  }
0xc4: {  	_ =	strace $0x9000004E  }
0xc5: {  	_ =	sfence  }
0xc6: {  	s30 =	sld [smem:$0x0];
	_ =	sdelay $0x2  }
0xc7: {  	s31 =	sshll.u32 s1, $0xD;
	s1 =	sshrl.u32 s1, $0x2  }
0xc8: {  	s4 =	sand.u32 $0x4000, s31;
	s1 =	sadd.s32 s1, s30  }
0xc9: {  	s0 =	sor.u32 s4, s0;
	s1 =	sshll.u32 s1, $0x11  }
0xca: {  	s0 =	sor.u32 s1, s0  }
0xcb: {  	s0 =	sadd.s32 $0x8F2B, s0  }
0xcc: {  	[sflag:s0] =	ssyncadd.remote.s32 $0x1  }
0xcd: {  	_ =	sfence.sel $0xFFFF  }
0xce: {  	[dreg:$0x0] =	wrdreg $0xFFFFFFFF;
	(pc) =	sbr.abs _section_cstart, $3  }
0xcf: {  	[dreg:$0x1] =	wrdreg $0xFFFFFFFF  }
0xd0: {  	_ =	task.clear_ibuf [dreg:s22], $0x2FFFF;
	_ =	strace $0x9FFFFFFF  }
0xd1: {  	(tm) =	ssettm $0x7FFFFFFF  }
tec
execute0_lowered:
.L_overlay_start_1:
0x0: {  	(tag) =	ssettag $0x1  }
0x1: {  	s0 =	rddreg [dreg:$0x0]  }
0x2: {  	s1 =	rddreg [dreg:$0x1]  }
0x3: {  	s3 =	srdreg.scid;
	s4 =	stileid.u32  }
0x4: {  	s2 =	simm.s32 $0x0;
	s11 =	simm.s32 $0x680;
	s21 =	simm.s32 $0x50  }
0x5: {  	s23 =	simm.s32 $0xA680;
	s28 =	simm.s32 $0xC680;
	s29 =	simm.s32 $0xCE80  }
0x6: {  	s30 =	simm.s32 $0xD680;
	s31 =	simm.s32 $0xDE80;
	s9 =	simm.s32 $0x1  }
0x7: {  	s10 =	simm.s32 $0x2;
	s12 =	simm.s32 $0x800;
	s13 =	simm.s32 $0xC00  }
0x8: {  	s14 =	simm.s32 $0x7;
	s15 =	simm.s32 $0x400;
	s16 =	simm.s32 $0x7E80  }
0x9: {  	s17 =	simm.s32 $0x3;
	s18 =	simm.s32 $0x4;
	s19 =	simm.s32 $0x11E80  }
0xa: {  	s20 =	simm.s32 $0x6;
	s3 =	sand.u32 $0x1, s3;
	s4 =	sshll.u32 s4, $0x1  }
0xb: {  	s24 =	simm.s32 $0x0;
	[smem:$0x7FF] =	sst s2;
	s4 =	sor.u32 s3, s4  }
0xc: {  	s5 =	sadd.s32 $0x496600, s1;
	s7 =	ssub.s32 $0x2, s3;
	s3 =	smul.u32 $0x640, s4  }
.Ltmp0:
0xd: {  	s6 =	sadd.s32 $0x72B000, s1;
	s8 =	sshrl.u32 s7, $0x1;
	(pc) =	sbr.rel .LBB2_1-.Ltmp0, $4  }
0xe: {  	_ =	strace $0x8000004D;
	s4 =	sadd.s32 $0x2800, s1;
	s7 =	ssub.s32 s7, s8  }
0xf: {  	v2 =	vlaneseq.u32;
	s8 =	sadd.s32 $0x72B100, s1;
	s25 =	sshrl.u32 s3, $0x3;
	s26 =	smax.u32 s7, $0x1  }
0x10: {  	vm0 =	vmmov $0xffff;
	v1 =	vshrl.u32 v2, $0x3;
	s1 =	simm.s32 $0xEE80;
	s0 =	sadd.s32 s0, s25;
	[dreg:$0x4] =	wrdreg s26  }
0x11: {  	v0 =	vand.u32 $0x7, v2;
	v2 =	vor.u32 $0x8, v2;
	v1 =	vmul.u32 $0x8, v1;
	s7 =	simm.s32 $0xF680;
	[dreg:$0x3] =	wrdreg s0;
	s0 =	simm.s32 $0xE680  }
.LBB2_12:
0x12: {  	s24 =	rddreg [dreg:$0x5]  }
0x13: {  	s22 =	rddreg [dreg:$0x4];
	s24 =	sadd.s32 $0x1, s24  }
0x14: {  	p0 =	sne.s32 s24, s22  }
.Ltmp1:
0x15: {  	_ = 	snop;
	(pc) =	sbr.rel @!p0 .LBB2_13-.Ltmp1, $1  }
0x16: {  	_ =	sdelay $0x3  }
.LBB2_1:
0x17: {  	[dreg:$0x5] =	wrdreg s24  }
0x18: {  	s22 =	rddreg [dreg:$0x3];
	s25 =	simm.s32 $0x5  }
0x19: {  	[tilespmem:s2], [sflag:$0x5] =	stream.linear.gather [hbm4b:s22+s2], $0x640, $0x38;
	[tilespmem:$0x14680] =	vst v63  }
0x1a: {  	_ =	swait.ge [sflag:s25], $0x640  }
0x1b: {  	[sflag:s25] =	ssyncset.done $0x0  }
0x1c: {  	[sflag:s25] =	ssyncadd.s32 $0xFFFFF9C0  }
0x1d: {  	v3 =	vld [tilespmem:$0x0];
	_ =	sdelay $0x4  }
0x1e: {  	v4 =	vshrl.u32 v3, $0x3  }
0x1f: {  	v4 =	vmul.u32 $0x18, v4  }
0x20: {  	v3 =	vand.u32 $0x7, v3  }
0x21: {  	v3 =	vor.u32 v3, v4  }
0x22: {  	v4 =	vperm.xlane v3, v0;
	_ =	sdelay $0x1  }
0x23: {  	v3 =	vperm.xlane v3, v2;
	v4 =	vadd.s32 v1, v4;
	_ =	sdelay $0x1  }
0x24: {  	v3 =	vadd.s32 v1, v3;
	_ =	sdelay $0x2  }
0x25: {  	[tilespmem:s11], [sflag:$0x1] =	stream.indirect_vreg.gather [hbm4b:s4+s2], $0x80, v4, vm0, $0xb8;
	[tilespmem:$0x14680] =	vst v63  }
0x26: {  	s26 =	simm.s32 $0xE80  }
0x27: {  	[tilespmem:s26], [sflag:$0x1] =	stream.indirect_vreg.gather [hbm4b:s4+s2], $0x80, v3, vm0, $0xb8;
	[tilespmem:$0x14680] =	vst v63  }
0x28: {  	v3 =	vld [tilespmem:$0x10];
	_ =	sdelay $0x4  }
0x29: {  	v60 =	vshrl.u32 v3, $0x3  }
0x2a: {  	v4 =	vmul.u32 $0x18, v60  }
0x2b: {  	v3 =	vand.u32 $0x7, v3  }
0x2c: {  	v3 =	vor.u32 v3, v4  }
0x2d: {  	v4 =	vperm.xlane v3, v0;
	_ =	sdelay $0x1  }
0x2e: {  	v3 =	vperm.xlane v3, v2;
	v4 =	vadd.s32 v1, v4;
	_ =	sdelay $0x1  }
0x2f: {  	v3 =	vadd.s32 v1, v3;
	_ =	sdelay $0x1  }
0x30: {  	s24 =	simm.s32 $0x1680  }
0x31: {  	[tilespmem:s24], [sflag:$0x1] =	stream.indirect_vreg.gather [hbm4b:s4+s2], $0x80, v4, vm0, $0xb8;
	[tilespmem:$0x14680] =	vst v63  }
0x32: {  	s25 =	simm.s32 $0x1E80  }
0x33: {  	[tilespmem:s25], [sflag:$0x1] =	stream.indirect_vreg.gather [hbm4b:s4+s2], $0x80, v3, vm0, $0xb8;
	[tilespmem:$0x14680] =	vst v63  }
0x34: {  	v3 =	vld [tilespmem:$0x20];
	_ =	sdelay $0x4  }
0x35: {  	v61 =	vshrl.u32 v3, $0x3  }
0x36: {  	v4 =	vmul.u32 $0x18, v61  }
0x37: {  	v3 =	vand.u32 $0x7, v3  }
0x38: {  	v3 =	vor.u32 v3, v4  }
0x39: {  	v4 =	vperm.xlane v3, v0;
	_ =	sdelay $0x1  }
0x3a: {  	v3 =	vperm.xlane v3, v2;
	v4 =	vadd.s32 v1, v4;
	_ =	sdelay $0x1  }
0x3b: {  	v3 =	vadd.s32 v1, v3;
	_ =	sdelay $0x1  }
0x3c: {  	s26 =	simm.s32 $0x2680  }
0x3d: {  	[tilespmem:s26], [sflag:$0x1] =	stream.indirect_vreg.gather [hbm4b:s4+s2], $0x80, v4, vm0, $0xb8;
	[tilespmem:$0x14680] =	vst v63  }
0x3e: {  	s24 =	simm.s32 $0x2E80  }
0x3f: {  	[tilespmem:s24], [sflag:$0x1] =	stream.indirect_vreg.gather [hbm4b:s4+s2], $0x80, v3, vm0, $0xb8;
	[tilespmem:$0x14680] =	vst v63  }
0x40: {  	v3 =	vld [tilespmem:$0x30];
	_ =	sdelay $0x4  }
0x41: {  	v62 =	vshrl.u32 v3, $0x3  }
0x42: {  	v4 =	vmul.u32 $0x18, v62  }
0x43: {  	v3 =	vand.u32 $0x7, v3  }
0x44: {  	v3 =	vor.u32 v3, v4  }
0x45: {  	v4 =	vperm.xlane v3, v0;
	_ =	sdelay $0x1  }
0x46: {  	v3 =	vperm.xlane v3, v2;
	v4 =	vadd.s32 v1, v4;
	_ =	sdelay $0x1  }
0x47: {  	v3 =	vadd.s32 v1, v3;
	_ =	sdelay $0x1  }
0x48: {  	s25 =	simm.s32 $0x3680  }
0x49: {  	[tilespmem:s25], [sflag:$0x1] =	stream.indirect_vreg.gather [hbm4b:s4+s2], $0x80, v4, vm0, $0xb8;
	[tilespmem:$0x14680] =	vst v63  }
0x4a: {  	s26 =	simm.s32 $0x3E80  }
0x4b: {  	[tilespmem:s26], [sflag:$0x1] =	stream.indirect_vreg.gather [hbm4b:s4+s2], $0x80, v3, vm0, $0xb8;
	[tilespmem:$0x14680] =	vst v63  }
0x4c: {  	v3 =	vld [tilespmem:$0x40];
	_ =	sdelay $0x4  }
0x4d: {  	v63 =	vshrl.u32 v3, $0x3  }
0x4e: {  	v4 =	vmul.u32 $0x18, v63  }
0x4f: {  	v3 =	vand.u32 $0x7, v3  }
0x50: {  	v3 =	vor.u32 v3, v4  }
0x51: {  	v4 =	vperm.xlane v3, v0;
	_ =	sdelay $0x1  }
0x52: {  	v4 =	vadd.s32 v1, v4  }
0x53: {  	v3 =	vperm.xlane v3, v2;
	_ =	sdelay $0x1  }
0x54: {  	v3 =	vadd.s32 v1, v3  }
0x55: {  	s24 =	simm.s32 $0x4680  }
0x56: {  	[tilespmem:s24], [sflag:$0x1] =	stream.indirect_vreg.gather [hbm4b:s4+s2], $0x80, v4, vm0, $0xb8;
	[tilespmem:$0x14680] =	vst v63  }
.Ltmp2:
0x57: {  	_ = 	snop;
	(pc) =	sbr.rel .LBB2_2-.Ltmp2, $4  }
0x58: {  	s25 =	simm.s32 $0x4E80  }
0x59: {  	[tilespmem:s25], [sflag:$0x1] =	stream.indirect_vreg.gather [hbm4b:s4+s2], $0x80, v3, vm0, $0xb8;
	[tilespmem:$0x14680] =	vst v63  }
0x5a: {  	s22 =	simm.s32 $0x0;
	s26 =	simm.s32 $0x5680  }
0x5b: {  	[tilespmem:s26], [sflag:$0x2] =	stream.indirect.gather [hbm4b:s5+s21], $0x80, s2, s21, $0xb8;
	[tilespmem:$0x14680] =	vst v63  }
.LBB2_7:
0x5c: {  	s24 =	smul.u32 $0x50, s22;
	_ =	sdelay $0x1  }
0x5d: {  	s24 =	sadd.s32 s3, s24  }
0x5e: {  	s24 =	sshrl.u32 s24, $0x3  }
0x5f: {  	s24 =	smul.u32 $0xC00, s24;
	_ =	sdelay $0x1  }
0x60: {  	s24 =	sshrl.u32 s24, $0x3  }
0x61: {  	s24 =	sadd.s32 s6, s24  }
0x62: {  	[hbm4b:s24+s12] =	stream.strided.scatter [tilespmem:s23], [sflag:$0x7], $0x5000, s13, s12, $0x38;
	[tilespmem:$0x14680] =	vst v63  }
0x63: {  	_ =	swait.ge [sflag:s14], $0x5000  }
0x64: {  	[sflag:s14] =	ssyncset.done $0x0  }
0x65: {  	s24 =	sadd.s32 $0x100, s24;
	[sflag:s14] =	ssyncadd.s32 $0xFFFFB000  }
0x66: {  	[hbm4b:s24+s15] =	stream.strided.scatter [tilespmem:s19], [sflag:$0x6], $0x2800, s13, s15, $0x38;
	[tilespmem:$0x14680] =	vst v63  }
0x67: {  	_ =	swait.ge [sflag:s20], $0x2800  }
0x68: {  	[sflag:s20] =	ssyncset.done $0x0  }
0x69: {  	[sflag:s20] =	ssyncadd.s32 $0xFFFFD800  }
.LBB2_11:
0x6a: {  	s22 =	sadd.s32 $0x1, s22  }
0x6b: {  	p0 =	sne.s32 s22, $0x14  }
.Ltmp3:
0x6c: {  	_ = 	snop;
	(pc) =	sbr.rel @!p0 .LBB2_12-.Ltmp3, $1  }
0x6d: {  	_ =	sdelay $0x3  }
.LBB2_2:
0x6e: {  	s24 =	sand.u32 $0x1, s22  }
0x6f: {  	p0 =	seq.s32 s24, $0x0  }
.Ltmp4:
0x70: {  	_ = 	snop;
	(pc) =	sbr.rel @!p0 .LBB2_3-.Ltmp4, $1  }
0x71: {  	_ =	sdelay $0x3  }
0x72: {  	s24 =	smul.u32 $0x140, s22;
	_ =	sdelay $0x1  }
0x73: {  	s24 =	sshra.s32 s24, $0x2  }
0x74: {  	v3 =	vld [tilespmem:s24+$0x50];
	_ =	sdelay $0x4  }
0x75: {  	v4 =	vshrl.u32 v3, $0x3  }
0x76: {  	v4 =	vmul.u32 $0x18, v4  }
0x77: {  	v3 =	vand.u32 $0x7, v3  }
0x78: {  	v3 =	vor.u32 v3, v4  }
0x79: {  	v4 =	vperm.xlane v3, v0;
	_ =	sdelay $0x1  }
0x7a: {  	v3 =	vperm.xlane v3, v2;
	v4 =	vadd.s32 v1, v4;
	_ =	sdelay $0x1  }
0x7b: {  	v3 =	vadd.s32 v1, v3;
	_ =	sdelay $0x2  }
0x7c: {  	[tilespmem:s23], [sflag:$0x3] =	stream.indirect_vreg.gather [hbm4b:s4+s2], $0x80, v4, vm0, $0xb8;
	[tilespmem:$0x14680] =	vst v63  }
0x7d: {  	s25 =	simm.s32 $0xAE80  }
0x7e: {  	[tilespmem:s25], [sflag:$0x3] =	stream.indirect_vreg.gather [hbm4b:s4+s2], $0x80, v3, vm0, $0xb8;
	[tilespmem:$0x14680] =	vst v63  }
0x7f: {  	v3 =	vld [tilespmem:s24+$0x60];
	_ =	sdelay $0x4  }
0x80: {  	v60 =	vshrl.u32 v3, $0x3  }
0x81: {  	v4 =	vmul.u32 $0x18, v60  }
0x82: {  	v3 =	vand.u32 $0x7, v3  }
0x83: {  	v3 =	vor.u32 v3, v4  }
0x84: {  	v4 =	vperm.xlane v3, v0;
	_ =	sdelay $0x1  }
0x85: {  	v3 =	vperm.xlane v3, v2;
	v4 =	vadd.s32 v1, v4;
	_ =	sdelay $0x1  }
0x86: {  	v3 =	vadd.s32 v1, v3;
	_ =	sdelay $0x1  }
0x87: {  	s26 =	simm.s32 $0xB680  }
0x88: {  	[tilespmem:s26], [sflag:$0x3] =	stream.indirect_vreg.gather [hbm4b:s4+s2], $0x80, v4, vm0, $0xb8;
	[tilespmem:$0x14680] =	vst v63  }
0x89: {  	s26 =	simm.s32 $0xBE80  }
0x8a: {  	[tilespmem:s26], [sflag:$0x3] =	stream.indirect_vreg.gather [hbm4b:s4+s2], $0x80, v3, vm0, $0xb8;
	[tilespmem:$0x14680] =	vst v63  }
0x8b: {  	v3 =	vld [tilespmem:s24+$0x70];
	_ =	sdelay $0x4  }
0x8c: {  	v61 =	vshrl.u32 v3, $0x3  }
0x8d: {  	v4 =	vmul.u32 $0x18, v61  }
0x8e: {  	v3 =	vand.u32 $0x7, v3  }
0x8f: {  	v3 =	vor.u32 v3, v4  }
0x90: {  	v4 =	vperm.xlane v3, v0;
	_ =	sdelay $0x1  }
0x91: {  	v3 =	vperm.xlane v3, v2;
	v4 =	vadd.s32 v1, v4;
	_ =	sdelay $0x1  }
0x92: {  	v3 =	vadd.s32 v1, v3;
	_ =	sdelay $0x2  }
0x93: {  	[tilespmem:s28], [sflag:$0x3] =	stream.indirect_vreg.gather [hbm4b:s4+s2], $0x80, v4, vm0, $0xb8;
	[tilespmem:$0x14680] =	vst v63  }
0x94: {  	_ = 	snop  }
0x95: {  	[tilespmem:s29], [sflag:$0x3] =	stream.indirect_vreg.gather [hbm4b:s4+s2], $0x80, v3, vm0, $0xb8;
	[tilespmem:$0x14680] =	vst v63  }
0x96: {  	v3 =	vld [tilespmem:s24+$0x80];
	_ =	sdelay $0x4  }
0x97: {  	v62 =	vshrl.u32 v3, $0x3  }
0x98: {  	v4 =	vmul.u32 $0x18, v62  }
0x99: {  	v3 =	vand.u32 $0x7, v3  }
0x9a: {  	v3 =	vor.u32 v3, v4  }
0x9b: {  	v4 =	vperm.xlane v3, v0;
	_ =	sdelay $0x1  }
0x9c: {  	v3 =	vperm.xlane v3, v2;
	v4 =	vadd.s32 v1, v4;
	_ =	sdelay $0x1  }
0x9d: {  	v3 =	vadd.s32 v1, v3;
	_ =	sdelay $0x2  }
0x9e: {  	[tilespmem:s30], [sflag:$0x3] =	stream.indirect_vreg.gather [hbm4b:s4+s2], $0x80, v4, vm0, $0xb8;
	[tilespmem:$0x14680] =	vst v63  }
0x9f: {  	_ = 	snop  }
0xa0: {  	[tilespmem:s31], [sflag:$0x3] =	stream.indirect_vreg.gather [hbm4b:s4+s2], $0x80, v3, vm0, $0xb8;
	[tilespmem:$0x14680] =	vst v63  }
0xa1: {  	v3 =	vld [tilespmem:s24+$0x90];
	_ =	sdelay $0x4  }
0xa2: {  	v63 =	vshrl.u32 v3, $0x3  }
0xa3: {  	v4 =	vmul.u32 $0x18, v63  }
0xa4: {  	v3 =	vand.u32 $0x7, v3  }
0xa5: {  	v3 =	vor.u32 v3, v4  }
0xa6: {  	v4 =	vperm.xlane v3, v0;
	_ =	sdelay $0x1  }
0xa7: {  	v3 =	vperm.xlane v3, v2;
	v4 =	vadd.s32 v1, v4;
	_ =	sdelay $0x1  }
0xa8: {  	v3 =	vadd.s32 v1, v3;
	_ =	sdelay $0x2  }
0xa9: {  	[tilespmem:s0], [sflag:$0x3] =	stream.indirect_vreg.gather [hbm4b:s4+s2], $0x80, v4, vm0, $0xb8;
	[tilespmem:$0x14680] =	vst v63  }
0xaa: {  	_ = 	snop  }
0xab: {  	[tilespmem:s1], [sflag:$0x3] =	stream.indirect_vreg.gather [hbm4b:s4+s2], $0x80, v3, vm0, $0xb8;
	[tilespmem:$0x14680] =	vst v63  }
0xac: {  	s24 =	sadd.s32 $0x50, s24  }
0xad: {  	[tilespmem:s7], [sflag:$0x4] =	stream.indirect.gather [hbm4b:s5+s21], $0x80, s24, s21, $0xb8;
	[tilespmem:$0x14680] =	vst v63  }
0xae: {  	_ =	swait.ge [sflag:s9], $0x5000  }
0xaf: {  	[sflag:s9] =	ssyncset.done $0x0  }
0xb0: {  	[sflag:s9] =	ssyncadd.s32 $0xFFFFB000  }
0xb1: {  	_ =	swait.ge [sflag:s10], $0x2800  }
0xb2: {  	[sflag:s10] =	ssyncset.done $0x0  }
0xb3: {  	s26 =	simm.s32 $0x5780;
	[sflag:s10] =	ssyncadd.s32 $0xFFFFD800  }
0xb4: {  	v3 =	vld [tilespmem:s26+$0xFFFFFF00];
	_ =	sdelay $0x3  }
0xb5: {  	s24 =	simm.s32 $0x7F80  }
0xb6: {  	[tilespmem:s24+$0xFFFFFF00] =	vst v3  }
0xb7: {  	v3 =	vld [tilespmem:s26+$0xFFFFFF10];
	_ =	sdelay $0x4  }
0xb8: {  	[tilespmem:s24+$0xFFFFFF10] =	vst v3  }
0xb9: {  	v3 =	vld [tilespmem:s26+$0xFFFFFF1C];
	_ =	sdelay $0x4  }
0xba: {  	[tilespmem:s24+$0xFFFFFF1C] =	vst v3  }
0xbb: {  	v3 =	vld [tilespmem:s26+$0xFFFFFF80];
	_ =	sdelay $0x4  }
0xbc: {  	[tilespmem:s24+$0xFFFFFF80] =	vst v3  }
0xbd: {  	v3 =	vld [tilespmem:s26+$0xFFFFFF90];
	_ =	sdelay $0x4  }
0xbe: {  	[tilespmem:s24+$0xFFFFFF90] =	vst v3  }
0xbf: {  	v3 =	vld [tilespmem:s26+$0xFFFFFF9C];
	_ =	sdelay $0x4  }
0xc0: {  	[tilespmem:s24+$0xFFFFFF9C] =	vst v3  }
0xc1: {  	v3 =	vld [tilespmem:s26+$0x0];
	_ =	sdelay $0x4  }
0xc2: {  	[tilespmem:s24+$0x0] =	vst v3  }
0xc3: {  	v3 =	vld [tilespmem:s26+$0x10];
	_ =	sdelay $0x4  }
0xc4: {  	[tilespmem:s24+$0x10] =	vst v3  }
0xc5: {  	v3 =	vld [tilespmem:s26+$0x1C];
	_ =	sdelay $0x4  }
0xc6: {  	[tilespmem:s24+$0x1C] =	vst v3  }
0xc7: {  	v3 =	vld [tilespmem:s26+$0x80];
	_ =	sdelay $0x4  }
0xc8: {  	[tilespmem:s24+$0x80] =	vst v3  }
0xc9: {  	v3 =	vld [tilespmem:s26+$0x90];
	_ =	sdelay $0x4  }
0xca: {  	[tilespmem:s24+$0x90] =	vst v3  }
0xcb: {  	v3 =	vld [tilespmem:s26+$0x9C];
	_ =	sdelay $0x4  }
0xcc: {  	s25 =	simm.s32 $0x0;
	s26 =	simm.s32 $0x5980;
	[tilespmem:s24+$0x9C] =	vst v3  }
.LBB2_9:
0xcd: {  	v3 =	vld [tilespmem:s26+$0xFFFFFF00];
	s25 =	sadd.s32 $0x4, s25  }
0xce: {  	p0 =	slt.u32 s25, $0x4C;
	_ =	sdelay $0x2  }
0xcf: {  	s24 =	sadd.s32 $0x200, s24  }
0xd0: {  	[tilespmem:s24+$0xFFFFFF00] =	vst v3  }
0xd1: {  	v3 =	vld [tilespmem:s26+$0xFFFFFF10];
	_ =	sdelay $0x4  }
0xd2: {  	[tilespmem:s24+$0xFFFFFF10] =	vst v3  }
0xd3: {  	v3 =	vld [tilespmem:s26+$0xFFFFFF1C];
	_ =	sdelay $0x4  }
0xd4: {  	[tilespmem:s24+$0xFFFFFF1C] =	vst v3  }
0xd5: {  	v3 =	vld [tilespmem:s26+$0xFFFFFF80];
	_ =	sdelay $0x4  }
0xd6: {  	[tilespmem:s24+$0xFFFFFF80] =	vst v3  }
0xd7: {  	v3 =	vld [tilespmem:s26+$0xFFFFFF90];
	_ =	sdelay $0x4  }
0xd8: {  	[tilespmem:s24+$0xFFFFFF90] =	vst v3  }
0xd9: {  	v3 =	vld [tilespmem:s26+$0xFFFFFF9C];
	_ =	sdelay $0x4  }
0xda: {  	[tilespmem:s24+$0xFFFFFF9C] =	vst v3  }
0xdb: {  	v3 =	vld [tilespmem:s26+$0x0];
	_ =	sdelay $0x4  }
0xdc: {  	[tilespmem:s24+$0x0] =	vst v3  }
0xdd: {  	v3 =	vld [tilespmem:s26+$0x10];
	_ =	sdelay $0x4  }
0xde: {  	[tilespmem:s24+$0x10] =	vst v3  }
0xdf: {  	v3 =	vld [tilespmem:s26+$0x1C];
	_ =	sdelay $0x4  }
0xe0: {  	[tilespmem:s24+$0x1C] =	vst v3  }
0xe1: {  	v3 =	vld [tilespmem:s26+$0x80];
	_ =	sdelay $0x4  }
0xe2: {  	[tilespmem:s24+$0x80] =	vst v3  }
0xe3: {  	v3 =	vld [tilespmem:s26+$0x90];
	_ =	sdelay $0x4  }
0xe4: {  	[tilespmem:s24+$0x90] =	vst v3  }
0xe5: {  	v3 =	vld [tilespmem:s26+$0x9C]  }
.Ltmp5:
0xe6: {  	(pc) =	sbr.rel @p0 .LBB2_9-.Ltmp5, $2  }
0xe7: {  	_ =	sdelay $0x2  }
0xe8: {  	s26 =	sadd.s32 $0x200, s26;
	[tilespmem:s24+$0x9C] =	vst v3  }
0xe9: {  	s24 =	smul.u32 $0x50, s22;
	_ =	sdelay $0x1  }
0xea: {  	s24 =	sadd.s32 s3, s24  }
0xeb: {  	s24 =	sshrl.u32 s24, $0x3  }
0xec: {  	s24 =	smul.u32 $0x180, s24;
	_ =	sdelay $0x1  }
0xed: {  	s25 =	sadd.s32 s6, s24  }
0xee: {  	[hbm4b:s25+s12] =	stream.strided.scatter [tilespmem:s11], [sflag:$0x7], $0x5000, s13, s12, $0x38;
	[tilespmem:$0x14680] =	vst v63  }
0xef: {  	_ =	swait.ge [sflag:s14], $0x5000  }
0xf0: {  	[sflag:s14] =	ssyncset.done $0x0  }
.Ltmp6:
0xf1: {  	s24 =	sadd.s32 s24, s8;
	[sflag:s14] =	ssyncadd.s32 $0xFFFFB000;
	(pc) =	sbr.rel .LBB2_11-.Ltmp6, $4  }
0xf2: {  	[hbm4b:s24+s15] =	stream.strided.scatter [tilespmem:s16], [sflag:$0x7], $0x2800, s13, s15, $0x38;
	[tilespmem:$0x14680] =	vst v63  }
0xf3: {  	_ =	swait.ge [sflag:s14], $0x2800  }
0xf4: {  	[sflag:s14] =	ssyncset.done $0x0  }
0xf5: {  	[sflag:s14] =	ssyncadd.s32 $0xFFFFD800  }
.LBB2_3:
0xf6: {  	p0 =	seq.s32 s22, $0x13  }
.Ltmp7:
0xf7: {  	_ = 	snop;
	(pc) =	sbr.rel @p0 .LBB2_5-.Ltmp7, $1  }
0xf8: {  	_ =	sdelay $0x3  }
0xf9: {  	s24 =	smul.u32 $0x140, s22;
	_ =	sdelay $0x1  }
0xfa: {  	s24 =	sshra.s32 s24, $0x2  }
0xfb: {  	v3 =	vld [tilespmem:s24+$0x50];
	_ =	sdelay $0x4  }
0xfc: {  	v4 =	vshrl.u32 v3, $0x3  }
0xfd: {  	v4 =	vmul.u32 $0x18, v4  }
0xfe: {  	v3 =	vand.u32 $0x7, v3  }
0xff: {  	v3 =	vor.u32 v3, v4  }
0x100: {  	v4 =	vperm.xlane v3, v0;
	_ =	sdelay $0x1  }
0x101: {  	v3 =	vperm.xlane v3, v2;
	v4 =	vadd.s32 v1, v4;
	_ =	sdelay $0x1  }
0x102: {  	v3 =	vadd.s32 v1, v3;
	_ =	sdelay $0x2  }
0x103: {  	[tilespmem:s11], [sflag:$0x1] =	stream.indirect_vreg.gather [hbm4b:s4+s2], $0x80, v4, vm0, $0xb8;
	[tilespmem:$0x14680] =	vst v63  }
0x104: {  	s25 =	simm.s32 $0xE80  }
0x105: {  	[tilespmem:s25], [sflag:$0x1] =	stream.indirect_vreg.gather [hbm4b:s4+s2], $0x80, v3, vm0, $0xb8;
	[tilespmem:$0x14680] =	vst v63  }
0x106: {  	v3 =	vld [tilespmem:s24+$0x60];
	_ =	sdelay $0x4  }
0x107: {  	v60 =	vshrl.u32 v3, $0x3  }
0x108: {  	v4 =	vmul.u32 $0x18, v60  }
0x109: {  	v3 =	vand.u32 $0x7, v3  }
0x10a: {  	v3 =	vor.u32 v3, v4  }
0x10b: {  	v4 =	vperm.xlane v3, v0;
	_ =	sdelay $0x1  }
0x10c: {  	v3 =	vperm.xlane v3, v2;
	v4 =	vadd.s32 v1, v4;
	_ =	sdelay $0x1  }
0x10d: {  	v3 =	vadd.s32 v1, v3;
	_ =	sdelay $0x1  }
0x10e: {  	s26 =	simm.s32 $0x1680  }
0x10f: {  	[tilespmem:s26], [sflag:$0x1] =	stream.indirect_vreg.gather [hbm4b:s4+s2], $0x80, v4, vm0, $0xb8;
	[tilespmem:$0x14680] =	vst v63  }
0x110: {  	s26 =	simm.s32 $0x1E80  }
0x111: {  	[tilespmem:s26], [sflag:$0x1] =	stream.indirect_vreg.gather [hbm4b:s4+s2], $0x80, v3, vm0, $0xb8;
	[tilespmem:$0x14680] =	vst v63  }
0x112: {  	v3 =	vld [tilespmem:s24+$0x70];
	_ =	sdelay $0x4  }
0x113: {  	v61 =	vshrl.u32 v3, $0x3  }
0x114: {  	v4 =	vmul.u32 $0x18, v61  }
0x115: {  	v3 =	vand.u32 $0x7, v3  }
0x116: {  	v3 =	vor.u32 v3, v4  }
0x117: {  	v4 =	vperm.xlane v3, v0;
	_ =	sdelay $0x1  }
0x118: {  	v3 =	vperm.xlane v3, v2;
	v4 =	vadd.s32 v1, v4;
	_ =	sdelay $0x1  }
0x119: {  	v3 =	vadd.s32 v1, v3;
	_ =	sdelay $0x1  }
0x11a: {  	s26 =	simm.s32 $0x2680  }
0x11b: {  	[tilespmem:s26], [sflag:$0x1] =	stream.indirect_vreg.gather [hbm4b:s4+s2], $0x80, v4, vm0, $0xb8;
	[tilespmem:$0x14680] =	vst v63  }
0x11c: {  	s26 =	simm.s32 $0x2E80  }
0x11d: {  	[tilespmem:s26], [sflag:$0x1] =	stream.indirect_vreg.gather [hbm4b:s4+s2], $0x80, v3, vm0, $0xb8;
	[tilespmem:$0x14680] =	vst v63  }
0x11e: {  	v3 =	vld [tilespmem:s24+$0x80];
	_ =	sdelay $0x4  }
0x11f: {  	v62 =	vshrl.u32 v3, $0x3  }
0x120: {  	v4 =	vmul.u32 $0x18, v62  }
0x121: {  	v3 =	vand.u32 $0x7, v3  }
0x122: {  	v3 =	vor.u32 v3, v4  }
0x123: {  	v4 =	vperm.xlane v3, v0;
	_ =	sdelay $0x1  }
0x124: {  	v3 =	vperm.xlane v3, v2;
	v4 =	vadd.s32 v1, v4;
	_ =	sdelay $0x1  }
0x125: {  	v3 =	vadd.s32 v1, v3;
	_ =	sdelay $0x1  }
0x126: {  	s26 =	simm.s32 $0x3680  }
0x127: {  	[tilespmem:s26], [sflag:$0x1] =	stream.indirect_vreg.gather [hbm4b:s4+s2], $0x80, v4, vm0, $0xb8;
	[tilespmem:$0x14680] =	vst v63  }
0x128: {  	s26 =	simm.s32 $0x3E80  }
0x129: {  	[tilespmem:s26], [sflag:$0x1] =	stream.indirect_vreg.gather [hbm4b:s4+s2], $0x80, v3, vm0, $0xb8;
	[tilespmem:$0x14680] =	vst v63  }
0x12a: {  	v3 =	vld [tilespmem:s24+$0x90];
	_ =	sdelay $0x4  }
0x12b: {  	v63 =	vshrl.u32 v3, $0x3  }
0x12c: {  	v4 =	vmul.u32 $0x18, v63  }
0x12d: {  	v3 =	vand.u32 $0x7, v3  }
0x12e: {  	v3 =	vor.u32 v3, v4  }
0x12f: {  	v4 =	vperm.xlane v3, v0;
	_ =	sdelay $0x1  }
0x130: {  	v3 =	vperm.xlane v3, v2;
	v4 =	vadd.s32 v1, v4;
	_ =	sdelay $0x1  }
0x131: {  	v3 =	vadd.s32 v1, v3;
	_ =	sdelay $0x1  }
0x132: {  	s26 =	simm.s32 $0x4680  }
0x133: {  	[tilespmem:s26], [sflag:$0x1] =	stream.indirect_vreg.gather [hbm4b:s4+s2], $0x80, v4, vm0, $0xb8;
	[tilespmem:$0x14680] =	vst v63  }
0x134: {  	s26 =	simm.s32 $0x4E80  }
0x135: {  	[tilespmem:s26], [sflag:$0x1] =	stream.indirect_vreg.gather [hbm4b:s4+s2], $0x80, v3, vm0, $0xb8;
	[tilespmem:$0x14680] =	vst v63  }
0x136: {  	s24 =	sadd.s32 $0x50, s24;
	s26 =	simm.s32 $0x5680  }
0x137: {  	[tilespmem:s26], [sflag:$0x2] =	stream.indirect.gather [hbm4b:s5+s21], $0x80, s24, s21, $0xb8;
	[tilespmem:$0x14680] =	vst v63  }
.LBB2_5:
0x138: {  	_ =	swait.ge [sflag:s17], $0x5000  }
0x139: {  	[sflag:s17] =	ssyncset.done $0x0  }
0x13a: {  	[sflag:s17] =	ssyncadd.s32 $0xFFFFB000  }
0x13b: {  	_ =	swait.ge [sflag:s18], $0x2800  }
0x13c: {  	[sflag:s18] =	ssyncset.done $0x0  }
0x13d: {  	s25 =	simm.s32 $0xF780;
	[sflag:s18] =	ssyncadd.s32 $0xFFFFD800  }
0x13e: {  	v3 =	vld [tilespmem:s25+$0xFFFFFF00];
	_ =	sdelay $0x3  }
0x13f: {  	s24 =	simm.s32 $0x11F80  }
0x140: {  	[tilespmem:s24+$0xFFFFFF00] =	vst v3  }
0x141: {  	v3 =	vld [tilespmem:s25+$0xFFFFFF10];
	_ =	sdelay $0x4  }
0x142: {  	[tilespmem:s24+$0xFFFFFF10] =	vst v3  }
0x143: {  	v3 =	vld [tilespmem:s25+$0xFFFFFF1C];
	_ =	sdelay $0x4  }
0x144: {  	[tilespmem:s24+$0xFFFFFF1C] =	vst v3  }
0x145: {  	v3 =	vld [tilespmem:s25+$0xFFFFFF80];
	_ =	sdelay $0x4  }
0x146: {  	[tilespmem:s24+$0xFFFFFF80] =	vst v3  }
0x147: {  	v3 =	vld [tilespmem:s25+$0xFFFFFF90];
	_ =	sdelay $0x4  }
0x148: {  	[tilespmem:s24+$0xFFFFFF90] =	vst v3  }
0x149: {  	v3 =	vld [tilespmem:s25+$0xFFFFFF9C];
	_ =	sdelay $0x4  }
0x14a: {  	[tilespmem:s24+$0xFFFFFF9C] =	vst v3  }
0x14b: {  	v3 =	vld [tilespmem:s25+$0x0];
	_ =	sdelay $0x4  }
0x14c: {  	[tilespmem:s24+$0x0] =	vst v3  }
0x14d: {  	v3 =	vld [tilespmem:s25+$0x10];
	_ =	sdelay $0x4  }
0x14e: {  	[tilespmem:s24+$0x10] =	vst v3  }
0x14f: {  	v3 =	vld [tilespmem:s25+$0x1C];
	_ =	sdelay $0x4  }
0x150: {  	[tilespmem:s24+$0x1C] =	vst v3  }
0x151: {  	v3 =	vld [tilespmem:s25+$0x80];
	_ =	sdelay $0x4  }
0x152: {  	[tilespmem:s24+$0x80] =	vst v3  }
0x153: {  	v3 =	vld [tilespmem:s25+$0x90];
	_ =	sdelay $0x4  }
0x154: {  	[tilespmem:s24+$0x90] =	vst v3  }
0x155: {  	v3 =	vld [tilespmem:s25+$0x9C];
	_ =	sdelay $0x4  }
0x156: {  	s26 =	simm.s32 $0xF980;
	s25 =	simm.s32 $0x0;
	[tilespmem:s24+$0x9C] =	vst v3  }
.LBB2_6:
0x157: {  	v3 =	vld [tilespmem:s26+$0xFFFFFF00];
	s25 =	sadd.s32 $0x4, s25  }
0x158: {  	p0 =	slt.u32 s25, $0x4C;
	_ =	sdelay $0x2  }
0x159: {  	s24 =	sadd.s32 $0x200, s24  }
0x15a: {  	[tilespmem:s24+$0xFFFFFF00] =	vst v3  }
0x15b: {  	v3 =	vld [tilespmem:s26+$0xFFFFFF10];
	_ =	sdelay $0x4  }
0x15c: {  	[tilespmem:s24+$0xFFFFFF10] =	vst v3  }
0x15d: {  	v3 =	vld [tilespmem:s26+$0xFFFFFF1C];
	_ =	sdelay $0x4  }
0x15e: {  	[tilespmem:s24+$0xFFFFFF1C] =	vst v3  }
0x15f: {  	v3 =	vld [tilespmem:s26+$0xFFFFFF80];
	_ =	sdelay $0x4  }
0x160: {  	[tilespmem:s24+$0xFFFFFF80] =	vst v3  }
0x161: {  	v3 =	vld [tilespmem:s26+$0xFFFFFF90];
	_ =	sdelay $0x4  }
0x162: {  	[tilespmem:s24+$0xFFFFFF90] =	vst v3  }
0x163: {  	v3 =	vld [tilespmem:s26+$0xFFFFFF9C];
	_ =	sdelay $0x4  }
0x164: {  	[tilespmem:s24+$0xFFFFFF9C] =	vst v3  }
0x165: {  	v3 =	vld [tilespmem:s26+$0x0];
	_ =	sdelay $0x4  }
0x166: {  	[tilespmem:s24+$0x0] =	vst v3  }
0x167: {  	v3 =	vld [tilespmem:s26+$0x10];
	_ =	sdelay $0x4  }
0x168: {  	[tilespmem:s24+$0x10] =	vst v3  }
0x169: {  	v3 =	vld [tilespmem:s26+$0x1C];
	_ =	sdelay $0x4  }
0x16a: {  	[tilespmem:s24+$0x1C] =	vst v3  }
0x16b: {  	v3 =	vld [tilespmem:s26+$0x80];
	_ =	sdelay $0x4  }
0x16c: {  	[tilespmem:s24+$0x80] =	vst v3  }
0x16d: {  	v3 =	vld [tilespmem:s26+$0x90];
	_ =	sdelay $0x4  }
0x16e: {  	[tilespmem:s24+$0x90] =	vst v3  }
0x16f: {  	v3 =	vld [tilespmem:s26+$0x9C]  }
.Ltmp8:
0x170: {  	(pc) =	sbr.rel @p0 .LBB2_6-.Ltmp8, $2  }
0x171: {  	_ =	sdelay $0x2  }
0x172: {  	s26 =	sadd.s32 $0x200, s26;
	[tilespmem:s24+$0x9C] =	vst v3  }
.Ltmp9:
0x173: {  	_ = 	snop;
	(pc) =	sbr.rel .LBB2_7-.Ltmp9, $1  }
0x174: {  	_ =	sdelay $0x3  }
.LBB2_13:
0x175: {  	_ =	sfence.sel $0x180000  }
0x176: {  	[bflag:$0x0] =	sbarrier.arrive $0xFFFF  }
0x177: {  	_ =	strace $0x9000004D  }
0x178: {  	s0 =	stileid.u32;
	[bflag:$0x2] =	sbarrier.arrive $0xFFFF  }
0x179: {  	p0 =	sne.s32 s0, $0x0;
	s0 =	rddreg [dreg:$0x2]  }
0x17a: {  	s0 =	sadd.s32 @!p0 $0x100000, s0  }
0x17b: {  	[sflag:s0] =	ssyncadd.tile.s32 @!p0 $0x1;
	_ =	shalt  }
.Lfunc_end2:
_tile_overlayer_lowered:
.L_overlay_start_2:
0x17c: {  	(tag) =	ssettag $0x2  }
0x17d: {  	s0 =	rddreg [dreg:$0x0];
	s2 =	stileid.u32  }
0x17e: {  	s1 =	rddreg [dreg:$0x1];
	p0 =	sne.s32 s2, $0x0  }
0x17f: {  	s3 =	rddreg [dreg:$0x2];
	[bflag:$0x3] =	sbarrier.arrive $0xFFFF;
	s2 =	simm.s32 @!p0 $0x1C06  }
0x180: {  	[timem:s3], [sflag:s2] =	dma.local @!p0 [hbm:s0], s1  }
0x181: {  	s0 =	simm.s32 @!p0 $0x6  }
0x182: {  	_ =	swait.ge @!p0 [sflag:s0], s1  }
0x183: {  	s1 =	ssub.s32 @!p0 $0x0, s1;
	[sflag:s0] =	ssyncset.done @!p0 $0x0  }
0x184: {  	[sflag:s0] =	ssyncadd.s32 @!p0 s1  }
0x185: {  	[bflag:$0x3] =	sbarrier.arrive $0xFFFF  }
0x186: {  	_ =	shalt  }

// kernel: _gather_all.8.cloned.1.call-start
scs
__scs_entry_jumppad:
0x0: {  	(pc) =	sbr.rel $0x88, $3  }
0x1: {  	(tag) =	ssettag $0x0;
	lr =	simm.s32 $0x1  }
0x2: {  	[smem:$0x3F99] =	sst lr;
	_ =	strace $0xD0000000  }
0x3: {  	_ = 	snop  }
0x4: {  	_ = 	snop  }
0x5: {  	_ = 	snop  }
0x6: {  	_ = 	snop  }
0x7: {  	_ = 	snop  }
__scs_overlays_trampoline_lowered:
0x8: {  	[smem:$0x3FA8] =	sst s0  }
0x9: {  	[smem:$0x3FA9] =	sst s1  }
0xa: {  	[smem:$0x3FAA] =	sst s2  }
0xb: {  	[smem:$0x3FAB] =	sst s3  }
0xc: {  	[smem:$0x3FAC] =	sst s4  }
0xd: {  	[smem:$0x3FAD] =	sst s5  }
0xe: {  	[smem:$0x3FAE] =	sst s6  }
0xf: {  	[smem:$0x3FAF] =	sst s7  }
0x10: {  	[smem:$0x3FB0] =	sst s8  }
0x11: {  	[smem:$0x3FB1] =	sst s9;
	s0 =	simm.s32 @!p0 $0x0  }
0x12: {  	s1 =	sld [smem:$0x3F97];
	s0 =	simm.s32 @p0 $0x1  }
0x13: {  	[smem:$0x3FB2] =	sst s0;
	s0 =	simm.s32 @!p1 $0x0  }
0x14: {  	s2 =	sld [smem:$0x3F96];
	s0 =	simm.s32 @p1 $0x1  }
0x15: {  	[smem:$0x3FB3] =	sst s0;
	s0 =	simm.s32 @!p2 $0x0  }
0x16: {  	s3 =	sld [smem:$0x3FDB];
	s0 =	simm.s32 @p2 $0x1  }
0x17: {  	s4 =	simm.s32 $0x1BF5;
	[smem:$0x3FB5] =	sst s0  }
0x18: {  	s0 =	sld [smem:$0x3F98];
	_ =	swait.ge [sflag:s4], $0x0  }
0x19: {  	s7 =	sld [smem:$0x3F99]  }
0x1a: {  	s8 =	sadd.s32 $0xFFFFE003, lr  }
0x1b: {  	s9 =	sadd.s32 $0xFFFFFEF7, lr;
	s5 =	simm.s32 $0xFFFFFFFF;
	p2 =	slt.u32 s8, $0xFFFFF086  }
0x1c: {  	p1 =	slt.u32 s9, $0xF7A;
	s5 =	simm.s32 @!p2 $0x0  }
0x1d: {  	s5 =	simm.s32 @p1 $0x1;
	p0 =	seq.s32 s7, s2  }
0x1e: {  	s7 =	smul.u32 @!p0 $0xF7A, s2;
	p2 =	seq.s32 @!p0 s5, $0x0  }
0x1f: {  	s9 =	smul.u32 $0xF7A, s1;
	s8 =	simm.s32 @!p0 $0x1BF5;
	p2 =	por !p2, p0  }
0x20: {  	[sflag:s8] =	ssyncset.s32 @!p0 $0xFFFFF086;
	s6 =	sadd.s32 @!p0 s3, s7;
	s7 =	simm.s32 @!p0 $0x108  }
0x21: {  	s3 =	sadd.s32 s3, s9;
	s6 =	sadd.s32 @!p0 $0x88, s6;
	s7 =	simm.s32 @p2 $0x1082  }
0x22: {  	[simem:s7], [sflag:s8] =	dma.local @!p0 [hbm:s6], $0xF7A  }
0x23: {  	s9 =	sor.u32 $0xD0000000, s2;
	s6 =	simm.s32 $0x108;
	_ =	swait.ge @!p0 [sflag:s8], $0x0  }
0x24: {  	s3 =	sadd.s32 $0x88, s3;
	s6 =	simm.s32 @!p1 $0x1082;
	[sflag:s4] =	ssyncset.s32 $0xFFFFF086  }
0x25: {  	[simem:s6], [sflag:s4] =	dma.local [hbm:s3], $0xF7A  }
0x26: {  	[smem:$0x3F99] =	sst s1;
	(tag) =	ssettag s2;
	_ =	strace s9  }
0x27: {  	s1 =	sld [smem:$0x3FA9]  }
0x28: {  	s2 =	sld [smem:$0x3FAA]  }
0x29: {  	s4 =	sld [smem:$0x3FAC]  }
0x2a: {  	p0 =	seq.s32 s5, $0x0;
	s5 =	sld [smem:$0x3FAD]  }
0x2b: {  	s6 =	sld [smem:$0x3FAE]  }
0x2c: {  	s7 =	sld [smem:$0x3FAF]  }
0x2d: {  	s3 =	simm.s32 $0x108;
	s8 =	sld [smem:$0x3FB0]  }
0x2e: {  	s3 =	simm.s32 @!p0 $0x1082;
	s9 =	sld [smem:$0x3FB1]  }
0x2f: {  	lr =	sadd.s32 s0, s3;
	s0 =	sld [smem:$0x3FA8]  }
0x30: {  	s3 =	sld [smem:$0x3FAB]  }
0x31: {  	[smem:$0x3FB4] =	sst s10  }
0x32: {  	s10 =	sld [smem:$0x3FB2];
	_ =	sdelay $0x3  }
0x33: {  	p0 =	seq.s32 s10, $0x1;
	s10 =	sld [smem:$0x3FB4];
	_ =	sdelay $0x3  }
0x34: {  	[smem:$0x3FB4] =	sst s10  }
0x35: {  	s10 =	sld [smem:$0x3FB3];
	_ =	sdelay $0x3  }
0x36: {  	p1 =	seq.s32 s10, $0x1;
	s10 =	sld [smem:$0x3FB4];
	_ =	sdelay $0x3  }
0x37: {  	[smem:$0x3FB4] =	sst s10  }
0x38: {  	s10 =	sld [smem:$0x3FB5]  }
0x39: {  	_ = 	snop;
	(pc) =	sbr.ind lr, $3  }
0x3a: {  	_ = 	snop  }
0x3b: {  	_ = 	snop  }
0x3c: {  	p2 =	seq.s32 s10, $0x1;
	s10 =	sld [smem:$0x3FB4]  }
0x3d: {  	_ =	shalt  }
0x3e: {  	_ =	shalt  }
0x3f: {  	_ =	shalt  }
0x40: {  	_ =	shalt  }
0x41: {  	_ =	shalt  }
0x42: {  	_ =	shalt  }
0x43: {  	_ =	shalt  }
0x44: {  	_ =	shalt  }
0x45: {  	_ =	shalt  }
0x46: {  	_ =	shalt  }
0x47: {  	_ =	shalt  }
0x48: {  	_ =	shalt  }
0x49: {  	_ =	shalt  }
0x4a: {  	_ =	shalt  }
0x4b: {  	_ =	shalt  }
0x4c: {  	_ =	shalt  }
0x4d: {  	_ =	shalt  }
0x4e: {  	_ =	shalt  }
0x4f: {  	_ =	shalt  }
0x50: {  	_ =	shalt  }
0x51: {  	_ =	shalt  }
0x52: {  	_ =	shalt  }
0x53: {  	_ =	shalt  }
0x54: {  	_ =	shalt  }
0x55: {  	_ =	shalt  }
0x56: {  	_ =	shalt  }
0x57: {  	_ =	shalt  }
0x58: {  	_ =	shalt  }
0x59: {  	_ =	shalt  }
0x5a: {  	_ =	shalt  }
0x5b: {  	_ =	shalt  }
0x5c: {  	_ =	shalt  }
0x5d: {  	_ =	shalt  }
0x5e: {  	_ =	shalt  }
0x5f: {  	_ =	shalt  }
0x60: {  	_ =	shalt  }
0x61: {  	_ =	shalt  }
0x62: {  	_ =	shalt  }
0x63: {  	_ =	shalt  }
0x64: {  	_ =	shalt  }
0x65: {  	_ =	shalt  }
0x66: {  	_ =	shalt  }
0x67: {  	_ =	shalt  }
0x68: {  	_ =	shalt  }
0x69: {  	_ =	shalt  }
0x6a: {  	_ =	shalt  }
0x6b: {  	_ =	shalt  }
0x6c: {  	_ =	shalt  }
0x6d: {  	_ =	shalt  }
0x6e: {  	_ =	shalt  }
0x6f: {  	_ =	shalt  }
0x70: {  	_ =	shalt  }
0x71: {  	_ =	shalt  }
0x72: {  	_ =	shalt  }
0x73: {  	_ =	shalt  }
0x74: {  	_ =	shalt  }
0x75: {  	_ =	shalt  }
0x76: {  	_ =	shalt  }
0x77: {  	_ =	shalt  }
0x78: {  	_ =	shalt  }
0x79: {  	_ =	shalt  }
0x7a: {  	_ =	shalt  }
0x7b: {  	_ =	shalt  }
0x7c: {  	_ =	shalt  }
0x7d: {  	_ =	shalt  }
0x7e: {  	_ =	shalt  }
0x7f: {  	_ =	shalt  }
0x80: {  	_ =	shalt  }
0x81: {  	_ =	shalt  }
0x82: {  	_ =	shalt  }
0x83: {  	_ =	shalt  }
0x84: {  	_ =	shalt  }
0x85: {  	_ =	shalt  }
0x86: {  	_ =	shalt  }
0x87: {  	_ =	shalt  }
.Lfunc_end0:
.L_simem_size_0:
called_computation.1_lowered:
.L_overlay_start_0:
0x88: {  	s2 =	sld [smem:$0x3FD9]  }
0x89: {  	s3 =	sld [smem:$0x3FFE];
	_ =	sdelay $0x1  }
0x8a: {  	s1 =	srdreg.scid  }
0x8b: {  	s0 =	sand.u32 $0x1, s1  }
0x8c: {  	s15 =	sshll.u32 s0, $0xA;
	s2 =	sadd.s32 s3, s2  }
0x8d: {  	s2 =	sadd.s32 s2, s15  }
0x8e: {  	[smem:$0x3FC0] =	sst s2  }
0x8f: {  	_ = 	snop  }
0x90: {  	s4 =	sld [smem:$0x3FD0];
	_ =	sdelay $0x1  }
0x91: {  	s2 =	sld [smem:$0x3FC3]  }
0x92: {  	s5 =	simm.s32 $0xC;
	s6 =	simm.s32 $0x10;
	s16 =	sld [smem:$0x3FC2]  }
0x93: {  	[smem:s6], [sflag:s5] =	dma.local [hbm:s4], $0x1  }
0x94: {  	_ =	swait.eq [sflag:s5], $0x1  }
0x95: {  	[sflag:s5] =	ssyncset.done $0x0  }
0x96: {  	[sflag:s5] =	ssyncadd.s32 $0xFFFFFFFF  }
0x97: {  	s17 =	sld [smem:$0x10];
	(tm) =	ssettm $0x1  }
0x98: {  	s18 =	sld [smem:$0x3FFB];
	_ =	sdelay $0x3  }
0x99: {  	_ =	strace s18  }
0x9a: {  	s4 =	sld [smem:$0x3FFC];
	_ =	sdelay $0x3  }
0x9b: {  	_ =	strace s4  }
0x9c: {  	s4 =	sld [smem:$0x3FFD];
	_ =	sdelay $0x3  }
0x9d: {  	_ =	strace s4  }
0x9e: {  	_ =	strace $0x8FFFFFFF  }
0x9f: {  	s19 =	sld [smem:$0x3FDB];
	_ =	sdelay $0x1  }
0xa0: {  	s20 =	simm.s32 $_scs_section_size  }
0xa1: {  	s7 =	simm.s32 $_size__tile_overlayer_lowered;
	s8 =	simm.s32 $_tile_overlayer_lowered  }
0xa2: {  	s9 =	simm.s32 $0x1BFF;
	s21 =	sshll.u32 s8, $0x1;
	s6 =	sadd.s32 s20, s19  }
0xa3: {  	s22 =	simm.s32 $0x0;
	s7 =	sshll.u32 s7, $0x1;
	s8 =	sadd.s32 s21, s6  }
0xa4: {  	[timem:s22], [sflag:s9] =	dma.local [hbm:s8], s7  }
0xa5: {  	_ =	swait.ge [sflag:s9], s7  }
0xa6: {  	s7 =	ssub.s32 $0x0, s7;
	[sflag:s9] =	ssyncset.done $0x0  }
0xa7: {  	[sflag:s9] =	ssyncadd.s32 s7;
	_ =	sdelay $0x1  }
0xa8: {  	s23 =	simm.s32 $0x1B8B  }
0xa9: {  	_ =	swait.ge [sflag:s23], $0x1  }
0xaa: {  	[sflag:s23] =	ssyncset.done $0x0  }
0xab: {  	[sflag:s23] =	ssyncadd.s32 $0xFFFFFFFF  }
0xac: {  	s7 =	sld [smem:$0x0]  }
0xad: {  	s8 =	sand.u32 $0xFFFFFFFE, s1  }
0xae: {  	p0 =	sne.s32 s1, s8  }
0xaf: {  	s8 =	sshll.u32 @p0 s8, $0xE  }
0xb0: {  	s8 =	sadd.s32 @p0 $0x11B8D, s8;
	s9 =	sshll.u32 @p0 s7, $0x11  }
0xb1: {  	s8 =	sor.u32 @p0 s9, s8  }
0xb2: {  	[sflag:s8] =	ssyncadd.remote.s32 @p0 $0x1;
	_ =	sdelay $0x1  }
0xb3: {  	s8 =	simm.s32 @p0 $0x1B8D  }
0xb4: {  	_ =	swait.eq @p0 [sflag:s8], $0x1  }
0xb5: {  	[sflag:s8] =	ssyncadd.s32 @p0 $0xFFFFFFFF  }
0xb6: {  	s9 =	sshll.u32 @!p0 s1, $0xE  }
0xb7: {  	s9 =	sor.u32 @!p0 $0x4000, s9;
	s8 =	simm.s32 @!p0 $0x1B8D  }
0xb8: {  	s7 =	sshll.u32 @!p0 s7, $0x11;
	s9 =	sadd.s32 @!p0 $0x11B8D, s9;
	_ =	swait.eq @!p0 [sflag:s8], $0x1  }
0xb9: {  	s7 =	sor.u32 @!p0 s7, s9;
	[sflag:s8] =	ssyncadd.s32 @!p0 $0xFFFFFFFF  }
0xba: {  	s25 =	simm.s32 $0x1B8E;
	s24 =	sld [smem:$0x3FFE];
	[sflag:s7] =	ssyncadd.remote.s32 @!p0 $0x1  }
0xbb: {  	s26 =	simm.s32 $execute0_lowered;
	[smem:$0x3FD2] =	sst s25  }
0xbc: {  	s8 =	sshll.u32 s26, $0x1;
	_ =	strace $0x80000049;
	[dreg:$0x1] =	wrdreg $0xFFFFFFFF  }
0xbd: {  	s28 =	simm.s32 $_size_execute0_lowered;
	s6 =	sadd.s32 s6, s8;
	[dreg:$0x0] =	wrdreg $0x0  }
0xbe: {  	s8 =	sshll.u32 s28, $0x1;
	[dreg:$0x2] =	wrdreg s6  }
0xbf: {  	[dreg:$0x3] =	wrdreg s8  }
0xc0: {  	[dreg:$0x4] =	wrdreg $0xC0  }
0xc1: {  	_ =	task [dreg:s22], $0x5FFFF  }
0xc2: {  	[dreg:$0x1] =	wrdreg $0xFFFFFFFF  }
0xc3: {  	[dreg:$0x0] =	wrdreg $0x60  }
0xc4: {  	[dreg:$0x2] =	wrdreg s2  }
0xc5: {  	[dreg:$0x3] =	wrdreg s16  }
0xc6: {  	[dreg:$0x4] =	wrdreg s24  }
0xc7: {  	[dreg:$0x5] =	wrdreg s17  }
0xc8: {  	[dreg:$0x6] =	wrdreg $0xA  }
0xc9: {  	_ =	task.clear_ibuf [dreg:s22], $0x7FFFF;
	_ =	strace $0x90000049  }
0xca: {  	s29 =	simm.s32 $0xA;
	_ =	strace $0x8000004B  }
0xcb: {  	_ =	swait.ge [sflag:s29], $0x1  }
0xcc: {  	[sflag:s29] =	ssyncadd.s32 $0xFFFFFFFF  }
0xcd: {  	_ =	strace $0x9000004B  }
0xce: {  	_ =	sfence  }
0xcf: {  	s30 =	sld [smem:$0x0];
	_ =	sdelay $0x2  }
0xd0: {  	s31 =	sshll.u32 s1, $0xD;
	s1 =	sshrl.u32 s1, $0x2  }
0xd1: {  	s3 =	sand.u32 $0x4000, s31;
	s1 =	sadd.s32 s1, s30  }
0xd2: {  	s0 =	sor.u32 s3, s0;
	s1 =	sshll.u32 s1, $0x11  }
0xd3: {  	s0 =	sor.u32 s1, s0  }
0xd4: {  	s0 =	sadd.s32 $0x8F2B, s0  }
0xd5: {  	[sflag:s0] =	ssyncadd.remote.s32 $0x1  }
0xd6: {  	_ =	sfence.sel $0xFFFF  }
0xd7: {  	[dreg:$0x0] =	wrdreg $0xFFFFFFFF;
	(pc) =	sbr.abs _section_cstart, $3  }
0xd8: {  	[dreg:$0x1] =	wrdreg $0xFFFFFFFF  }
0xd9: {  	_ =	task.clear_ibuf [dreg:s22], $0x2FFFF;
	_ =	strace $0x9FFFFFFF  }
0xda: {  	(tm) =	ssettm $0x7FFFFFFF  }
0xdb: {  	_ =	shalt  }
tec
execute0_lowered:
.L_overlay_start_1:
0x0: {  	(tag) =	ssettag $0x1  }
0x1: {  	s0 =	rddreg [dreg:$0x0]  }
0x2: {  	s1 =	rddreg [dreg:$0x1]  }
0x3: {  	s2 =	rddreg [dreg:$0x2];
	s3 =	srdreg.scid  }
0x4: {  	s4 =	stileid.u32;
	s13 =	simm.s32 $0x380;
	s14 =	simm.s32 $0xB80  }
0x5: {  	s15 =	simm.s32 $0x1380;
	s16 =	simm.s32 $0x1B80;
	s17 =	simm.s32 $0x2380  }
0x6: {  	s18 =	simm.s32 $0x2B80;
	s19 =	simm.s32 $0x3380;
	s20 =	simm.s32 $0x3B80  }
0x7: {  	s21 =	simm.s32 $0x4380;
	s22 =	simm.s32 $0x4B80;
	s23 =	simm.s32 $0x50  }
0x8: {  	s24 =	simm.s32 $0x5380;
	s12 =	simm.s32 $0x2;
	s28 =	simm.s32 $0xC00  }
0x9: {  	s29 =	simm.s32 $0x7;
	s30 =	simm.s32 $0x400;
	s6 =	sand.u32 $0x1, s3  }
0xa: {  	s4 =	sshll.u32 s4, $0x1;
	s3 =	simm.s32 $0x0;
	s5 =	sadd.s32 $0x2800, s2  }
0xb: {  	s7 =	sadd.s32 $0x695000, s2;
	s4 =	sor.u32 s6, s4;
	s8 =	ssub.s32 $0x2, s6  }
0xc: {  	[smem:$0x7FF] =	sst s3;
	s6 =	sadd.s32 $0x496600, s2;
	s9 =	sshrl.u32 s8, $0x1  }
0xd: {  	s4 =	smul.u32 $0x190, s4;
	_ =	strace $0x8000004A;
	s25 =	ssub.s32 s8, s9  }
.Ltmp0:
0xe: {  	s8 =	simm.s32 $0x6;
	s9 =	simm.s32 $0x0;
	(pc) =	sbr.rel .LBB2_1-.Ltmp0, $4  }
0xf: {  	s10 =	sshrl.u32 s4, $0x3;
	s31 =	smax.u32 s25, $0x1;
	s25 =	simm.s32 $0xA380  }
0x10: {  	v2 =	vlaneseq.u32;
	s0 =	sadd.s32 s0, s10;
	s26 =	sadd.s32 s1, s10;
	[dreg:$0x7] =	wrdreg s31  }
0x11: {  	vm0 =	vmmov $0xffff;
	v1 =	vshrl.u32 v2, $0x3;
	s10 =	simm.s32 $0x1;
	s1 =	simm.s32 $0x3;
	[dreg:$0x5] =	wrdreg s0  }
0x12: {  	v0 =	vand.u32 $0x7, v2;
	v2 =	vor.u32 $0x8, v2;
	v1 =	vmul.u32 $0x8, v1;
	[dreg:$0x6] =	wrdreg s26;
	s26 =	simm.s32 $0x800;
	s0 =	simm.s32 $0x4  }
.LBB2_23:
0x13: {  	s9 =	rddreg [dreg:$0x8]  }
0x14: {  	s2 =	rddreg [dreg:$0x7];
	s9 =	sadd.s32 $0x1, s9  }
0x15: {  	p0 =	sne.s32 s9, s2  }
.Ltmp1:
0x16: {  	_ = 	snop;
	(pc) =	sbr.rel @!p0 .LBB2_24-.Ltmp1, $1  }
0x17: {  	_ =	sdelay $0x3  }
.LBB2_1:
0x18: {  	[dreg:$0x8] =	wrdreg s9  }
0x19: {  	s2 =	rddreg [dreg:$0x5]  }
0x1a: {  	[tilespmem:s3], [sflag:$0x5] =	stream.linear.gather [hbm4b:s2+s3], $0x190, $0x38;
	[tilespmem:$0x14380] =	vst v63  }
0x1b: {  	s9 =	rddreg [dreg:$0x6];
	s11 =	simm.s32 $0x190;
	s31 =	simm.s32 $0x5  }
0x1c: {  	[tilespmem:s11], [sflag:$0x5] =	stream.linear.gather [hbm4b:s9+s3], $0x190, $0x38;
	[tilespmem:$0x14380] =	vst v63  }
0x1d: {  	_ =	swait.ge [sflag:s31], $0x320  }
0x1e: {  	[sflag:s31] =	ssyncset.done $0x0  }
0x1f: {  	[sflag:s31] =	ssyncadd.s32 $0xFFFFFCE0  }
0x20: {  	v3 =	vld [tilespmem:$0x0];
	_ =	sdelay $0x4  }
0x21: {  	v4 =	vshrl.u32 v3, $0x3  }
0x22: {  	v4 =	vmul.u32 $0x18, v4  }
0x23: {  	v3 =	vand.u32 $0x7, v3  }
0x24: {  	v3 =	vor.u32 v3, v4  }
0x25: {  	v4 =	vperm.xlane v3, v0;
	_ =	sdelay $0x1  }
0x26: {  	v3 =	vperm.xlane v3, v2;
	v4 =	vadd.s32 v1, v4;
	_ =	sdelay $0x1  }
0x27: {  	v3 =	vadd.s32 v1, v3;
	_ =	sdelay $0x2  }
0x28: {  	[tilespmem:s13], [sflag:$0x1] =	stream.indirect_vreg.gather [hbm4b:s5+s3], $0x80, v4, vm0, $0xb8;
	[tilespmem:$0x14380] =	vst v63  }
0x29: {  	_ = 	snop  }
0x2a: {  	[tilespmem:s14], [sflag:$0x1] =	stream.indirect_vreg.gather [hbm4b:s5+s3], $0x80, v3, vm0, $0xb8;
	[tilespmem:$0x14380] =	vst v63  }
0x2b: {  	v3 =	vld [tilespmem:$0x10];
	_ =	sdelay $0x4  }
0x2c: {  	v60 =	vshrl.u32 v3, $0x3  }
0x2d: {  	v4 =	vmul.u32 $0x18, v60  }
0x2e: {  	v3 =	vand.u32 $0x7, v3  }
0x2f: {  	v3 =	vor.u32 v3, v4  }
0x30: {  	v4 =	vperm.xlane v3, v0;
	_ =	sdelay $0x1  }
0x31: {  	v3 =	vperm.xlane v3, v2;
	v4 =	vadd.s32 v1, v4;
	_ =	sdelay $0x1  }
0x32: {  	v3 =	vadd.s32 v1, v3;
	_ =	sdelay $0x2  }
0x33: {  	[tilespmem:s15], [sflag:$0x1] =	stream.indirect_vreg.gather [hbm4b:s5+s3], $0x80, v4, vm0, $0xb8;
	[tilespmem:$0x14380] =	vst v63  }
0x34: {  	_ = 	snop  }
0x35: {  	[tilespmem:s16], [sflag:$0x1] =	stream.indirect_vreg.gather [hbm4b:s5+s3], $0x80, v3, vm0, $0xb8;
	[tilespmem:$0x14380] =	vst v63  }
0x36: {  	v3 =	vld [tilespmem:$0x20];
	_ =	sdelay $0x4  }
0x37: {  	v61 =	vshrl.u32 v3, $0x3  }
0x38: {  	v4 =	vmul.u32 $0x18, v61  }
0x39: {  	v3 =	vand.u32 $0x7, v3  }
0x3a: {  	v3 =	vor.u32 v3, v4  }
0x3b: {  	v4 =	vperm.xlane v3, v0;
	_ =	sdelay $0x1  }
0x3c: {  	v3 =	vperm.xlane v3, v2;
	v4 =	vadd.s32 v1, v4;
	_ =	sdelay $0x1  }
0x3d: {  	v3 =	vadd.s32 v1, v3;
	_ =	sdelay $0x2  }
0x3e: {  	[tilespmem:s17], [sflag:$0x1] =	stream.indirect_vreg.gather [hbm4b:s5+s3], $0x80, v4, vm0, $0xb8;
	[tilespmem:$0x14380] =	vst v63  }
0x3f: {  	_ = 	snop  }
0x40: {  	[tilespmem:s18], [sflag:$0x1] =	stream.indirect_vreg.gather [hbm4b:s5+s3], $0x80, v3, vm0, $0xb8;
	[tilespmem:$0x14380] =	vst v63  }
0x41: {  	v3 =	vld [tilespmem:$0x30];
	_ =	sdelay $0x4  }
0x42: {  	v62 =	vshrl.u32 v3, $0x3  }
0x43: {  	v4 =	vmul.u32 $0x18, v62  }
0x44: {  	v3 =	vand.u32 $0x7, v3  }
0x45: {  	v3 =	vor.u32 v3, v4  }
0x46: {  	v4 =	vperm.xlane v3, v0;
	_ =	sdelay $0x1  }
0x47: {  	v3 =	vperm.xlane v3, v2;
	v4 =	vadd.s32 v1, v4;
	_ =	sdelay $0x1  }
0x48: {  	v3 =	vadd.s32 v1, v3;
	_ =	sdelay $0x2  }
0x49: {  	[tilespmem:s19], [sflag:$0x1] =	stream.indirect_vreg.gather [hbm4b:s5+s3], $0x80, v4, vm0, $0xb8;
	[tilespmem:$0x14380] =	vst v63  }
0x4a: {  	_ = 	snop  }
0x4b: {  	[tilespmem:s20], [sflag:$0x1] =	stream.indirect_vreg.gather [hbm4b:s5+s3], $0x80, v3, vm0, $0xb8;
	[tilespmem:$0x14380] =	vst v63  }
0x4c: {  	v3 =	vld [tilespmem:$0x40];
	_ =	sdelay $0x4  }
0x4d: {  	v63 =	vshrl.u32 v3, $0x3  }
0x4e: {  	v4 =	vmul.u32 $0x18, v63  }
0x4f: {  	v3 =	vand.u32 $0x7, v3  }
0x50: {  	v3 =	vor.u32 v3, v4  }
0x51: {  	v4 =	vperm.xlane v3, v0;
	_ =	sdelay $0x1  }
0x52: {  	v4 =	vadd.s32 v1, v4  }
0x53: {  	v3 =	vperm.xlane v3, v2;
	_ =	sdelay $0x1  }
0x54: {  	v3 =	vadd.s32 v1, v3;
	_ =	sdelay $0x1  }
0x55: {  	[tilespmem:s21], [sflag:$0x1] =	stream.indirect_vreg.gather [hbm4b:s5+s3], $0x80, v4, vm0, $0xb8;
	[tilespmem:$0x14380] =	vst v63  }
.Ltmp2:
0x56: {  	_ = 	snop;
	(pc) =	sbr.rel .LBB2_2-.Ltmp2, $4  }
0x57: {  	_ = 	snop  }
0x58: {  	[tilespmem:s22], [sflag:$0x1] =	stream.indirect_vreg.gather [hbm4b:s5+s3], $0x80, v3, vm0, $0xb8;
	[tilespmem:$0x14380] =	vst v63  }
0x59: {  	s9 =	simm.s32 $0x0  }
0x5a: {  	[tilespmem:s24], [sflag:$0x2] =	stream.indirect.gather [hbm4b:s6+s23], $0x80, s3, s23, $0xb8;
	[tilespmem:$0x14380] =	vst v63  }
.LBB2_5:
0x5b: {  	s2 =	smul.u32 $0x50, s9;
	_ =	sdelay $0x1  }
0x5c: {  	s2 =	sadd.s32 s4, s2  }
0x5d: {  	s2 =	sshrl.u32 s2, $0x3  }
0x5e: {  	s2 =	smul.u32 $0xC00, s2;
	_ =	sdelay $0x1  }
0x5f: {  	s11 =	rddreg [dreg:$0x3];
	s2 =	sshrl.u32 s2, $0x3  }
0x60: {  	s2 =	sadd.s32 s11, s2  }
0x61: {  	[hbm4b:s2+s26] =	stream.strided.scatter [tilespmem:s25], [sflag:$0x7], $0x5000, s28, s26, $0x38;
	[tilespmem:$0x14380] =	vst v63  }
0x62: {  	_ =	swait.ge [sflag:s29], $0x5000  }
0x63: {  	[sflag:s29] =	ssyncset.done $0x0  }
0x64: {  	s31 =	simm.s32 $0x11B80;
	s2 =	sadd.s32 $0x100, s2;
	[sflag:s29] =	ssyncadd.s32 $0xFFFFB000  }
0x65: {  	[hbm4b:s2+s30] =	stream.strided.scatter [tilespmem:s31], [sflag:$0x6], $0x2800, s28, s30, $0x38;
	[tilespmem:$0x14380] =	vst v63  }
0x66: {  	_ =	swait.ge [sflag:s8], $0x2800  }
0x67: {  	[sflag:s8] =	ssyncset.done $0x0  }
0x68: {  	[sflag:s8] =	ssyncadd.s32 $0xFFFFD800  }
.LBB2_11:
0x69: {  	s9 =	sadd.s32 $0x1, s9  }
0x6a: {  	p0 =	sne.s32 s9, $0x5  }
.Ltmp3:
0x6b: {  	_ = 	snop;
	(pc) =	sbr.rel @!p0 .LBB2_12-.Ltmp3, $1  }
0x6c: {  	_ =	sdelay $0x3  }
.LBB2_2:
0x6d: {  	s2 =	sand.u32 $0x1, s9  }
0x6e: {  	p0 =	seq.s32 s2, $0x0  }
.Ltmp4:
0x6f: {  	_ = 	snop;
	(pc) =	sbr.rel @!p0 .LBB2_3-.Ltmp4, $1  }
0x70: {  	_ =	sdelay $0x3  }
0x71: {  	s2 =	sor.u32 $0x1, s9  }
0x72: {  	p0 =	sgt.u32 s2, $0x4  }
.Ltmp5:
0x73: {  	_ = 	snop;
	(pc) =	sbr.rel @p0 .LBB2_8-.Ltmp5, $1  }
0x74: {  	_ =	sdelay $0x3  }
0x75: {  	s2 =	smul.u32 $0x140, s2;
	_ =	sdelay $0x1  }
0x76: {  	s2 =	sshra.s32 s2, $0x2  }
0x77: {  	v3 =	vld [tilespmem:s2+$0x0];
	_ =	sdelay $0x4  }
0x78: {  	v4 =	vshrl.u32 v3, $0x3  }
0x79: {  	v4 =	vmul.u32 $0x18, v4  }
0x7a: {  	v3 =	vand.u32 $0x7, v3  }
0x7b: {  	v3 =	vor.u32 v3, v4  }
0x7c: {  	v4 =	vperm.xlane v3, v0;
	_ =	sdelay $0x1  }
0x7d: {  	v3 =	vperm.xlane v3, v2;
	v4 =	vadd.s32 v1, v4;
	_ =	sdelay $0x1  }
0x7e: {  	v3 =	vadd.s32 v1, v3;
	_ =	sdelay $0x2  }
0x7f: {  	[tilespmem:s25], [sflag:$0x3] =	stream.indirect_vreg.gather [hbm4b:s5+s3], $0x80, v4, vm0, $0xb8;
	[tilespmem:$0x14380] =	vst v63  }
0x80: {  	s11 =	simm.s32 $0xAB80  }
0x81: {  	[tilespmem:s11], [sflag:$0x3] =	stream.indirect_vreg.gather [hbm4b:s5+s3], $0x80, v3, vm0, $0xb8;
	[tilespmem:$0x14380] =	vst v63  }
0x82: {  	v3 =	vld [tilespmem:s2+$0x10];
	_ =	sdelay $0x4  }
0x83: {  	v60 =	vshrl.u32 v3, $0x3  }
0x84: {  	v4 =	vmul.u32 $0x18, v60  }
0x85: {  	v3 =	vand.u32 $0x7, v3  }
0x86: {  	v3 =	vor.u32 v3, v4  }
0x87: {  	v4 =	vperm.xlane v3, v0;
	_ =	sdelay $0x1  }
0x88: {  	v3 =	vperm.xlane v3, v2;
	v4 =	vadd.s32 v1, v4;
	_ =	sdelay $0x1  }
0x89: {  	v3 =	vadd.s32 v1, v3;
	_ =	sdelay $0x1  }
0x8a: {  	s31 =	simm.s32 $0xB380  }
0x8b: {  	[tilespmem:s31], [sflag:$0x3] =	stream.indirect_vreg.gather [hbm4b:s5+s3], $0x80, v4, vm0, $0xb8;
	[tilespmem:$0x14380] =	vst v63  }
0x8c: {  	s31 =	simm.s32 $0xBB80  }
0x8d: {  	[tilespmem:s31], [sflag:$0x3] =	stream.indirect_vreg.gather [hbm4b:s5+s3], $0x80, v3, vm0, $0xb8;
	[tilespmem:$0x14380] =	vst v63  }
0x8e: {  	v3 =	vld [tilespmem:s2+$0x20];
	_ =	sdelay $0x4  }
0x8f: {  	v61 =	vshrl.u32 v3, $0x3  }
0x90: {  	v4 =	vmul.u32 $0x18, v61  }
0x91: {  	v3 =	vand.u32 $0x7, v3  }
0x92: {  	v3 =	vor.u32 v3, v4  }
0x93: {  	v4 =	vperm.xlane v3, v0;
	_ =	sdelay $0x1  }
0x94: {  	v3 =	vperm.xlane v3, v2;
	v4 =	vadd.s32 v1, v4;
	_ =	sdelay $0x1  }
0x95: {  	v3 =	vadd.s32 v1, v3;
	_ =	sdelay $0x1  }
0x96: {  	s31 =	simm.s32 $0xC380  }
0x97: {  	[tilespmem:s31], [sflag:$0x3] =	stream.indirect_vreg.gather [hbm4b:s5+s3], $0x80, v4, vm0, $0xb8;
	[tilespmem:$0x14380] =	vst v63  }
0x98: {  	s31 =	simm.s32 $0xCB80  }
0x99: {  	[tilespmem:s31], [sflag:$0x3] =	stream.indirect_vreg.gather [hbm4b:s5+s3], $0x80, v3, vm0, $0xb8;
	[tilespmem:$0x14380] =	vst v63  }
0x9a: {  	v3 =	vld [tilespmem:s2+$0x30];
	_ =	sdelay $0x4  }
0x9b: {  	v62 =	vshrl.u32 v3, $0x3  }
0x9c: {  	v4 =	vmul.u32 $0x18, v62  }
0x9d: {  	v3 =	vand.u32 $0x7, v3  }
0x9e: {  	v3 =	vor.u32 v3, v4  }
0x9f: {  	v4 =	vperm.xlane v3, v0;
	_ =	sdelay $0x1  }
0xa0: {  	v3 =	vperm.xlane v3, v2;
	v4 =	vadd.s32 v1, v4;
	_ =	sdelay $0x1  }
0xa1: {  	v3 =	vadd.s32 v1, v3;
	_ =	sdelay $0x1  }
0xa2: {  	s31 =	simm.s32 $0xD380  }
0xa3: {  	[tilespmem:s31], [sflag:$0x3] =	stream.indirect_vreg.gather [hbm4b:s5+s3], $0x80, v4, vm0, $0xb8;
	[tilespmem:$0x14380] =	vst v63  }
0xa4: {  	s31 =	simm.s32 $0xDB80  }
0xa5: {  	[tilespmem:s31], [sflag:$0x3] =	stream.indirect_vreg.gather [hbm4b:s5+s3], $0x80, v3, vm0, $0xb8;
	[tilespmem:$0x14380] =	vst v63  }
0xa6: {  	v3 =	vld [tilespmem:s2+$0x40];
	_ =	sdelay $0x4  }
0xa7: {  	v63 =	vshrl.u32 v3, $0x3  }
0xa8: {  	v4 =	vmul.u32 $0x18, v63  }
0xa9: {  	v3 =	vand.u32 $0x7, v3  }
0xaa: {  	v3 =	vor.u32 v3, v4  }
0xab: {  	v4 =	vperm.xlane v3, v0;
	_ =	sdelay $0x1  }
0xac: {  	v3 =	vperm.xlane v3, v2;
	v4 =	vadd.s32 v1, v4;
	_ =	sdelay $0x1  }
0xad: {  	v3 =	vadd.s32 v1, v3;
	_ =	sdelay $0x1  }
0xae: {  	s31 =	simm.s32 $0xE380  }
0xaf: {  	[tilespmem:s31], [sflag:$0x3] =	stream.indirect_vreg.gather [hbm4b:s5+s3], $0x80, v4, vm0, $0xb8;
	[tilespmem:$0x14380] =	vst v63  }
0xb0: {  	s31 =	simm.s32 $0xEB80  }
0xb1: {  	[tilespmem:s31], [sflag:$0x3] =	stream.indirect_vreg.gather [hbm4b:s5+s3], $0x80, v3, vm0, $0xb8;
	[tilespmem:$0x14380] =	vst v63  }
0xb2: {  	s31 =	simm.s32 $0xF380  }
0xb3: {  	[tilespmem:s31], [sflag:$0x4] =	stream.indirect.gather [hbm4b:s6+s23], $0x80, s2, s23, $0xb8;
	[tilespmem:$0x14380] =	vst v63  }
.LBB2_8:
0xb4: {  	_ =	swait.ge [sflag:s10], $0x5000  }
0xb5: {  	[sflag:s10] =	ssyncset.done $0x0  }
0xb6: {  	[sflag:s10] =	ssyncadd.s32 $0xFFFFB000  }
0xb7: {  	_ =	swait.ge [sflag:s12], $0x2800  }
0xb8: {  	[sflag:s12] =	ssyncset.done $0x0  }
0xb9: {  	s11 =	simm.s32 $0x5480;
	[sflag:s12] =	ssyncadd.s32 $0xFFFFD800  }
0xba: {  	v3 =	vld [tilespmem:s11+$0xFFFFFF00];
	_ =	sdelay $0x3  }
0xbb: {  	s2 =	simm.s32 $0x7C80  }
0xbc: {  	[tilespmem:s2+$0xFFFFFF00] =	vst v3  }
0xbd: {  	v3 =	vld [tilespmem:s11+$0xFFFFFF10];
	_ =	sdelay $0x4  }
0xbe: {  	[tilespmem:s2+$0xFFFFFF10] =	vst v3  }
0xbf: {  	v3 =	vld [tilespmem:s11+$0xFFFFFF1C];
	_ =	sdelay $0x4  }
0xc0: {  	[tilespmem:s2+$0xFFFFFF1C] =	vst v3  }
0xc1: {  	v3 =	vld [tilespmem:s11+$0xFFFFFF80];
	_ =	sdelay $0x4  }
0xc2: {  	[tilespmem:s2+$0xFFFFFF80] =	vst v3  }
0xc3: {  	v3 =	vld [tilespmem:s11+$0xFFFFFF90];
	_ =	sdelay $0x4  }
0xc4: {  	[tilespmem:s2+$0xFFFFFF90] =	vst v3  }
0xc5: {  	v3 =	vld [tilespmem:s11+$0xFFFFFF9C];
	_ =	sdelay $0x4  }
0xc6: {  	[tilespmem:s2+$0xFFFFFF9C] =	vst v3  }
0xc7: {  	v3 =	vld [tilespmem:s11+$0x0];
	_ =	sdelay $0x4  }
0xc8: {  	[tilespmem:s2+$0x0] =	vst v3  }
0xc9: {  	v3 =	vld [tilespmem:s11+$0x10];
	_ =	sdelay $0x4  }
0xca: {  	[tilespmem:s2+$0x10] =	vst v3  }
0xcb: {  	v3 =	vld [tilespmem:s11+$0x1C];
	_ =	sdelay $0x4  }
0xcc: {  	[tilespmem:s2+$0x1C] =	vst v3  }
0xcd: {  	v3 =	vld [tilespmem:s11+$0x80];
	_ =	sdelay $0x4  }
0xce: {  	[tilespmem:s2+$0x80] =	vst v3  }
0xcf: {  	v3 =	vld [tilespmem:s11+$0x90];
	_ =	sdelay $0x4  }
0xd0: {  	[tilespmem:s2+$0x90] =	vst v3  }
0xd1: {  	v3 =	vld [tilespmem:s11+$0x9C];
	_ =	sdelay $0x4  }
0xd2: {  	s31 =	simm.s32 $0x0;
	s11 =	simm.s32 $0x5680;
	[tilespmem:s2+$0x9C] =	vst v3  }
.LBB2_9:
0xd3: {  	v3 =	vld [tilespmem:s11+$0xFFFFFF00];
	s31 =	sadd.s32 $0x4, s31  }
0xd4: {  	p0 =	slt.u32 s31, $0x4C;
	_ =	sdelay $0x2  }
0xd5: {  	s2 =	sadd.s32 $0x200, s2  }
0xd6: {  	[tilespmem:s2+$0xFFFFFF00] =	vst v3  }
0xd7: {  	v3 =	vld [tilespmem:s11+$0xFFFFFF10];
	_ =	sdelay $0x4  }
0xd8: {  	[tilespmem:s2+$0xFFFFFF10] =	vst v3  }
0xd9: {  	v3 =	vld [tilespmem:s11+$0xFFFFFF1C];
	_ =	sdelay $0x4  }
0xda: {  	[tilespmem:s2+$0xFFFFFF1C] =	vst v3  }
0xdb: {  	v3 =	vld [tilespmem:s11+$0xFFFFFF80];
	_ =	sdelay $0x4  }
0xdc: {  	[tilespmem:s2+$0xFFFFFF80] =	vst v3  }
0xdd: {  	v3 =	vld [tilespmem:s11+$0xFFFFFF90];
	_ =	sdelay $0x4  }
0xde: {  	[tilespmem:s2+$0xFFFFFF90] =	vst v3  }
0xdf: {  	v3 =	vld [tilespmem:s11+$0xFFFFFF9C];
	_ =	sdelay $0x4  }
0xe0: {  	[tilespmem:s2+$0xFFFFFF9C] =	vst v3  }
0xe1: {  	v3 =	vld [tilespmem:s11+$0x0];
	_ =	sdelay $0x4  }
0xe2: {  	[tilespmem:s2+$0x0] =	vst v3  }
0xe3: {  	v3 =	vld [tilespmem:s11+$0x10];
	_ =	sdelay $0x4  }
0xe4: {  	[tilespmem:s2+$0x10] =	vst v3  }
0xe5: {  	v3 =	vld [tilespmem:s11+$0x1C];
	_ =	sdelay $0x4  }
0xe6: {  	[tilespmem:s2+$0x1C] =	vst v3  }
0xe7: {  	v3 =	vld [tilespmem:s11+$0x80];
	_ =	sdelay $0x4  }
0xe8: {  	[tilespmem:s2+$0x80] =	vst v3  }
0xe9: {  	v3 =	vld [tilespmem:s11+$0x90];
	_ =	sdelay $0x4  }
0xea: {  	[tilespmem:s2+$0x90] =	vst v3  }
0xeb: {  	v3 =	vld [tilespmem:s11+$0x9C]  }
.Ltmp6:
0xec: {  	(pc) =	sbr.rel @p0 .LBB2_9-.Ltmp6, $2  }
0xed: {  	_ =	sdelay $0x2  }
0xee: {  	s11 =	sadd.s32 $0x200, s11;
	[tilespmem:s2+$0x9C] =	vst v3  }
0xef: {  	s2 =	smul.u32 $0x50, s9;
	_ =	sdelay $0x1  }
0xf0: {  	s2 =	sadd.s32 s4, s2  }
0xf1: {  	s2 =	sshrl.u32 s2, $0x3  }
0xf2: {  	s2 =	smul.u32 $0xC00, s2;
	_ =	sdelay $0x1  }
0xf3: {  	s11 =	rddreg [dreg:$0x3];
	s2 =	sshrl.u32 s2, $0x3  }
0xf4: {  	s2 =	sadd.s32 s11, s2  }
0xf5: {  	[hbm4b:s2+s26] =	stream.strided.scatter [tilespmem:s13], [sflag:$0x7], $0x5000, s28, s26, $0x38;
	[tilespmem:$0x14380] =	vst v63  }
0xf6: {  	_ =	swait.ge [sflag:s29], $0x5000  }
0xf7: {  	s31 =	simm.s32 $0x7B80;
	[sflag:s29] =	ssyncset.done $0x0  }
.Ltmp7:
0xf8: {  	s2 =	sadd.s32 $0x100, s2;
	[sflag:s29] =	ssyncadd.s32 $0xFFFFB000;
	(pc) =	sbr.rel .LBB2_11-.Ltmp7, $4  }
0xf9: {  	[hbm4b:s2+s30] =	stream.strided.scatter [tilespmem:s31], [sflag:$0x7], $0x2800, s28, s30, $0x38;
	[tilespmem:$0x14380] =	vst v63  }
0xfa: {  	_ =	swait.ge [sflag:s29], $0x2800  }
0xfb: {  	[sflag:s29] =	ssyncset.done $0x0  }
0xfc: {  	[sflag:s29] =	ssyncadd.s32 $0xFFFFD800  }
.LBB2_3:
0xfd: {  	s2 =	smul.u32 $0x140, s9;
	_ =	sdelay $0x1  }
0xfe: {  	s2 =	sshra.s32 s2, $0x2  }
0xff: {  	v3 =	vld [tilespmem:s2+$0x50];
	_ =	sdelay $0x4  }
0x100: {  	v4 =	vshrl.u32 v3, $0x3  }
0x101: {  	v4 =	vmul.u32 $0x18, v4  }
0x102: {  	v3 =	vand.u32 $0x7, v3  }
0x103: {  	v3 =	vor.u32 v3, v4  }
0x104: {  	v4 =	vperm.xlane v3, v0;
	_ =	sdelay $0x1  }
0x105: {  	v3 =	vperm.xlane v3, v2;
	v4 =	vadd.s32 v1, v4;
	_ =	sdelay $0x1  }
0x106: {  	v3 =	vadd.s32 v1, v3;
	_ =	sdelay $0x2  }
0x107: {  	[tilespmem:s13], [sflag:$0x1] =	stream.indirect_vreg.gather [hbm4b:s5+s3], $0x80, v4, vm0, $0xb8;
	[tilespmem:$0x14380] =	vst v63  }
0x108: {  	_ = 	snop  }
0x109: {  	[tilespmem:s14], [sflag:$0x1] =	stream.indirect_vreg.gather [hbm4b:s5+s3], $0x80, v3, vm0, $0xb8;
	[tilespmem:$0x14380] =	vst v63  }
0x10a: {  	v3 =	vld [tilespmem:s2+$0x60];
	_ =	sdelay $0x4  }
0x10b: {  	v60 =	vshrl.u32 v3, $0x3  }
0x10c: {  	v4 =	vmul.u32 $0x18, v60  }
0x10d: {  	v3 =	vand.u32 $0x7, v3  }
0x10e: {  	v3 =	vor.u32 v3, v4  }
0x10f: {  	v4 =	vperm.xlane v3, v0;
	_ =	sdelay $0x1  }
0x110: {  	v3 =	vperm.xlane v3, v2;
	v4 =	vadd.s32 v1, v4;
	_ =	sdelay $0x1  }
0x111: {  	v3 =	vadd.s32 v1, v3;
	_ =	sdelay $0x2  }
0x112: {  	[tilespmem:s15], [sflag:$0x1] =	stream.indirect_vreg.gather [hbm4b:s5+s3], $0x80, v4, vm0, $0xb8;
	[tilespmem:$0x14380] =	vst v63  }
0x113: {  	_ = 	snop  }
0x114: {  	[tilespmem:s16], [sflag:$0x1] =	stream.indirect_vreg.gather [hbm4b:s5+s3], $0x80, v3, vm0, $0xb8;
	[tilespmem:$0x14380] =	vst v63  }
0x115: {  	v3 =	vld [tilespmem:s2+$0x70];
	_ =	sdelay $0x4  }
0x116: {  	v61 =	vshrl.u32 v3, $0x3  }
0x117: {  	v4 =	vmul.u32 $0x18, v61  }
0x118: {  	v3 =	vand.u32 $0x7, v3  }
0x119: {  	v3 =	vor.u32 v3, v4  }
0x11a: {  	v4 =	vperm.xlane v3, v0;
	_ =	sdelay $0x1  }
0x11b: {  	v3 =	vperm.xlane v3, v2;
	v4 =	vadd.s32 v1, v4;
	_ =	sdelay $0x1  }
0x11c: {  	v3 =	vadd.s32 v1, v3;
	_ =	sdelay $0x2  }
0x11d: {  	[tilespmem:s17], [sflag:$0x1] =	stream.indirect_vreg.gather [hbm4b:s5+s3], $0x80, v4, vm0, $0xb8;
	[tilespmem:$0x14380] =	vst v63  }
0x11e: {  	_ = 	snop  }
0x11f: {  	[tilespmem:s18], [sflag:$0x1] =	stream.indirect_vreg.gather [hbm4b:s5+s3], $0x80, v3, vm0, $0xb8;
	[tilespmem:$0x14380] =	vst v63  }
0x120: {  	v3 =	vld [tilespmem:s2+$0x80];
	_ =	sdelay $0x4  }
0x121: {  	v62 =	vshrl.u32 v3, $0x3  }
0x122: {  	v4 =	vmul.u32 $0x18, v62  }
0x123: {  	v3 =	vand.u32 $0x7, v3  }
0x124: {  	v3 =	vor.u32 v3, v4  }
0x125: {  	v4 =	vperm.xlane v3, v0;
	_ =	sdelay $0x1  }
0x126: {  	v3 =	vperm.xlane v3, v2;
	v4 =	vadd.s32 v1, v4;
	_ =	sdelay $0x1  }
0x127: {  	v3 =	vadd.s32 v1, v3;
	_ =	sdelay $0x2  }
0x128: {  	[tilespmem:s19], [sflag:$0x1] =	stream.indirect_vreg.gather [hbm4b:s5+s3], $0x80, v4, vm0, $0xb8;
	[tilespmem:$0x14380] =	vst v63  }
0x129: {  	_ = 	snop  }
0x12a: {  	[tilespmem:s20], [sflag:$0x1] =	stream.indirect_vreg.gather [hbm4b:s5+s3], $0x80, v3, vm0, $0xb8;
	[tilespmem:$0x14380] =	vst v63  }
0x12b: {  	v3 =	vld [tilespmem:s2+$0x90];
	_ =	sdelay $0x4  }
0x12c: {  	v63 =	vshrl.u32 v3, $0x3  }
0x12d: {  	v4 =	vmul.u32 $0x18, v63  }
0x12e: {  	v3 =	vand.u32 $0x7, v3  }
0x12f: {  	v3 =	vor.u32 v3, v4  }
0x130: {  	v4 =	vperm.xlane v3, v0;
	_ =	sdelay $0x1  }
0x131: {  	v3 =	vperm.xlane v3, v2;
	v4 =	vadd.s32 v1, v4;
	_ =	sdelay $0x1  }
0x132: {  	v3 =	vadd.s32 v1, v3;
	_ =	sdelay $0x2  }
0x133: {  	[tilespmem:s21], [sflag:$0x1] =	stream.indirect_vreg.gather [hbm4b:s5+s3], $0x80, v4, vm0, $0xb8;
	[tilespmem:$0x14380] =	vst v63  }
0x134: {  	_ = 	snop  }
0x135: {  	[tilespmem:s22], [sflag:$0x1] =	stream.indirect_vreg.gather [hbm4b:s5+s3], $0x80, v3, vm0, $0xb8;
	[tilespmem:$0x14380] =	vst v63  }
0x136: {  	s2 =	sadd.s32 $0x50, s2  }
0x137: {  	[tilespmem:s24], [sflag:$0x2] =	stream.indirect.gather [hbm4b:s6+s23], $0x80, s2, s23, $0xb8;
	[tilespmem:$0x14380] =	vst v63  }
0x138: {  	_ =	swait.ge [sflag:s1], $0x5000  }
0x139: {  	[sflag:s1] =	ssyncset.done $0x0  }
0x13a: {  	[sflag:s1] =	ssyncadd.s32 $0xFFFFB000  }
0x13b: {  	_ =	swait.ge [sflag:s0], $0x2800  }
0x13c: {  	[sflag:s0] =	ssyncset.done $0x0  }
0x13d: {  	s11 =	simm.s32 $0xF480;
	[sflag:s0] =	ssyncadd.s32 $0xFFFFD800  }
0x13e: {  	v3 =	vld [tilespmem:s11+$0xFFFFFF00];
	_ =	sdelay $0x3  }
0x13f: {  	s2 =	simm.s32 $0x11C80  }
0x140: {  	[tilespmem:s2+$0xFFFFFF00] =	vst v3  }
0x141: {  	v3 =	vld [tilespmem:s11+$0xFFFFFF10];
	_ =	sdelay $0x4  }
0x142: {  	[tilespmem:s2+$0xFFFFFF10] =	vst v3  }
0x143: {  	v3 =	vld [tilespmem:s11+$0xFFFFFF1C];
	_ =	sdelay $0x4  }
0x144: {  	[tilespmem:s2+$0xFFFFFF1C] =	vst v3  }
0x145: {  	v3 =	vld [tilespmem:s11+$0xFFFFFF80];
	_ =	sdelay $0x4  }
0x146: {  	[tilespmem:s2+$0xFFFFFF80] =	vst v3  }
0x147: {  	v3 =	vld [tilespmem:s11+$0xFFFFFF90];
	_ =	sdelay $0x4  }
0x148: {  	[tilespmem:s2+$0xFFFFFF90] =	vst v3  }
0x149: {  	v3 =	vld [tilespmem:s11+$0xFFFFFF9C];
	_ =	sdelay $0x4  }
0x14a: {  	[tilespmem:s2+$0xFFFFFF9C] =	vst v3  }
0x14b: {  	v3 =	vld [tilespmem:s11+$0x0];
	_ =	sdelay $0x4  }
0x14c: {  	[tilespmem:s2+$0x0] =	vst v3  }
0x14d: {  	v3 =	vld [tilespmem:s11+$0x10];
	_ =	sdelay $0x4  }
0x14e: {  	[tilespmem:s2+$0x10] =	vst v3  }
0x14f: {  	v3 =	vld [tilespmem:s11+$0x1C];
	_ =	sdelay $0x4  }
0x150: {  	[tilespmem:s2+$0x1C] =	vst v3  }
0x151: {  	v3 =	vld [tilespmem:s11+$0x80];
	_ =	sdelay $0x4  }
0x152: {  	[tilespmem:s2+$0x80] =	vst v3  }
0x153: {  	v3 =	vld [tilespmem:s11+$0x90];
	_ =	sdelay $0x4  }
0x154: {  	[tilespmem:s2+$0x90] =	vst v3  }
0x155: {  	v3 =	vld [tilespmem:s11+$0x9C];
	_ =	sdelay $0x4  }
0x156: {  	s31 =	simm.s32 $0x0;
	s11 =	simm.s32 $0xF680;
	[tilespmem:s2+$0x9C] =	vst v3  }
.LBB2_4:
0x157: {  	v3 =	vld [tilespmem:s11+$0xFFFFFF00];
	s31 =	sadd.s32 $0x4, s31  }
0x158: {  	p0 =	slt.u32 s31, $0x4C;
	_ =	sdelay $0x2  }
0x159: {  	s2 =	sadd.s32 $0x200, s2  }
0x15a: {  	[tilespmem:s2+$0xFFFFFF00] =	vst v3  }
0x15b: {  	v3 =	vld [tilespmem:s11+$0xFFFFFF10];
	_ =	sdelay $0x4  }
0x15c: {  	[tilespmem:s2+$0xFFFFFF10] =	vst v3  }
0x15d: {  	v3 =	vld [tilespmem:s11+$0xFFFFFF1C];
	_ =	sdelay $0x4  }
0x15e: {  	[tilespmem:s2+$0xFFFFFF1C] =	vst v3  }
0x15f: {  	v3 =	vld [tilespmem:s11+$0xFFFFFF80];
	_ =	sdelay $0x4  }
0x160: {  	[tilespmem:s2+$0xFFFFFF80] =	vst v3  }
0x161: {  	v3 =	vld [tilespmem:s11+$0xFFFFFF90];
	_ =	sdelay $0x4  }
0x162: {  	[tilespmem:s2+$0xFFFFFF90] =	vst v3  }
0x163: {  	v3 =	vld [tilespmem:s11+$0xFFFFFF9C];
	_ =	sdelay $0x4  }
0x164: {  	[tilespmem:s2+$0xFFFFFF9C] =	vst v3  }
0x165: {  	v3 =	vld [tilespmem:s11+$0x0];
	_ =	sdelay $0x4  }
0x166: {  	[tilespmem:s2+$0x0] =	vst v3  }
0x167: {  	v3 =	vld [tilespmem:s11+$0x10];
	_ =	sdelay $0x4  }
0x168: {  	[tilespmem:s2+$0x10] =	vst v3  }
0x169: {  	v3 =	vld [tilespmem:s11+$0x1C];
	_ =	sdelay $0x4  }
0x16a: {  	[tilespmem:s2+$0x1C] =	vst v3  }
0x16b: {  	v3 =	vld [tilespmem:s11+$0x80];
	_ =	sdelay $0x4  }
0x16c: {  	[tilespmem:s2+$0x80] =	vst v3  }
0x16d: {  	v3 =	vld [tilespmem:s11+$0x90];
	_ =	sdelay $0x4  }
0x16e: {  	[tilespmem:s2+$0x90] =	vst v3  }
0x16f: {  	v3 =	vld [tilespmem:s11+$0x9C]  }
.Ltmp8:
0x170: {  	(pc) =	sbr.rel @p0 .LBB2_4-.Ltmp8, $2  }
0x171: {  	_ =	sdelay $0x2  }
0x172: {  	s11 =	sadd.s32 $0x200, s11;
	[tilespmem:s2+$0x9C] =	vst v3  }
.Ltmp9:
0x173: {  	_ = 	snop;
	(pc) =	sbr.rel .LBB2_5-.Ltmp9, $1  }
0x174: {  	_ =	sdelay $0x3  }
.LBB2_12:
0x175: {  	v3 =	vld [tilespmem:$0x190];
	_ =	sdelay $0x4  }
0x176: {  	v4 =	vshrl.u32 v3, $0x3  }
0x177: {  	v4 =	vmul.u32 $0x18, v4  }
0x178: {  	v3 =	vand.u32 $0x7, v3  }
0x179: {  	v3 =	vor.u32 v3, v4  }
0x17a: {  	v4 =	vperm.xlane v3, v0;
	_ =	sdelay $0x1  }
0x17b: {  	v3 =	vperm.xlane v3, v2;
	v4 =	vadd.s32 v1, v4;
	_ =	sdelay $0x1  }
0x17c: {  	v3 =	vadd.s32 v1, v3;
	_ =	sdelay $0x1  }
0x17d: {  	s9 =	simm.s32 $0x0  }
0x17e: {  	[tilespmem:s13], [sflag:$0x1] =	stream.indirect_vreg.gather [hbm4b:s5+s9], $0x80, v4, vm0, $0xb8;
	[tilespmem:$0x14380] =	vst v63  }
0x17f: {  	_ = 	snop  }
0x180: {  	[tilespmem:s14], [sflag:$0x1] =	stream.indirect_vreg.gather [hbm4b:s5+s9], $0x80, v3, vm0, $0xb8;
	[tilespmem:$0x14380] =	vst v63  }
0x181: {  	v3 =	vld [tilespmem:$0x1A0];
	_ =	sdelay $0x4  }
0x182: {  	v60 =	vshrl.u32 v3, $0x3  }
0x183: {  	v4 =	vmul.u32 $0x18, v60  }
0x184: {  	v3 =	vand.u32 $0x7, v3  }
0x185: {  	v3 =	vor.u32 v3, v4  }
0x186: {  	v4 =	vperm.xlane v3, v0;
	_ =	sdelay $0x1  }
0x187: {  	v3 =	vperm.xlane v3, v2;
	v4 =	vadd.s32 v1, v4;
	_ =	sdelay $0x1  }
0x188: {  	v3 =	vadd.s32 v1, v3;
	_ =	sdelay $0x2  }
0x189: {  	[tilespmem:s15], [sflag:$0x1] =	stream.indirect_vreg.gather [hbm4b:s5+s9], $0x80, v4, vm0, $0xb8;
	[tilespmem:$0x14380] =	vst v63  }
0x18a: {  	_ = 	snop  }
0x18b: {  	[tilespmem:s16], [sflag:$0x1] =	stream.indirect_vreg.gather [hbm4b:s5+s9], $0x80, v3, vm0, $0xb8;
	[tilespmem:$0x14380] =	vst v63  }
0x18c: {  	v3 =	vld [tilespmem:$0x1B0];
	_ =	sdelay $0x4  }
0x18d: {  	v61 =	vshrl.u32 v3, $0x3  }
0x18e: {  	v4 =	vmul.u32 $0x18, v61  }
0x18f: {  	v3 =	vand.u32 $0x7, v3  }
0x190: {  	v3 =	vor.u32 v3, v4  }
0x191: {  	v4 =	vperm.xlane v3, v0;
	_ =	sdelay $0x1  }
0x192: {  	v3 =	vperm.xlane v3, v2;
	v4 =	vadd.s32 v1, v4;
	_ =	sdelay $0x1  }
0x193: {  	v3 =	vadd.s32 v1, v3;
	_ =	sdelay $0x2  }
0x194: {  	[tilespmem:s17], [sflag:$0x1] =	stream.indirect_vreg.gather [hbm4b:s5+s9], $0x80, v4, vm0, $0xb8;
	[tilespmem:$0x14380] =	vst v63  }
0x195: {  	_ = 	snop  }
0x196: {  	[tilespmem:s18], [sflag:$0x1] =	stream.indirect_vreg.gather [hbm4b:s5+s9], $0x80, v3, vm0, $0xb8;
	[tilespmem:$0x14380] =	vst v63  }
0x197: {  	v3 =	vld [tilespmem:$0x1C0];
	_ =	sdelay $0x4  }
0x198: {  	v62 =	vshrl.u32 v3, $0x3  }
0x199: {  	v4 =	vmul.u32 $0x18, v62  }
0x19a: {  	v3 =	vand.u32 $0x7, v3  }
0x19b: {  	v3 =	vor.u32 v3, v4  }
0x19c: {  	v4 =	vperm.xlane v3, v0;
	_ =	sdelay $0x1  }
0x19d: {  	v3 =	vperm.xlane v3, v2;
	v4 =	vadd.s32 v1, v4;
	_ =	sdelay $0x1  }
0x19e: {  	v3 =	vadd.s32 v1, v3;
	_ =	sdelay $0x2  }
0x19f: {  	[tilespmem:s19], [sflag:$0x1] =	stream.indirect_vreg.gather [hbm4b:s5+s9], $0x80, v4, vm0, $0xb8;
	[tilespmem:$0x14380] =	vst v63  }
0x1a0: {  	_ = 	snop  }
0x1a1: {  	[tilespmem:s20], [sflag:$0x1] =	stream.indirect_vreg.gather [hbm4b:s5+s9], $0x80, v3, vm0, $0xb8;
	[tilespmem:$0x14380] =	vst v63  }
0x1a2: {  	v3 =	vld [tilespmem:$0x1D0];
	_ =	sdelay $0x4  }
0x1a3: {  	v63 =	vshrl.u32 v3, $0x3  }
0x1a4: {  	v4 =	vmul.u32 $0x18, v63  }
0x1a5: {  	v3 =	vand.u32 $0x7, v3  }
0x1a6: {  	v3 =	vor.u32 v3, v4  }
0x1a7: {  	v4 =	vperm.xlane v3, v0;
	_ =	sdelay $0x1  }
0x1a8: {  	v4 =	vadd.s32 v1, v4  }
0x1a9: {  	v3 =	vperm.xlane v3, v2;
	_ =	sdelay $0x1  }
0x1aa: {  	v3 =	vadd.s32 v1, v3;
	_ =	sdelay $0x1  }
0x1ab: {  	[tilespmem:s21], [sflag:$0x1] =	stream.indirect_vreg.gather [hbm4b:s5+s9], $0x80, v4, vm0, $0xb8;
	[tilespmem:$0x14380] =	vst v63  }
.Ltmp10:
0x1ac: {  	_ = 	snop;
	(pc) =	sbr.rel .LBB2_13-.Ltmp10, $4  }
0x1ad: {  	_ = 	snop  }
0x1ae: {  	[tilespmem:s22], [sflag:$0x1] =	stream.indirect_vreg.gather [hbm4b:s5+s9], $0x80, v3, vm0, $0xb8;
	[tilespmem:$0x14380] =	vst v63  }
0x1af: {  	s2 =	simm.s32 $0x190  }
0x1b0: {  	[tilespmem:s24], [sflag:$0x2] =	stream.indirect.gather [hbm4b:s6+s23], $0x80, s2, s23, $0xb8;
	[tilespmem:$0x14380] =	vst v63  }
.LBB2_16:
0x1b1: {  	s2 =	smul.u32 $0x50, s9;
	_ =	sdelay $0x1  }
0x1b2: {  	s2 =	sadd.s32 s4, s2  }
0x1b3: {  	s2 =	sshrl.u32 s2, $0x3  }
0x1b4: {  	s2 =	smul.u32 $0xC00, s2;
	_ =	sdelay $0x1  }
0x1b5: {  	s2 =	sshrl.u32 s2, $0x3  }
0x1b6: {  	s2 =	sadd.s32 s7, s2  }
0x1b7: {  	[hbm4b:s2+s26] =	stream.strided.scatter [tilespmem:s25], [sflag:$0x7], $0x5000, s28, s26, $0x38;
	[tilespmem:$0x14380] =	vst v63  }
0x1b8: {  	_ =	swait.ge [sflag:s29], $0x5000  }
0x1b9: {  	[sflag:s29] =	ssyncset.done $0x0  }
0x1ba: {  	s11 =	simm.s32 $0x11B80;
	s2 =	sadd.s32 $0x100, s2;
	[sflag:s29] =	ssyncadd.s32 $0xFFFFB000  }
0x1bb: {  	[hbm4b:s2+s30] =	stream.strided.scatter [tilespmem:s11], [sflag:$0x6], $0x2800, s28, s30, $0x38;
	[tilespmem:$0x14380] =	vst v63  }
0x1bc: {  	_ =	swait.ge [sflag:s8], $0x2800  }
0x1bd: {  	[sflag:s8] =	ssyncset.done $0x0  }
0x1be: {  	[sflag:s8] =	ssyncadd.s32 $0xFFFFD800  }
.LBB2_22:
0x1bf: {  	s9 =	sadd.s32 $0x1, s9  }
0x1c0: {  	p0 =	sne.s32 s9, $0x5  }
.Ltmp11:
0x1c1: {  	_ = 	snop;
	(pc) =	sbr.rel @!p0 .LBB2_23-.Ltmp11, $1  }
0x1c2: {  	_ =	sdelay $0x3  }
.LBB2_13:
0x1c3: {  	s2 =	sand.u32 $0x1, s9  }
0x1c4: {  	p0 =	seq.s32 s2, $0x0  }
.Ltmp12:
0x1c5: {  	_ = 	snop;
	(pc) =	sbr.rel @!p0 .LBB2_14-.Ltmp12, $1  }
0x1c6: {  	_ =	sdelay $0x3  }
0x1c7: {  	s2 =	sor.u32 $0x1, s9  }
0x1c8: {  	p0 =	sgt.u32 s2, $0x4  }
.Ltmp13:
0x1c9: {  	_ = 	snop;
	(pc) =	sbr.rel @p0 .LBB2_19-.Ltmp13, $1  }
0x1ca: {  	_ =	sdelay $0x3  }
0x1cb: {  	s2 =	smul.u32 $0x140, s2;
	_ =	sdelay $0x1  }
0x1cc: {  	s2 =	sshra.s32 s2, $0x2  }
0x1cd: {  	v3 =	vld [tilespmem:s2+$0x190];
	_ =	sdelay $0x4  }
0x1ce: {  	v4 =	vshrl.u32 v3, $0x3  }
0x1cf: {  	v4 =	vmul.u32 $0x18, v4  }
0x1d0: {  	v3 =	vand.u32 $0x7, v3  }
0x1d1: {  	v3 =	vor.u32 v3, v4  }
0x1d2: {  	v4 =	vperm.xlane v3, v0;
	_ =	sdelay $0x1  }
0x1d3: {  	v3 =	vperm.xlane v3, v2;
	v4 =	vadd.s32 v1, v4;
	_ =	sdelay $0x1  }
0x1d4: {  	v3 =	vadd.s32 v1, v3;
	_ =	sdelay $0x2  }
0x1d5: {  	[tilespmem:s25], [sflag:$0x3] =	stream.indirect_vreg.gather [hbm4b:s5+s3], $0x80, v4, vm0, $0xb8;
	[tilespmem:$0x14380] =	vst v63  }
0x1d6: {  	s11 =	simm.s32 $0xAB80  }
0x1d7: {  	[tilespmem:s11], [sflag:$0x3] =	stream.indirect_vreg.gather [hbm4b:s5+s3], $0x80, v3, vm0, $0xb8;
	[tilespmem:$0x14380] =	vst v63  }
0x1d8: {  	v3 =	vld [tilespmem:s2+$0x1A0];
	_ =	sdelay $0x4  }
0x1d9: {  	v60 =	vshrl.u32 v3, $0x3  }
0x1da: {  	v4 =	vmul.u32 $0x18, v60  }
0x1db: {  	v3 =	vand.u32 $0x7, v3  }
0x1dc: {  	v3 =	vor.u32 v3, v4  }
0x1dd: {  	v4 =	vperm.xlane v3, v0;
	_ =	sdelay $0x1  }
0x1de: {  	v3 =	vperm.xlane v3, v2;
	v4 =	vadd.s32 v1, v4;
	_ =	sdelay $0x1  }
0x1df: {  	v3 =	vadd.s32 v1, v3;
	_ =	sdelay $0x1  }
0x1e0: {  	s31 =	simm.s32 $0xB380  }
0x1e1: {  	[tilespmem:s31], [sflag:$0x3] =	stream.indirect_vreg.gather [hbm4b:s5+s3], $0x80, v4, vm0, $0xb8;
	[tilespmem:$0x14380] =	vst v63  }
0x1e2: {  	s31 =	simm.s32 $0xBB80  }
0x1e3: {  	[tilespmem:s31], [sflag:$0x3] =	stream.indirect_vreg.gather [hbm4b:s5+s3], $0x80, v3, vm0, $0xb8;
	[tilespmem:$0x14380] =	vst v63  }
0x1e4: {  	v3 =	vld [tilespmem:s2+$0x1B0];
	_ =	sdelay $0x4  }
0x1e5: {  	v61 =	vshrl.u32 v3, $0x3  }
0x1e6: {  	v4 =	vmul.u32 $0x18, v61  }
0x1e7: {  	v3 =	vand.u32 $0x7, v3  }
0x1e8: {  	v3 =	vor.u32 v3, v4  }
0x1e9: {  	v4 =	vperm.xlane v3, v0;
	_ =	sdelay $0x1  }
0x1ea: {  	v3 =	vperm.xlane v3, v2;
	v4 =	vadd.s32 v1, v4;
	_ =	sdelay $0x1  }
0x1eb: {  	v3 =	vadd.s32 v1, v3;
	_ =	sdelay $0x1  }
0x1ec: {  	s31 =	simm.s32 $0xC380  }
0x1ed: {  	[tilespmem:s31], [sflag:$0x3] =	stream.indirect_vreg.gather [hbm4b:s5+s3], $0x80, v4, vm0, $0xb8;
	[tilespmem:$0x14380] =	vst v63  }
0x1ee: {  	s31 =	simm.s32 $0xCB80  }
0x1ef: {  	[tilespmem:s31], [sflag:$0x3] =	stream.indirect_vreg.gather [hbm4b:s5+s3], $0x80, v3, vm0, $0xb8;
	[tilespmem:$0x14380] =	vst v63  }
0x1f0: {  	v3 =	vld [tilespmem:s2+$0x1C0];
	_ =	sdelay $0x4  }
0x1f1: {  	v62 =	vshrl.u32 v3, $0x3  }
0x1f2: {  	v4 =	vmul.u32 $0x18, v62  }
0x1f3: {  	v3 =	vand.u32 $0x7, v3  }
0x1f4: {  	v3 =	vor.u32 v3, v4  }
0x1f5: {  	v4 =	vperm.xlane v3, v0;
	_ =	sdelay $0x1  }
0x1f6: {  	v3 =	vperm.xlane v3, v2;
	v4 =	vadd.s32 v1, v4;
	_ =	sdelay $0x1  }
0x1f7: {  	v3 =	vadd.s32 v1, v3;
	_ =	sdelay $0x1  }
0x1f8: {  	s31 =	simm.s32 $0xD380  }
0x1f9: {  	[tilespmem:s31], [sflag:$0x3] =	stream.indirect_vreg.gather [hbm4b:s5+s3], $0x80, v4, vm0, $0xb8;
	[tilespmem:$0x14380] =	vst v63  }
0x1fa: {  	s31 =	simm.s32 $0xDB80  }
0x1fb: {  	[tilespmem:s31], [sflag:$0x3] =	stream.indirect_vreg.gather [hbm4b:s5+s3], $0x80, v3, vm0, $0xb8;
	[tilespmem:$0x14380] =	vst v63  }
0x1fc: {  	v3 =	vld [tilespmem:s2+$0x1D0];
	_ =	sdelay $0x4  }
0x1fd: {  	v63 =	vshrl.u32 v3, $0x3  }
0x1fe: {  	v4 =	vmul.u32 $0x18, v63  }
0x1ff: {  	v3 =	vand.u32 $0x7, v3  }
0x200: {  	v3 =	vor.u32 v3, v4  }
0x201: {  	v4 =	vperm.xlane v3, v0;
	_ =	sdelay $0x1  }
0x202: {  	v3 =	vperm.xlane v3, v2;
	v4 =	vadd.s32 v1, v4;
	_ =	sdelay $0x1  }
0x203: {  	v3 =	vadd.s32 v1, v3;
	_ =	sdelay $0x1  }
0x204: {  	s31 =	simm.s32 $0xE380  }
0x205: {  	[tilespmem:s31], [sflag:$0x3] =	stream.indirect_vreg.gather [hbm4b:s5+s3], $0x80, v4, vm0, $0xb8;
	[tilespmem:$0x14380] =	vst v63  }
0x206: {  	s31 =	simm.s32 $0xEB80  }
0x207: {  	[tilespmem:s31], [sflag:$0x3] =	stream.indirect_vreg.gather [hbm4b:s5+s3], $0x80, v3, vm0, $0xb8;
	[tilespmem:$0x14380] =	vst v63  }
0x208: {  	s2 =	sadd.s32 $0x190, s2;
	s31 =	simm.s32 $0xF380  }
0x209: {  	[tilespmem:s31], [sflag:$0x4] =	stream.indirect.gather [hbm4b:s6+s23], $0x80, s2, s23, $0xb8;
	[tilespmem:$0x14380] =	vst v63  }
.LBB2_19:
0x20a: {  	_ =	swait.ge [sflag:s10], $0x5000  }
0x20b: {  	[sflag:s10] =	ssyncset.done $0x0  }
0x20c: {  	[sflag:s10] =	ssyncadd.s32 $0xFFFFB000  }
0x20d: {  	_ =	swait.ge [sflag:s12], $0x2800  }
0x20e: {  	[sflag:s12] =	ssyncset.done $0x0  }
0x20f: {  	s11 =	simm.s32 $0x5480;
	[sflag:s12] =	ssyncadd.s32 $0xFFFFD800  }
0x210: {  	v3 =	vld [tilespmem:s11+$0xFFFFFF00];
	_ =	sdelay $0x3  }
0x211: {  	s2 =	simm.s32 $0x7C80  }
0x212: {  	[tilespmem:s2+$0xFFFFFF00] =	vst v3  }
0x213: {  	v3 =	vld [tilespmem:s11+$0xFFFFFF10];
	_ =	sdelay $0x4  }
0x214: {  	[tilespmem:s2+$0xFFFFFF10] =	vst v3  }
0x215: {  	v3 =	vld [tilespmem:s11+$0xFFFFFF1C];
	_ =	sdelay $0x4  }
0x216: {  	[tilespmem:s2+$0xFFFFFF1C] =	vst v3  }
0x217: {  	v3 =	vld [tilespmem:s11+$0xFFFFFF80];
	_ =	sdelay $0x4  }
0x218: {  	[tilespmem:s2+$0xFFFFFF80] =	vst v3  }
0x219: {  	v3 =	vld [tilespmem:s11+$0xFFFFFF90];
	_ =	sdelay $0x4  }
0x21a: {  	[tilespmem:s2+$0xFFFFFF90] =	vst v3  }
0x21b: {  	v3 =	vld [tilespmem:s11+$0xFFFFFF9C];
	_ =	sdelay $0x4  }
0x21c: {  	[tilespmem:s2+$0xFFFFFF9C] =	vst v3  }
0x21d: {  	v3 =	vld [tilespmem:s11+$0x0];
	_ =	sdelay $0x4  }
0x21e: {  	[tilespmem:s2+$0x0] =	vst v3  }
0x21f: {  	v3 =	vld [tilespmem:s11+$0x10];
	_ =	sdelay $0x4  }
0x220: {  	[tilespmem:s2+$0x10] =	vst v3  }
0x221: {  	v3 =	vld [tilespmem:s11+$0x1C];
	_ =	sdelay $0x4  }
0x222: {  	[tilespmem:s2+$0x1C] =	vst v3  }
0x223: {  	v3 =	vld [tilespmem:s11+$0x80];
	_ =	sdelay $0x4  }
0x224: {  	[tilespmem:s2+$0x80] =	vst v3  }
0x225: {  	v3 =	vld [tilespmem:s11+$0x90];
	_ =	sdelay $0x4  }
0x226: {  	[tilespmem:s2+$0x90] =	vst v3  }
0x227: {  	v3 =	vld [tilespmem:s11+$0x9C];
	_ =	sdelay $0x4  }
0x228: {  	s31 =	simm.s32 $0x0;
	s11 =	simm.s32 $0x5680;
	[tilespmem:s2+$0x9C] =	vst v3  }
.LBB2_20:
0x229: {  	v3 =	vld [tilespmem:s11+$0xFFFFFF00];
	s31 =	sadd.s32 $0x4, s31  }
0x22a: {  	p0 =	slt.u32 s31, $0x4C;
	_ =	sdelay $0x2  }
0x22b: {  	s2 =	sadd.s32 $0x200, s2  }
0x22c: {  	[tilespmem:s2+$0xFFFFFF00] =	vst v3  }
0x22d: {  	v3 =	vld [tilespmem:s11+$0xFFFFFF10];
	_ =	sdelay $0x4  }
0x22e: {  	[tilespmem:s2+$0xFFFFFF10] =	vst v3  }
0x22f: {  	v3 =	vld [tilespmem:s11+$0xFFFFFF1C];
	_ =	sdelay $0x4  }
0x230: {  	[tilespmem:s2+$0xFFFFFF1C] =	vst v3  }
0x231: {  	v3 =	vld [tilespmem:s11+$0xFFFFFF80];
	_ =	sdelay $0x4  }
0x232: {  	[tilespmem:s2+$0xFFFFFF80] =	vst v3  }
0x233: {  	v3 =	vld [tilespmem:s11+$0xFFFFFF90];
	_ =	sdelay $0x4  }
0x234: {  	[tilespmem:s2+$0xFFFFFF90] =	vst v3  }
0x235: {  	v3 =	vld [tilespmem:s11+$0xFFFFFF9C];
	_ =	sdelay $0x4  }
0x236: {  	[tilespmem:s2+$0xFFFFFF9C] =	vst v3  }
0x237: {  	v3 =	vld [tilespmem:s11+$0x0];
	_ =	sdelay $0x4  }
0x238: {  	[tilespmem:s2+$0x0] =	vst v3  }
0x239: {  	v3 =	vld [tilespmem:s11+$0x10];
	_ =	sdelay $0x4  }
0x23a: {  	[tilespmem:s2+$0x10] =	vst v3  }
0x23b: {  	v3 =	vld [tilespmem:s11+$0x1C];
	_ =	sdelay $0x4  }
0x23c: {  	[tilespmem:s2+$0x1C] =	vst v3  }
0x23d: {  	v3 =	vld [tilespmem:s11+$0x80];
	_ =	sdelay $0x4  }
0x23e: {  	[tilespmem:s2+$0x80] =	vst v3  }
0x23f: {  	v3 =	vld [tilespmem:s11+$0x90];
	_ =	sdelay $0x4  }
0x240: {  	[tilespmem:s2+$0x90] =	vst v3  }
0x241: {  	v3 =	vld [tilespmem:s11+$0x9C]  }
.Ltmp14:
0x242: {  	(pc) =	sbr.rel @p0 .LBB2_20-.Ltmp14, $2  }
0x243: {  	_ =	sdelay $0x2  }
0x244: {  	s11 =	sadd.s32 $0x200, s11;
	[tilespmem:s2+$0x9C] =	vst v3  }
0x245: {  	s2 =	smul.u32 $0x50, s9;
	_ =	sdelay $0x1  }
0x246: {  	s2 =	sadd.s32 s4, s2  }
0x247: {  	s2 =	sshrl.u32 s2, $0x3  }
0x248: {  	s2 =	smul.u32 $0xC00, s2;
	_ =	sdelay $0x1  }
0x249: {  	s2 =	sshrl.u32 s2, $0x3  }
0x24a: {  	s2 =	sadd.s32 s7, s2  }
0x24b: {  	[hbm4b:s2+s26] =	stream.strided.scatter [tilespmem:s13], [sflag:$0x7], $0x5000, s28, s26, $0x38;
	[tilespmem:$0x14380] =	vst v63  }
0x24c: {  	_ =	swait.ge [sflag:s29], $0x5000  }
0x24d: {  	s11 =	simm.s32 $0x7B80;
	[sflag:s29] =	ssyncset.done $0x0  }
.Ltmp15:
0x24e: {  	s2 =	sadd.s32 $0x100, s2;
	[sflag:s29] =	ssyncadd.s32 $0xFFFFB000;
	(pc) =	sbr.rel .LBB2_22-.Ltmp15, $4  }
0x24f: {  	[hbm4b:s2+s30] =	stream.strided.scatter [tilespmem:s11], [sflag:$0x7], $0x2800, s28, s30, $0x38;
	[tilespmem:$0x14380] =	vst v63  }
0x250: {  	_ =	swait.ge [sflag:s29], $0x2800  }
0x251: {  	[sflag:s29] =	ssyncset.done $0x0  }
0x252: {  	[sflag:s29] =	ssyncadd.s32 $0xFFFFD800  }
.LBB2_14:
0x253: {  	s2 =	smul.u32 $0x140, s9;
	_ =	sdelay $0x1  }
0x254: {  	s2 =	sshra.s32 s2, $0x2  }
0x255: {  	v3 =	vld [tilespmem:s2+$0x1E0];
	_ =	sdelay $0x4  }
0x256: {  	v4 =	vshrl.u32 v3, $0x3  }
0x257: {  	v4 =	vmul.u32 $0x18, v4  }
0x258: {  	v3 =	vand.u32 $0x7, v3  }
0x259: {  	v3 =	vor.u32 v3, v4  }
0x25a: {  	v4 =	vperm.xlane v3, v0;
	_ =	sdelay $0x1  }
0x25b: {  	v3 =	vperm.xlane v3, v2;
	v4 =	vadd.s32 v1, v4;
	_ =	sdelay $0x1  }
0x25c: {  	v3 =	vadd.s32 v1, v3;
	_ =	sdelay $0x2  }
0x25d: {  	[tilespmem:s13], [sflag:$0x1] =	stream.indirect_vreg.gather [hbm4b:s5+s3], $0x80, v4, vm0, $0xb8;
	[tilespmem:$0x14380] =	vst v63  }
0x25e: {  	_ = 	snop  }
0x25f: {  	[tilespmem:s14], [sflag:$0x1] =	stream.indirect_vreg.gather [hbm4b:s5+s3], $0x80, v3, vm0, $0xb8;
	[tilespmem:$0x14380] =	vst v63  }
0x260: {  	v3 =	vld [tilespmem:s2+$0x1F0];
	_ =	sdelay $0x4  }
0x261: {  	v60 =	vshrl.u32 v3, $0x3  }
0x262: {  	v4 =	vmul.u32 $0x18, v60  }
0x263: {  	v3 =	vand.u32 $0x7, v3  }
0x264: {  	v3 =	vor.u32 v3, v4  }
0x265: {  	v4 =	vperm.xlane v3, v0;
	_ =	sdelay $0x1  }
0x266: {  	v3 =	vperm.xlane v3, v2;
	v4 =	vadd.s32 v1, v4;
	_ =	sdelay $0x1  }
0x267: {  	v3 =	vadd.s32 v1, v3;
	_ =	sdelay $0x2  }
0x268: {  	[tilespmem:s15], [sflag:$0x1] =	stream.indirect_vreg.gather [hbm4b:s5+s3], $0x80, v4, vm0, $0xb8;
	[tilespmem:$0x14380] =	vst v63  }
0x269: {  	_ = 	snop  }
0x26a: {  	[tilespmem:s16], [sflag:$0x1] =	stream.indirect_vreg.gather [hbm4b:s5+s3], $0x80, v3, vm0, $0xb8;
	[tilespmem:$0x14380] =	vst v63  }
0x26b: {  	v3 =	vld [tilespmem:s2+$0x200];
	_ =	sdelay $0x4  }
0x26c: {  	v61 =	vshrl.u32 v3, $0x3  }
0x26d: {  	v4 =	vmul.u32 $0x18, v61  }
0x26e: {  	v3 =	vand.u32 $0x7, v3  }
0x26f: {  	v3 =	vor.u32 v3, v4  }
0x270: {  	v4 =	vperm.xlane v3, v0;
	_ =	sdelay $0x1  }
0x271: {  	v3 =	vperm.xlane v3, v2;
	v4 =	vadd.s32 v1, v4;
	_ =	sdelay $0x1  }
0x272: {  	v3 =	vadd.s32 v1, v3;
	_ =	sdelay $0x2  }
0x273: {  	[tilespmem:s17], [sflag:$0x1] =	stream.indirect_vreg.gather [hbm4b:s5+s3], $0x80, v4, vm0, $0xb8;
	[tilespmem:$0x14380] =	vst v63  }
0x274: {  	_ = 	snop  }
0x275: {  	[tilespmem:s18], [sflag:$0x1] =	stream.indirect_vreg.gather [hbm4b:s5+s3], $0x80, v3, vm0, $0xb8;
	[tilespmem:$0x14380] =	vst v63  }
0x276: {  	v3 =	vld [tilespmem:s2+$0x210];
	_ =	sdelay $0x4  }
0x277: {  	v62 =	vshrl.u32 v3, $0x3  }
0x278: {  	v4 =	vmul.u32 $0x18, v62  }
0x279: {  	v3 =	vand.u32 $0x7, v3  }
0x27a: {  	v3 =	vor.u32 v3, v4  }
0x27b: {  	v4 =	vperm.xlane v3, v0;
	_ =	sdelay $0x1  }
0x27c: {  	v3 =	vperm.xlane v3, v2;
	v4 =	vadd.s32 v1, v4;
	_ =	sdelay $0x1  }
0x27d: {  	v3 =	vadd.s32 v1, v3;
	_ =	sdelay $0x2  }
0x27e: {  	[tilespmem:s19], [sflag:$0x1] =	stream.indirect_vreg.gather [hbm4b:s5+s3], $0x80, v4, vm0, $0xb8;
	[tilespmem:$0x14380] =	vst v63  }
0x27f: {  	_ = 	snop  }
0x280: {  	[tilespmem:s20], [sflag:$0x1] =	stream.indirect_vreg.gather [hbm4b:s5+s3], $0x80, v3, vm0, $0xb8;
	[tilespmem:$0x14380] =	vst v63  }
0x281: {  	v3 =	vld [tilespmem:s2+$0x220];
	_ =	sdelay $0x4  }
0x282: {  	v63 =	vshrl.u32 v3, $0x3  }
0x283: {  	v4 =	vmul.u32 $0x18, v63  }
0x284: {  	v3 =	vand.u32 $0x7, v3  }
0x285: {  	v3 =	vor.u32 v3, v4  }
0x286: {  	v4 =	vperm.xlane v3, v0;
	_ =	sdelay $0x1  }
0x287: {  	v3 =	vperm.xlane v3, v2;
	v4 =	vadd.s32 v1, v4;
	_ =	sdelay $0x1  }
0x288: {  	v3 =	vadd.s32 v1, v3;
	_ =	sdelay $0x2  }
0x289: {  	[tilespmem:s21], [sflag:$0x1] =	stream.indirect_vreg.gather [hbm4b:s5+s3], $0x80, v4, vm0, $0xb8;
	[tilespmem:$0x14380] =	vst v63  }
0x28a: {  	_ = 	snop  }
0x28b: {  	[tilespmem:s22], [sflag:$0x1] =	stream.indirect_vreg.gather [hbm4b:s5+s3], $0x80, v3, vm0, $0xb8;
	[tilespmem:$0x14380] =	vst v63  }
0x28c: {  	s2 =	sadd.s32 $0x1E0, s2  }
0x28d: {  	[tilespmem:s24], [sflag:$0x2] =	stream.indirect.gather [hbm4b:s6+s23], $0x80, s2, s23, $0xb8;
	[tilespmem:$0x14380] =	vst v63  }
0x28e: {  	_ =	swait.ge [sflag:s1], $0x5000  }
0x28f: {  	[sflag:s1] =	ssyncset.done $0x0  }
0x290: {  	[sflag:s1] =	ssyncadd.s32 $0xFFFFB000  }
0x291: {  	_ =	swait.ge [sflag:s0], $0x2800  }
0x292: {  	[sflag:s0] =	ssyncset.done $0x0  }
0x293: {  	s11 =	simm.s32 $0xF480;
	[sflag:s0] =	ssyncadd.s32 $0xFFFFD800  }
0x294: {  	v3 =	vld [tilespmem:s11+$0xFFFFFF00];
	_ =	sdelay $0x3  }
0x295: {  	s2 =	simm.s32 $0x11C80  }
0x296: {  	[tilespmem:s2+$0xFFFFFF00] =	vst v3  }
0x297: {  	v3 =	vld [tilespmem:s11+$0xFFFFFF10];
	_ =	sdelay $0x4  }
0x298: {  	[tilespmem:s2+$0xFFFFFF10] =	vst v3  }
0x299: {  	v3 =	vld [tilespmem:s11+$0xFFFFFF1C];
	_ =	sdelay $0x4  }
0x29a: {  	[tilespmem:s2+$0xFFFFFF1C] =	vst v3  }
0x29b: {  	v3 =	vld [tilespmem:s11+$0xFFFFFF80];
	_ =	sdelay $0x4  }
0x29c: {  	[tilespmem:s2+$0xFFFFFF80] =	vst v3  }
0x29d: {  	v3 =	vld [tilespmem:s11+$0xFFFFFF90];
	_ =	sdelay $0x4  }
0x29e: {  	[tilespmem:s2+$0xFFFFFF90] =	vst v3  }
0x29f: {  	v3 =	vld [tilespmem:s11+$0xFFFFFF9C];
	_ =	sdelay $0x4  }
0x2a0: {  	[tilespmem:s2+$0xFFFFFF9C] =	vst v3  }
0x2a1: {  	v3 =	vld [tilespmem:s11+$0x0];
	_ =	sdelay $0x4  }
0x2a2: {  	[tilespmem:s2+$0x0] =	vst v3  }
0x2a3: {  	v3 =	vld [tilespmem:s11+$0x10];
	_ =	sdelay $0x4  }
0x2a4: {  	[tilespmem:s2+$0x10] =	vst v3  }
0x2a5: {  	v3 =	vld [tilespmem:s11+$0x1C];
	_ =	sdelay $0x4  }
0x2a6: {  	[tilespmem:s2+$0x1C] =	vst v3  }
0x2a7: {  	v3 =	vld [tilespmem:s11+$0x80];
	_ =	sdelay $0x4  }
0x2a8: {  	[tilespmem:s2+$0x80] =	vst v3  }
0x2a9: {  	v3 =	vld [tilespmem:s11+$0x90];
	_ =	sdelay $0x4  }
0x2aa: {  	[tilespmem:s2+$0x90] =	vst v3  }
0x2ab: {  	v3 =	vld [tilespmem:s11+$0x9C];
	_ =	sdelay $0x4  }
0x2ac: {  	s31 =	simm.s32 $0x0;
	s11 =	simm.s32 $0xF680;
	[tilespmem:s2+$0x9C] =	vst v3  }
.LBB2_15:
0x2ad: {  	v3 =	vld [tilespmem:s11+$0xFFFFFF00];
	s31 =	sadd.s32 $0x4, s31  }
0x2ae: {  	p0 =	slt.u32 s31, $0x4C;
	_ =	sdelay $0x2  }
0x2af: {  	s2 =	sadd.s32 $0x200, s2  }
0x2b0: {  	[tilespmem:s2+$0xFFFFFF00] =	vst v3  }
0x2b1: {  	v3 =	vld [tilespmem:s11+$0xFFFFFF10];
	_ =	sdelay $0x4  }
0x2b2: {  	[tilespmem:s2+$0xFFFFFF10] =	vst v3  }
0x2b3: {  	v3 =	vld [tilespmem:s11+$0xFFFFFF1C];
	_ =	sdelay $0x4  }
0x2b4: {  	[tilespmem:s2+$0xFFFFFF1C] =	vst v3  }
0x2b5: {  	v3 =	vld [tilespmem:s11+$0xFFFFFF80];
	_ =	sdelay $0x4  }
0x2b6: {  	[tilespmem:s2+$0xFFFFFF80] =	vst v3  }
0x2b7: {  	v3 =	vld [tilespmem:s11+$0xFFFFFF90];
	_ =	sdelay $0x4  }
0x2b8: {  	[tilespmem:s2+$0xFFFFFF90] =	vst v3  }
0x2b9: {  	v3 =	vld [tilespmem:s11+$0xFFFFFF9C];
	_ =	sdelay $0x4  }
0x2ba: {  	[tilespmem:s2+$0xFFFFFF9C] =	vst v3  }
0x2bb: {  	v3 =	vld [tilespmem:s11+$0x0];
	_ =	sdelay $0x4  }
0x2bc: {  	[tilespmem:s2+$0x0] =	vst v3  }
0x2bd: {  	v3 =	vld [tilespmem:s11+$0x10];
	_ =	sdelay $0x4  }
0x2be: {  	[tilespmem:s2+$0x10] =	vst v3  }
0x2bf: {  	v3 =	vld [tilespmem:s11+$0x1C];
	_ =	sdelay $0x4  }
0x2c0: {  	[tilespmem:s2+$0x1C] =	vst v3  }
0x2c1: {  	v3 =	vld [tilespmem:s11+$0x80];
	_ =	sdelay $0x4  }
0x2c2: {  	[tilespmem:s2+$0x80] =	vst v3  }
0x2c3: {  	v3 =	vld [tilespmem:s11+$0x90];
	_ =	sdelay $0x4  }
0x2c4: {  	[tilespmem:s2+$0x90] =	vst v3  }
0x2c5: {  	v3 =	vld [tilespmem:s11+$0x9C]  }
.Ltmp16:
0x2c6: {  	(pc) =	sbr.rel @p0 .LBB2_15-.Ltmp16, $2  }
0x2c7: {  	_ =	sdelay $0x2  }
0x2c8: {  	s11 =	sadd.s32 $0x200, s11;
	[tilespmem:s2+$0x9C] =	vst v3  }
.Ltmp17:
0x2c9: {  	_ = 	snop;
	(pc) =	sbr.rel .LBB2_16-.Ltmp17, $1  }
0x2ca: {  	_ =	sdelay $0x3  }
.LBB2_24:
0x2cb: {  	_ =	sfence.sel $0x180000  }
0x2cc: {  	[bflag:$0x0] =	sbarrier.arrive $0xFFFF  }
0x2cd: {  	_ =	strace $0x9000004A  }
0x2ce: {  	s0 =	stileid.u32;
	[bflag:$0x2] =	sbarrier.arrive $0xFFFF  }
0x2cf: {  	p0 =	sne.s32 s0, $0x0;
	s0 =	rddreg [dreg:$0x4]  }
0x2d0: {  	s0 =	sadd.s32 @!p0 $0x100000, s0  }
0x2d1: {  	[sflag:s0] =	ssyncadd.tile.s32 @!p0 $0x1;
	_ =	shalt  }
.Lfunc_end2:
_tile_overlayer_lowered:
.L_overlay_start_2:
0x2d2: {  	(tag) =	ssettag $0x2  }
0x2d3: {  	s0 =	rddreg [dreg:$0x0];
	s2 =	stileid.u32  }
0x2d4: {  	s1 =	rddreg [dreg:$0x1];
	p0 =	sne.s32 s2, $0x0  }
0x2d5: {  	s3 =	rddreg [dreg:$0x2];
	[bflag:$0x3] =	sbarrier.arrive $0xFFFF;
	s2 =	simm.s32 @!p0 $0x1C06  }
0x2d6: {  	[timem:s3], [sflag:s2] =	dma.local @!p0 [hbm:s0], s1  }
0x2d7: {  	s0 =	simm.s32 @!p0 $0x6  }
0x2d8: {  	_ =	swait.ge @!p0 [sflag:s0], s1  }
0x2d9: {  	s1 =	ssub.s32 @!p0 $0x0, s1;
	[sflag:s0] =	ssyncset.done @!p0 $0x0  }
0x2da: {  	[sflag:s0] =	ssyncadd.s32 @!p0 s1  }
0x2db: {  	[bflag:$0x3] =	sbarrier.arrive $0xFFFF  }
0x2dc: {  	_ =	shalt  }

</sc_bundles>
